<compile_context>
chip_gen: v7x
topology: tpu7x:2x2x1
jax: 0.10.2.dev20260603
libtpu: 0.0.44.dev20260713+nightly
codegen_flags: <defaults>
</compile_context>

<pallas_src>
import functools
import jax
import jax.numpy as jnp
from jax import lax
from jax.experimental import pallas as pl
from jax.experimental.pallas import tpu as pltpu
from jax.experimental.pallas import tpu_sc as plsc

N = 10000
E = 160000
D_IN = 256
D_OUT = 256
H = 4
L = 16
W = 128
NCORES = 2
NSUB = 16
NTILES = NCORES * NSUB
S = 48
NCH = 125
EP = NTILES * NCH * S
NP = 10240
HN = 5000
AR = 5120
RPS = AR // NSUB
ZR = 160
DUMMY_ROW = 10100
QN = 2500
AQ = 2560
RPSQ = AQ // NSUB
NEG_SLOPE = 0.2

_mesh = plsc.VectorSubcoreMesh(core_axis_name="c", subcore_axis_name="s")


def _lrelu(v):
    return jnp.where(v > 0, v, NEG_SLOPE * v)


def _dense_body(x_ref, wq_ref, wk_ref, wl_ref, b_ref,
                q_ref, k_ref, ha_ref, hb_ref):
    xb = x_ref[...]
    q_ref[...] = xb @ wq_ref[...]
    k_ref[...] = _lrelu(xb @ wk_ref[...])
    h = xb @ wl_ref[...] + b_ref[...]
    ha_ref[...] = h[:, :W]
    hb_ref[...] = h[:, W:]


def _dense(xp, wq128, wk128, wlT, b2):
    blk = 1280
    return pl.pallas_call(
        _dense_body,
        grid=(NP // blk,),
        in_specs=[
            pl.BlockSpec((blk, D_IN), lambda i: (i, 0)),
            pl.BlockSpec((D_IN, W), lambda i: (0, 0)),
            pl.BlockSpec((D_IN, W), lambda i: (0, 0)),
            pl.BlockSpec((D_IN, D_OUT), lambda i: (0, 0)),
            pl.BlockSpec((1, D_OUT), lambda i: (0, 0)),
        ],
        out_specs=[
            pl.BlockSpec((blk, W), lambda i: (i, 0)),
            pl.BlockSpec((blk, W), lambda i: (i, 0)),
            pl.BlockSpec((blk, W), lambda i: (i, 0)),
            pl.BlockSpec((blk, W), lambda i: (i, 0)),
        ],
        out_shape=[
            jax.ShapeDtypeStruct((NP, W), jnp.float32),
            jax.ShapeDtypeStruct((NP, W), jnp.float32),
            jax.ShapeDtypeStruct((NP, W), jnp.float32),
            jax.ShapeDtypeStruct((NP, W), jnp.float32),
        ],
    )(xp, wq128, wk128, wlT, b2)


def _epi_body(a_ref, b_ref, o_ref):
    o_ref[...] = _lrelu(jnp.concatenate([a_ref[...], b_ref[...]], axis=-1))


def _epilogue(oa, ob):
    blk = 2000
    return pl.pallas_call(
        _epi_body,
        grid=(N // blk,),
        in_specs=[
            pl.BlockSpec((blk, W), lambda i: (i, 0)),
            pl.BlockSpec((blk, W), lambda i: (i, 0)),
        ],
        out_specs=pl.BlockSpec((blk, D_OUT), lambda i: (i, 0)),
        out_shape=jax.ShapeDtypeStruct((N, D_OUT), jnp.float32),
    )(oa, ob)


def _splat_cum(v, nz):
    return jnp.cumsum(v)


def _wid():
    return lax.axis_index("c") * NSUB + lax.axis_index("s")


def _zero_fill(zbuf):
    nrow = zbuf.shape[0]

    def body(i, _):
        for l8 in range(zbuf.shape[1] // L):
            zbuf[i, pl.ds(l8 * L, L)] = jnp.zeros((L,), jnp.float32)
        return 0
    lax.fori_loop(0, nrow, body, 0)


def _zero_acc(zbuf, acc, sid, rps=RPS):
    for jj in range(rps // ZR):
        pltpu.sync_copy(zbuf, acc.at[pl.ds(sid * rps + jj * ZR, ZR)])


def _copy_out(acc, out0, out1, cid, sid, p, rps=RPS, ar=AR):
    src = pl.ds(sid * rps, rps)
    dst = pl.ds(p * ar + sid * rps, rps)

    @pl.when(cid == 0)
    def _():
        pltpu.sync_copy(acc.at[src], out0.at[dst])

    @pl.when(cid == 1)
    def _():
        pltpu.sync_copy(acc.at[src], out1.at[dst])


@functools.partial(
    pl.kernel,
    mesh=_mesh,
    out_type=[jax.ShapeDtypeStruct((NP, W), jnp.float32),
              jax.ShapeDtypeStruct((NP, W), jnp.float32)],
    scratch_types=[
        pltpu.VMEM((NCH, S), jnp.int32),
        pltpu.VMEM((NCH, S), jnp.int32),
        pltpu.VMEM((S, W), jnp.float32),
        pltpu.VMEM((ZR, W), jnp.float32),
        pltpu.VMEM_SHARED((AR, W), jnp.float32),
    ],
)
def _sc_qagg(q128, rowh3, colo3, qa0, qa1, rowh_v, colo_v, gbuf, zbuf, acc):
    cid = lax.axis_index("c")
    sid = lax.axis_index("s")
    w = _wid()
    _zero_fill(zbuf)
    pltpu.sync_copy(colo3.at[w], colo_v)
    for p in range(2):
        _zero_acc(zbuf, acc, sid)
        plsc.subcore_barrier()
        pltpu.sync_copy(rowh3.at[p * NTILES + w], rowh_v)

        def chunk(j, _):
            pltpu.sync_copy(q128.at[colo_v.at[j]], gbuf)
            pltpu.sync_copy(gbuf, acc.at[rowh_v.at[j]], add=True)
            return 0
        lax.fori_loop(0, NCH, chunk, 0)
        plsc.subcore_barrier()
        _copy_out(acc, qa0, qa1, cid, sid, p)


@functools.partial(
    pl.kernel,
    mesh=_mesh,
    out_type=[jax.ShapeDtypeStruct((NTILES * NCH, S, L), jnp.float32),
              jax.ShapeDtypeStruct((NP, W), jnp.float32),
              jax.ShapeDtypeStruct((NP, W), jnp.float32)],
    scratch_types=[
        pltpu.VMEM((NCH, S), jnp.int32),
        pltpu.VMEM((NCH, S), jnp.int32),
        pltpu.VMEM((NCH, S), jnp.int32),

        pltpu.VMEM((S, W), jnp.float32),
        pltpu.VMEM((S, W), jnp.float32),
        pltpu.VMEM((S, W), jnp.float32),
        pltpu.VMEM((S, W), jnp.float32),
        pltpu.VMEM((S, L), jnp.float32),
        pltpu.VMEM((ZR, W), jnp.float32),
        pltpu.VMEM_SHARED((AQ, W), jnp.float32),
    ],
)
def _sc_pden(k128, qa0, qa1, rowh3, oc3, p_out, d0, d1,
             rowh_v, rowo_v, colp_v, ga, gb, kk, pw, pc, zbuf, acc):
    cid = lax.axis_index("c")
    sid = lax.axis_index("s")
    w = _wid()
    _zero_fill(zbuf)
    _zero_fill(pw)
    pltpu.sync_copy(oc3.at[w], rowo_v)
    pltpu.sync_copy(oc3.at[NTILES + w], colp_v)
    for p in range(4):
        _zero_acc(zbuf, acc, sid, RPSQ)
        plsc.subcore_barrier()
        pltpu.sync_copy(rowh3.at[p * NTILES + w], rowh_v)

        def chunk0(j, _):
            pltpu.sync_copy(qa0.at[colp_v.at[j]], ga)
            pltpu.sync_copy(qa1.at[colp_v.at[j]], gb)
            pltpu.sync_copy(k128.at[rowo_v.at[j]], kk)

            def edge(e, _):
                sl = pl.ds(0, L)
                pv = jnp.exp((ga[e, sl] + gb[e, sl]) * kk[e, sl])
                pw[e, sl] = pv
                pc[e, :] = pv
                return 0
            lax.fori_loop(0, S, edge, 0)
            pltpu.sync_copy(pc, p_out.at[w * NCH + j])
            pltpu.sync_copy(pw, acc.at[rowh_v.at[j]], add=True)
            return 0

        def chunk1(j, _):
            pltpu.sync_copy(p_out.at[w * NCH + j], pc)

            def edge(e, _):
                pw[e, pl.ds(0, L)] = pc[e, :]
                return 0
            lax.fori_loop(0, S, edge, 0)
            pltpu.sync_copy(pw, acc.at[rowh_v.at[j]], add=True)
            return 0

        lax.fori_loop(0, NCH, chunk0 if p == 0 else chunk1, 0)
        plsc.subcore_barrier()
        _copy_out(acc, d0, d1, cid, sid, p, RPSQ, AQ)


@functools.partial(
    pl.kernel,
    mesh=_mesh,
    out_type=[jax.ShapeDtypeStruct((NTILES * NCH, S, L), jnp.float32)],
    scratch_types=[
        pltpu.VMEM((NCH, S), jnp.int32),
        pltpu.VMEM((S, L), jnp.float32),
        pltpu.VMEM((S, W), jnp.float32),
        pltpu.VMEM((S, W), jnp.float32),
        pltpu.VMEM((S, L), jnp.float32),
    ],
)
def _sc_tcomp(p_in, d0, d1, rowp3, t_out, rowp_v, pb, da, db, tb):
    w = _wid()
    pltpu.sync_copy(rowp3.at[w], rowp_v)

    def chunk(j, _):
        pltpu.sync_copy(p_in.at[w * NCH + j], pb)
        pltpu.sync_copy(d0.at[rowp_v.at[j]], da)
        pltpu.sync_copy(d1.at[rowp_v.at[j]], db)

        def edge_t(e, _):
            sl = pl.ds(0, L)
            tb[e, :] = pb[e, :] / (da[e, sl] + db[e, sl] + 1e-8)
            return 0
        lax.fori_loop(0, S, edge_t, 0)
        pltpu.sync_copy(tb, t_out.at[w * NCH + j])
        return 0
    lax.fori_loop(0, NCH, chunk, 0)


def _alpha_body(t_ref, m_ref, o_ref):
    o_ref[...] = t_ref[...] @ m_ref[...]


def _alpha(t2):
    blk = 6000
    return pl.pallas_call(
        _alpha_body,
        grid=(EP // blk,),
        in_specs=[
            pl.BlockSpec((blk, L), lambda i: (i, 0)),
            pl.BlockSpec((L, L), lambda i: (0, 0)),
        ],
        out_specs=pl.BlockSpec((blk, L), lambda i: (i, 0)),
        out_shape=jax.ShapeDtypeStruct((EP, L), jnp.float32),
    )(t2, jnp.zeros((L, L), jnp.float32).at[:H, :].set(1.0 / H))


@functools.partial(
    pl.kernel,
    mesh=_mesh,
    out_type=[jax.ShapeDtypeStruct((NP, W), jnp.float32),
              jax.ShapeDtypeStruct((NP, W), jnp.float32)],
    scratch_types=[
        pltpu.VMEM((NCH, S), jnp.int32),
        pltpu.VMEM((NCH, S), jnp.int32),
        pltpu.VMEM((S, L), jnp.float32),
        pltpu.VMEM((S, W), jnp.float32),
        pltpu.VMEM((ZR, W), jnp.float32),
        pltpu.VMEM_SHARED((AR, W), jnp.float32),
    ],
)
def _sc_out(ab3, ha, hb, rowh3, colo3, oa, ob,
            rowh_v, colo_v, abuf, grow, zbuf, acc):
    cid = lax.axis_index("c")
    sid = lax.axis_index("s")
    w = _wid()
    _zero_fill(zbuf)
    pltpu.sync_copy(colo3.at[w], colo_v)

    for p in range(2):
        _zero_acc(zbuf, acc, sid)
        plsc.subcore_barrier()
        pltpu.sync_copy(rowh3.at[p * NTILES + w], rowh_v)

        def chunk(j, _):
            pltpu.sync_copy(ab3.at[w * NCH + j], abuf)

            @pl.when(cid == 0)
            def _():
                pltpu.sync_copy(ha.at[colo_v.at[j]], grow)

            @pl.when(cid == 1)
            def _():
                pltpu.sync_copy(hb.at[colo_v.at[j]], grow)

            def edge_s(e, _):
                for l8 in range(W // L):
                    sl2 = pl.ds(l8 * L, L)
                    grow[e, sl2] = grow[e, sl2] * abuf[e, :]
                return 0
            lax.fori_loop(0, S, edge_s, 0)
            pltpu.sync_copy(grow, acc.at[rowh_v.at[j]], add=True)
            return 0
        lax.fori_loop(0, NCH, chunk, 0)
        plsc.subcore_barrier()
        _copy_out(acc, oa, ob, cid, sid, p)


def kernel(x, edge_index, Wq, Wk, Wv, Wl_w, Wl_b):
    del Wv
    npad = EP - E
    row = jnp.concatenate(
        [edge_index[0], jnp.full((npad,), DUMMY_ROW, jnp.int32)])
    col = jnp.concatenate(
        [edge_index[1], jnp.zeros((npad,), jnp.int32)])
    half = row // HN
    rowh = jnp.stack([
        jnp.where(half == 0, row, HN),
        jnp.where(half == 1, row - HN, HN),
    ]).reshape(2 * NTILES, NCH, S).astype(jnp.int32)
    rowq = jnp.stack([
        jnp.where((row >= QN * p) & (row < QN * (p + 1)), row - QN * p, QN)
        for p in range(4)
    ]).reshape(4 * NTILES, NCH, S).astype(jnp.int32)
    rowp = jnp.where(row < N, (row // QN) * AQ + row % QN, QN)
    rowp = rowp.reshape(NTILES, NCH, S).astype(jnp.int32)
    rowo = row.reshape(NTILES, NCH, S)
    colo = col.reshape(NTILES, NCH, S)
    colp = ((col // HN) * AR + col % HN).reshape(NTILES, NCH, S)
    colp = colp.astype(jnp.int32)

    xp = jnp.pad(x, ((0, NP - N), (0, 0)))
    wq128 = jnp.zeros((D_IN, W), jnp.float32).at[:, :H].set(Wq.T)
    wk128 = jnp.zeros((D_IN, W), jnp.float32).at[:, :H].set(Wk.T)
    q128, k128, hha, hhb = _dense(xp, wq128, wk128, Wl_w.T, Wl_b[None, :])
    qa0, qa1 = _sc_qagg(q128, rowh, colo)
    oc = jnp.concatenate([rowo, colp], axis=0)
    pc3 = jnp.concatenate([rowp, colo], axis=0)
    p, d0, d1 = _sc_pden(k128, qa0, qa1, rowq, oc)
    t3 = _sc_tcomp(p, d0, d1, rowp)[0]
    ab = _alpha(t3.reshape(EP, L))
    oa, ob = _sc_out(ab.reshape(NTILES * NCH, S, L), hha, hhb, rowh, colo)
    oa_n = jnp.concatenate([oa[:HN], oa[AR:AR + HN]], axis=0)
    ob_n = jnp.concatenate([ob[:HN], ob[AR:AR + HN]], axis=0)
    return _epilogue(oa_n, ob_n)

# --- scband reference (transcript-rebuilt; emitter-appended) ---
"""Pipeline reference for scband-multi-head-attention-71889162600746 (READ-ONLY COPY).

The authoritative reference and input builder live on the scoring server;
editing this copy changes nothing except your own understanding.
"""

import jax, jax.numpy as jnp
import numpy as np

N = 10000
E = 160000
IN_DIM = 256
OUT_DIM = 256
NUM_HEADS = 4
HEAD_DIM = 1


def _xavier(key, shape):
    fan_out, fan_in = shape[-2], shape[-1]
    a = float(np.sqrt(6.0 / (fan_in + fan_out)))
    return jax.random.uniform(key, shape, minval=-a, maxval=a, dtype=jnp.float32)


def setup_inputs(seed: int = 0) -> dict:
    key = jax.random.key(seed)
    ks = jax.random.split(key, 8)
    x = jax.random.normal(ks[0], (N, IN_DIM), dtype=jnp.float32)
    edge_index = jax.random.randint(ks[1], (2, E), 0, N, dtype=jnp.int32)
    # per-head q/k projections (Linear(in_dim, 1, bias=False) weight is [1, in_dim]) -> stacked [H, in_dim]
    Wq = _xavier(ks[2], (NUM_HEADS, HEAD_DIM, IN_DIM)).reshape(NUM_HEADS, IN_DIM)
    Wk = _xavier(ks[3], (NUM_HEADS, HEAD_DIM, IN_DIM)).reshape(NUM_HEADS, IN_DIM)
    # per-head value projection (computed in forward but unused downstream; kept for faithfulness)
    Wv = _xavier(ks[4], (NUM_HEADS, OUT_DIM, IN_DIM))
    # W_l: Linear(in_dim, out_dim) with bias
    Wl_w = _xavier(ks[5], (OUT_DIM, IN_DIM))
    Wl_b = jnp.zeros((OUT_DIM,), dtype=jnp.float32)
    return {"x": x, "edge_index": edge_index, "Wq": Wq, "Wk": Wk, "Wv": Wv, "Wl_w": Wl_w, "Wl_b": Wl_b}


def reference(x, edge_index, Wq, Wk, Wv, Wl_w, Wl_b):
    lrelu = lambda v: jax.nn.leaky_relu(v, negative_slope=0.2)
    row = edge_index[0]
    col = edge_index[1]
    # h_proj = W_l(x), identical across heads (torch recomputes inside the loop; math is the same)
    h_proj = x @ Wl_w.T + Wl_b
    head_outputs = []
    for h in range(NUM_HEADS):
        h_q = (x @ Wq[h][:, None])  # [N, 1]
        h_k = (x @ Wk[h][:, None])  # [N, 1]
        h_v = x @ Wv[h].T           # computed in original forward but never used
        q_aggregated = jax.ops.segment_sum(h_q[col], row, num_segments=N)
        q_activated = lrelu(q_aggregated)  # computed in original forward but never used
        k_activated = lrelu(h_k)
        k_i = k_activated[row]
        q_j = q_aggregated[col]
        scores = (k_i * q_j)[:, 0]
        scores = scores / (HEAD_DIM ** 0.5)
        # scatter softmax over destination node (row)
        max_val = jax.ops.segment_max(scores, row, num_segments=N)
        exp_scores = jnp.exp(scores - max_val[row])
        sum_exp = jax.ops.segment_sum(exp_scores, row, num_segments=N)
        alpha = exp_scores / (sum_exp[row] + 1e-08)
        # dropout inactive (eval mode)
        weighted_features = alpha[:, None] * h_proj[col]
        h_head = jax.ops.segment_sum(weighted_features, row, num_segments=N)
        head_outputs.append(h_head)
    h_prime = jnp.stack(head_outputs, axis=0).mean(axis=0)
    return lrelu(h_prime)

if __name__ == "__main__":
    import jax
    _d = setup_inputs()
    print(jax.jit(kernel)(*tuple(_d.values())))

</pallas_src>

<mosaic_0001>
#map = affine_map<(d0, d1) -> (0, 0)>
#map1 = affine_map<(d0, d1) -> (0, 0, 0)>
module attributes {stable_mosaic.version = 14 : i64} {
  func.func @_sc_qagg(%arg0: i32, %arg1: i32, %arg2: memref<10240x128xf32, #tpu.memory_space<hbm>>, %arg3: memref<64x125x48xi32, #tpu.memory_space<hbm>>, %arg4: memref<32x125x48xi32, #tpu.memory_space<hbm>>, %arg5: memref<10240x128xf32, #tpu.memory_space<hbm>>, %arg6: memref<10240x128xf32, #tpu.memory_space<hbm>>, %arg7: memref<125x48xi32, #tpu.memory_space<vmem>>, %arg8: memref<125x48xi32, #tpu.memory_space<vmem>>, %arg9: memref<48x128xf32, #tpu.memory_space<vmem>>, %arg10: memref<160x128xf32, #tpu.memory_space<vmem>>, %arg11: memref<5120x128xf32, #tpu.memory_space<vmem_shared>>) attributes {dimension_semantics = [#tpu.dimension_semantics<core_parallel>, #tpu.dimension_semantics<subcore_parallel>], iteration_bounds = array<i64: 2, 16>, scalar_prefetch = 0 : i64, scratch_operands = 5 : i64, tpu.core_type = #tpu.core_type<sc_vector_subcore>, window_params = [{transform_indices = #map}, {transform_indices = #map1}, {transform_indices = #map1}, {transform_indices = #map}, {transform_indices = #map}]} {
    %mul3A = arith.constant 16 : i32
    %mul3A_0 = arith.muli %arg0, %mul3A : i32
    %add3A = arith.addi %mul3A_0, %arg1 : i32
    %scan3A = arith.constant 0 : i32
    %scan3A_1 = arith.constant 0 : i32
    %scan3A_2 = arith.constant 160 : i32
    %scan3A_3 = arith.addi %scan3A_1, %scan3A_2 : i32
    %scan3A_4 = arith.constant 1 : i32
    %scan3A_5 = scf.for %scan3A_73 = %scan3A_1 to %scan3A_3 step %scan3A_4 iter_args(%scan3A_74 = %scan3A) -> (i32)  : i32 {
      %broadcast_in_dim3A = arith.constant 0.000000e+00 : f32
      %broadcast_in_dim3A_75 = vector.broadcast %broadcast_in_dim3A : f32 to vector<16xf32>
      %swap3A = arith.index_cast %scan3A_73 : i32 to index
      %swap3A_76 = arith.constant 0 : index
      %swap3A_77 = tpu.vector_load %arg10[%swap3A, %swap3A_76] {strides = array<i32>} : memref<160x128xf32, #tpu.memory_space<vmem>>, vector<1x16xf32>,
      %swap3A_78 = vector.shape_cast %swap3A_77 : vector<1x16xf32> to vector<16xf32>
      %swap3A_79 = vector.shape_cast %broadcast_in_dim3A_75 : vector<16xf32> to vector<1x16xf32>
      tpu.vector_store %arg10[%swap3A, %swap3A_76], %swap3A_79 {strides = array<i32>} : memref<160x128xf32, #tpu.memory_space<vmem>>, vector<1x16xf32>,
      %broadcast_in_dim3A_80 = arith.constant 0.000000e+00 : f32
      %broadcast_in_dim3A_81 = vector.broadcast %broadcast_in_dim3A_80 : f32 to vector<16xf32>
      %swap3A_82 = arith.index_cast %scan3A_73 : i32 to index
      %swap3A_83 = arith.constant 16 : index
      %swap3A_84 = tpu.vector_load %arg10[%swap3A_82, %swap3A_83] {strides = array<i32>} : memref<160x128xf32, #tpu.memory_space<vmem>>, vector<1x16xf32>,
      %swap3A_85 = vector.shape_cast %swap3A_84 : vector<1x16xf32> to vector<16xf32>
      %swap3A_86 = vector.shape_cast %broadcast_in_dim3A_81 : vector<16xf32> to vector<1x16xf32>
      tpu.vector_store %arg10[%swap3A_82, %swap3A_83], %swap3A_86 {strides = array<i32>} : memref<160x128xf32, #tpu.memory_space<vmem>>, vector<1x16xf32>,
      %broadcast_in_dim3A_87 = arith.constant 0.000000e+00 : f32
      %broadcast_in_dim3A_88 = vector.broadcast %broadcast_in_dim3A_87 : f32 to vector<16xf32>
      %swap3A_89 = arith.index_cast %scan3A_73 : i32 to index
      %swap3A_90 = arith.constant 32 : index
      %swap3A_91 = tpu.vector_load %arg10[%swap3A_89, %swap3A_90] {strides = array<i32>} : memref<160x128xf32, #tpu.memory_space<vmem>>, vector<1x16xf32>,
      %swap3A_92 = vector.shape_cast %swap3A_91 : vector<1x16xf32> to vector<16xf32>
      %swap3A_93 = vector.shape_cast %broadcast_in_dim3A_88 : vector<16xf32> to vector<1x16xf32>
      tpu.vector_store %arg10[%swap3A_89, %swap3A_90], %swap3A_93 {strides = array<i32>} : memref<160x128xf32, #tpu.memory_space<vmem>>, vector<1x16xf32>,
      %broadcast_in_dim3A_94 = arith.constant 0.000000e+00 : f32
      %broadcast_in_dim3A_95 = vector.broadcast %broadcast_in_dim3A_94 : f32 to vector<16xf32>
      %swap3A_96 = arith.index_cast %scan3A_73 : i32 to index
      %swap3A_97 = arith.constant 48 : index
      %swap3A_98 = tpu.vector_load %arg10[%swap3A_96, %swap3A_97] {strides = array<i32>} : memref<160x128xf32, #tpu.memory_space<vmem>>, vector<1x16xf32>,
      %swap3A_99 = vector.shape_cast %swap3A_98 : vector<1x16xf32> to vector<16xf32>
      %swap3A_100 = vector.shape_cast %broadcast_in_dim3A_95 : vector<16xf32> to vector<1x16xf32>
      tpu.vector_store %arg10[%swap3A_96, %swap3A_97], %swap3A_100 {strides = array<i32>} : memref<160x128xf32, #tpu.memory_space<vmem>>, vector<1x16xf32>,
      %broadcast_in_dim3A_101 = arith.constant 0.000000e+00 : f32
      %broadcast_in_dim3A_102 = vector.broadcast %broadcast_in_dim3A_101 : f32 to vector<16xf32>
      %swap3A_103 = arith.index_cast %scan3A_73 : i32 to index
      %swap3A_104 = arith.constant 64 : index
      %swap3A_105 = tpu.vector_load %arg10[%swap3A_103, %swap3A_104] {strides = array<i32>} : memref<160x128xf32, #tpu.memory_space<vmem>>, vector<1x16xf32>,
      %swap3A_106 = vector.shape_cast %swap3A_105 : vector<1x16xf32> to vector<16xf32>
      %swap3A_107 = vector.shape_cast %broadcast_in_dim3A_102 : vector<16xf32> to vector<1x16xf32>
      tpu.vector_store %arg10[%swap3A_103, %swap3A_104], %swap3A_107 {strides = array<i32>} : memref<160x128xf32, #tpu.memory_space<vmem>>, vector<1x16xf32>,
      %broadcast_in_dim3A_108 = arith.constant 0.000000e+00 : f32
      %broadcast_in_dim3A_109 = vector.broadcast %broadcast_in_dim3A_108 : f32 to vector<16xf32>
      %swap3A_110 = arith.index_cast %scan3A_73 : i32 to index
      %swap3A_111 = arith.constant 80 : index
      %swap3A_112 = tpu.vector_load %arg10[%swap3A_110, %swap3A_111] {strides = array<i32>} : memref<160x128xf32, #tpu.memory_space<vmem>>, vector<1x16xf32>,
      %swap3A_113 = vector.shape_cast %swap3A_112 : vector<1x16xf32> to vector<16xf32>
      %swap3A_114 = vector.shape_cast %broadcast_in_dim3A_109 : vector<16xf32> to vector<1x16xf32>
      tpu.vector_store %arg10[%swap3A_110, %swap3A_111], %swap3A_114 {strides = array<i32>} : memref<160x128xf32, #tpu.memory_space<vmem>>, vector<1x16xf32>,
      %broadcast_in_dim3A_115 = arith.constant 0.000000e+00 : f32
      %broadcast_in_dim3A_116 = vector.broadcast %broadcast_in_dim3A_115 : f32 to vector<16xf32>
      %swap3A_117 = arith.index_cast %scan3A_73 : i32 to index
      %swap3A_118 = arith.constant 96 : index
      %swap3A_119 = tpu.vector_load %arg10[%swap3A_117, %swap3A_118] {strides = array<i32>} : memref<160x128xf32, #tpu.memory_space<vmem>>, vector<1x16xf32>,
      %swap3A_120 = vector.shape_cast %swap3A_119 : vector<1x16xf32> to vector<16xf32>
      %swap3A_121 = vector.shape_cast %broadcast_in_dim3A_116 : vector<16xf32> to vector<1x16xf32>
      tpu.vector_store %arg10[%swap3A_117, %swap3A_118], %swap3A_121 {strides = array<i32>} : memref<160x128xf32, #tpu.memory_space<vmem>>, vector<1x16xf32>,
      %broadcast_in_dim3A_122 = arith.constant 0.000000e+00 : f32
      %broadcast_in_dim3A_123 = vector.broadcast %broadcast_in_dim3A_122 : f32 to vector<16xf32>
      %swap3A_124 = arith.index_cast %scan3A_73 : i32 to index
      %swap3A_125 = arith.constant 112 : index
      %swap3A_126 = tpu.vector_load %arg10[%swap3A_124, %swap3A_125] {strides = array<i32>} : memref<160x128xf32, #tpu.memory_space<vmem>>, vector<1x16xf32>,
      %swap3A_127 = vector.shape_cast %swap3A_126 : vector<1x16xf32> to vector<16xf32>
      %swap3A_128 = vector.shape_cast %broadcast_in_dim3A_123 : vector<16xf32> to vector<1x16xf32>
      tpu.vector_store %arg10[%swap3A_124, %swap3A_125], %swap3A_128 {strides = array<i32>} : memref<160x128xf32, #tpu.memory_space<vmem>>, vector<1x16xf32>,
      %scan3A_129 = arith.constant 0 : i32
      scf.yield %scan3A_129 : i32
    }
    %scan3A_6 = arith.constant 160 : i32
    "tpu.region"() ({
      %run_scoped3A = tpu.sem_alloc : memref<!tpu.dma_semaphore, #tpu.memory_space<semaphore_mem>>
      %dma_start3A = arith.constant 0 : i32
      %dma_start3A_73 = arith.constant 0 : i32
      %dma_start3A_74 = tpu.memref_slice %arg4[%add3A, %dma_start3A, %dma_start3A_73] : memref<32x125x48xi32, #tpu.memory_space<hbm>> -> memref<1x125x48xi32, #tpu.memory_space<hbm>>
      %dma_start3A_75 = tpu.memref_squeeze %dma_start3A_74 : memref<1x125x48xi32, #tpu.memory_space<hbm>> -> memref<125x48xi32, #tpu.memory_space<hbm>>
      %dma_start3A_76 = arith.constant 0 : i32
      %dma_start3A_77 = arith.constant 0 : i32
      %dma_start3A_78 = tpu.memref_slice %arg4[%add3A, %dma_start3A_76, %dma_start3A_77] : memref<32x125x48xi32, #tpu.memory_space<hbm>> -> memref<1x125x48xi32, #tpu.memory_space<hbm>>
      %dma_start3A_79 = tpu.memref_squeeze %dma_start3A_78 : memref<1x125x48xi32, #tpu.memory_space<hbm>> -> memref<125x48xi32, #tpu.memory_space<hbm>>
      tpu.enqueue_dma source(%dma_start3A_79 : memref<125x48xi32, #tpu.memory_space<hbm>>) target(%arg8 : memref<125x48xi32, #tpu.memory_space<vmem>>) target_semaphore(%run_scoped3A : memref<!tpu.dma_semaphore, #tpu.memory_space<semaphore_mem>>)
      %dma_wait3A = arith.constant 0 : i32
      %dma_wait3A_80 = arith.constant 0 : i32
      %dma_wait3A_81 = tpu.memref_slice %arg4[%add3A, %dma_wait3A, %dma_wait3A_80] : memref<32x125x48xi32, #tpu.memory_space<hbm>> -> memref<1x125x48xi32, #tpu.memory_space<hbm>>
      %dma_wait3A_82 = tpu.memref_squeeze %dma_wait3A_81 : memref<1x125x48xi32, #tpu.memory_space<hbm>> -> memref<125x48xi32, #tpu.memory_space<hbm>>
      %dma_wait3A_83 = arith.constant 0 : i32
      %dma_wait3A_84 = arith.constant 0 : i32
      %dma_wait3A_85 = tpu.memref_slice %arg4[%add3A, %dma_wait3A_83, %dma_wait3A_84] : memref<32x125x48xi32, #tpu.memory_space<hbm>> -> memref<1x125x48xi32, #tpu.memory_space<hbm>>
      %dma_wait3A_86 = tpu.memref_squeeze %dma_wait3A_85 : memref<1x125x48xi32, #tpu.memory_space<hbm>> -> memref<125x48xi32, #tpu.memory_space<hbm>>
      tpu.wait_dma2 semaphore(%run_scoped3A : memref<!tpu.dma_semaphore, #tpu.memory_space<semaphore_mem>>) src(%dma_wait3A_86 : memref<125x48xi32, #tpu.memory_space<hbm>>) dst(%arg8 : memref<125x48xi32, #tpu.memory_space<vmem>>)
      tpu.yield
    }) : () -> ()
    %mul3A_7 = arith.constant 320 : i32
    %mul3A_8 = arith.muli %arg1, %mul3A_7 : i32
    %add3A_9 = arith.constant 0 : i32
    %add3A_10 = arith.addi %mul3A_8, %add3A_9 : i32
    "tpu.region"() ({
      %run_scoped3A = tpu.sem_alloc : memref<!tpu.dma_semaphore, #tpu.memory_space<semaphore_mem>>
      %dma_start3A = arith.constant 0 : i32
      %dma_start3A_73 = tpu.memref_slice %arg11[%add3A_10, %dma_start3A] : memref<5120x128xf32, #tpu.memory_space<vmem_shared>> -> memref<160x128xf32, #tpu.memory_space<vmem_shared>>
      %dma_start3A_74 = arith.constant 0 : i32
      %dma_start3A_75 = tpu.memref_slice %arg11[%add3A_10, %dma_start3A_74] : memref<5120x128xf32, #tpu.memory_space<vmem_shared>> -> memref<160x128xf32, #tpu.memory_space<vmem_shared>>
      tpu.enqueue_dma source(%arg10 : memref<160x128xf32, #tpu.memory_space<vmem>>) target(%dma_start3A_75 : memref<160x128xf32, #tpu.memory_space<vmem_shared>>) target_semaphore(%run_scoped3A : memref<!tpu.dma_semaphore, #tpu.memory_space<semaphore_mem>>)
      %dma_wait3A = arith.constant 0 : i32
      %dma_wait3A_76 = tpu.memref_slice %arg11[%add3A_10, %dma_wait3A] : memref<5120x128xf32, #tpu.memory_space<vmem_shared>> -> memref<160x128xf32, #tpu.memory_space<vmem_shared>>
      %dma_wait3A_77 = arith.constant 0 : i32
      %dma_wait3A_78 = tpu.memref_slice %arg11[%add3A_10, %dma_wait3A_77] : memref<5120x128xf32, #tpu.memory_space<vmem_shared>> -> memref<160x128xf32, #tpu.memory_space<vmem_shared>>
      tpu.wait_dma2 semaphore(%run_scoped3A : memref<!tpu.dma_semaphore, #tpu.memory_space<semaphore_mem>>) src(%arg10 : memref<160x128xf32, #tpu.memory_space<vmem>>) dst(%dma_wait3A_78 : memref<160x128xf32, #tpu.memory_space<vmem_shared>>)
      tpu.yield
    }) : () -> ()
    %mul3A_11 = arith.constant 320 : i32
    %mul3A_12 = arith.muli %arg1, %mul3A_11 : i32
    %add3A_13 = arith.constant 160 : i32
    %add3A_14 = arith.addi %mul3A_12, %add3A_13 : i32
    "tpu.region"() ({
      %run_scoped3A = tpu.sem_alloc : memref<!tpu.dma_semaphore, #tpu.memory_space<semaphore_mem>>
      %dma_start3A = arith.constant 0 : i32
      %dma_start3A_73 = tpu.memref_slice %arg11[%add3A_14, %dma_start3A] : memref<5120x128xf32, #tpu.memory_space<vmem_shared>> -> memref<160x128xf32, #tpu.memory_space<vmem_shared>>
      %dma_start3A_74 = arith.constant 0 : i32
      %dma_start3A_75 = tpu.memref_slice %arg11[%add3A_14, %dma_start3A_74] : memref<5120x128xf32, #tpu.memory_space<vmem_shared>> -> memref<160x128xf32, #tpu.memory_space<vmem_shared>>
      tpu.enqueue_dma source(%arg10 : memref<160x128xf32, #tpu.memory_space<vmem>>) target(%dma_start3A_75 : memref<160x128xf32, #tpu.memory_space<vmem_shared>>) target_semaphore(%run_scoped3A : memref<!tpu.dma_semaphore, #tpu.memory_space<semaphore_mem>>)
      %dma_wait3A = arith.constant 0 : i32
      %dma_wait3A_76 = tpu.memref_slice %arg11[%add3A_14, %dma_wait3A] : memref<5120x128xf32, #tpu.memory_space<vmem_shared>> -> memref<160x128xf32, #tpu.memory_space<vmem_shared>>
      %dma_wait3A_77 = arith.constant 0 : i32
      %dma_wait3A_78 = tpu.memref_slice %arg11[%add3A_14, %dma_wait3A_77] : memref<5120x128xf32, #tpu.memory_space<vmem_shared>> -> memref<160x128xf32, #tpu.memory_space<vmem_shared>>
      tpu.wait_dma2 semaphore(%run_scoped3A : memref<!tpu.dma_semaphore, #tpu.memory_space<semaphore_mem>>) src(%arg10 : memref<160x128xf32, #tpu.memory_space<vmem>>) dst(%dma_wait3A_78 : memref<160x128xf32, #tpu.memory_space<vmem_shared>>)
      tpu.yield
    }) : () -> ()
    %barrier3A = arith.constant 0 : index
    tpu.barrier barrier_id(%barrier3A)
    %add3A_15 = arith.constant 0 : i32
    %add3A_16 = arith.addi %add3A_15, %add3A : i32
    "tpu.region"() ({
      %run_scoped3A = tpu.sem_alloc : memref<!tpu.dma_semaphore, #tpu.memory_space<semaphore_mem>>
      %dma_start3A = arith.constant 0 : i32
      %dma_start3A_73 = arith.constant 0 : i32
      %dma_start3A_74 = tpu.memref_slice %arg3[%add3A_16, %dma_start3A, %dma_start3A_73] : memref<64x125x48xi32, #tpu.memory_space<hbm>> -> memref<1x125x48xi32, #tpu.memory_space<hbm>>
      %dma_start3A_75 = tpu.memref_squeeze %dma_start3A_74 : memref<1x125x48xi32, #tpu.memory_space<hbm>> -> memref<125x48xi32, #tpu.memory_space<hbm>>
      %dma_start3A_76 = arith.constant 0 : i32
      %dma_start3A_77 = arith.constant 0 : i32
      %dma_start3A_78 = tpu.memref_slice %arg3[%add3A_16, %dma_start3A_76, %dma_start3A_77] : memref<64x125x48xi32, #tpu.memory_space<hbm>> -> memref<1x125x48xi32, #tpu.memory_space<hbm>>
      %dma_start3A_79 = tpu.memref_squeeze %dma_start3A_78 : memref<1x125x48xi32, #tpu.memory_space<hbm>> -> memref<125x48xi32, #tpu.memory_space<hbm>>
      tpu.enqueue_dma source(%dma_start3A_79 : memref<125x48xi32, #tpu.memory_space<hbm>>) target(%arg7 : memref<125x48xi32, #tpu.memory_space<vmem>>) target_semaphore(%run_scoped3A : memref<!tpu.dma_semaphore, #tpu.memory_space<semaphore_mem>>)
      %dma_wait3A = arith.constant 0 : i32
      %dma_wait3A_80 = arith.constant 0 : i32
      %dma_wait3A_81 = tpu.memref_slice %arg3[%add3A_16, %dma_wait3A, %dma_wait3A_80] : memref<64x125x48xi32, #tpu.memory_space<hbm>> -> memref<1x125x48xi32, #tpu.memory_space<hbm>>
      %dma_wait3A_82 = tpu.memref_squeeze %dma_wait3A_81 : memref<1x125x48xi32, #tpu.memory_space<hbm>> -> memref<125x48xi32, #tpu.memory_space<hbm>>
      %dma_wait3A_83 = arith.constant 0 : i32
      %dma_wait3A_84 = arith.constant 0 : i32
      %dma_wait3A_85 = tpu.memref_slice %arg3[%add3A_16, %dma_wait3A_83, %dma_wait3A_84] : memref<64x125x48xi32, #tpu.memory_space<hbm>> -> memref<1x125x48xi32, #tpu.memory_space<hbm>>
      %dma_wait3A_86 = tpu.memref_squeeze %dma_wait3A_85 : memref<1x125x48xi32, #tpu.memory_space<hbm>> -> memref<125x48xi32, #tpu.memory_space<hbm>>
      tpu.wait_dma2 semaphore(%run_scoped3A : memref<!tpu.dma_semaphore, #tpu.memory_space<semaphore_mem>>) src(%dma_wait3A_86 : memref<125x48xi32, #tpu.memory_space<hbm>>) dst(%arg7 : memref<125x48xi32, #tpu.memory_space<vmem>>)
      tpu.yield
    }) : () -> ()
    %scan3A_17 = arith.constant 0 : i32
    %scan3A_18 = arith.constant 0 : i32
    %scan3A_19 = arith.constant 125 : i32
    %scan3A_20 = arith.addi %scan3A_18, %scan3A_19 : i32
    %scan3A_21 = arith.constant 1 : i32
    %scan3A_22 = scf.for %scan3A_73 = %scan3A_18 to %scan3A_20 step %scan3A_21 iter_args(%scan3A_74 = %scan3A_17) -> (i32)  : i32 {
      "tpu.region"() ({
        %run_scoped3A = tpu.sem_alloc : memref<!tpu.dma_semaphore, #tpu.memory_space<semaphore_mem>>
        %dma_start3A = arith.constant 0 : i32
        %dma_start3A_76 = tpu.memref_slice %arg8[%scan3A_73, %dma_start3A] : memref<125x48xi32, #tpu.memory_space<vmem>> -> memref<1x48xi32, #tpu.memory_space<vmem>>
        %dma_start3A_77 = tpu.memref_squeeze %dma_start3A_76 : memref<1x48xi32, #tpu.memory_space<vmem>> -> memref<48xi32, #tpu.memory_space<vmem>>
        %dma_start3A_78 = arith.constant 0 : i32
        %dma_start3A_79 = arith.constant 0 : i32
        %dma_start3A_80 = tpu.memref_slice %arg2[%dma_start3A_78, %dma_start3A_79] : memref<10240x128xf32, #tpu.memory_space<hbm>> -> memref<10240x128xf32, #tpu.memory_space<hbm>>
        tpu.enqueue_indirect_dma source(%dma_start3A_80 : memref<10240x128xf32, #tpu.memory_space<hbm>>) target(%arg9 : memref<48x128xf32, #tpu.memory_space<vmem>>) offsets(%dma_start3A_77 : memref<48xi32, #tpu.memory_space<vmem>>) semaphore(%run_scoped3A : memref<!tpu.dma_semaphore, #tpu.memory_space<semaphore_mem>>)
        %dma_wait3A = arith.constant 0 : i32
        %dma_wait3A_81 = tpu.memref_slice %arg8[%scan3A_73, %dma_wait3A] : memref<125x48xi32, #tpu.memory_space<vmem>> -> memref<1x48xi32, #tpu.memory_space<vmem>>
        %dma_wait3A_82 = tpu.memref_squeeze %dma_wait3A_81 : memref<1x48xi32, #tpu.memory_space<vmem>> -> memref<48xi32, #tpu.memory_space<vmem>>
        %dma_wait3A_83 = arith.constant 0 : i32
        %dma_wait3A_84 = arith.constant 0 : i32
        %dma_wait3A_85 = tpu.memref_slice %arg2[%dma_wait3A_83, %dma_wait3A_84] : memref<10240x128xf32, #tpu.memory_space<hbm>> -> memref<10240x128xf32, #tpu.memory_space<hbm>>
        tpu.wait_indirect_dma semaphore(%run_scoped3A : memref<!tpu.dma_semaphore, #tpu.memory_space<semaphore_mem>>) src(%dma_wait3A_85 : memref<10240x128xf32, #tpu.memory_space<hbm>>) dst(%arg9 : memref<48x128xf32, #tpu.memory_space<vmem>>)
        tpu.yield
      }) : () -> ()
      "tpu.region"() ({
        %run_scoped3A = tpu.sem_alloc : memref<!tpu.dma_semaphore, #tpu.memory_space<semaphore_mem>>
        %dma_start3A = arith.constant 0 : i32
        %dma_start3A_76 = tpu.memref_slice %arg7[%scan3A_73, %dma_start3A] : memref<125x48xi32, #tpu.memory_space<vmem>> -> memref<1x48xi32, #tpu.memory_space<vmem>>
        %dma_start3A_77 = tpu.memref_squeeze %dma_start3A_76 : memref<1x48xi32, #tpu.memory_space<vmem>> -> memref<48xi32, #tpu.memory_space<vmem>>
        %dma_start3A_78 = arith.constant 0 : i32
        %dma_start3A_79 = arith.constant 0 : i32
        %dma_start3A_80 = tpu.memref_slice %arg11[%dma_start3A_78, %dma_start3A_79] : memref<5120x128xf32, #tpu.memory_space<vmem_shared>> -> memref<5120x128xf32, #tpu.memory_space<vmem_shared>>
        tpu.enqueue_indirect_dma source(%arg9 : memref<48x128xf32, #tpu.memory_space<vmem>>) target(%dma_start3A_80 : memref<5120x128xf32, #tpu.memory_space<vmem_shared>>) offsets(%dma_start3A_77 : memref<48xi32, #tpu.memory_space<vmem>>) semaphore(%run_scoped3A : memref<!tpu.dma_semaphore, #tpu.memory_space<semaphore_mem>>) {add = true}
        %dma_wait3A = arith.constant 0 : i32
        %dma_wait3A_81 = tpu.memref_slice %arg7[%scan3A_73, %dma_wait3A] : memref<125x48xi32, #tpu.memory_space<vmem>> -> memref<1x48xi32, #tpu.memory_space<vmem>>
        %dma_wait3A_82 = tpu.memref_squeeze %dma_wait3A_81 : memref<1x48xi32, #tpu.memory_space<vmem>> -> memref<48xi32, #tpu.memory_space<vmem>>
        %dma_wait3A_83 = arith.constant 0 : i32
        %dma_wait3A_84 = arith.constant 0 : i32
        %dma_wait3A_85 = tpu.memref_slice %arg11[%dma_wait3A_83, %dma_wait3A_84] : memref<5120x128xf32, #tpu.memory_space<vmem_shared>> -> memref<5120x128xf32, #tpu.memory_space<vmem_shared>>
        tpu.wait_indirect_dma semaphore(%run_scoped3A : memref<!tpu.dma_semaphore, #tpu.memory_space<semaphore_mem>>) src(%arg9 : memref<48x128xf32, #tpu.memory_space<vmem>>) dst(%dma_wait3A_85 : memref<5120x128xf32, #tpu.memory_space<vmem_shared>>)
        tpu.yield
      }) : () -> ()
      %scan3A_75 = arith.constant 0 : i32
      scf.yield %scan3A_75 : i32
    }
    %scan3A_23 = arith.constant 125 : i32
    %barrier3A_24 = arith.constant 0 : index
    tpu.barrier barrier_id(%barrier3A_24)
    %mul3A_25 = arith.constant 320 : i32
    %mul3A_26 = arith.muli %arg1, %mul3A_25 : i32
    %mul3A_27 = arith.constant 320 : i32
    %mul3A_28 = arith.muli %arg1, %mul3A_27 : i32
    %add3A_29 = arith.constant 0 : i32
    %add3A_30 = arith.addi %add3A_29, %mul3A_28 : i32
    %eq3A = arith.constant 0 : i32
    %eq3A_31 = arith.cmpi eq, %arg0, %eq3A : i32
    %convert_element_type3A = arith.extui %eq3A_31 : i1 to i32
    %cond3A = arith.constant 0 : i32
    %cond3A_32 = arith.cmpi ne, %convert_element_type3A, %cond3A : i32
    scf.if %cond3A_32 {
      "tpu.region"() ({
        %run_scoped3A = tpu.sem_alloc : memref<!tpu.dma_semaphore, #tpu.memory_space<semaphore_mem>>
        %dma_start3A = arith.constant 0 : i32
        %dma_start3A_73 = tpu.memref_slice %arg5[%add3A_30, %dma_start3A] : memref<10240x128xf32, #tpu.memory_space<hbm>> -> memref<320x128xf32, #tpu.memory_space<hbm>>
        %dma_start3A_74 = arith.constant 0 : i32
        %dma_start3A_75 = tpu.memref_slice %arg11[%mul3A_26, %dma_start3A_74] : memref<5120x128xf32, #tpu.memory_space<vmem_shared>> -> memref<320x128xf32, #tpu.memory_space<vmem_shared>>
        tpu.enqueue_dma source(%dma_start3A_75 : memref<320x128xf32, #tpu.memory_space<vmem_shared>>) target(%dma_start3A_73 : memref<320x128xf32, #tpu.memory_space<hbm>>) target_semaphore(%run_scoped3A : memref<!tpu.dma_semaphore, #tpu.memory_space<semaphore_mem>>)
        %dma_wait3A = arith.constant 0 : i32
        %dma_wait3A_76 = tpu.memref_slice %arg5[%add3A_30, %dma_wait3A] : memref<10240x128xf32, #tpu.memory_space<hbm>> -> memref<320x128xf32, #tpu.memory_space<hbm>>
        %dma_wait3A_77 = arith.constant 0 : i32
        %dma_wait3A_78 = tpu.memref_slice %arg11[%mul3A_26, %dma_wait3A_77] : memref<5120x128xf32, #tpu.memory_space<vmem_shared>> -> memref<320x128xf32, #tpu.memory_space<vmem_shared>>
        tpu.wait_dma2 semaphore(%run_scoped3A : memref<!tpu.dma_semaphore, #tpu.memory_space<semaphore_mem>>) src(%dma_wait3A_78 : memref<320x128xf32, #tpu.memory_space<vmem_shared>>) dst(%dma_wait3A_76 : memref<320x128xf32, #tpu.memory_space<hbm>>)
        tpu.yield
      }) : () -> ()
    } else {
    }
    %eq3A_33 = arith.constant 1 : i32
    %eq3A_34 = arith.cmpi eq, %arg0, %eq3A_33 : i32
    %convert_element_type3A_35 = arith.extui %eq3A_34 : i1 to i32
    %cond3A_36 = arith.constant 0 : i32
    %cond3A_37 = arith.cmpi ne, %convert_element_type3A_35, %cond3A_36 : i32
    scf.if %cond3A_37 {
      "tpu.region"() ({
        %run_scoped3A = tpu.sem_alloc : memref<!tpu.dma_semaphore, #tpu.memory_space<semaphore_mem>>
        %dma_start3A = arith.constant 0 : i32
        %dma_start3A_73 = tpu.memref_slice %arg6[%add3A_30, %dma_start3A] : memref<10240x128xf32, #tpu.memory_space<hbm>> -> memref<320x128xf32, #tpu.memory_space<hbm>>
        %dma_start3A_74 = arith.constant 0 : i32
        %dma_start3A_75 = tpu.memref_slice %arg11[%mul3A_26, %dma_start3A_74] : memref<5120x128xf32, #tpu.memory_space<vmem_shared>> -> memref<320x128xf32, #tpu.memory_space<vmem_shared>>
        tpu.enqueue_dma source(%dma_start3A_75 : memref<320x128xf32, #tpu.memory_space<vmem_shared>>) target(%dma_start3A_73 : memref<320x128xf32, #tpu.memory_space<hbm>>) target_semaphore(%run_scoped3A : memref<!tpu.dma_semaphore, #tpu.memory_space<semaphore_mem>>)
        %dma_wait3A = arith.constant 0 : i32
        %dma_wait3A_76 = tpu.memref_slice %arg6[%add3A_30, %dma_wait3A] : memref<10240x128xf32, #tpu.memory_space<hbm>> -> memref<320x128xf32, #tpu.memory_space<hbm>>
        %dma_wait3A_77 = arith.constant 0 : i32
        %dma_wait3A_78 = tpu.memref_slice %arg11[%mul3A_26, %dma_wait3A_77] : memref<5120x128xf32, #tpu.memory_space<vmem_shared>> -> memref<320x128xf32, #tpu.memory_space<vmem_shared>>
        tpu.wait_dma2 semaphore(%run_scoped3A : memref<!tpu.dma_semaphore, #tpu.memory_space<semaphore_mem>>) src(%dma_wait3A_78 : memref<320x128xf32, #tpu.memory_space<vmem_shared>>) dst(%dma_wait3A_76 : memref<320x128xf32, #tpu.memory_space<hbm>>)
        tpu.yield
      }) : () -> ()
    } else {
    }
    %mul3A_38 = arith.constant 320 : i32
    %mul3A_39 = arith.muli %arg1, %mul3A_38 : i32
    %add3A_40 = arith.constant 0 : i32
    %add3A_41 = arith.addi %mul3A_39, %add3A_40 : i32
    "tpu.region"() ({
      %run_scoped3A = tpu.sem_alloc : memref<!tpu.dma_semaphore, #tpu.memory_space<semaphore_mem>>
      %dma_start3A = arith.constant 0 : i32
      %dma_start3A_73 = tpu.memref_slice %arg11[%add3A_41, %dma_start3A] : memref<5120x128xf32, #tpu.memory_space<vmem_shared>> -> memref<160x128xf32, #tpu.memory_space<vmem_shared>>
      %dma_start3A_74 = arith.constant 0 : i32
      %dma_start3A_75 = tpu.memref_slice %arg11[%add3A_41, %dma_start3A_74] : memref<5120x128xf32, #tpu.memory_space<vmem_shared>> -> memref<160x128xf32, #tpu.memory_space<vmem_shared>>
      tpu.enqueue_dma source(%arg10 : memref<160x128xf32, #tpu.memory_space<vmem>>) target(%dma_start3A_75 : memref<160x128xf32, #tpu.memory_space<vmem_shared>>) target_semaphore(%run_scoped3A : memref<!tpu.dma_semaphore, #tpu.memory_space<semaphore_mem>>)
      %dma_wait3A = arith.constant 0 : i32
      %dma_wait3A_76 = tpu.memref_slice %arg11[%add3A_41, %dma_wait3A] : memref<5120x128xf32, #tpu.memory_space<vmem_shared>> -> memref<160x128xf32, #tpu.memory_space<vmem_shared>>
      %dma_wait3A_77 = arith.constant 0 : i32
      %dma_wait3A_78 = tpu.memref_slice %arg11[%add3A_41, %dma_wait3A_77] : memref<5120x128xf32, #tpu.memory_space<vmem_shared>> -> memref<160x128xf32, #tpu.memory_space<vmem_shared>>
      tpu.wait_dma2 semaphore(%run_scoped3A : memref<!tpu.dma_semaphore, #tpu.memory_space<semaphore_mem>>) src(%arg10 : memref<160x128xf32, #tpu.memory_space<vmem>>) dst(%dma_wait3A_78 : memref<160x128xf32, #tpu.memory_space<vmem_shared>>)
      tpu.yield
    }) : () -> ()
    %mul3A_42 = arith.constant 320 : i32
    %mul3A_43 = arith.muli %arg1, %mul3A_42 : i32
    %add3A_44 = arith.constant 160 : i32
    %add3A_45 = arith.addi %mul3A_43, %add3A_44 : i32
    "tpu.region"() ({
      %run_scoped3A = tpu.sem_alloc : memref<!tpu.dma_semaphore, #tpu.memory_space<semaphore_mem>>
      %dma_start3A = arith.constant 0 : i32
      %dma_start3A_73 = tpu.memref_slice %arg11[%add3A_45, %dma_start3A] : memref<5120x128xf32, #tpu.memory_space<vmem_shared>> -> memref<160x128xf32, #tpu.memory_space<vmem_shared>>
      %dma_start3A_74 = arith.constant 0 : i32
      %dma_start3A_75 = tpu.memref_slice %arg11[%add3A_45, %dma_start3A_74] : memref<5120x128xf32, #tpu.memory_space<vmem_shared>> -> memref<160x128xf32, #tpu.memory_space<vmem_shared>>
      tpu.enqueue_dma source(%arg10 : memref<160x128xf32, #tpu.memory_space<vmem>>) target(%dma_start3A_75 : memref<160x128xf32, #tpu.memory_space<vmem_shared>>) target_semaphore(%run_scoped3A : memref<!tpu.dma_semaphore, #tpu.memory_space<semaphore_mem>>)
      %dma_wait3A = arith.constant 0 : i32
      %dma_wait3A_76 = tpu.memref_slice %arg11[%add3A_45, %dma_wait3A] : memref<5120x128xf32, #tpu.memory_space<vmem_shared>> -> memref<160x128xf32, #tpu.memory_space<vmem_shared>>
      %dma_wait3A_77 = arith.constant 0 : i32
      %dma_wait3A_78 = tpu.memref_slice %arg11[%add3A_45, %dma_wait3A_77] : memref<5120x128xf32, #tpu.memory_space<vmem_shared>> -> memref<160x128xf32, #tpu.memory_space<vmem_shared>>
      tpu.wait_dma2 semaphore(%run_scoped3A : memref<!tpu.dma_semaphore, #tpu.memory_space<semaphore_mem>>) src(%arg10 : memref<160x128xf32, #tpu.memory_space<vmem>>) dst(%dma_wait3A_78 : memref<160x128xf32, #tpu.memory_space<vmem_shared>>)
      tpu.yield
    }) : () -> ()
    %barrier3A_46 = arith.constant 0 : index
    tpu.barrier barrier_id(%barrier3A_46)
    %add3A_47 = arith.constant 32 : i32
    %add3A_48 = arith.addi %add3A_47, %add3A : i32
    "tpu.region"() ({
      %run_scoped3A = tpu.sem_alloc : memref<!tpu.dma_semaphore, #tpu.memory_space<semaphore_mem>>
      %dma_start3A = arith.constant 0 : i32
      %dma_start3A_73 = arith.constant 0 : i32
      %dma_start3A_74 = tpu.memref_slice %arg3[%add3A_48, %dma_start3A, %dma_start3A_73] : memref<64x125x48xi32, #tpu.memory_space<hbm>> -> memref<1x125x48xi32, #tpu.memory_space<hbm>>
      %dma_start3A_75 = tpu.memref_squeeze %dma_start3A_74 : memref<1x125x48xi32, #tpu.memory_space<hbm>> -> memref<125x48xi32, #tpu.memory_space<hbm>>
      %dma_start3A_76 = arith.constant 0 : i32
      %dma_start3A_77 = arith.constant 0 : i32
      %dma_start3A_78 = tpu.memref_slice %arg3[%add3A_48, %dma_start3A_76, %dma_start3A_77] : memref<64x125x48xi32, #tpu.memory_space<hbm>> -> memref<1x125x48xi32, #tpu.memory_space<hbm>>
      %dma_start3A_79 = tpu.memref_squeeze %dma_start3A_78 : memref<1x125x48xi32, #tpu.memory_space<hbm>> -> memref<125x48xi32, #tpu.memory_space<hbm>>
      tpu.enqueue_dma source(%dma_start3A_79 : memref<125x48xi32, #tpu.memory_space<hbm>>) target(%arg7 : memref<125x48xi32, #tpu.memory_space<vmem>>) target_semaphore(%run_scoped3A : memref<!tpu.dma_semaphore, #tpu.memory_space<semaphore_mem>>)
      %dma_wait3A = arith.constant 0 : i32
      %dma_wait3A_80 = arith.constant 0 : i32
      %dma_wait3A_81 = tpu.memref_slice %arg3[%add3A_48, %dma_wait3A, %dma_wait3A_80] : memref<64x125x48xi32, #tpu.memory_space<hbm>> -> memref<1x125x48xi32, #tpu.memory_space<hbm>>
      %dma_wait3A_82 = tpu.memref_squeeze %dma_wait3A_81 : memref<1x125x48xi32, #tpu.memory_space<hbm>> -> memref<125x48xi32, #tpu.memory_space<hbm>>
      %dma_wait3A_83 = arith.constant 0 : i32
      %dma_wait3A_84 = arith.constant 0 : i32
      %dma_wait3A_85 = tpu.memref_slice %arg3[%add3A_48, %dma_wait3A_83, %dma_wait3A_84] : memref<64x125x48xi32, #tpu.memory_space<hbm>> -> memref<1x125x48xi32, #tpu.memory_space<hbm>>
      %dma_wait3A_86 = tpu.memref_squeeze %dma_wait3A_85 : memref<1x125x48xi32, #tpu.memory_space<hbm>> -> memref<125x48xi32, #tpu.memory_space<hbm>>
      tpu.wait_dma2 semaphore(%run_scoped3A : memref<!tpu.dma_semaphore, #tpu.memory_space<semaphore_mem>>) src(%dma_wait3A_86 : memref<125x48xi32, #tpu.memory_space<hbm>>) dst(%arg7 : memref<125x48xi32, #tpu.memory_space<vmem>>)
      tpu.yield
    }) : () -> ()
    %scan3A_49 = arith.constant 0 : i32
    %scan3A_50 = arith.constant 0 : i32
    %scan3A_51 = arith.constant 125 : i32
    %scan3A_52 = arith.addi %scan3A_50, %scan3A_51 : i32
    %scan3A_53 = arith.constant 1 : i32
    %scan3A_54 = scf.for %scan3A_73 = %scan3A_50 to %scan3A_52 step %scan3A_53 iter_args(%scan3A_74 = %scan3A_49) -> (i32)  : i32 {
      "tpu.region"() ({
        %run_scoped3A = tpu.sem_alloc : memref<!tpu.dma_semaphore, #tpu.memory_space<semaphore_mem>>
        %dma_start3A = arith.constant 0 : i32
        %dma_start3A_76 = tpu.memref_slice %arg8[%scan3A_73, %dma_start3A] : memref<125x48xi32, #tpu.memory_space<vmem>> -> memref<1x48xi32, #tpu.memory_space<vmem>>
        %dma_start3A_77 = tpu.memref_squeeze %dma_start3A_76 : memref<1x48xi32, #tpu.memory_space<vmem>> -> memref<48xi32, #tpu.memory_space<vmem>>
        %dma_start3A_78 = arith.constant 0 : i32
        %dma_start3A_79 = arith.constant 0 : i32
        %dma_start3A_80 = tpu.memref_slice %arg2[%dma_start3A_78, %dma_start3A_79] : memref<10240x128xf32, #tpu.memory_space<hbm>> -> memref<10240x128xf32, #tpu.memory_space<hbm>>
        tpu.enqueue_indirect_dma source(%dma_start3A_80 : memref<10240x128xf32, #tpu.memory_space<hbm>>) target(%arg9 : memref<48x128xf32, #tpu.memory_space<vmem>>) offsets(%dma_start3A_77 : memref<48xi32, #tpu.memory_space<vmem>>) semaphore(%run_scoped3A : memref<!tpu.dma_semaphore, #tpu.memory_space<semaphore_mem>>)
        %dma_wait3A = arith.constant 0 : i32
        %dma_wait3A_81 = tpu.memref_slice %arg8[%scan3A_73, %dma_wait3A] : memref<125x48xi32, #tpu.memory_space<vmem>> -> memref<1x48xi32, #tpu.memory_space<vmem>>
        %dma_wait3A_82 = tpu.memref_squeeze %dma_wait3A_81 : memref<1x48xi32, #tpu.memory_space<vmem>> -> memref<48xi32, #tpu.memory_space<vmem>>
        %dma_wait3A_83 = arith.constant 0 : i32
        %dma_wait3A_84 = arith.constant 0 : i32
        %dma_wait3A_85 = tpu.memref_slice %arg2[%dma_wait3A_83, %dma_wait3A_84] : memref<10240x128xf32, #tpu.memory_space<hbm>> -> memref<10240x128xf32, #tpu.memory_space<hbm>>
        tpu.wait_indirect_dma semaphore(%run_scoped3A : memref<!tpu.dma_semaphore, #tpu.memory_space<semaphore_mem>>) src(%dma_wait3A_85 : memref<10240x128xf32, #tpu.memory_space<hbm>>) dst(%arg9 : memref<48x128xf32, #tpu.memory_space<vmem>>)
        tpu.yield
      }) : () -> ()
      "tpu.region"() ({
        %run_scoped3A = tpu.sem_alloc : memref<!tpu.dma_semaphore, #tpu.memory_space<semaphore_mem>>
        %dma_start3A = arith.constant 0 : i32
        %dma_start3A_76 = tpu.memref_slice %arg7[%scan3A_73, %dma_start3A] : memref<125x48xi32, #tpu.memory_space<vmem>> -> memref<1x48xi32, #tpu.memory_space<vmem>>
        %dma_start3A_77 = tpu.memref_squeeze %dma_start3A_76 : memref<1x48xi32, #tpu.memory_space<vmem>> -> memref<48xi32, #tpu.memory_space<vmem>>
        %dma_start3A_78 = arith.constant 0 : i32
        %dma_start3A_79 = arith.constant 0 : i32
        %dma_start3A_80 = tpu.memref_slice %arg11[%dma_start3A_78, %dma_start3A_79] : memref<5120x128xf32, #tpu.memory_space<vmem_shared>> -> memref<5120x128xf32, #tpu.memory_space<vmem_shared>>
        tpu.enqueue_indirect_dma source(%arg9 : memref<48x128xf32, #tpu.memory_space<vmem>>) target(%dma_start3A_80 : memref<5120x128xf32, #tpu.memory_space<vmem_shared>>) offsets(%dma_start3A_77 : memref<48xi32, #tpu.memory_space<vmem>>) semaphore(%run_scoped3A : memref<!tpu.dma_semaphore, #tpu.memory_space<semaphore_mem>>) {add = true}
        %dma_wait3A = arith.constant 0 : i32
        %dma_wait3A_81 = tpu.memref_slice %arg7[%scan3A_73, %dma_wait3A] : memref<125x48xi32, #tpu.memory_space<vmem>> -> memref<1x48xi32, #tpu.memory_space<vmem>>
        %dma_wait3A_82 = tpu.memref_squeeze %dma_wait3A_81 : memref<1x48xi32, #tpu.memory_space<vmem>> -> memref<48xi32, #tpu.memory_space<vmem>>
        %dma_wait3A_83 = arith.constant 0 : i32
        %dma_wait3A_84 = arith.constant 0 : i32
        %dma_wait3A_85 = tpu.memref_slice %arg11[%dma_wait3A_83, %dma_wait3A_84] : memref<5120x128xf32, #tpu.memory_space<vmem_shared>> -> memref<5120x128xf32, #tpu.memory_space<vmem_shared>>
        tpu.wait_indirect_dma semaphore(%run_scoped3A : memref<!tpu.dma_semaphore, #tpu.memory_space<semaphore_mem>>) src(%arg9 : memref<48x128xf32, #tpu.memory_space<vmem>>) dst(%dma_wait3A_85 : memref<5120x128xf32, #tpu.memory_space<vmem_shared>>)
        tpu.yield
      }) : () -> ()
      %scan3A_75 = arith.constant 0 : i32
      scf.yield %scan3A_75 : i32
    }
    %scan3A_55 = arith.constant 125 : i32
    %barrier3A_56 = arith.constant 0 : index
    tpu.barrier barrier_id(%barrier3A_56)
    %mul3A_57 = arith.constant 320 : i32
    %mul3A_58 = arith.muli %arg1, %mul3A_57 : i32
    %mul3A_59 = arith.constant 320 : i32
    %mul3A_60 = arith.muli %arg1, %mul3A_59 : i32
    %add3A_61 = arith.constant 5120 : i32
    %add3A_62 = arith.addi %add3A_61, %mul3A_60 : i32
    %eq3A_63 = arith.constant 0 : i32
    %eq3A_64 = arith.cmpi eq, %arg0, %eq3A_63 : i32
    %convert_element_type3A_65 = arith.extui %eq3A_64 : i1 to i32
    %cond3A_66 = arith.constant 0 : i32
    %cond3A_67 = arith.cmpi ne, %convert_element_type3A_65, %cond3A_66 : i32
    scf.if %cond3A_67 {
      "tpu.region"() ({
        %run_scoped3A = tpu.sem_alloc : memref<!tpu.dma_semaphore, #tpu.memory_space<semaphore_mem>>
        %dma_start3A = arith.constant 0 : i32
        %dma_start3A_73 = tpu.memref_slice %arg5[%add3A_62, %dma_start3A] : memref<10240x128xf32, #tpu.memory_space<hbm>> -> memref<320x128xf32, #tpu.memory_space<hbm>>
        %dma_start3A_74 = arith.constant 0 : i32
        %dma_start3A_75 = tpu.memref_slice %arg11[%mul3A_58, %dma_start3A_74] : memref<5120x128xf32, #tpu.memory_space<vmem_shared>> -> memref<320x128xf32, #tpu.memory_space<vmem_shared>>
        tpu.enqueue_dma source(%dma_start3A_75 : memref<320x128xf32, #tpu.memory_space<vmem_shared>>) target(%dma_start3A_73 : memref<320x128xf32, #tpu.memory_space<hbm>>) target_semaphore(%run_scoped3A : memref<!tpu.dma_semaphore, #tpu.memory_space<semaphore_mem>>)
        %dma_wait3A = arith.constant 0 : i32
        %dma_wait3A_76 = tpu.memref_slice %arg5[%add3A_62, %dma_wait3A] : memref<10240x128xf32, #tpu.memory_space<hbm>> -> memref<320x128xf32, #tpu.memory_space<hbm>>
        %dma_wait3A_77 = arith.constant 0 : i32
        %dma_wait3A_78 = tpu.memref_slice %arg11[%mul3A_58, %dma_wait3A_77] : memref<5120x128xf32, #tpu.memory_space<vmem_shared>> -> memref<320x128xf32, #tpu.memory_space<vmem_shared>>
        tpu.wait_dma2 semaphore(%run_scoped3A : memref<!tpu.dma_semaphore, #tpu.memory_space<semaphore_mem>>) src(%dma_wait3A_78 : memref<320x128xf32, #tpu.memory_space<vmem_shared>>) dst(%dma_wait3A_76 : memref<320x128xf32, #tpu.memory_space<hbm>>)
        tpu.yield
      }) : () -> ()
    } else {
    }
    %eq3A_68 = arith.constant 1 : i32
    %eq3A_69 = arith.cmpi eq, %arg0, %eq3A_68 : i32
    %convert_element_type3A_70 = arith.extui %eq3A_69 : i1 to i32
    %cond3A_71 = arith.constant 0 : i32
    %cond3A_72 = arith.cmpi ne, %convert_element_type3A_70, %cond3A_71 : i32
    scf.if %cond3A_72 {
      "tpu.region"() ({
        %run_scoped3A = tpu.sem_alloc : memref<!tpu.dma_semaphore, #tpu.memory_space<semaphore_mem>>
        %dma_start3A = arith.constant 0 : i32
        %dma_start3A_73 = tpu.memref_slice %arg6[%add3A_62, %dma_start3A] : memref<10240x128xf32, #tpu.memory_space<hbm>> -> memref<320x128xf32, #tpu.memory_space<hbm>>
        %dma_start3A_74 = arith.constant 0 : i32
        %dma_start3A_75 = tpu.memref_slice %arg11[%mul3A_58, %dma_start3A_74] : memref<5120x128xf32, #tpu.memory_space<vmem_shared>> -> memref<320x128xf32, #tpu.memory_space<vmem_shared>>
        tpu.enqueue_dma source(%dma_start3A_75 : memref<320x128xf32, #tpu.memory_space<vmem_shared>>) target(%dma_start3A_73 : memref<320x128xf32, #tpu.memory_space<hbm>>) target_semaphore(%run_scoped3A : memref<!tpu.dma_semaphore, #tpu.memory_space<semaphore_mem>>)
        %dma_wait3A = arith.constant 0 : i32
        %dma_wait3A_76 = tpu.memref_slice %arg6[%add3A_62, %dma_wait3A] : memref<10240x128xf32, #tpu.memory_space<hbm>> -> memref<320x128xf32, #tpu.memory_space<hbm>>
        %dma_wait3A_77 = arith.constant 0 : i32
        %dma_wait3A_78 = tpu.memref_slice %arg11[%mul3A_58, %dma_wait3A_77] : memref<5120x128xf32, #tpu.memory_space<vmem_shared>> -> memref<320x128xf32, #tpu.memory_space<vmem_shared>>
        tpu.wait_dma2 semaphore(%run_scoped3A : memref<!tpu.dma_semaphore, #tpu.memory_space<semaphore_mem>>) src(%dma_wait3A_78 : memref<320x128xf32, #tpu.memory_space<vmem_shared>>) dst(%dma_wait3A_76 : memref<320x128xf32, #tpu.memory_space<hbm>>)
        tpu.yield
      }) : () -> ()
    } else {
    }
    return
  }
}

#map = affine_map<(d0, d1) -> (0, 0)>
#map1 = affine_map<(d0, d1) -> (0, 0, 0)>
module attributes {stable_mosaic.version = 14 : i64} {
  func.func @_sc_pden(%arg0: i32, %arg1: i32, %arg2: memref<10240x128xf32, #tpu.memory_space<hbm>>, %arg3: memref<10240x128xf32, #tpu.memory_space<hbm>>, %arg4: memref<10240x128xf32, #tpu.memory_space<hbm>>, %arg5: memref<128x125x48xi32, #tpu.memory_space<hbm>>, %arg6: memref<64x125x48xi32, #tpu.memory_space<hbm>>, %arg7: memref<4000x48x16xf32, #tpu.memory_space<hbm>>, %arg8: memref<10240x128xf32, #tpu.memory_space<hbm>>, %arg9: memref<10240x128xf32, #tpu.memory_space<hbm>>, %arg10: memref<125x48xi32, #tpu.memory_space<vmem>>, %arg11: memref<125x48xi32, #tpu.memory_space<vmem>>, %arg12: memref<125x48xi32, #tpu.memory_space<vmem>>, %arg13: memref<48x128xf32, #tpu.memory_space<vmem>>, %arg14: memref<48x128xf32, #tpu.memory_space<vmem>>, %arg15: memref<48x128xf32, #tpu.memory_space<vmem>>, %arg16: memref<48x128xf32, #tpu.memory_space<vmem>>, %arg17: memref<48x16xf32, #tpu.memory_space<vmem>>, %arg18: memref<160x128xf32, #tpu.memory_space<vmem>>, %arg19: memref<2560x128xf32, #tpu.memory_space<vmem_shared>>) attributes {dimension_semantics = [#tpu.dimension_semantics<core_parallel>, #tpu.dimension_semantics<subcore_parallel>], iteration_bounds = array<i64: 2, 16>, scalar_prefetch = 0 : i64, scratch_operands = 10 : i64, tpu.core_type = #tpu.core_type<sc_vector_subcore>, window_params = [{transform_indices = #map}, {transform_indices = #map}, {transform_indices = #map}, {transform_indices = #map1}, {transform_indices = #map1}, {transform_indices = #map1}, {transform_indices = #map}, {transform_indices = #map}]} {
    %mul3A = arith.constant 16 : i32
    %mul3A_0 = arith.muli %arg0, %mul3A : i32
    %add3A = arith.addi %mul3A_0, %arg1 : i32
    %scan3A = arith.constant 0 : i32
    %scan3A_1 = arith.constant 0 : i32
    %scan3A_2 = arith.constant 160 : i32
    %scan3A_3 = arith.addi %scan3A_1, %scan3A_2 : i32
    %scan3A_4 = arith.constant 1 : i32
    %scan3A_5 = scf.for %scan3A_136 = %scan3A_1 to %scan3A_3 step %scan3A_4 iter_args(%scan3A_137 = %scan3A) -> (i32)  : i32 {
      %broadcast_in_dim3A = arith.constant 0.000000e+00 : f32
      %broadcast_in_dim3A_138 = vector.broadcast %broadcast_in_dim3A : f32 to vector<16xf32>
      %swap3A = arith.index_cast %scan3A_136 : i32 to index
      %swap3A_139 = arith.constant 0 : index
      %swap3A_140 = tpu.vector_load %arg18[%swap3A, %swap3A_139] {strides = array<i32>} : memref<160x128xf32, #tpu.memory_space<vmem>>, vector<1x16xf32>,
      %swap3A_141 = vector.shape_cast %swap3A_140 : vector<1x16xf32> to vector<16xf32>
      %swap3A_142 = vector.shape_cast %broadcast_in_dim3A_138 : vector<16xf32> to vector<1x16xf32>
      tpu.vector_store %arg18[%swap3A, %swap3A_139], %swap3A_142 {strides = array<i32>} : memref<160x128xf32, #tpu.memory_space<vmem>>, vector<1x16xf32>,
      %broadcast_in_dim3A_143 = arith.constant 0.000000e+00 : f32
      %broadcast_in_dim3A_144 = vector.broadcast %broadcast_in_dim3A_143 : f32 to vector<16xf32>
      %swap3A_145 = arith.index_cast %scan3A_136 : i32 to index
      %swap3A_146 = arith.constant 16 : index
      %swap3A_147 = tpu.vector_load %arg18[%swap3A_145, %swap3A_146] {strides = array<i32>} : memref<160x128xf32, #tpu.memory_space<vmem>>, vector<1x16xf32>,
      %swap3A_148 = vector.shape_cast %swap3A_147 : vector<1x16xf32> to vector<16xf32>
      %swap3A_149 = vector.shape_cast %broadcast_in_dim3A_144 : vector<16xf32> to vector<1x16xf32>
      tpu.vector_store %arg18[%swap3A_145, %swap3A_146], %swap3A_149 {strides = array<i32>} : memref<160x128xf32, #tpu.memory_space<vmem>>, vector<1x16xf32>,
      %broadcast_in_dim3A_150 = arith.constant 0.000000e+00 : f32
      %broadcast_in_dim3A_151 = vector.broadcast %broadcast_in_dim3A_150 : f32 to vector<16xf32>
      %swap3A_152 = arith.index_cast %scan3A_136 : i32 to index
      %swap3A_153 = arith.constant 32 : index
      %swap3A_154 = tpu.vector_load %arg18[%swap3A_152, %swap3A_153] {strides = array<i32>} : memref<160x128xf32, #tpu.memory_space<vmem>>, vector<1x16xf32>,
      %swap3A_155 = vector.shape_cast %swap3A_154 : vector<1x16xf32> to vector<16xf32>
      %swap3A_156 = vector.shape_cast %broadcast_in_dim3A_151 : vector<16xf32> to vector<1x16xf32>
      tpu.vector_store %arg18[%swap3A_152, %swap3A_153], %swap3A_156 {strides = array<i32>} : memref<160x128xf32, #tpu.memory_space<vmem>>, vector<1x16xf32>,
      %broadcast_in_dim3A_157 = arith.constant 0.000000e+00 : f32
      %broadcast_in_dim3A_158 = vector.broadcast %broadcast_in_dim3A_157 : f32 to vector<16xf32>
      %swap3A_159 = arith.index_cast %scan3A_136 : i32 to index
      %swap3A_160 = arith.constant 48 : index
      %swap3A_161 = tpu.vector_load %arg18[%swap3A_159, %swap3A_160] {strides = array<i32>} : memref<160x128xf32, #tpu.memory_space<vmem>>, vector<1x16xf32>,
      %swap3A_162 = vector.shape_cast %swap3A_161 : vector<1x16xf32> to vector<16xf32>
      %swap3A_163 = vector.shape_cast %broadcast_in_dim3A_158 : vector<16xf32> to vector<1x16xf32>
      tpu.vector_store %arg18[%swap3A_159, %swap3A_160], %swap3A_163 {strides = array<i32>} : memref<160x128xf32, #tpu.memory_space<vmem>>, vector<1x16xf32>,
      %broadcast_in_dim3A_164 = arith.constant 0.000000e+00 : f32
      %broadcast_in_dim3A_165 = vector.broadcast %broadcast_in_dim3A_164 : f32 to vector<16xf32>
      %swap3A_166 = arith.index_cast %scan3A_136 : i32 to index
      %swap3A_167 = arith.constant 64 : index
      %swap3A_168 = tpu.vector_load %arg18[%swap3A_166, %swap3A_167] {strides = array<i32>} : memref<160x128xf32, #tpu.memory_space<vmem>>, vector<1x16xf32>,
      %swap3A_169 = vector.shape_cast %swap3A_168 : vector<1x16xf32> to vector<16xf32>
      %swap3A_170 = vector.shape_cast %broadcast_in_dim3A_165 : vector<16xf32> to vector<1x16xf32>
      tpu.vector_store %arg18[%swap3A_166, %swap3A_167], %swap3A_170 {strides = array<i32>} : memref<160x128xf32, #tpu.memory_space<vmem>>, vector<1x16xf32>,
      %broadcast_in_dim3A_171 = arith.constant 0.000000e+00 : f32
      %broadcast_in_dim3A_172 = vector.broadcast %broadcast_in_dim3A_171 : f32 to vector<16xf32>
      %swap3A_173 = arith.index_cast %scan3A_136 : i32 to index
      %swap3A_174 = arith.constant 80 : index
      %swap3A_175 = tpu.vector_load %arg18[%swap3A_173, %swap3A_174] {strides = array<i32>} : memref<160x128xf32, #tpu.memory_space<vmem>>, vector<1x16xf32>,
      %swap3A_176 = vector.shape_cast %swap3A_175 : vector<1x16xf32> to vector<16xf32>
      %swap3A_177 = vector.shape_cast %broadcast_in_dim3A_172 : vector<16xf32> to vector<1x16xf32>
      tpu.vector_store %arg18[%swap3A_173, %swap3A_174], %swap3A_177 {strides = array<i32>} : memref<160x128xf32, #tpu.memory_space<vmem>>, vector<1x16xf32>,
      %broadcast_in_dim3A_178 = arith.constant 0.000000e+00 : f32
      %broadcast_in_dim3A_179 = vector.broadcast %broadcast_in_dim3A_178 : f32 to vector<16xf32>
      %swap3A_180 = arith.index_cast %scan3A_136 : i32 to index
      %swap3A_181 = arith.constant 96 : index
      %swap3A_182 = tpu.vector_load %arg18[%swap3A_180, %swap3A_181] {strides = array<i32>} : memref<160x128xf32, #tpu.memory_space<vmem>>, vector<1x16xf32>,
      %swap3A_183 = vector.shape_cast %swap3A_182 : vector<1x16xf32> to vector<16xf32>
      %swap3A_184 = vector.shape_cast %broadcast_in_dim3A_179 : vector<16xf32> to vector<1x16xf32>
      tpu.vector_store %arg18[%swap3A_180, %swap3A_181], %swap3A_184 {strides = array<i32>} : memref<160x128xf32, #tpu.memory_space<vmem>>, vector<1x16xf32>,
      %broadcast_in_dim3A_185 = arith.constant 0.000000e+00 : f32
      %broadcast_in_dim3A_186 = vector.broadcast %broadcast_in_dim3A_185 : f32 to vector<16xf32>
      %swap3A_187 = arith.index_cast %scan3A_136 : i32 to index
      %swap3A_188 = arith.constant 112 : index
      %swap3A_189 = tpu.vector_load %arg18[%swap3A_187, %swap3A_188] {strides = array<i32>} : memref<160x128xf32, #tpu.memory_space<vmem>>, vector<1x16xf32>,
      %swap3A_190 = vector.shape_cast %swap3A_189 : vector<1x16xf32> to vector<16xf32>
      %swap3A_191 = vector.shape_cast %broadcast_in_dim3A_186 : vector<16xf32> to vector<1x16xf32>
      tpu.vector_store %arg18[%swap3A_187, %swap3A_188], %swap3A_191 {strides = array<i32>} : memref<160x128xf32, #tpu.memory_space<vmem>>, vector<1x16xf32>,
      %scan3A_192 = arith.constant 0 : i32
      scf.yield %scan3A_192 : i32
    }
    %scan3A_6 = arith.constant 160 : i32
    %scan3A_7 = arith.constant 0 : i32
    %scan3A_8 = arith.constant 0 : i32
    %scan3A_9 = arith.constant 48 : i32
    %scan3A_10 = arith.addi %scan3A_8, %scan3A_9 : i32
    %scan3A_11 = arith.constant 1 : i32
    %scan3A_12 = scf.for %scan3A_136 = %scan3A_8 to %scan3A_10 step %scan3A_11 iter_args(%scan3A_137 = %scan3A_7) -> (i32)  : i32 {
      %broadcast_in_dim3A = arith.constant 0.000000e+00 : f32
      %broadcast_in_dim3A_138 = vector.broadcast %broadcast_in_dim3A : f32 to vector<16xf32>
      %swap3A = arith.index_cast %scan3A_136 : i32 to index
      %swap3A_139 = arith.constant 0 : index
      %swap3A_140 = tpu.vector_load %arg16[%swap3A, %swap3A_139] {strides = array<i32>} : memref<48x128xf32, #tpu.memory_space<vmem>>, vector<1x16xf32>,
      %swap3A_141 = vector.shape_cast %swap3A_140 : vector<1x16xf32> to vector<16xf32>
      %swap3A_142 = vector.shape_cast %broadcast_in_dim3A_138 : vector<16xf32> to vector<1x16xf32>
      tpu.vector_store %arg16[%swap3A, %swap3A_139], %swap3A_142 {strides = array<i32>} : memref<48x128xf32, #tpu.memory_space<vmem>>, vector<1x16xf32>,
      %broadcast_in_dim3A_143 = arith.constant 0.000000e+00 : f32
      %broadcast_in_dim3A_144 = vector.broadcast %broadcast_in_dim3A_143 : f32 to vector<16xf32>
      %swap3A_145 = arith.index_cast %scan3A_136 : i32 to index
      %swap3A_146 = arith.constant 16 : index
      %swap3A_147 = tpu.vector_load %arg16[%swap3A_145, %swap3A_146] {strides = array<i32>} : memref<48x128xf32, #tpu.memory_space<vmem>>, vector<1x16xf32>,
      %swap3A_148 = vector.shape_cast %swap3A_147 : vector<1x16xf32> to vector<16xf32>
      %swap3A_149 = vector.shape_cast %broadcast_in_dim3A_144 : vector<16xf32> to vector<1x16xf32>
      tpu.vector_store %arg16[%swap3A_145, %swap3A_146], %swap3A_149 {strides = array<i32>} : memref<48x128xf32, #tpu.memory_space<vmem>>, vector<1x16xf32>,
      %broadcast_in_dim3A_150 = arith.constant 0.000000e+00 : f32
      %broadcast_in_dim3A_151 = vector.broadcast %broadcast_in_dim3A_150 : f32 to vector<16xf32>
      %swap3A_152 = arith.index_cast %scan3A_136 : i32 to index
      %swap3A_153 = arith.constant 32 : index
      %swap3A_154 = tpu.vector_load %arg16[%swap3A_152, %swap3A_153] {strides = array<i32>} : memref<48x128xf32, #tpu.memory_space<vmem>>, vector<1x16xf32>,
      %swap3A_155 = vector.shape_cast %swap3A_154 : vector<1x16xf32> to vector<16xf32>
      %swap3A_156 = vector.shape_cast %broadcast_in_dim3A_151 : vector<16xf32> to vector<1x16xf32>
      tpu.vector_store %arg16[%swap3A_152, %swap3A_153], %swap3A_156 {strides = array<i32>} : memref<48x128xf32, #tpu.memory_space<vmem>>, vector<1x16xf32>,
      %broadcast_in_dim3A_157 = arith.constant 0.000000e+00 : f32
      %broadcast_in_dim3A_158 = vector.broadcast %broadcast_in_dim3A_157 : f32 to vector<16xf32>
      %swap3A_159 = arith.index_cast %scan3A_136 : i32 to index
      %swap3A_160 = arith.constant 48 : index
      %swap3A_161 = tpu.vector_load %arg16[%swap3A_159, %swap3A_160] {strides = array<i32>} : memref<48x128xf32, #tpu.memory_space<vmem>>, vector<1x16xf32>,
      %swap3A_162 = vector.shape_cast %swap3A_161 : vector<1x16xf32> to vector<16xf32>
      %swap3A_163 = vector.shape_cast %broadcast_in_dim3A_158 : vector<16xf32> to vector<1x16xf32>
      tpu.vector_store %arg16[%swap3A_159, %swap3A_160], %swap3A_163 {strides = array<i32>} : memref<48x128xf32, #tpu.memory_space<vmem>>, vector<1x16xf32>,
      %broadcast_in_dim3A_164 = arith.constant 0.000000e+00 : f32
      %broadcast_in_dim3A_165 = vector.broadcast %broadcast_in_dim3A_164 : f32 to vector<16xf32>
      %swap3A_166 = arith.index_cast %scan3A_136 : i32 to index
      %swap3A_167 = arith.constant 64 : index
      %swap3A_168 = tpu.vector_load %arg16[%swap3A_166, %swap3A_167] {strides = array<i32>} : memref<48x128xf32, #tpu.memory_space<vmem>>, vector<1x16xf32>,
      %swap3A_169 = vector.shape_cast %swap3A_168 : vector<1x16xf32> to vector<16xf32>
      %swap3A_170 = vector.shape_cast %broadcast_in_dim3A_165 : vector<16xf32> to vector<1x16xf32>
      tpu.vector_store %arg16[%swap3A_166, %swap3A_167], %swap3A_170 {strides = array<i32>} : memref<48x128xf32, #tpu.memory_space<vmem>>, vector<1x16xf32>,
      %broadcast_in_dim3A_171 = arith.constant 0.000000e+00 : f32
      %broadcast_in_dim3A_172 = vector.broadcast %broadcast_in_dim3A_171 : f32 to vector<16xf32>
      %swap3A_173 = arith.index_cast %scan3A_136 : i32 to index
      %swap3A_174 = arith.constant 80 : index
      %swap3A_175 = tpu.vector_load %arg16[%swap3A_173, %swap3A_174] {strides = array<i32>} : memref<48x128xf32, #tpu.memory_space<vmem>>, vector<1x16xf32>,
      %swap3A_176 = vector.shape_cast %swap3A_175 : vector<1x16xf32> to vector<16xf32>
      %swap3A_177 = vector.shape_cast %broadcast_in_dim3A_172 : vector<16xf32> to vector<1x16xf32>
      tpu.vector_store %arg16[%swap3A_173, %swap3A_174], %swap3A_177 {strides = array<i32>} : memref<48x128xf32, #tpu.memory_space<vmem>>, vector<1x16xf32>,
      %broadcast_in_dim3A_178 = arith.constant 0.000000e+00 : f32
      %broadcast_in_dim3A_179 = vector.broadcast %broadcast_in_dim3A_178 : f32 to vector<16xf32>
      %swap3A_180 = arith.index_cast %scan3A_136 : i32 to index
      %swap3A_181 = arith.constant 96 : index
      %swap3A_182 = tpu.vector_load %arg16[%swap3A_180, %swap3A_181] {strides = array<i32>} : memref<48x128xf32, #tpu.memory_space<vmem>>, vector<1x16xf32>,
      %swap3A_183 = vector.shape_cast %swap3A_182 : vector<1x16xf32> to vector<16xf32>
      %swap3A_184 = vector.shape_cast %broadcast_in_dim3A_179 : vector<16xf32> to vector<1x16xf32>
      tpu.vector_store %arg16[%swap3A_180, %swap3A_181], %swap3A_184 {strides = array<i32>} : memref<48x128xf32, #tpu.memory_space<vmem>>, vector<1x16xf32>,
      %broadcast_in_dim3A_185 = arith.constant 0.000000e+00 : f32
      %broadcast_in_dim3A_186 = vector.broadcast %broadcast_in_dim3A_185 : f32 to vector<16xf32>
      %swap3A_187 = arith.index_cast %scan3A_136 : i32 to index
      %swap3A_188 = arith.constant 112 : index
      %swap3A_189 = tpu.vector_load %arg16[%swap3A_187, %swap3A_188] {strides = array<i32>} : memref<48x128xf32, #tpu.memory_space<vmem>>, vector<1x16xf32>,
      %swap3A_190 = vector.shape_cast %swap3A_189 : vector<1x16xf32> to vector<16xf32>
      %swap3A_191 = vector.shape_cast %broadcast_in_dim3A_186 : vector<16xf32> to vector<1x16xf32>
      tpu.vector_store %arg16[%swap3A_187, %swap3A_188], %swap3A_191 {strides = array<i32>} : memref<48x128xf32, #tpu.memory_space<vmem>>, vector<1x16xf32>,
      %scan3A_192 = arith.constant 0 : i32
      scf.yield %scan3A_192 : i32
    }
    %scan3A_13 = arith.constant 48 : i32
    "tpu.region"() ({
      %run_scoped3A = tpu.sem_alloc : memref<!tpu.dma_semaphore, #tpu.memory_space<semaphore_mem>>
      %dma_start3A = arith.constant 0 : i32
      %dma_start3A_136 = arith.constant 0 : i32
      %dma_start3A_137 = tpu.memref_slice %arg6[%add3A, %dma_start3A, %dma_start3A_136] : memref<64x125x48xi32, #tpu.memory_space<hbm>> -> memref<1x125x48xi32, #tpu.memory_space<hbm>>
      %dma_start3A_138 = tpu.memref_squeeze %dma_start3A_137 : memref<1x125x48xi32, #tpu.memory_space<hbm>> -> memref<125x48xi32, #tpu.memory_space<hbm>>
      %dma_start3A_139 = arith.constant 0 : i32
      %dma_start3A_140 = arith.constant 0 : i32
      %dma_start3A_141 = tpu.memref_slice %arg6[%add3A, %dma_start3A_139, %dma_start3A_140] : memref<64x125x48xi32, #tpu.memory_space<hbm>> -> memref<1x125x48xi32, #tpu.memory_space<hbm>>
      %dma_start3A_142 = tpu.memref_squeeze %dma_start3A_141 : memref<1x125x48xi32, #tpu.memory_space<hbm>> -> memref<125x48xi32, #tpu.memory_space<hbm>>
      tpu.enqueue_dma source(%dma_start3A_142 : memref<125x48xi32, #tpu.memory_space<hbm>>) target(%arg11 : memref<125x48xi32, #tpu.memory_space<vmem>>) target_semaphore(%run_scoped3A : memref<!tpu.dma_semaphore, #tpu.memory_space<semaphore_mem>>)
      %dma_wait3A = arith.constant 0 : i32
      %dma_wait3A_143 = arith.constant 0 : i32
      %dma_wait3A_144 = tpu.memref_slice %arg6[%add3A, %dma_wait3A, %dma_wait3A_143] : memref<64x125x48xi32, #tpu.memory_space<hbm>> -> memref<1x125x48xi32, #tpu.memory_space<hbm>>
      %dma_wait3A_145 = tpu.memref_squeeze %dma_wait3A_144 : memref<1x125x48xi32, #tpu.memory_space<hbm>> -> memref<125x48xi32, #tpu.memory_space<hbm>>
      %dma_wait3A_146 = arith.constant 0 : i32
      %dma_wait3A_147 = arith.constant 0 : i32
      %dma_wait3A_148 = tpu.memref_slice %arg6[%add3A, %dma_wait3A_146, %dma_wait3A_147] : memref<64x125x48xi32, #tpu.memory_space<hbm>> -> memref<1x125x48xi32, #tpu.memory_space<hbm>>
      %dma_wait3A_149 = tpu.memref_squeeze %dma_wait3A_148 : memref<1x125x48xi32, #tpu.memory_space<hbm>> -> memref<125x48xi32, #tpu.memory_space<hbm>>
      tpu.wait_dma2 semaphore(%run_scoped3A : memref<!tpu.dma_semaphore, #tpu.memory_space<semaphore_mem>>) src(%dma_wait3A_149 : memref<125x48xi32, #tpu.memory_space<hbm>>) dst(%arg11 : memref<125x48xi32, #tpu.memory_space<vmem>>)
      tpu.yield
    }) : () -> ()
    %add3A_14 = arith.constant 32 : i32
    %add3A_15 = arith.addi %add3A_14, %add3A : i32
    "tpu.region"() ({
      %run_scoped3A = tpu.sem_alloc : memref<!tpu.dma_semaphore, #tpu.memory_space<semaphore_mem>>
      %dma_start3A = arith.constant 0 : i32
      %dma_start3A_136 = arith.constant 0 : i32
      %dma_start3A_137 = tpu.memref_slice %arg6[%add3A_15, %dma_start3A, %dma_start3A_136] : memref<64x125x48xi32, #tpu.memory_space<hbm>> -> memref<1x125x48xi32, #tpu.memory_space<hbm>>
      %dma_start3A_138 = tpu.memref_squeeze %dma_start3A_137 : memref<1x125x48xi32, #tpu.memory_space<hbm>> -> memref<125x48xi32, #tpu.memory_space<hbm>>
      %dma_start3A_139 = arith.constant 0 : i32
      %dma_start3A_140 = arith.constant 0 : i32
      %dma_start3A_141 = tpu.memref_slice %arg6[%add3A_15, %dma_start3A_139, %dma_start3A_140] : memref<64x125x48xi32, #tpu.memory_space<hbm>> -> memref<1x125x48xi32, #tpu.memory_space<hbm>>
      %dma_start3A_142 = tpu.memref_squeeze %dma_start3A_141 : memref<1x125x48xi32, #tpu.memory_space<hbm>> -> memref<125x48xi32, #tpu.memory_space<hbm>>
      tpu.enqueue_dma source(%dma_start3A_142 : memref<125x48xi32, #tpu.memory_space<hbm>>) target(%arg12 : memref<125x48xi32, #tpu.memory_space<vmem>>) target_semaphore(%run_scoped3A : memref<!tpu.dma_semaphore, #tpu.memory_space<semaphore_mem>>)
      %dma_wait3A = arith.constant 0 : i32
      %dma_wait3A_143 = arith.constant 0 : i32
      %dma_wait3A_144 = tpu.memref_slice %arg6[%add3A_15, %dma_wait3A, %dma_wait3A_143] : memref<64x125x48xi32, #tpu.memory_space<hbm>> -> memref<1x125x48xi32, #tpu.memory_space<hbm>>
      %dma_wait3A_145 = tpu.memref_squeeze %dma_wait3A_144 : memref<1x125x48xi32, #tpu.memory_space<hbm>> -> memref<125x48xi32, #tpu.memory_space<hbm>>
      %dma_wait3A_146 = arith.constant 0 : i32
      %dma_wait3A_147 = arith.constant 0 : i32
      %dma_wait3A_148 = tpu.memref_slice %arg6[%add3A_15, %dma_wait3A_146, %dma_wait3A_147] : memref<64x125x48xi32, #tpu.memory_space<hbm>> -> memref<1x125x48xi32, #tpu.memory_space<hbm>>
      %dma_wait3A_149 = tpu.memref_squeeze %dma_wait3A_148 : memref<1x125x48xi32, #tpu.memory_space<hbm>> -> memref<125x48xi32, #tpu.memory_space<hbm>>
      tpu.wait_dma2 semaphore(%run_scoped3A : memref<!tpu.dma_semaphore, #tpu.memory_space<semaphore_mem>>) src(%dma_wait3A_149 : memref<125x48xi32, #tpu.memory_space<hbm>>) dst(%arg12 : memref<125x48xi32, #tpu.memory_space<vmem>>)
      tpu.yield
    }) : () -> ()
    %mul3A_16 = arith.constant 160 : i32
    %mul3A_17 = arith.muli %arg1, %mul3A_16 : i32
    %add3A_18 = arith.constant 0 : i32
    %add3A_19 = arith.addi %mul3A_17, %add3A_18 : i32
    "tpu.region"() ({
      %run_scoped3A = tpu.sem_alloc : memref<!tpu.dma_semaphore, #tpu.memory_space<semaphore_mem>>
      %dma_start3A = arith.constant 0 : i32
      %dma_start3A_136 = tpu.memref_slice %arg19[%add3A_19, %dma_start3A] : memref<2560x128xf32, #tpu.memory_space<vmem_shared>> -> memref<160x128xf32, #tpu.memory_space<vmem_shared>>
      %dma_start3A_137 = arith.constant 0 : i32
      %dma_start3A_138 = tpu.memref_slice %arg19[%add3A_19, %dma_start3A_137] : memref<2560x128xf32, #tpu.memory_space<vmem_shared>> -> memref<160x128xf32, #tpu.memory_space<vmem_shared>>
      tpu.enqueue_dma source(%arg18 : memref<160x128xf32, #tpu.memory_space<vmem>>) target(%dma_start3A_138 : memref<160x128xf32, #tpu.memory_space<vmem_shared>>) target_semaphore(%run_scoped3A : memref<!tpu.dma_semaphore, #tpu.memory_space<semaphore_mem>>)
      %dma_wait3A = arith.constant 0 : i32
      %dma_wait3A_139 = tpu.memref_slice %arg19[%add3A_19, %dma_wait3A] : memref<2560x128xf32, #tpu.memory_space<vmem_shared>> -> memref<160x128xf32, #tpu.memory_space<vmem_shared>>
      %dma_wait3A_140 = arith.constant 0 : i32
      %dma_wait3A_141 = tpu.memref_slice %arg19[%add3A_19, %dma_wait3A_140] : memref<2560x128xf32, #tpu.memory_space<vmem_shared>> -> memref<160x128xf32, #tpu.memory_space<vmem_shared>>
      tpu.wait_dma2 semaphore(%run_scoped3A : memref<!tpu.dma_semaphore, #tpu.memory_space<semaphore_mem>>) src(%arg18 : memref<160x128xf32, #tpu.memory_space<vmem>>) dst(%dma_wait3A_141 : memref<160x128xf32, #tpu.memory_space<vmem_shared>>)
      tpu.yield
    }) : () -> ()
    %barrier3A = arith.constant 0 : index
    tpu.barrier barrier_id(%barrier3A)
    %add3A_20 = arith.constant 0 : i32
    %add3A_21 = arith.addi %add3A_20, %add3A : i32
    "tpu.region"() ({
      %run_scoped3A = tpu.sem_alloc : memref<!tpu.dma_semaphore, #tpu.memory_space<semaphore_mem>>
      %dma_start3A = arith.constant 0 : i32
      %dma_start3A_136 = arith.constant 0 : i32
      %dma_start3A_137 = tpu.memref_slice %arg5[%add3A_21, %dma_start3A, %dma_start3A_136] : memref<128x125x48xi32, #tpu.memory_space<hbm>> -> memref<1x125x48xi32, #tpu.memory_space<hbm>>
      %dma_start3A_138 = tpu.memref_squeeze %dma_start3A_137 : memref<1x125x48xi32, #tpu.memory_space<hbm>> -> memref<125x48xi32, #tpu.memory_space<hbm>>
      %dma_start3A_139 = arith.constant 0 : i32
      %dma_start3A_140 = arith.constant 0 : i32
      %dma_start3A_141 = tpu.memref_slice %arg5[%add3A_21, %dma_start3A_139, %dma_start3A_140] : memref<128x125x48xi32, #tpu.memory_space<hbm>> -> memref<1x125x48xi32, #tpu.memory_space<hbm>>
      %dma_start3A_142 = tpu.memref_squeeze %dma_start3A_141 : memref<1x125x48xi32, #tpu.memory_space<hbm>> -> memref<125x48xi32, #tpu.memory_space<hbm>>
      tpu.enqueue_dma source(%dma_start3A_142 : memref<125x48xi32, #tpu.memory_space<hbm>>) target(%arg10 : memref<125x48xi32, #tpu.memory_space<vmem>>) target_semaphore(%run_scoped3A : memref<!tpu.dma_semaphore, #tpu.memory_space<semaphore_mem>>)
      %dma_wait3A = arith.constant 0 : i32
      %dma_wait3A_143 = arith.constant 0 : i32
      %dma_wait3A_144 = tpu.memref_slice %arg5[%add3A_21, %dma_wait3A, %dma_wait3A_143] : memref<128x125x48xi32, #tpu.memory_space<hbm>> -> memref<1x125x48xi32, #tpu.memory_space<hbm>>
      %dma_wait3A_145 = tpu.memref_squeeze %dma_wait3A_144 : memref<1x125x48xi32, #tpu.memory_space<hbm>> -> memref<125x48xi32, #tpu.memory_space<hbm>>
      %dma_wait3A_146 = arith.constant 0 : i32
      %dma_wait3A_147 = arith.constant 0 : i32
      %dma_wait3A_148 = tpu.memref_slice %arg5[%add3A_21, %dma_wait3A_146, %dma_wait3A_147] : memref<128x125x48xi32, #tpu.memory_space<hbm>> -> memref<1x125x48xi32, #tpu.memory_space<hbm>>
      %dma_wait3A_149 = tpu.memref_squeeze %dma_wait3A_148 : memref<1x125x48xi32, #tpu.memory_space<hbm>> -> memref<125x48xi32, #tpu.memory_space<hbm>>
      tpu.wait_dma2 semaphore(%run_scoped3A : memref<!tpu.dma_semaphore, #tpu.memory_space<semaphore_mem>>) src(%dma_wait3A_149 : memref<125x48xi32, #tpu.memory_space<hbm>>) dst(%arg10 : memref<125x48xi32, #tpu.memory_space<vmem>>)
      tpu.yield
    }) : () -> ()
    %scan3A_22 = arith.constant 0 : i32
    %scan3A_23 = arith.constant 0 : i32
    %scan3A_24 = arith.constant 125 : i32
    %scan3A_25 = arith.addi %scan3A_23, %scan3A_24 : i32
    %scan3A_26 = arith.constant 1 : i32
    %scan3A_27 = scf.for %scan3A_136 = %scan3A_23 to %scan3A_25 step %scan3A_26 iter_args(%scan3A_137 = %scan3A_22) -> (i32)  : i32 {
      "tpu.region"() ({
        %run_scoped3A = tpu.sem_alloc : memref<!tpu.dma_semaphore, #tpu.memory_space<semaphore_mem>>
        %dma_start3A = arith.constant 0 : i32
        %dma_start3A_149 = tpu.memref_slice %arg12[%scan3A_136, %dma_start3A] : memref<125x48xi32, #tpu.memory_space<vmem>> -> memref<1x48xi32, #tpu.memory_space<vmem>>
        %dma_start3A_150 = tpu.memref_squeeze %dma_start3A_149 : memref<1x48xi32, #tpu.memory_space<vmem>> -> memref<48xi32, #tpu.memory_space<vmem>>
        %dma_start3A_151 = arith.constant 0 : i32
        %dma_start3A_152 = arith.constant 0 : i32
        %dma_start3A_153 = tpu.memref_slice %arg3[%dma_start3A_151, %dma_start3A_152] : memref<10240x128xf32, #tpu.memory_space<hbm>> -> memref<10240x128xf32, #tpu.memory_space<hbm>>
        tpu.enqueue_indirect_dma source(%dma_start3A_153 : memref<10240x128xf32, #tpu.memory_space<hbm>>) target(%arg13 : memref<48x128xf32, #tpu.memory_space<vmem>>) offsets(%dma_start3A_150 : memref<48xi32, #tpu.memory_space<vmem>>) semaphore(%run_scoped3A : memref<!tpu.dma_semaphore, #tpu.memory_space<semaphore_mem>>)
        %dma_wait3A = arith.constant 0 : i32
        %dma_wait3A_154 = tpu.memref_slice %arg12[%scan3A_136, %dma_wait3A] : memref<125x48xi32, #tpu.memory_space<vmem>> -> memref<1x48xi32, #tpu.memory_space<vmem>>
        %dma_wait3A_155 = tpu.memref_squeeze %dma_wait3A_154 : memref<1x48xi32, #tpu.memory_space<vmem>> -> memref<48xi32, #tpu.memory_space<vmem>>
        %dma_wait3A_156 = arith.constant 0 : i32
        %dma_wait3A_157 = arith.constant 0 : i32
        %dma_wait3A_158 = tpu.memref_slice %arg3[%dma_wait3A_156, %dma_wait3A_157] : memref<10240x128xf32, #tpu.memory_space<hbm>> -> memref<10240x128xf32, #tpu.memory_space<hbm>>
        tpu.wait_indirect_dma semaphore(%run_scoped3A : memref<!tpu.dma_semaphore, #tpu.memory_space<semaphore_mem>>) src(%dma_wait3A_158 : memref<10240x128xf32, #tpu.memory_space<hbm>>) dst(%arg13 : memref<48x128xf32, #tpu.memory_space<vmem>>)
        tpu.yield
      }) : () -> ()
      "tpu.region"() ({
        %run_scoped3A = tpu.sem_alloc : memref<!tpu.dma_semaphore, #tpu.memory_space<semaphore_mem>>
        %dma_start3A = arith.constant 0 : i32
        %dma_start3A_149 = tpu.memref_slice %arg12[%scan3A_136, %dma_start3A] : memref<125x48xi32, #tpu.memory_space<vmem>> -> memref<1x48xi32, #tpu.memory_space<vmem>>
        %dma_start3A_150 = tpu.memref_squeeze %dma_start3A_149 : memref<1x48xi32, #tpu.memory_space<vmem>> -> memref<48xi32, #tpu.memory_space<vmem>>
        %dma_start3A_151 = arith.constant 0 : i32
        %dma_start3A_152 = arith.constant 0 : i32
        %dma_start3A_153 = tpu.memref_slice %arg4[%dma_start3A_151, %dma_start3A_152] : memref<10240x128xf32, #tpu.memory_space<hbm>> -> memref<10240x128xf32, #tpu.memory_space<hbm>>
        tpu.enqueue_indirect_dma source(%dma_start3A_153 : memref<10240x128xf32, #tpu.memory_space<hbm>>) target(%arg14 : memref<48x128xf32, #tpu.memory_space<vmem>>) offsets(%dma_start3A_150 : memref<48xi32, #tpu.memory_space<vmem>>) semaphore(%run_scoped3A : memref<!tpu.dma_semaphore, #tpu.memory_space<semaphore_mem>>)
        %dma_wait3A = arith.constant 0 : i32
        %dma_wait3A_154 = tpu.memref_slice %arg12[%scan3A_136, %dma_wait3A] : memref<125x48xi32, #tpu.memory_space<vmem>> -> memref<1x48xi32, #tpu.memory_space<vmem>>
        %dma_wait3A_155 = tpu.memref_squeeze %dma_wait3A_154 : memref<1x48xi32, #tpu.memory_space<vmem>> -> memref<48xi32, #tpu.memory_space<vmem>>
        %dma_wait3A_156 = arith.constant 0 : i32
        %dma_wait3A_157 = arith.constant 0 : i32
        %dma_wait3A_158 = tpu.memref_slice %arg4[%dma_wait3A_156, %dma_wait3A_157] : memref<10240x128xf32, #tpu.memory_space<hbm>> -> memref<10240x128xf32, #tpu.memory_space<hbm>>
        tpu.wait_indirect_dma semaphore(%run_scoped3A : memref<!tpu.dma_semaphore, #tpu.memory_space<semaphore_mem>>) src(%dma_wait3A_158 : memref<10240x128xf32, #tpu.memory_space<hbm>>) dst(%arg14 : memref<48x128xf32, #tpu.memory_space<vmem>>)
        tpu.yield
      }) : () -> ()
      "tpu.region"() ({
        %run_scoped3A = tpu.sem_alloc : memref<!tpu.dma_semaphore, #tpu.memory_space<semaphore_mem>>
        %dma_start3A = arith.constant 0 : i32
        %dma_start3A_149 = tpu.memref_slice %arg11[%scan3A_136, %dma_start3A] : memref<125x48xi32, #tpu.memory_space<vmem>> -> memref<1x48xi32, #tpu.memory_space<vmem>>
        %dma_start3A_150 = tpu.memref_squeeze %dma_start3A_149 : memref<1x48xi32, #tpu.memory_space<vmem>> -> memref<48xi32, #tpu.memory_space<vmem>>
        %dma_start3A_151 = arith.constant 0 : i32
        %dma_start3A_152 = arith.constant 0 : i32
        %dma_start3A_153 = tpu.memref_slice %arg2[%dma_start3A_151, %dma_start3A_152] : memref<10240x128xf32, #tpu.memory_space<hbm>> -> memref<10240x128xf32, #tpu.memory_space<hbm>>
        tpu.enqueue_indirect_dma source(%dma_start3A_153 : memref<10240x128xf32, #tpu.memory_space<hbm>>) target(%arg15 : memref<48x128xf32, #tpu.memory_space<vmem>>) offsets(%dma_start3A_150 : memref<48xi32, #tpu.memory_space<vmem>>) semaphore(%run_scoped3A : memref<!tpu.dma_semaphore, #tpu.memory_space<semaphore_mem>>)
        %dma_wait3A = arith.constant 0 : i32
        %dma_wait3A_154 = tpu.memref_slice %arg11[%scan3A_136, %dma_wait3A] : memref<125x48xi32, #tpu.memory_space<vmem>> -> memref<1x48xi32, #tpu.memory_space<vmem>>
        %dma_wait3A_155 = tpu.memref_squeeze %dma_wait3A_154 : memref<1x48xi32, #tpu.memory_space<vmem>> -> memref<48xi32, #tpu.memory_space<vmem>>
        %dma_wait3A_156 = arith.constant 0 : i32
        %dma_wait3A_157 = arith.constant 0 : i32
        %dma_wait3A_158 = tpu.memref_slice %arg2[%dma_wait3A_156, %dma_wait3A_157] : memref<10240x128xf32, #tpu.memory_space<hbm>> -> memref<10240x128xf32, #tpu.memory_space<hbm>>
        tpu.wait_indirect_dma semaphore(%run_scoped3A : memref<!tpu.dma_semaphore, #tpu.memory_space<semaphore_mem>>) src(%dma_wait3A_158 : memref<10240x128xf32, #tpu.memory_space<hbm>>) dst(%arg15 : memref<48x128xf32, #tpu.memory_space<vmem>>)
        tpu.yield
      }) : () -> ()
      %scan3A_138 = arith.constant 0 : i32
      %scan3A_139 = arith.constant 0 : i32
      %scan3A_140 = arith.constant 48 : i32
      %scan3A_141 = arith.addi %scan3A_139, %scan3A_140 : i32
      %scan3A_142 = arith.constant 1 : i32
      %scan3A_143 = scf.for %scan3A_149 = %scan3A_139 to %scan3A_141 step %scan3A_142 iter_args(%scan3A_150 = %scan3A_138) -> (i32)  : i32 {
        %get3A = arith.index_cast %scan3A_149 : i32 to index
        %get3A_151 = arith.constant 0 : index
        %get3A_152 = tpu.vector_load %arg13[%get3A, %get3A_151] {strides = array<i32>} : memref<48x128xf32, #tpu.memory_space<vmem>>, vector<1x16xf32>,
        %get3A_153 = vector.shape_cast %get3A_152 : vector<1x16xf32> to vector<16xf32>
        %get3A_154 = arith.index_cast %scan3A_149 : i32 to index
        %get3A_155 = arith.constant 0 : index
        %get3A_156 = tpu.vector_load %arg14[%get3A_154, %get3A_155] {strides = array<i32>} : memref<48x128xf32, #tpu.memory_space<vmem>>, vector<1x16xf32>,
        %get3A_157 = vector.shape_cast %get3A_156 : vector<1x16xf32> to vector<16xf32>
        %add3A_158 = arith.addf %get3A_153, %get3A_157 : vector<16xf32>
        %get3A_159 = arith.index_cast %scan3A_149 : i32 to index
        %get3A_160 = arith.constant 0 : index
        %get3A_161 = tpu.vector_load %arg15[%get3A_159, %get3A_160] {strides = array<i32>} : memref<48x128xf32, #tpu.memory_space<vmem>>, vector<1x16xf32>,
        %get3A_162 = vector.shape_cast %get3A_161 : vector<1x16xf32> to vector<16xf32>
        %mul3A_163 = arith.mulf %add3A_158, %get3A_162 : vector<16xf32>
        %exp3A = math.exp %mul3A_163 : vector<16xf32>
        %swap3A = arith.index_cast %scan3A_149 : i32 to index
        %swap3A_164 = arith.constant 0 : index
        %swap3A_165 = tpu.vector_load %arg16[%swap3A, %swap3A_164] {strides = array<i32>} : memref<48x128xf32, #tpu.memory_space<vmem>>, vector<1x16xf32>,
        %swap3A_166 = vector.shape_cast %swap3A_165 : vector<1x16xf32> to vector<16xf32>
        %swap3A_167 = vector.shape_cast %exp3A : vector<16xf32> to vector<1x16xf32>
        tpu.vector_store %arg16[%swap3A, %swap3A_164], %swap3A_167 {strides = array<i32>} : memref<48x128xf32, #tpu.memory_space<vmem>>, vector<1x16xf32>,
        %swap3A_168 = arith.index_cast %scan3A_149 : i32 to index
        %swap3A_169 = arith.constant 0 : index
        %swap3A_170 = tpu.vector_load %arg17[%swap3A_168, %swap3A_169] {strides = array<i32>} : memref<48x16xf32, #tpu.memory_space<vmem>>, vector<1x16xf32>,
        %swap3A_171 = vector.shape_cast %swap3A_170 : vector<1x16xf32> to vector<16xf32>
        %swap3A_172 = vector.shape_cast %exp3A : vector<16xf32> to vector<1x16xf32>
        tpu.vector_store %arg17[%swap3A_168, %swap3A_169], %swap3A_172 {strides = array<i32>} : memref<48x16xf32, #tpu.memory_space<vmem>>, vector<1x16xf32>,
        %scan3A_173 = arith.constant 0 : i32
        scf.yield %scan3A_173 : i32
      }
      %scan3A_144 = arith.constant 48 : i32
      %mul3A_145 = arith.constant 125 : i32
      %mul3A_146 = arith.muli %add3A, %mul3A_145 : i32
      %add3A_147 = arith.addi %mul3A_146, %scan3A_136 : i32
      "tpu.region"() ({
        %run_scoped3A = tpu.sem_alloc : memref<!tpu.dma_semaphore, #tpu.memory_space<semaphore_mem>>
        %dma_start3A = arith.constant 0 : i32
        %dma_start3A_149 = arith.constant 0 : i32
        %dma_start3A_150 = tpu.memref_slice %arg7[%add3A_147, %dma_start3A, %dma_start3A_149] : memref<4000x48x16xf32, #tpu.memory_space<hbm>> -> memref<1x48x16xf32, #tpu.memory_space<hbm>>
        %dma_start3A_151 = tpu.memref_squeeze %dma_start3A_150 : memref<1x48x16xf32, #tpu.memory_space<hbm>> -> memref<48x16xf32, #tpu.memory_space<hbm>>
        %dma_start3A_152 = arith.constant 0 : i32
        %dma_start3A_153 = arith.constant 0 : i32
        %dma_start3A_154 = tpu.memref_slice %arg7[%add3A_147, %dma_start3A_152, %dma_start3A_153] : memref<4000x48x16xf32, #tpu.memory_space<hbm>> -> memref<1x48x16xf32, #tpu.memory_space<hbm>>
        %dma_start3A_155 = tpu.memref_squeeze %dma_start3A_154 : memref<1x48x16xf32, #tpu.memory_space<hbm>> -> memref<48x16xf32, #tpu.memory_space<hbm>>
        tpu.enqueue_dma source(%arg17 : memref<48x16xf32, #tpu.memory_space<vmem>>) target(%dma_start3A_155 : memref<48x16xf32, #tpu.memory_space<hbm>>) target_semaphore(%run_scoped3A : memref<!tpu.dma_semaphore, #tpu.memory_space<semaphore_mem>>)
        %dma_wait3A = arith.constant 0 : i32
        %dma_wait3A_156 = arith.constant 0 : i32
        %dma_wait3A_157 = tpu.memref_slice %arg7[%add3A_147, %dma_wait3A, %dma_wait3A_156] : memref<4000x48x16xf32, #tpu.memory_space<hbm>> -> memref<1x48x16xf32, #tpu.memory_space<hbm>>
        %dma_wait3A_158 = tpu.memref_squeeze %dma_wait3A_157 : memref<1x48x16xf32, #tpu.memory_space<hbm>> -> memref<48x16xf32, #tpu.memory_space<hbm>>
        %dma_wait3A_159 = arith.constant 0 : i32
        %dma_wait3A_160 = arith.constant 0 : i32
        %dma_wait3A_161 = tpu.memref_slice %arg7[%add3A_147, %dma_wait3A_159, %dma_wait3A_160] : memref<4000x48x16xf32, #tpu.memory_space<hbm>> -> memref<1x48x16xf32, #tpu.memory_space<hbm>>
        %dma_wait3A_162 = tpu.memref_squeeze %dma_wait3A_161 : memref<1x48x16xf32, #tpu.memory_space<hbm>> -> memref<48x16xf32, #tpu.memory_space<hbm>>
        tpu.wait_dma2 semaphore(%run_scoped3A : memref<!tpu.dma_semaphore, #tpu.memory_space<semaphore_mem>>) src(%arg17 : memref<48x16xf32, #tpu.memory_space<vmem>>) dst(%dma_wait3A_162 : memref<48x16xf32, #tpu.memory_space<hbm>>)
        tpu.yield
      }) : () -> ()
      "tpu.region"() ({
        %run_scoped3A = tpu.sem_alloc : memref<!tpu.dma_semaphore, #tpu.memory_space<semaphore_mem>>
        %dma_start3A = arith.constant 0 : i32
        %dma_start3A_149 = tpu.memref_slice %arg10[%scan3A_136, %dma_start3A] : memref<125x48xi32, #tpu.memory_space<vmem>> -> memref<1x48xi32, #tpu.memory_space<vmem>>
        %dma_start3A_150 = tpu.memref_squeeze %dma_start3A_149 : memref<1x48xi32, #tpu.memory_space<vmem>> -> memref<48xi32, #tpu.memory_space<vmem>>
        %dma_start3A_151 = arith.constant 0 : i32
        %dma_start3A_152 = arith.constant 0 : i32
        %dma_start3A_153 = tpu.memref_slice %arg19[%dma_start3A_151, %dma_start3A_152] : memref<2560x128xf32, #tpu.memory_space<vmem_shared>> -> memref<2560x128xf32, #tpu.memory_space<vmem_shared>>
        tpu.enqueue_indirect_dma source(%arg16 : memref<48x128xf32, #tpu.memory_space<vmem>>) target(%dma_start3A_153 : memref<2560x128xf32, #tpu.memory_space<vmem_shared>>) offsets(%dma_start3A_150 : memref<48xi32, #tpu.memory_space<vmem>>) semaphore(%run_scoped3A : memref<!tpu.dma_semaphore, #tpu.memory_space<semaphore_mem>>) {add = true}
        %dma_wait3A = arith.constant 0 : i32
        %dma_wait3A_154 = tpu.memref_slice %arg10[%scan3A_136, %dma_wait3A] : memref<125x48xi32, #tpu.memory_space<vmem>> -> memref<1x48xi32, #tpu.memory_space<vmem>>
        %dma_wait3A_155 = tpu.memref_squeeze %dma_wait3A_154 : memref<1x48xi32, #tpu.memory_space<vmem>> -> memref<48xi32, #tpu.memory_space<vmem>>
        %dma_wait3A_156 = arith.constant 0 : i32
        %dma_wait3A_157 = arith.constant 0 : i32
        %dma_wait3A_158 = tpu.memref_slice %arg19[%dma_wait3A_156, %dma_wait3A_157] : memref<2560x128xf32, #tpu.memory_space<vmem_shared>> -> memref<2560x128xf32, #tpu.memory_space<vmem_shared>>
        tpu.wait_indirect_dma semaphore(%run_scoped3A : memref<!tpu.dma_semaphore, #tpu.memory_space<semaphore_mem>>) src(%arg16 : memref<48x128xf32, #tpu.memory_space<vmem>>) dst(%dma_wait3A_158 : memref<2560x128xf32, #tpu.memory_space<vmem_shared>>)
        tpu.yield
      }) : () -> ()
      %scan3A_148 = arith.constant 0 : i32
      scf.yield %scan3A_148 : i32
    }
    %scan3A_28 = arith.constant 125 : i32
    %barrier3A_29 = arith.constant 0 : index
    tpu.barrier barrier_id(%barrier3A_29)
    %mul3A_30 = arith.constant 160 : i32
    %mul3A_31 = arith.muli %arg1, %mul3A_30 : i32
    %mul3A_32 = arith.constant 160 : i32
    %mul3A_33 = arith.muli %arg1, %mul3A_32 : i32
    %add3A_34 = arith.constant 0 : i32
    %add3A_35 = arith.addi %add3A_34, %mul3A_33 : i32
    %eq3A = arith.constant 0 : i32
    %eq3A_36 = arith.cmpi eq, %arg0, %eq3A : i32
    %convert_element_type3A = arith.extui %eq3A_36 : i1 to i32
    %cond3A = arith.constant 0 : i32
    %cond3A_37 = arith.cmpi ne, %convert_element_type3A, %cond3A : i32
    scf.if %cond3A_37 {
      "tpu.region"() ({
        %run_scoped3A = tpu.sem_alloc : memref<!tpu.dma_semaphore, #tpu.memory_space<semaphore_mem>>
        %dma_start3A = arith.constant 0 : i32
        %dma_start3A_136 = tpu.memref_slice %arg8[%add3A_35, %dma_start3A] : memref<10240x128xf32, #tpu.memory_space<hbm>> -> memref<160x128xf32, #tpu.memory_space<hbm>>
        %dma_start3A_137 = arith.constant 0 : i32
        %dma_start3A_138 = tpu.memref_slice %arg19[%mul3A_31, %dma_start3A_137] : memref<2560x128xf32, #tpu.memory_space<vmem_shared>> -> memref<160x128xf32, #tpu.memory_space<vmem_shared>>
        tpu.enqueue_dma source(%dma_start3A_138 : memref<160x128xf32, #tpu.memory_space<vmem_shared>>) target(%dma_start3A_136 : memref<160x128xf32, #tpu.memory_space<hbm>>) target_semaphore(%run_scoped3A : memref<!tpu.dma_semaphore, #tpu.memory_space<semaphore_mem>>)
        %dma_wait3A = arith.constant 0 : i32
        %dma_wait3A_139 = tpu.memref_slice %arg8[%add3A_35, %dma_wait3A] : memref<10240x128xf32, #tpu.memory_space<hbm>> -> memref<160x128xf32, #tpu.memory_space<hbm>>
        %dma_wait3A_140 = arith.constant 0 : i32
        %dma_wait3A_141 = tpu.memref_slice %arg19[%mul3A_31, %dma_wait3A_140] : memref<2560x128xf32, #tpu.memory_space<vmem_shared>> -> memref<160x128xf32, #tpu.memory_space<vmem_shared>>
        tpu.wait_dma2 semaphore(%run_scoped3A : memref<!tpu.dma_semaphore, #tpu.memory_space<semaphore_mem>>) src(%dma_wait3A_141 : memref<160x128xf32, #tpu.memory_space<vmem_shared>>) dst(%dma_wait3A_139 : memref<160x128xf32, #tpu.memory_space<hbm>>)
        tpu.yield
      }) : () -> ()
    } else {
    }
    %eq3A_38 = arith.constant 1 : i32
    %eq3A_39 = arith.cmpi eq, %arg0, %eq3A_38 : i32
    %convert_element_type3A_40 = arith.extui %eq3A_39 : i1 to i32
    %cond3A_41 = arith.constant 0 : i32
    %cond3A_42 = arith.cmpi ne, %convert_element_type3A_40, %cond3A_41 : i32
    scf.if %cond3A_42 {
      "tpu.region"() ({
        %run_scoped3A = tpu.sem_alloc : memref<!tpu.dma_semaphore, #tpu.memory_space<semaphore_mem>>
        %dma_start3A = arith.constant 0 : i32
        %dma_start3A_136 = tpu.memref_slice %arg9[%add3A_35, %dma_start3A] : memref<10240x128xf32, #tpu.memory_space<hbm>> -> memref<160x128xf32, #tpu.memory_space<hbm>>
        %dma_start3A_137 = arith.constant 0 : i32
        %dma_start3A_138 = tpu.memref_slice %arg19[%mul3A_31, %dma_start3A_137] : memref<2560x128xf32, #tpu.memory_space<vmem_shared>> -> memref<160x128xf32, #tpu.memory_space<vmem_shared>>
        tpu.enqueue_dma source(%dma_start3A_138 : memref<160x128xf32, #tpu.memory_space<vmem_shared>>) target(%dma_start3A_136 : memref<160x128xf32, #tpu.memory_space<hbm>>) target_semaphore(%run_scoped3A : memref<!tpu.dma_semaphore, #tpu.memory_space<semaphore_mem>>)
        %dma_wait3A = arith.constant 0 : i32
        %dma_wait3A_139 = tpu.memref_slice %arg9[%add3A_35, %dma_wait3A] : memref<10240x128xf32, #tpu.memory_space<hbm>> -> memref<160x128xf32, #tpu.memory_space<hbm>>
        %dma_wait3A_140 = arith.constant 0 : i32
        %dma_wait3A_141 = tpu.memref_slice %arg19[%mul3A_31, %dma_wait3A_140] : memref<2560x128xf32, #tpu.memory_space<vmem_shared>> -> memref<160x128xf32, #tpu.memory_space<vmem_shared>>
        tpu.wait_dma2 semaphore(%run_scoped3A : memref<!tpu.dma_semaphore, #tpu.memory_space<semaphore_mem>>) src(%dma_wait3A_141 : memref<160x128xf32, #tpu.memory_space<vmem_shared>>) dst(%dma_wait3A_139 : memref<160x128xf32, #tpu.memory_space<hbm>>)
        tpu.yield
      }) : () -> ()
    } else {
    }
    %mul3A_43 = arith.constant 160 : i32
    %mul3A_44 = arith.muli %arg1, %mul3A_43 : i32
    %add3A_45 = arith.constant 0 : i32
    %add3A_46 = arith.addi %mul3A_44, %add3A_45 : i32
    "tpu.region"() ({
      %run_scoped3A = tpu.sem_alloc : memref<!tpu.dma_semaphore, #tpu.memory_space<semaphore_mem>>
      %dma_start3A = arith.constant 0 : i32
      %dma_start3A_136 = tpu.memref_slice %arg19[%add3A_46, %dma_start3A] : memref<2560x128xf32, #tpu.memory_space<vmem_shared>> -> memref<160x128xf32, #tpu.memory_space<vmem_shared>>
      %dma_start3A_137 = arith.constant 0 : i32
      %dma_start3A_138 = tpu.memref_slice %arg19[%add3A_46, %dma_start3A_137] : memref<2560x128xf32, #tpu.memory_space<vmem_shared>> -> memref<160x128xf32, #tpu.memory_space<vmem_shared>>
      tpu.enqueue_dma source(%arg18 : memref<160x128xf32, #tpu.memory_space<vmem>>) target(%dma_start3A_138 : memref<160x128xf32, #tpu.memory_space<vmem_shared>>) target_semaphore(%run_scoped3A : memref<!tpu.dma_semaphore, #tpu.memory_space<semaphore_mem>>)
      %dma_wait3A = arith.constant 0 : i32
      %dma_wait3A_139 = tpu.memref_slice %arg19[%add3A_46, %dma_wait3A] : memref<2560x128xf32, #tpu.memory_space<vmem_shared>> -> memref<160x128xf32, #tpu.memory_space<vmem_shared>>
      %dma_wait3A_140 = arith.constant 0 : i32
      %dma_wait3A_141 = tpu.memref_slice %arg19[%add3A_46, %dma_wait3A_140] : memref<2560x128xf32, #tpu.memory_space<vmem_shared>> -> memref<160x128xf32, #tpu.memory_space<vmem_shared>>
      tpu.wait_dma2 semaphore(%run_scoped3A : memref<!tpu.dma_semaphore, #tpu.memory_space<semaphore_mem>>) src(%arg18 : memref<160x128xf32, #tpu.memory_space<vmem>>) dst(%dma_wait3A_141 : memref<160x128xf32, #tpu.memory_space<vmem_shared>>)
      tpu.yield
    }) : () -> ()
    %barrier3A_47 = arith.constant 0 : index
    tpu.barrier barrier_id(%barrier3A_47)
    %add3A_48 = arith.constant 32 : i32
    %add3A_49 = arith.addi %add3A_48, %add3A : i32
    "tpu.region"() ({
      %run_scoped3A = tpu.sem_alloc : memref<!tpu.dma_semaphore, #tpu.memory_space<semaphore_mem>>
      %dma_start3A = arith.constant 0 : i32
      %dma_start3A_136 = arith.constant 0 : i32
      %dma_start3A_137 = tpu.memref_slice %arg5[%add3A_49, %dma_start3A, %dma_start3A_136] : memref<128x125x48xi32, #tpu.memory_space<hbm>> -> memref<1x125x48xi32, #tpu.memory_space<hbm>>
      %dma_start3A_138 = tpu.memref_squeeze %dma_start3A_137 : memref<1x125x48xi32, #tpu.memory_space<hbm>> -> memref<125x48xi32, #tpu.memory_space<hbm>>
      %dma_start3A_139 = arith.constant 0 : i32
      %dma_start3A_140 = arith.constant 0 : i32
      %dma_start3A_141 = tpu.memref_slice %arg5[%add3A_49, %dma_start3A_139, %dma_start3A_140] : memref<128x125x48xi32, #tpu.memory_space<hbm>> -> memref<1x125x48xi32, #tpu.memory_space<hbm>>
      %dma_start3A_142 = tpu.memref_squeeze %dma_start3A_141 : memref<1x125x48xi32, #tpu.memory_space<hbm>> -> memref<125x48xi32, #tpu.memory_space<hbm>>
      tpu.enqueue_dma source(%dma_start3A_142 : memref<125x48xi32, #tpu.memory_space<hbm>>) target(%arg10 : memref<125x48xi32, #tpu.memory_space<vmem>>) target_semaphore(%run_scoped3A : memref<!tpu.dma_semaphore, #tpu.memory_space<semaphore_mem>>)
      %dma_wait3A = arith.constant 0 : i32
      %dma_wait3A_143 = arith.constant 0 : i32
      %dma_wait3A_144 = tpu.memref_slice %arg5[%add3A_49, %dma_wait3A, %dma_wait3A_143] : memref<128x125x48xi32, #tpu.memory_space<hbm>> -> memref<1x125x48xi32, #tpu.memory_space<hbm>>
      %dma_wait3A_145 = tpu.memref_squeeze %dma_wait3A_144 : memref<1x125x48xi32, #tpu.memory_space<hbm>> -> memref<125x48xi32, #tpu.memory_space<hbm>>
      %dma_wait3A_146 = arith.constant 0 : i32
      %dma_wait3A_147 = arith.constant 0 : i32
      %dma_wait3A_148 = tpu.memref_slice %arg5[%add3A_49, %dma_wait3A_146, %dma_wait3A_147] : memref<128x125x48xi32, #tpu.memory_space<hbm>> -> memref<1x125x48xi32, #tpu.memory_space<hbm>>
      %dma_wait3A_149 = tpu.memref_squeeze %dma_wait3A_148 : memref<1x125x48xi32, #tpu.memory_space<hbm>> -> memref<125x48xi32, #tpu.memory_space<hbm>>
      tpu.wait_dma2 semaphore(%run_scoped3A : memref<!tpu.dma_semaphore, #tpu.memory_space<semaphore_mem>>) src(%dma_wait3A_149 : memref<125x48xi32, #tpu.memory_space<hbm>>) dst(%arg10 : memref<125x48xi32, #tpu.memory_space<vmem>>)
      tpu.yield
    }) : () -> ()
    %scan3A_50 = arith.constant 0 : i32
    %scan3A_51 = arith.constant 0 : i32
    %scan3A_52 = arith.constant 125 : i32
    %scan3A_53 = arith.addi %scan3A_51, %scan3A_52 : i32
    %scan3A_54 = arith.constant 1 : i32
    %scan3A_55 = scf.for %scan3A_136 = %scan3A_51 to %scan3A_53 step %scan3A_54 iter_args(%scan3A_137 = %scan3A_50) -> (i32)  : i32 {
      %mul3A_138 = arith.constant 125 : i32
      %mul3A_139 = arith.muli %add3A, %mul3A_138 : i32
      %add3A_140 = arith.addi %mul3A_139, %scan3A_136 : i32
      "tpu.region"() ({
        %run_scoped3A = tpu.sem_alloc : memref<!tpu.dma_semaphore, #tpu.memory_space<semaphore_mem>>
        %dma_start3A = arith.constant 0 : i32
        %dma_start3A_149 = arith.constant 0 : i32
        %dma_start3A_150 = tpu.memref_slice %arg7[%add3A_140, %dma_start3A, %dma_start3A_149] : memref<4000x48x16xf32, #tpu.memory_space<hbm>> -> memref<1x48x16xf32, #tpu.memory_space<hbm>>
        %dma_start3A_151 = tpu.memref_squeeze %dma_start3A_150 : memref<1x48x16xf32, #tpu.memory_space<hbm>> -> memref<48x16xf32, #tpu.memory_space<hbm>>
        %dma_start3A_152 = arith.constant 0 : i32
        %dma_start3A_153 = arith.constant 0 : i32
        %dma_start3A_154 = tpu.memref_slice %arg7[%add3A_140, %dma_start3A_152, %dma_start3A_153] : memref<4000x48x16xf32, #tpu.memory_space<hbm>> -> memref<1x48x16xf32, #tpu.memory_space<hbm>>
        %dma_start3A_155 = tpu.memref_squeeze %dma_start3A_154 : memref<1x48x16xf32, #tpu.memory_space<hbm>> -> memref<48x16xf32, #tpu.memory_space<hbm>>
        tpu.enqueue_dma source(%dma_start3A_155 : memref<48x16xf32, #tpu.memory_space<hbm>>) target(%arg17 : memref<48x16xf32, #tpu.memory_space<vmem>>) target_semaphore(%run_scoped3A : memref<!tpu.dma_semaphore, #tpu.memory_space<semaphore_mem>>)
        %dma_wait3A = arith.constant 0 : i32
        %dma_wait3A_156 = arith.constant 0 : i32
        %dma_wait3A_157 = tpu.memref_slice %arg7[%add3A_140, %dma_wait3A, %dma_wait3A_156] : memref<4000x48x16xf32, #tpu.memory_space<hbm>> -> memref<1x48x16xf32, #tpu.memory_space<hbm>>
        %dma_wait3A_158 = tpu.memref_squeeze %dma_wait3A_157 : memref<1x48x16xf32, #tpu.memory_space<hbm>> -> memref<48x16xf32, #tpu.memory_space<hbm>>
        %dma_wait3A_159 = arith.constant 0 : i32
        %dma_wait3A_160 = arith.constant 0 : i32
        %dma_wait3A_161 = tpu.memref_slice %arg7[%add3A_140, %dma_wait3A_159, %dma_wait3A_160] : memref<4000x48x16xf32, #tpu.memory_space<hbm>> -> memref<1x48x16xf32, #tpu.memory_space<hbm>>
        %dma_wait3A_162 = tpu.memref_squeeze %dma_wait3A_161 : memref<1x48x16xf32, #tpu.memory_space<hbm>> -> memref<48x16xf32, #tpu.memory_space<hbm>>
        tpu.wait_dma2 semaphore(%run_scoped3A : memref<!tpu.dma_semaphore, #tpu.memory_space<semaphore_mem>>) src(%dma_wait3A_162 : memref<48x16xf32, #tpu.memory_space<hbm>>) dst(%arg17 : memref<48x16xf32, #tpu.memory_space<vmem>>)
        tpu.yield
      }) : () -> ()
      %scan3A_141 = arith.constant 0 : i32
      %scan3A_142 = arith.constant 0 : i32
      %scan3A_143 = arith.constant 48 : i32
      %scan3A_144 = arith.addi %scan3A_142, %scan3A_143 : i32
      %scan3A_145 = arith.constant 1 : i32
      %scan3A_146 = scf.for %scan3A_149 = %scan3A_142 to %scan3A_144 step %scan3A_145 iter_args(%scan3A_150 = %scan3A_141) -> (i32)  : i32 {
        %get3A = arith.index_cast %scan3A_149 : i32 to index
        %get3A_151 = arith.constant 0 : index
        %get3A_152 = tpu.vector_load %arg17[%get3A, %get3A_151] {strides = array<i32>} : memref<48x16xf32, #tpu.memory_space<vmem>>, vector<1x16xf32>,
        %get3A_153 = vector.shape_cast %get3A_152 : vector<1x16xf32> to vector<16xf32>
        %swap3A = arith.index_cast %scan3A_149 : i32 to index
        %swap3A_154 = arith.constant 0 : index
        %swap3A_155 = tpu.vector_load %arg16[%swap3A, %swap3A_154] {strides = array<i32>} : memref<48x128xf32, #tpu.memory_space<vmem>>, vector<1x16xf32>,
        %swap3A_156 = vector.shape_cast %swap3A_155 : vector<1x16xf32> to vector<16xf32>
        %swap3A_157 = vector.shape_cast %get3A_153 : vector<16xf32> to vector<1x16xf32>
        tpu.vector_store %arg16[%swap3A, %swap3A_154], %swap3A_157 {strides = array<i32>} : memref<48x128xf32, #tpu.memory_space<vmem>>, vector<1x16xf32>,
        %scan3A_158 = arith.constant 0 : i32
        scf.yield %scan3A_158 : i32
      }
      %scan3A_147 = arith.constant 48 : i32
      "tpu.region"() ({
        %run_scoped3A = tpu.sem_alloc : memref<!tpu.dma_semaphore, #tpu.memory_space<semaphore_mem>>
        %dma_start3A = arith.constant 0 : i32
        %dma_start3A_149 = tpu.memref_slice %arg10[%scan3A_136, %dma_start3A] : memref<125x48xi32, #tpu.memory_space<vmem>> -> memref<1x48xi32, #tpu.memory_space<vmem>>
        %dma_start3A_150 = tpu.memref_squeeze %dma_start3A_149 : memref<1x48xi32, #tpu.memory_space<vmem>> -> memref<48xi32, #tpu.memory_space<vmem>>
        %dma_start3A_151 = arith.constant 0 : i32
        %dma_start3A_152 = arith.constant 0 : i32
        %dma_start3A_153 = tpu.memref_slice %arg19[%dma_start3A_151, %dma_start3A_152] : memref<2560x128xf32, #tpu.memory_space<vmem_shared>> -> memref<2560x128xf32, #tpu.memory_space<vmem_shared>>
        tpu.enqueue_indirect_dma source(%arg16 : memref<48x128xf32, #tpu.memory_space<vmem>>) target(%dma_start3A_153 : memref<2560x128xf32, #tpu.memory_space<vmem_shared>>) offsets(%dma_start3A_150 : memref<48xi32, #tpu.memory_space<vmem>>) semaphore(%run_scoped3A : memref<!tpu.dma_semaphore, #tpu.memory_space<semaphore_mem>>) {add = true}
        %dma_wait3A = arith.constant 0 : i32
        %dma_wait3A_154 = tpu.memref_slice %arg10[%scan3A_136, %dma_wait3A] : memref<125x48xi32, #tpu.memory_space<vmem>> -> memref<1x48xi32, #tpu.memory_space<vmem>>
        %dma_wait3A_155 = tpu.memref_squeeze %dma_wait3A_154 : memref<1x48xi32, #tpu.memory_space<vmem>> -> memref<48xi32, #tpu.memory_space<vmem>>
        %dma_wait3A_156 = arith.constant 0 : i32
        %dma_wait3A_157 = arith.constant 0 : i32
        %dma_wait3A_158 = tpu.memref_slice %arg19[%dma_wait3A_156, %dma_wait3A_157] : memref<2560x128xf32, #tpu.memory_space<vmem_shared>> -> memref<2560x128xf32, #tpu.memory_space<vmem_shared>>
        tpu.wait_indirect_dma semaphore(%run_scoped3A : memref<!tpu.dma_semaphore, #tpu.memory_space<semaphore_mem>>) src(%arg16 : memref<48x128xf32, #tpu.memory_space<vmem>>) dst(%dma_wait3A_158 : memref<2560x128xf32, #tpu.memory_space<vmem_shared>>)
        tpu.yield
      }) : () -> ()
      %scan3A_148 = arith.constant 0 : i32
      scf.yield %scan3A_148 : i32
    }
    %scan3A_56 = arith.constant 125 : i32
    %barrier3A_57 = arith.constant 0 : index
    tpu.barrier barrier_id(%barrier3A_57)
    %mul3A_58 = arith.constant 160 : i32
    %mul3A_59 = arith.muli %arg1, %mul3A_58 : i32
    %mul3A_60 = arith.constant 160 : i32
    %mul3A_61 = arith.muli %arg1, %mul3A_60 : i32
    %add3A_62 = arith.constant 2560 : i32
    %add3A_63 = arith.addi %add3A_62, %mul3A_61 : i32
    %eq3A_64 = arith.constant 0 : i32
    %eq3A_65 = arith.cmpi eq, %arg0, %eq3A_64 : i32
    %convert_element_type3A_66 = arith.extui %eq3A_65 : i1 to i32
    %cond3A_67 = arith.constant 0 : i32
    %cond3A_68 = arith.cmpi ne, %convert_element_type3A_66, %cond3A_67 : i32
    scf.if %cond3A_68 {
      "tpu.region"() ({
        %run_scoped3A = tpu.sem_alloc : memref<!tpu.dma_semaphore, #tpu.memory_space<semaphore_mem>>
        %dma_start3A = arith.constant 0 : i32
        %dma_start3A_136 = tpu.memref_slice %arg8[%add3A_63, %dma_start3A] : memref<10240x128xf32, #tpu.memory_space<hbm>> -> memref<160x128xf32, #tpu.memory_space<hbm>>
        %dma_start3A_137 = arith.constant 0 : i32
        %dma_start3A_138 = tpu.memref_slice %arg19[%mul3A_59, %dma_start3A_137] : memref<2560x128xf32, #tpu.memory_space<vmem_shared>> -> memref<160x128xf32, #tpu.memory_space<vmem_shared>>
        tpu.enqueue_dma source(%dma_start3A_138 : memref<160x128xf32, #tpu.memory_space<vmem_shared>>) target(%dma_start3A_136 : memref<160x128xf32, #tpu.memory_space<hbm>>) target_semaphore(%run_scoped3A : memref<!tpu.dma_semaphore, #tpu.memory_space<semaphore_mem>>)
        %dma_wait3A = arith.constant 0 : i32
        %dma_wait3A_139 = tpu.memref_slice %arg8[%add3A_63, %dma_wait3A] : memref<10240x128xf32, #tpu.memory_space<hbm>> -> memref<160x128xf32, #tpu.memory_space<hbm>>
        %dma_wait3A_140 = arith.constant 0 : i32
        %dma_wait3A_141 = tpu.memref_slice %arg19[%mul3A_59, %dma_wait3A_140] : memref<2560x128xf32, #tpu.memory_space<vmem_shared>> -> memref<160x128xf32, #tpu.memory_space<vmem_shared>>
        tpu.wait_dma2 semaphore(%run_scoped3A : memref<!tpu.dma_semaphore, #tpu.memory_space<semaphore_mem>>) src(%dma_wait3A_141 : memref<160x128xf32, #tpu.memory_space<vmem_shared>>) dst(%dma_wait3A_139 : memref<160x128xf32, #tpu.memory_space<hbm>>)
        tpu.yield
      }) : () -> ()
    } else {
    }
    %eq3A_69 = arith.constant 1 : i32
    %eq3A_70 = arith.cmpi eq, %arg0, %eq3A_69 : i32
    %convert_element_type3A_71 = arith.extui %eq3A_70 : i1 to i32
    %cond3A_72 = arith.constant 0 : i32
    %cond3A_73 = arith.cmpi ne, %convert_element_type3A_71, %cond3A_72 : i32
    scf.if %cond3A_73 {
      "tpu.region"() ({
        %run_scoped3A = tpu.sem_alloc : memref<!tpu.dma_semaphore, #tpu.memory_space<semaphore_mem>>
        %dma_start3A = arith.constant 0 : i32
        %dma_start3A_136 = tpu.memref_slice %arg9[%add3A_63, %dma_start3A] : memref<10240x128xf32, #tpu.memory_space<hbm>> -> memref<160x128xf32, #tpu.memory_space<hbm>>
        %dma_start3A_137 = arith.constant 0 : i32
        %dma_start3A_138 = tpu.memref_slice %arg19[%mul3A_59, %dma_start3A_137] : memref<2560x128xf32, #tpu.memory_space<vmem_shared>> -> memref<160x128xf32, #tpu.memory_space<vmem_shared>>
        tpu.enqueue_dma source(%dma_start3A_138 : memref<160x128xf32, #tpu.memory_space<vmem_shared>>) target(%dma_start3A_136 : memref<160x128xf32, #tpu.memory_space<hbm>>) target_semaphore(%run_scoped3A : memref<!tpu.dma_semaphore, #tpu.memory_space<semaphore_mem>>)
        %dma_wait3A = arith.constant 0 : i32
        %dma_wait3A_139 = tpu.memref_slice %arg9[%add3A_63, %dma_wait3A] : memref<10240x128xf32, #tpu.memory_space<hbm>> -> memref<160x128xf32, #tpu.memory_space<hbm>>
        %dma_wait3A_140 = arith.constant 0 : i32
        %dma_wait3A_141 = tpu.memref_slice %arg19[%mul3A_59, %dma_wait3A_140] : memref<2560x128xf32, #tpu.memory_space<vmem_shared>> -> memref<160x128xf32, #tpu.memory_space<vmem_shared>>
        tpu.wait_dma2 semaphore(%run_scoped3A : memref<!tpu.dma_semaphore, #tpu.memory_space<semaphore_mem>>) src(%dma_wait3A_141 : memref<160x128xf32, #tpu.memory_space<vmem_shared>>) dst(%dma_wait3A_139 : memref<160x128xf32, #tpu.memory_space<hbm>>)
        tpu.yield
      }) : () -> ()
    } else {
    }
    %mul3A_74 = arith.constant 160 : i32
    %mul3A_75 = arith.muli %arg1, %mul3A_74 : i32
    %add3A_76 = arith.constant 0 : i32
    %add3A_77 = arith.addi %mul3A_75, %add3A_76 : i32
    "tpu.region"() ({
      %run_scoped3A = tpu.sem_alloc : memref<!tpu.dma_semaphore, #tpu.memory_space<semaphore_mem>>
      %dma_start3A = arith.constant 0 : i32
      %dma_start3A_136 = tpu.memref_slice %arg19[%add3A_77, %dma_start3A] : memref<2560x128xf32, #tpu.memory_space<vmem_shared>> -> memref<160x128xf32, #tpu.memory_space<vmem_shared>>
      %dma_start3A_137 = arith.constant 0 : i32
      %dma_start3A_138 = tpu.memref_slice %arg19[%add3A_77, %dma_start3A_137] : memref<2560x128xf32, #tpu.memory_space<vmem_shared>> -> memref<160x128xf32, #tpu.memory_space<vmem_shared>>
      tpu.enqueue_dma source(%arg18 : memref<160x128xf32, #tpu.memory_space<vmem>>) target(%dma_start3A_138 : memref<160x128xf32, #tpu.memory_space<vmem_shared>>) target_semaphore(%run_scoped3A : memref<!tpu.dma_semaphore, #tpu.memory_space<semaphore_mem>>)
      %dma_wait3A = arith.constant 0 : i32
      %dma_wait3A_139 = tpu.memref_slice %arg19[%add3A_77, %dma_wait3A] : memref<2560x128xf32, #tpu.memory_space<vmem_shared>> -> memref<160x128xf32, #tpu.memory_space<vmem_shared>>
      %dma_wait3A_140 = arith.constant 0 : i32
      %dma_wait3A_141 = tpu.memref_slice %arg19[%add3A_77, %dma_wait3A_140] : memref<2560x128xf32, #tpu.memory_space<vmem_shared>> -> memref<160x128xf32, #tpu.memory_space<vmem_shared>>
      tpu.wait_dma2 semaphore(%run_scoped3A : memref<!tpu.dma_semaphore, #tpu.memory_space<semaphore_mem>>) src(%arg18 : memref<160x128xf32, #tpu.memory_space<vmem>>) dst(%dma_wait3A_141 : memref<160x128xf32, #tpu.memory_space<vmem_shared>>)
      tpu.yield
    }) : () -> ()
    %barrier3A_78 = arith.constant 0 : index
    tpu.barrier barrier_id(%barrier3A_78)
    %add3A_79 = arith.constant 64 : i32
    %add3A_80 = arith.addi %add3A_79, %add3A : i32
    "tpu.region"() ({
      %run_scoped3A = tpu.sem_alloc : memref<!tpu.dma_semaphore, #tpu.memory_space<semaphore_mem>>
      %dma_start3A = arith.constant 0 : i32
      %dma_start3A_136 = arith.constant 0 : i32
      %dma_start3A_137 = tpu.memref_slice %arg5[%add3A_80, %dma_start3A, %dma_start3A_136] : memref<128x125x48xi32, #tpu.memory_space<hbm>> -> memref<1x125x48xi32, #tpu.memory_space<hbm>>
      %dma_start3A_138 = tpu.memref_squeeze %dma_start3A_137 : memref<1x125x48xi32, #tpu.memory_space<hbm>> -> memref<125x48xi32, #tpu.memory_space<hbm>>
      %dma_start3A_139 = arith.constant 0 : i32
      %dma_start3A_140 = arith.constant 0 : i32
      %dma_start3A_141 = tpu.memref_slice %arg5[%add3A_80, %dma_start3A_139, %dma_start3A_140] : memref<128x125x48xi32, #tpu.memory_space<hbm>> -> memref<1x125x48xi32, #tpu.memory_space<hbm>>
      %dma_start3A_142 = tpu.memref_squeeze %dma_start3A_141 : memref<1x125x48xi32, #tpu.memory_space<hbm>> -> memref<125x48xi32, #tpu.memory_space<hbm>>
      tpu.enqueue_dma source(%dma_start3A_142 : memref<125x48xi32, #tpu.memory_space<hbm>>) target(%arg10 : memref<125x48xi32, #tpu.memory_space<vmem>>) target_semaphore(%run_scoped3A : memref<!tpu.dma_semaphore, #tpu.memory_space<semaphore_mem>>)
      %dma_wait3A = arith.constant 0 : i32
      %dma_wait3A_143 = arith.constant 0 : i32
      %dma_wait3A_144 = tpu.memref_slice %arg5[%add3A_80, %dma_wait3A, %dma_wait3A_143] : memref<128x125x48xi32, #tpu.memory_space<hbm>> -> memref<1x125x48xi32, #tpu.memory_space<hbm>>
      %dma_wait3A_145 = tpu.memref_squeeze %dma_wait3A_144 : memref<1x125x48xi32, #tpu.memory_space<hbm>> -> memref<125x48xi32, #tpu.memory_space<hbm>>
      %dma_wait3A_146 = arith.constant 0 : i32
      %dma_wait3A_147 = arith.constant 0 : i32
      %dma_wait3A_148 = tpu.memref_slice %arg5[%add3A_80, %dma_wait3A_146, %dma_wait3A_147] : memref<128x125x48xi32, #tpu.memory_space<hbm>> -> memref<1x125x48xi32, #tpu.memory_space<hbm>>
      %dma_wait3A_149 = tpu.memref_squeeze %dma_wait3A_148 : memref<1x125x48xi32, #tpu.memory_space<hbm>> -> memref<125x48xi32, #tpu.memory_space<hbm>>
      tpu.wait_dma2 semaphore(%run_scoped3A : memref<!tpu.dma_semaphore, #tpu.memory_space<semaphore_mem>>) src(%dma_wait3A_149 : memref<125x48xi32, #tpu.memory_space<hbm>>) dst(%arg10 : memref<125x48xi32, #tpu.memory_space<vmem>>)
      tpu.yield
    }) : () -> ()
    %scan3A_81 = arith.constant 0 : i32
    %scan3A_82 = arith.constant 0 : i32
    %scan3A_83 = arith.constant 125 : i32
    %scan3A_84 = arith.addi %scan3A_82, %scan3A_83 : i32
    %scan3A_85 = arith.constant 1 : i32
    %scan3A_86 = scf.for %scan3A_136 = %scan3A_82 to %scan3A_84 step %scan3A_85 iter_args(%scan3A_137 = %scan3A_81) -> (i32)  : i32 {
      %mul3A_138 = arith.constant 125 : i32
      %mul3A_139 = arith.muli %add3A, %mul3A_138 : i32
      %add3A_140 = arith.addi %mul3A_139, %scan3A_136 : i32
      "tpu.region"() ({
        %run_scoped3A = tpu.sem_alloc : memref<!tpu.dma_semaphore, #tpu.memory_space<semaphore_mem>>
        %dma_start3A = arith.constant 0 : i32
        %dma_start3A_149 = arith.constant 0 : i32
        %dma_start3A_150 = tpu.memref_slice %arg7[%add3A_140, %dma_start3A, %dma_start3A_149] : memref<4000x48x16xf32, #tpu.memory_space<hbm>> -> memref<1x48x16xf32, #tpu.memory_space<hbm>>
        %dma_start3A_151 = tpu.memref_squeeze %dma_start3A_150 : memref<1x48x16xf32, #tpu.memory_space<hbm>> -> memref<48x16xf32, #tpu.memory_space<hbm>>
        %dma_start3A_152 = arith.constant 0 : i32
        %dma_start3A_153 = arith.constant 0 : i32
        %dma_start3A_154 = tpu.memref_slice %arg7[%add3A_140, %dma_start3A_152, %dma_start3A_153] : memref<4000x48x16xf32, #tpu.memory_space<hbm>> -> memref<1x48x16xf32, #tpu.memory_space<hbm>>
        %dma_start3A_155 = tpu.memref_squeeze %dma_start3A_154 : memref<1x48x16xf32, #tpu.memory_space<hbm>> -> memref<48x16xf32, #tpu.memory_space<hbm>>
        tpu.enqueue_dma source(%dma_start3A_155 : memref<48x16xf32, #tpu.memory_space<hbm>>) target(%arg17 : memref<48x16xf32, #tpu.memory_space<vmem>>) target_semaphore(%run_scoped3A : memref<!tpu.dma_semaphore, #tpu.memory_space<semaphore_mem>>)
        %dma_wait3A = arith.constant 0 : i32
        %dma_wait3A_156 = arith.constant 0 : i32
        %dma_wait3A_157 = tpu.memref_slice %arg7[%add3A_140, %dma_wait3A, %dma_wait3A_156] : memref<4000x48x16xf32, #tpu.memory_space<hbm>> -> memref<1x48x16xf32, #tpu.memory_space<hbm>>
        %dma_wait3A_158 = tpu.memref_squeeze %dma_wait3A_157 : memref<1x48x16xf32, #tpu.memory_space<hbm>> -> memref<48x16xf32, #tpu.memory_space<hbm>>
        %dma_wait3A_159 = arith.constant 0 : i32
        %dma_wait3A_160 = arith.constant 0 : i32
        %dma_wait3A_161 = tpu.memref_slice %arg7[%add3A_140, %dma_wait3A_159, %dma_wait3A_160] : memref<4000x48x16xf32, #tpu.memory_space<hbm>> -> memref<1x48x16xf32, #tpu.memory_space<hbm>>
        %dma_wait3A_162 = tpu.memref_squeeze %dma_wait3A_161 : memref<1x48x16xf32, #tpu.memory_space<hbm>> -> memref<48x16xf32, #tpu.memory_space<hbm>>
        tpu.wait_dma2 semaphore(%run_scoped3A : memref<!tpu.dma_semaphore, #tpu.memory_space<semaphore_mem>>) src(%dma_wait3A_162 : memref<48x16xf32, #tpu.memory_space<hbm>>) dst(%arg17 : memref<48x16xf32, #tpu.memory_space<vmem>>)
        tpu.yield
      }) : () -> ()
      %scan3A_141 = arith.constant 0 : i32
      %scan3A_142 = arith.constant 0 : i32
      %scan3A_143 = arith.constant 48 : i32
      %scan3A_144 = arith.addi %scan3A_142, %scan3A_143 : i32
      %scan3A_145 = arith.constant 1 : i32
      %scan3A_146 = scf.for %scan3A_149 = %scan3A_142 to %scan3A_144 step %scan3A_145 iter_args(%scan3A_150 = %scan3A_141) -> (i32)  : i32 {
        %get3A = arith.index_cast %scan3A_149 : i32 to index
        %get3A_151 = arith.constant 0 : index
        %get3A_152 = tpu.vector_load %arg17[%get3A, %get3A_151] {strides = array<i32>} : memref<48x16xf32, #tpu.memory_space<vmem>>, vector<1x16xf32>,
        %get3A_153 = vector.shape_cast %get3A_152 : vector<1x16xf32> to vector<16xf32>
        %swap3A = arith.index_cast %scan3A_149 : i32 to index
        %swap3A_154 = arith.constant 0 : index
        %swap3A_155 = tpu.vector_load %arg16[%swap3A, %swap3A_154] {strides = array<i32>} : memref<48x128xf32, #tpu.memory_space<vmem>>, vector<1x16xf32>,
        %swap3A_156 = vector.shape_cast %swap3A_155 : vector<1x16xf32> to vector<16xf32>
        %swap3A_157 = vector.shape_cast %get3A_153 : vector<16xf32> to vector<1x16xf32>
        tpu.vector_store %arg16[%swap3A, %swap3A_154], %swap3A_157 {strides = array<i32>} : memref<48x128xf32, #tpu.memory_space<vmem>>, vector<1x16xf32>,
        %scan3A_158 = arith.constant 0 : i32
        scf.yield %scan3A_158 : i32
      }
      %scan3A_147 = arith.constant 48 : i32
      "tpu.region"() ({
        %run_scoped3A = tpu.sem_alloc : memref<!tpu.dma_semaphore, #tpu.memory_space<semaphore_mem>>
        %dma_start3A = arith.constant 0 : i32
        %dma_start3A_149 = tpu.memref_slice %arg10[%scan3A_136, %dma_start3A] : memref<125x48xi32, #tpu.memory_space<vmem>> -> memref<1x48xi32, #tpu.memory_space<vmem>>
        %dma_start3A_150 = tpu.memref_squeeze %dma_start3A_149 : memref<1x48xi32, #tpu.memory_space<vmem>> -> memref<48xi32, #tpu.memory_space<vmem>>
        %dma_start3A_151 = arith.constant 0 : i32
        %dma_start3A_152 = arith.constant 0 : i32
        %dma_start3A_153 = tpu.memref_slice %arg19[%dma_start3A_151, %dma_start3A_152] : memref<2560x128xf32, #tpu.memory_space<vmem_shared>> -> memref<2560x128xf32, #tpu.memory_space<vmem_shared>>
        tpu.enqueue_indirect_dma source(%arg16 : memref<48x128xf32, #tpu.memory_space<vmem>>) target(%dma_start3A_153 : memref<2560x128xf32, #tpu.memory_space<vmem_shared>>) offsets(%dma_start3A_150 : memref<48xi32, #tpu.memory_space<vmem>>) semaphore(%run_scoped3A : memref<!tpu.dma_semaphore, #tpu.memory_space<semaphore_mem>>) {add = true}
        %dma_wait3A = arith.constant 0 : i32
        %dma_wait3A_154 = tpu.memref_slice %arg10[%scan3A_136, %dma_wait3A] : memref<125x48xi32, #tpu.memory_space<vmem>> -> memref<1x48xi32, #tpu.memory_space<vmem>>
        %dma_wait3A_155 = tpu.memref_squeeze %dma_wait3A_154 : memref<1x48xi32, #tpu.memory_space<vmem>> -> memref<48xi32, #tpu.memory_space<vmem>>
        %dma_wait3A_156 = arith.constant 0 : i32
        %dma_wait3A_157 = arith.constant 0 : i32
        %dma_wait3A_158 = tpu.memref_slice %arg19[%dma_wait3A_156, %dma_wait3A_157] : memref<2560x128xf32, #tpu.memory_space<vmem_shared>> -> memref<2560x128xf32, #tpu.memory_space<vmem_shared>>
        tpu.wait_indirect_dma semaphore(%run_scoped3A : memref<!tpu.dma_semaphore, #tpu.memory_space<semaphore_mem>>) src(%arg16 : memref<48x128xf32, #tpu.memory_space<vmem>>) dst(%dma_wait3A_158 : memref<2560x128xf32, #tpu.memory_space<vmem_shared>>)
        tpu.yield
      }) : () -> ()
      %scan3A_148 = arith.constant 0 : i32
      scf.yield %scan3A_148 : i32
    }
    %scan3A_87 = arith.constant 125 : i32
    %barrier3A_88 = arith.constant 0 : index
    tpu.barrier barrier_id(%barrier3A_88)
    %mul3A_89 = arith.constant 160 : i32
    %mul3A_90 = arith.muli %arg1, %mul3A_89 : i32
    %mul3A_91 = arith.constant 160 : i32
    %mul3A_92 = arith.muli %arg1, %mul3A_91 : i32
    %add3A_93 = arith.constant 5120 : i32
    %add3A_94 = arith.addi %add3A_93, %mul3A_92 : i32
    %eq3A_95 = arith.constant 0 : i32
    %eq3A_96 = arith.cmpi eq, %arg0, %eq3A_95 : i32
    %convert_element_type3A_97 = arith.extui %eq3A_96 : i1 to i32
    %cond3A_98 = arith.constant 0 : i32
    %cond3A_99 = arith.cmpi ne, %convert_element_type3A_97, %cond3A_98 : i32
    scf.if %cond3A_99 {
      "tpu.region"() ({
        %run_scoped3A = tpu.sem_alloc : memref<!tpu.dma_semaphore, #tpu.memory_space<semaphore_mem>>
        %dma_start3A = arith.constant 0 : i32
        %dma_start3A_136 = tpu.memref_slice %arg8[%add3A_94, %dma_start3A] : memref<10240x128xf32, #tpu.memory_space<hbm>> -> memref<160x128xf32, #tpu.memory_space<hbm>>
        %dma_start3A_137 = arith.constant 0 : i32
        %dma_start3A_138 = tpu.memref_slice %arg19[%mul3A_90, %dma_start3A_137] : memref<2560x128xf32, #tpu.memory_space<vmem_shared>> -> memref<160x128xf32, #tpu.memory_space<vmem_shared>>
        tpu.enqueue_dma source(%dma_start3A_138 : memref<160x128xf32, #tpu.memory_space<vmem_shared>>) target(%dma_start3A_136 : memref<160x128xf32, #tpu.memory_space<hbm>>) target_semaphore(%run_scoped3A : memref<!tpu.dma_semaphore, #tpu.memory_space<semaphore_mem>>)
        %dma_wait3A = arith.constant 0 : i32
        %dma_wait3A_139 = tpu.memref_slice %arg8[%add3A_94, %dma_wait3A] : memref<10240x128xf32, #tpu.memory_space<hbm>> -> memref<160x128xf32, #tpu.memory_space<hbm>>
        %dma_wait3A_140 = arith.constant 0 : i32
        %dma_wait3A_141 = tpu.memref_slice %arg19[%mul3A_90, %dma_wait3A_140] : memref<2560x128xf32, #tpu.memory_space<vmem_shared>> -> memref<160x128xf32, #tpu.memory_space<vmem_shared>>
        tpu.wait_dma2 semaphore(%run_scoped3A : memref<!tpu.dma_semaphore, #tpu.memory_space<semaphore_mem>>) src(%dma_wait3A_141 : memref<160x128xf32, #tpu.memory_space<vmem_shared>>) dst(%dma_wait3A_139 : memref<160x128xf32, #tpu.memory_space<hbm>>)
        tpu.yield
      }) : () -> ()
    } else {
    }
    %eq3A_100 = arith.constant 1 : i32
    %eq3A_101 = arith.cmpi eq, %arg0, %eq3A_100 : i32
    %convert_element_type3A_102 = arith.extui %eq3A_101 : i1 to i32
    %cond3A_103 = arith.constant 0 : i32
    %cond3A_104 = arith.cmpi ne, %convert_element_type3A_102, %cond3A_103 : i32
    scf.if %cond3A_104 {
      "tpu.region"() ({
        %run_scoped3A = tpu.sem_alloc : memref<!tpu.dma_semaphore, #tpu.memory_space<semaphore_mem>>
        %dma_start3A = arith.constant 0 : i32
        %dma_start3A_136 = tpu.memref_slice %arg9[%add3A_94, %dma_start3A] : memref<10240x128xf32, #tpu.memory_space<hbm>> -> memref<160x128xf32, #tpu.memory_space<hbm>>
        %dma_start3A_137 = arith.constant 0 : i32
        %dma_start3A_138 = tpu.memref_slice %arg19[%mul3A_90, %dma_start3A_137] : memref<2560x128xf32, #tpu.memory_space<vmem_shared>> -> memref<160x128xf32, #tpu.memory_space<vmem_shared>>
        tpu.enqueue_dma source(%dma_start3A_138 : memref<160x128xf32, #tpu.memory_space<vmem_shared>>) target(%dma_start3A_136 : memref<160x128xf32, #tpu.memory_space<hbm>>) target_semaphore(%run_scoped3A : memref<!tpu.dma_semaphore, #tpu.memory_space<semaphore_mem>>)
        %dma_wait3A = arith.constant 0 : i32
        %dma_wait3A_139 = tpu.memref_slice %arg9[%add3A_94, %dma_wait3A] : memref<10240x128xf32, #tpu.memory_space<hbm>> -> memref<160x128xf32, #tpu.memory_space<hbm>>
        %dma_wait3A_140 = arith.constant 0 : i32
        %dma_wait3A_141 = tpu.memref_slice %arg19[%mul3A_90, %dma_wait3A_140] : memref<2560x128xf32, #tpu.memory_space<vmem_shared>> -> memref<160x128xf32, #tpu.memory_space<vmem_shared>>
        tpu.wait_dma2 semaphore(%run_scoped3A : memref<!tpu.dma_semaphore, #tpu.memory_space<semaphore_mem>>) src(%dma_wait3A_141 : memref<160x128xf32, #tpu.memory_space<vmem_shared>>) dst(%dma_wait3A_139 : memref<160x128xf32, #tpu.memory_space<hbm>>)
        tpu.yield
      }) : () -> ()
    } else {
    }
    %mul3A_105 = arith.constant 160 : i32
    %mul3A_106 = arith.muli %arg1, %mul3A_105 : i32
    %add3A_107 = arith.constant 0 : i32
    %add3A_108 = arith.addi %mul3A_106, %add3A_107 : i32
    "tpu.region"() ({
      %run_scoped3A = tpu.sem_alloc : memref<!tpu.dma_semaphore, #tpu.memory_space<semaphore_mem>>
      %dma_start3A = arith.constant 0 : i32
      %dma_start3A_136 = tpu.memref_slice %arg19[%add3A_108, %dma_start3A] : memref<2560x128xf32, #tpu.memory_space<vmem_shared>> -> memref<160x128xf32, #tpu.memory_space<vmem_shared>>
      %dma_start3A_137 = arith.constant 0 : i32
      %dma_start3A_138 = tpu.memref_slice %arg19[%add3A_108, %dma_start3A_137] : memref<2560x128xf32, #tpu.memory_space<vmem_shared>> -> memref<160x128xf32, #tpu.memory_space<vmem_shared>>
      tpu.enqueue_dma source(%arg18 : memref<160x128xf32, #tpu.memory_space<vmem>>) target(%dma_start3A_138 : memref<160x128xf32, #tpu.memory_space<vmem_shared>>) target_semaphore(%run_scoped3A : memref<!tpu.dma_semaphore, #tpu.memory_space<semaphore_mem>>)
      %dma_wait3A = arith.constant 0 : i32
      %dma_wait3A_139 = tpu.memref_slice %arg19[%add3A_108, %dma_wait3A] : memref<2560x128xf32, #tpu.memory_space<vmem_shared>> -> memref<160x128xf32, #tpu.memory_space<vmem_shared>>
      %dma_wait3A_140 = arith.constant 0 : i32
      %dma_wait3A_141 = tpu.memref_slice %arg19[%add3A_108, %dma_wait3A_140] : memref<2560x128xf32, #tpu.memory_space<vmem_shared>> -> memref<160x128xf32, #tpu.memory_space<vmem_shared>>
      tpu.wait_dma2 semaphore(%run_scoped3A : memref<!tpu.dma_semaphore, #tpu.memory_space<semaphore_mem>>) src(%arg18 : memref<160x128xf32, #tpu.memory_space<vmem>>) dst(%dma_wait3A_141 : memref<160x128xf32, #tpu.memory_space<vmem_shared>>)
      tpu.yield
    }) : () -> ()
    %barrier3A_109 = arith.constant 0 : index
    tpu.barrier barrier_id(%barrier3A_109)
    %add3A_110 = arith.constant 96 : i32
    %add3A_111 = arith.addi %add3A_110, %add3A : i32
    "tpu.region"() ({
      %run_scoped3A = tpu.sem_alloc : memref<!tpu.dma_semaphore, #tpu.memory_space<semaphore_mem>>
      %dma_start3A = arith.constant 0 : i32
      %dma_start3A_136 = arith.constant 0 : i32
      %dma_start3A_137 = tpu.memref_slice %arg5[%add3A_111, %dma_start3A, %dma_start3A_136] : memref<128x125x48xi32, #tpu.memory_space<hbm>> -> memref<1x125x48xi32, #tpu.memory_space<hbm>>
      %dma_start3A_138 = tpu.memref_squeeze %dma_start3A_137 : memref<1x125x48xi32, #tpu.memory_space<hbm>> -> memref<125x48xi32, #tpu.memory_space<hbm>>
      %dma_start3A_139 = arith.constant 0 : i32
      %dma_start3A_140 = arith.constant 0 : i32
      %dma_start3A_141 = tpu.memref_slice %arg5[%add3A_111, %dma_start3A_139, %dma_start3A_140] : memref<128x125x48xi32, #tpu.memory_space<hbm>> -> memref<1x125x48xi32, #tpu.memory_space<hbm>>
      %dma_start3A_142 = tpu.memref_squeeze %dma_start3A_141 : memref<1x125x48xi32, #tpu.memory_space<hbm>> -> memref<125x48xi32, #tpu.memory_space<hbm>>
      tpu.enqueue_dma source(%dma_start3A_142 : memref<125x48xi32, #tpu.memory_space<hbm>>) target(%arg10 : memref<125x48xi32, #tpu.memory_space<vmem>>) target_semaphore(%run_scoped3A : memref<!tpu.dma_semaphore, #tpu.memory_space<semaphore_mem>>)
      %dma_wait3A = arith.constant 0 : i32
      %dma_wait3A_143 = arith.constant 0 : i32
      %dma_wait3A_144 = tpu.memref_slice %arg5[%add3A_111, %dma_wait3A, %dma_wait3A_143] : memref<128x125x48xi32, #tpu.memory_space<hbm>> -> memref<1x125x48xi32, #tpu.memory_space<hbm>>
      %dma_wait3A_145 = tpu.memref_squeeze %dma_wait3A_144 : memref<1x125x48xi32, #tpu.memory_space<hbm>> -> memref<125x48xi32, #tpu.memory_space<hbm>>
      %dma_wait3A_146 = arith.constant 0 : i32
      %dma_wait3A_147 = arith.constant 0 : i32
      %dma_wait3A_148 = tpu.memref_slice %arg5[%add3A_111, %dma_wait3A_146, %dma_wait3A_147] : memref<128x125x48xi32, #tpu.memory_space<hbm>> -> memref<1x125x48xi32, #tpu.memory_space<hbm>>
      %dma_wait3A_149 = tpu.memref_squeeze %dma_wait3A_148 : memref<1x125x48xi32, #tpu.memory_space<hbm>> -> memref<125x48xi32, #tpu.memory_space<hbm>>
      tpu.wait_dma2 semaphore(%run_scoped3A : memref<!tpu.dma_semaphore, #tpu.memory_space<semaphore_mem>>) src(%dma_wait3A_149 : memref<125x48xi32, #tpu.memory_space<hbm>>) dst(%arg10 : memref<125x48xi32, #tpu.memory_space<vmem>>)
      tpu.yield
    }) : () -> ()
    %scan3A_112 = arith.constant 0 : i32
    %scan3A_113 = arith.constant 0 : i32
    %scan3A_114 = arith.constant 125 : i32
    %scan3A_115 = arith.addi %scan3A_113, %scan3A_114 : i32
    %scan3A_116 = arith.constant 1 : i32
    %scan3A_117 = scf.for %scan3A_136 = %scan3A_113 to %scan3A_115 step %scan3A_116 iter_args(%scan3A_137 = %scan3A_112) -> (i32)  : i32 {
      %mul3A_138 = arith.constant 125 : i32
      %mul3A_139 = arith.muli %add3A, %mul3A_138 : i32
      %add3A_140 = arith.addi %mul3A_139, %scan3A_136 : i32
      "tpu.region"() ({
        %run_scoped3A = tpu.sem_alloc : memref<!tpu.dma_semaphore, #tpu.memory_space<semaphore_mem>>
        %dma_start3A = arith.constant 0 : i32
        %dma_start3A_149 = arith.constant 0 : i32
        %dma_start3A_150 = tpu.memref_slice %arg7[%add3A_140, %dma_start3A, %dma_start3A_149] : memref<4000x48x16xf32, #tpu.memory_space<hbm>> -> memref<1x48x16xf32, #tpu.memory_space<hbm>>
        %dma_start3A_151 = tpu.memref_squeeze %dma_start3A_150 : memref<1x48x16xf32, #tpu.memory_space<hbm>> -> memref<48x16xf32, #tpu.memory_space<hbm>>
        %dma_start3A_152 = arith.constant 0 : i32
        %dma_start3A_153 = arith.constant 0 : i32
        %dma_start3A_154 = tpu.memref_slice %arg7[%add3A_140, %dma_start3A_152, %dma_start3A_153] : memref<4000x48x16xf32, #tpu.memory_space<hbm>> -> memref<1x48x16xf32, #tpu.memory_space<hbm>>
        %dma_start3A_155 = tpu.memref_squeeze %dma_start3A_154 : memref<1x48x16xf32, #tpu.memory_space<hbm>> -> memref<48x16xf32, #tpu.memory_space<hbm>>
        tpu.enqueue_dma source(%dma_start3A_155 : memref<48x16xf32, #tpu.memory_space<hbm>>) target(%arg17 : memref<48x16xf32, #tpu.memory_space<vmem>>) target_semaphore(%run_scoped3A : memref<!tpu.dma_semaphore, #tpu.memory_space<semaphore_mem>>)
        %dma_wait3A = arith.constant 0 : i32
        %dma_wait3A_156 = arith.constant 0 : i32
        %dma_wait3A_157 = tpu.memref_slice %arg7[%add3A_140, %dma_wait3A, %dma_wait3A_156] : memref<4000x48x16xf32, #tpu.memory_space<hbm>> -> memref<1x48x16xf32, #tpu.memory_space<hbm>>
        %dma_wait3A_158 = tpu.memref_squeeze %dma_wait3A_157 : memref<1x48x16xf32, #tpu.memory_space<hbm>> -> memref<48x16xf32, #tpu.memory_space<hbm>>
        %dma_wait3A_159 = arith.constant 0 : i32
        %dma_wait3A_160 = arith.constant 0 : i32
        %dma_wait3A_161 = tpu.memref_slice %arg7[%add3A_140, %dma_wait3A_159, %dma_wait3A_160] : memref<4000x48x16xf32, #tpu.memory_space<hbm>> -> memref<1x48x16xf32, #tpu.memory_space<hbm>>
        %dma_wait3A_162 = tpu.memref_squeeze %dma_wait3A_161 : memref<1x48x16xf32, #tpu.memory_space<hbm>> -> memref<48x16xf32, #tpu.memory_space<hbm>>
        tpu.wait_dma2 semaphore(%run_scoped3A : memref<!tpu.dma_semaphore, #tpu.memory_space<semaphore_mem>>) src(%dma_wait3A_162 : memref<48x16xf32, #tpu.memory_space<hbm>>) dst(%arg17 : memref<48x16xf32, #tpu.memory_space<vmem>>)
        tpu.yield
      }) : () -> ()
      %scan3A_141 = arith.constant 0 : i32
      %scan3A_142 = arith.constant 0 : i32
      %scan3A_143 = arith.constant 48 : i32
      %scan3A_144 = arith.addi %scan3A_142, %scan3A_143 : i32
      %scan3A_145 = arith.constant 1 : i32
      %scan3A_146 = scf.for %scan3A_149 = %scan3A_142 to %scan3A_144 step %scan3A_145 iter_args(%scan3A_150 = %scan3A_141) -> (i32)  : i32 {
        %get3A = arith.index_cast %scan3A_149 : i32 to index
        %get3A_151 = arith.constant 0 : index
        %get3A_152 = tpu.vector_load %arg17[%get3A, %get3A_151] {strides = array<i32>} : memref<48x16xf32, #tpu.memory_space<vmem>>, vector<1x16xf32>,
        %get3A_153 = vector.shape_cast %get3A_152 : vector<1x16xf32> to vector<16xf32>
        %swap3A = arith.index_cast %scan3A_149 : i32 to index
        %swap3A_154 = arith.constant 0 : index
        %swap3A_155 = tpu.vector_load %arg16[%swap3A, %swap3A_154] {strides = array<i32>} : memref<48x128xf32, #tpu.memory_space<vmem>>, vector<1x16xf32>,
        %swap3A_156 = vector.shape_cast %swap3A_155 : vector<1x16xf32> to vector<16xf32>
        %swap3A_157 = vector.shape_cast %get3A_153 : vector<16xf32> to vector<1x16xf32>
        tpu.vector_store %arg16[%swap3A, %swap3A_154], %swap3A_157 {strides = array<i32>} : memref<48x128xf32, #tpu.memory_space<vmem>>, vector<1x16xf32>,
        %scan3A_158 = arith.constant 0 : i32
        scf.yield %scan3A_158 : i32
      }
      %scan3A_147 = arith.constant 48 : i32
      "tpu.region"() ({
        %run_scoped3A = tpu.sem_alloc : memref<!tpu.dma_semaphore, #tpu.memory_space<semaphore_mem>>
        %dma_start3A = arith.constant 0 : i32
        %dma_start3A_149 = tpu.memref_slice %arg10[%scan3A_136, %dma_start3A] : memref<125x48xi32, #tpu.memory_space<vmem>> -> memref<1x48xi32, #tpu.memory_space<vmem>>
        %dma_start3A_150 = tpu.memref_squeeze %dma_start3A_149 : memref<1x48xi32, #tpu.memory_space<vmem>> -> memref<48xi32, #tpu.memory_space<vmem>>
        %dma_start3A_151 = arith.constant 0 : i32
        %dma_start3A_152 = arith.constant 0 : i32
        %dma_start3A_153 = tpu.memref_slice %arg19[%dma_start3A_151, %dma_start3A_152] : memref<2560x128xf32, #tpu.memory_space<vmem_shared>> -> memref<2560x128xf32, #tpu.memory_space<vmem_shared>>
        tpu.enqueue_indirect_dma source(%arg16 : memref<48x128xf32, #tpu.memory_space<vmem>>) target(%dma_start3A_153 : memref<2560x128xf32, #tpu.memory_space<vmem_shared>>) offsets(%dma_start3A_150 : memref<48xi32, #tpu.memory_space<vmem>>) semaphore(%run_scoped3A : memref<!tpu.dma_semaphore, #tpu.memory_space<semaphore_mem>>) {add = true}
        %dma_wait3A = arith.constant 0 : i32
        %dma_wait3A_154 = tpu.memref_slice %arg10[%scan3A_136, %dma_wait3A] : memref<125x48xi32, #tpu.memory_space<vmem>> -> memref<1x48xi32, #tpu.memory_space<vmem>>
        %dma_wait3A_155 = tpu.memref_squeeze %dma_wait3A_154 : memref<1x48xi32, #tpu.memory_space<vmem>> -> memref<48xi32, #tpu.memory_space<vmem>>
        %dma_wait3A_156 = arith.constant 0 : i32
        %dma_wait3A_157 = arith.constant 0 : i32
        %dma_wait3A_158 = tpu.memref_slice %arg19[%dma_wait3A_156, %dma_wait3A_157] : memref<2560x128xf32, #tpu.memory_space<vmem_shared>> -> memref<2560x128xf32, #tpu.memory_space<vmem_shared>>
        tpu.wait_indirect_dma semaphore(%run_scoped3A : memref<!tpu.dma_semaphore, #tpu.memory_space<semaphore_mem>>) src(%arg16 : memref<48x128xf32, #tpu.memory_space<vmem>>) dst(%dma_wait3A_158 : memref<2560x128xf32, #tpu.memory_space<vmem_shared>>)
        tpu.yield
      }) : () -> ()
      %scan3A_148 = arith.constant 0 : i32
      scf.yield %scan3A_148 : i32
    }
    %scan3A_118 = arith.constant 125 : i32
    %barrier3A_119 = arith.constant 0 : index
    tpu.barrier barrier_id(%barrier3A_119)
    %mul3A_120 = arith.constant 160 : i32
    %mul3A_121 = arith.muli %arg1, %mul3A_120 : i32
    %mul3A_122 = arith.constant 160 : i32
    %mul3A_123 = arith.muli %arg1, %mul3A_122 : i32
    %add3A_124 = arith.constant 7680 : i32
    %add3A_125 = arith.addi %add3A_124, %mul3A_123 : i32
    %eq3A_126 = arith.constant 0 : i32
    %eq3A_127 = arith.cmpi eq, %arg0, %eq3A_126 : i32
    %convert_element_type3A_128 = arith.extui %eq3A_127 : i1 to i32
    %cond3A_129 = arith.constant 0 : i32
    %cond3A_130 = arith.cmpi ne, %convert_element_type3A_128, %cond3A_129 : i32
    scf.if %cond3A_130 {
      "tpu.region"() ({
        %run_scoped3A = tpu.sem_alloc : memref<!tpu.dma_semaphore, #tpu.memory_space<semaphore_mem>>
        %dma_start3A = arith.constant 0 : i32
        %dma_start3A_136 = tpu.memref_slice %arg8[%add3A_125, %dma_start3A] : memref<10240x128xf32, #tpu.memory_space<hbm>> -> memref<160x128xf32, #tpu.memory_space<hbm>>
        %dma_start3A_137 = arith.constant 0 : i32
        %dma_start3A_138 = tpu.memref_slice %arg19[%mul3A_121, %dma_start3A_137] : memref<2560x128xf32, #tpu.memory_space<vmem_shared>> -> memref<160x128xf32, #tpu.memory_space<vmem_shared>>
        tpu.enqueue_dma source(%dma_start3A_138 : memref<160x128xf32, #tpu.memory_space<vmem_shared>>) target(%dma_start3A_136 : memref<160x128xf32, #tpu.memory_space<hbm>>) target_semaphore(%run_scoped3A : memref<!tpu.dma_semaphore, #tpu.memory_space<semaphore_mem>>)
        %dma_wait3A = arith.constant 0 : i32
        %dma_wait3A_139 = tpu.memref_slice %arg8[%add3A_125, %dma_wait3A] : memref<10240x128xf32, #tpu.memory_space<hbm>> -> memref<160x128xf32, #tpu.memory_space<hbm>>
        %dma_wait3A_140 = arith.constant 0 : i32
        %dma_wait3A_141 = tpu.memref_slice %arg19[%mul3A_121, %dma_wait3A_140] : memref<2560x128xf32, #tpu.memory_space<vmem_shared>> -> memref<160x128xf32, #tpu.memory_space<vmem_shared>>
        tpu.wait_dma2 semaphore(%run_scoped3A : memref<!tpu.dma_semaphore, #tpu.memory_space<semaphore_mem>>) src(%dma_wait3A_141 : memref<160x128xf32, #tpu.memory_space<vmem_shared>>) dst(%dma_wait3A_139 : memref<160x128xf32, #tpu.memory_space<hbm>>)
        tpu.yield
      }) : () -> ()
    } else {
    }
    %eq3A_131 = arith.constant 1 : i32
    %eq3A_132 = arith.cmpi eq, %arg0, %eq3A_131 : i32
    %convert_element_type3A_133 = arith.extui %eq3A_132 : i1 to i32
    %cond3A_134 = arith.constant 0 : i32
    %cond3A_135 = arith.cmpi ne, %convert_element_type3A_133, %cond3A_134 : i32
    scf.if %cond3A_135 {
      "tpu.region"() ({
        %run_scoped3A = tpu.sem_alloc : memref<!tpu.dma_semaphore, #tpu.memory_space<semaphore_mem>>
        %dma_start3A = arith.constant 0 : i32
        %dma_start3A_136 = tpu.memref_slice %arg9[%add3A_125, %dma_start3A] : memref<10240x128xf32, #tpu.memory_space<hbm>> -> memref<160x128xf32, #tpu.memory_space<hbm>>
        %dma_start3A_137 = arith.constant 0 : i32
        %dma_start3A_138 = tpu.memref_slice %arg19[%mul3A_121, %dma_start3A_137] : memref<2560x128xf32, #tpu.memory_space<vmem_shared>> -> memref<160x128xf32, #tpu.memory_space<vmem_shared>>
        tpu.enqueue_dma source(%dma_start3A_138 : memref<160x128xf32, #tpu.memory_space<vmem_shared>>) target(%dma_start3A_136 : memref<160x128xf32, #tpu.memory_space<hbm>>) target_semaphore(%run_scoped3A : memref<!tpu.dma_semaphore, #tpu.memory_space<semaphore_mem>>)
        %dma_wait3A = arith.constant 0 : i32
        %dma_wait3A_139 = tpu.memref_slice %arg9[%add3A_125, %dma_wait3A] : memref<10240x128xf32, #tpu.memory_space<hbm>> -> memref<160x128xf32, #tpu.memory_space<hbm>>
        %dma_wait3A_140 = arith.constant 0 : i32
        %dma_wait3A_141 = tpu.memref_slice %arg19[%mul3A_121, %dma_wait3A_140] : memref<2560x128xf32, #tpu.memory_space<vmem_shared>> -> memref<160x128xf32, #tpu.memory_space<vmem_shared>>
        tpu.wait_dma2 semaphore(%run_scoped3A : memref<!tpu.dma_semaphore, #tpu.memory_space<semaphore_mem>>) src(%dma_wait3A_141 : memref<160x128xf32, #tpu.memory_space<vmem_shared>>) dst(%dma_wait3A_139 : memref<160x128xf32, #tpu.memory_space<hbm>>)
        tpu.yield
      }) : () -> ()
    } else {
    }
    return
  }
}

#map = affine_map<(d0, d1) -> (0, 0, 0)>
#map1 = affine_map<(d0, d1) -> (0, 0)>
module attributes {stable_mosaic.version = 14 : i64} {
  func.func @_sc_out(%arg0: i32, %arg1: i32, %arg2: memref<4000x48x16xf32, #tpu.memory_space<hbm>>, %arg3: memref<10240x128xf32, #tpu.memory_space<hbm>>, %arg4: memref<10240x128xf32, #tpu.memory_space<hbm>>, %arg5: memref<64x125x48xi32, #tpu.memory_space<hbm>>, %arg6: memref<32x125x48xi32, #tpu.memory_space<hbm>>, %arg7: memref<10240x128xf32, #tpu.memory_space<hbm>>, %arg8: memref<10240x128xf32, #tpu.memory_space<hbm>>, %arg9: memref<125x48xi32, #tpu.memory_space<vmem>>, %arg10: memref<125x48xi32, #tpu.memory_space<vmem>>, %arg11: memref<48x16xf32, #tpu.memory_space<vmem>>, %arg12: memref<48x128xf32, #tpu.memory_space<vmem>>, %arg13: memref<160x128xf32, #tpu.memory_space<vmem>>, %arg14: memref<5120x128xf32, #tpu.memory_space<vmem_shared>>) attributes {dimension_semantics = [#tpu.dimension_semantics<core_parallel>, #tpu.dimension_semantics<subcore_parallel>], iteration_bounds = array<i64: 2, 16>, scalar_prefetch = 0 : i64, scratch_operands = 6 : i64, tpu.core_type = #tpu.core_type<sc_vector_subcore>, window_params = [{transform_indices = #map}, {transform_indices = #map1}, {transform_indices = #map1}, {transform_indices = #map}, {transform_indices = #map}, {transform_indices = #map1}, {transform_indices = #map1}]} {
    %mul3A = arith.constant 16 : i32
    %mul3A_0 = arith.muli %arg0, %mul3A : i32
    %add3A = arith.addi %mul3A_0, %arg1 : i32
    %scan3A = arith.constant 0 : i32
    %scan3A_1 = arith.constant 0 : i32
    %scan3A_2 = arith.constant 160 : i32
    %scan3A_3 = arith.addi %scan3A_1, %scan3A_2 : i32
    %scan3A_4 = arith.constant 1 : i32
    %scan3A_5 = scf.for %scan3A_73 = %scan3A_1 to %scan3A_3 step %scan3A_4 iter_args(%scan3A_74 = %scan3A) -> (i32)  : i32 {
      %broadcast_in_dim3A = arith.constant 0.000000e+00 : f32
      %broadcast_in_dim3A_75 = vector.broadcast %broadcast_in_dim3A : f32 to vector<16xf32>
      %swap3A = arith.index_cast %scan3A_73 : i32 to index
      %swap3A_76 = arith.constant 0 : index
      %swap3A_77 = tpu.vector_load %arg13[%swap3A, %swap3A_76] {strides = array<i32>} : memref<160x128xf32, #tpu.memory_space<vmem>>, vector<1x16xf32>,
      %swap3A_78 = vector.shape_cast %swap3A_77 : vector<1x16xf32> to vector<16xf32>
      %swap3A_79 = vector.shape_cast %broadcast_in_dim3A_75 : vector<16xf32> to vector<1x16xf32>
      tpu.vector_store %arg13[%swap3A, %swap3A_76], %swap3A_79 {strides = array<i32>} : memref<160x128xf32, #tpu.memory_space<vmem>>, vector<1x16xf32>,
      %broadcast_in_dim3A_80 = arith.constant 0.000000e+00 : f32
      %broadcast_in_dim3A_81 = vector.broadcast %broadcast_in_dim3A_80 : f32 to vector<16xf32>
      %swap3A_82 = arith.index_cast %scan3A_73 : i32 to index
      %swap3A_83 = arith.constant 16 : index
      %swap3A_84 = tpu.vector_load %arg13[%swap3A_82, %swap3A_83] {strides = array<i32>} : memref<160x128xf32, #tpu.memory_space<vmem>>, vector<1x16xf32>,
      %swap3A_85 = vector.shape_cast %swap3A_84 : vector<1x16xf32> to vector<16xf32>
      %swap3A_86 = vector.shape_cast %broadcast_in_dim3A_81 : vector<16xf32> to vector<1x16xf32>
      tpu.vector_store %arg13[%swap3A_82, %swap3A_83], %swap3A_86 {strides = array<i32>} : memref<160x128xf32, #tpu.memory_space<vmem>>, vector<1x16xf32>,
      %broadcast_in_dim3A_87 = arith.constant 0.000000e+00 : f32
      %broadcast_in_dim3A_88 = vector.broadcast %broadcast_in_dim3A_87 : f32 to vector<16xf32>
      %swap3A_89 = arith.index_cast %scan3A_73 : i32 to index
      %swap3A_90 = arith.constant 32 : index
      %swap3A_91 = tpu.vector_load %arg13[%swap3A_89, %swap3A_90] {strides = array<i32>} : memref<160x128xf32, #tpu.memory_space<vmem>>, vector<1x16xf32>,
      %swap3A_92 = vector.shape_cast %swap3A_91 : vector<1x16xf32> to vector<16xf32>
      %swap3A_93 = vector.shape_cast %broadcast_in_dim3A_88 : vector<16xf32> to vector<1x16xf32>
      tpu.vector_store %arg13[%swap3A_89, %swap3A_90], %swap3A_93 {strides = array<i32>} : memref<160x128xf32, #tpu.memory_space<vmem>>, vector<1x16xf32>,
      %broadcast_in_dim3A_94 = arith.constant 0.000000e+00 : f32
      %broadcast_in_dim3A_95 = vector.broadcast %broadcast_in_dim3A_94 : f32 to vector<16xf32>
      %swap3A_96 = arith.index_cast %scan3A_73 : i32 to index
      %swap3A_97 = arith.constant 48 : index
      %swap3A_98 = tpu.vector_load %arg13[%swap3A_96, %swap3A_97] {strides = array<i32>} : memref<160x128xf32, #tpu.memory_space<vmem>>, vector<1x16xf32>,
      %swap3A_99 = vector.shape_cast %swap3A_98 : vector<1x16xf32> to vector<16xf32>
      %swap3A_100 = vector.shape_cast %broadcast_in_dim3A_95 : vector<16xf32> to vector<1x16xf32>
      tpu.vector_store %arg13[%swap3A_96, %swap3A_97], %swap3A_100 {strides = array<i32>} : memref<160x128xf32, #tpu.memory_space<vmem>>, vector<1x16xf32>,
      %broadcast_in_dim3A_101 = arith.constant 0.000000e+00 : f32
      %broadcast_in_dim3A_102 = vector.broadcast %broadcast_in_dim3A_101 : f32 to vector<16xf32>
      %swap3A_103 = arith.index_cast %scan3A_73 : i32 to index
      %swap3A_104 = arith.constant 64 : index
      %swap3A_105 = tpu.vector_load %arg13[%swap3A_103, %swap3A_104] {strides = array<i32>} : memref<160x128xf32, #tpu.memory_space<vmem>>, vector<1x16xf32>,
      %swap3A_106 = vector.shape_cast %swap3A_105 : vector<1x16xf32> to vector<16xf32>
      %swap3A_107 = vector.shape_cast %broadcast_in_dim3A_102 : vector<16xf32> to vector<1x16xf32>
      tpu.vector_store %arg13[%swap3A_103, %swap3A_104], %swap3A_107 {strides = array<i32>} : memref<160x128xf32, #tpu.memory_space<vmem>>, vector<1x16xf32>,
      %broadcast_in_dim3A_108 = arith.constant 0.000000e+00 : f32
      %broadcast_in_dim3A_109 = vector.broadcast %broadcast_in_dim3A_108 : f32 to vector<16xf32>
      %swap3A_110 = arith.index_cast %scan3A_73 : i32 to index
      %swap3A_111 = arith.constant 80 : index
      %swap3A_112 = tpu.vector_load %arg13[%swap3A_110, %swap3A_111] {strides = array<i32>} : memref<160x128xf32, #tpu.memory_space<vmem>>, vector<1x16xf32>,
      %swap3A_113 = vector.shape_cast %swap3A_112 : vector<1x16xf32> to vector<16xf32>
      %swap3A_114 = vector.shape_cast %broadcast_in_dim3A_109 : vector<16xf32> to vector<1x16xf32>
      tpu.vector_store %arg13[%swap3A_110, %swap3A_111], %swap3A_114 {strides = array<i32>} : memref<160x128xf32, #tpu.memory_space<vmem>>, vector<1x16xf32>,
      %broadcast_in_dim3A_115 = arith.constant 0.000000e+00 : f32
      %broadcast_in_dim3A_116 = vector.broadcast %broadcast_in_dim3A_115 : f32 to vector<16xf32>
      %swap3A_117 = arith.index_cast %scan3A_73 : i32 to index
      %swap3A_118 = arith.constant 96 : index
      %swap3A_119 = tpu.vector_load %arg13[%swap3A_117, %swap3A_118] {strides = array<i32>} : memref<160x128xf32, #tpu.memory_space<vmem>>, vector<1x16xf32>,
      %swap3A_120 = vector.shape_cast %swap3A_119 : vector<1x16xf32> to vector<16xf32>
      %swap3A_121 = vector.shape_cast %broadcast_in_dim3A_116 : vector<16xf32> to vector<1x16xf32>
      tpu.vector_store %arg13[%swap3A_117, %swap3A_118], %swap3A_121 {strides = array<i32>} : memref<160x128xf32, #tpu.memory_space<vmem>>, vector<1x16xf32>,
      %broadcast_in_dim3A_122 = arith.constant 0.000000e+00 : f32
      %broadcast_in_dim3A_123 = vector.broadcast %broadcast_in_dim3A_122 : f32 to vector<16xf32>
      %swap3A_124 = arith.index_cast %scan3A_73 : i32 to index
      %swap3A_125 = arith.constant 112 : index
      %swap3A_126 = tpu.vector_load %arg13[%swap3A_124, %swap3A_125] {strides = array<i32>} : memref<160x128xf32, #tpu.memory_space<vmem>>, vector<1x16xf32>,
      %swap3A_127 = vector.shape_cast %swap3A_126 : vector<1x16xf32> to vector<16xf32>
      %swap3A_128 = vector.shape_cast %broadcast_in_dim3A_123 : vector<16xf32> to vector<1x16xf32>
      tpu.vector_store %arg13[%swap3A_124, %swap3A_125], %swap3A_128 {strides = array<i32>} : memref<160x128xf32, #tpu.memory_space<vmem>>, vector<1x16xf32>,
      %scan3A_129 = arith.constant 0 : i32
      scf.yield %scan3A_129 : i32
    }
    %scan3A_6 = arith.constant 160 : i32
    "tpu.region"() ({
      %run_scoped3A = tpu.sem_alloc : memref<!tpu.dma_semaphore, #tpu.memory_space<semaphore_mem>>
      %dma_start3A = arith.constant 0 : i32
      %dma_start3A_73 = arith.constant 0 : i32
      %dma_start3A_74 = tpu.memref_slice %arg6[%add3A, %dma_start3A, %dma_start3A_73] : memref<32x125x48xi32, #tpu.memory_space<hbm>> -> memref<1x125x48xi32, #tpu.memory_space<hbm>>
      %dma_start3A_75 = tpu.memref_squeeze %dma_start3A_74 : memref<1x125x48xi32, #tpu.memory_space<hbm>> -> memref<125x48xi32, #tpu.memory_space<hbm>>
      %dma_start3A_76 = arith.constant 0 : i32
      %dma_start3A_77 = arith.constant 0 : i32
      %dma_start3A_78 = tpu.memref_slice %arg6[%add3A, %dma_start3A_76, %dma_start3A_77] : memref<32x125x48xi32, #tpu.memory_space<hbm>> -> memref<1x125x48xi32, #tpu.memory_space<hbm>>
      %dma_start3A_79 = tpu.memref_squeeze %dma_start3A_78 : memref<1x125x48xi32, #tpu.memory_space<hbm>> -> memref<125x48xi32, #tpu.memory_space<hbm>>
      tpu.enqueue_dma source(%dma_start3A_79 : memref<125x48xi32, #tpu.memory_space<hbm>>) target(%arg10 : memref<125x48xi32, #tpu.memory_space<vmem>>) target_semaphore(%run_scoped3A : memref<!tpu.dma_semaphore, #tpu.memory_space<semaphore_mem>>)
      %dma_wait3A = arith.constant 0 : i32
      %dma_wait3A_80 = arith.constant 0 : i32
      %dma_wait3A_81 = tpu.memref_slice %arg6[%add3A, %dma_wait3A, %dma_wait3A_80] : memref<32x125x48xi32, #tpu.memory_space<hbm>> -> memref<1x125x48xi32, #tpu.memory_space<hbm>>
      %dma_wait3A_82 = tpu.memref_squeeze %dma_wait3A_81 : memref<1x125x48xi32, #tpu.memory_space<hbm>> -> memref<125x48xi32, #tpu.memory_space<hbm>>
      %dma_wait3A_83 = arith.constant 0 : i32
      %dma_wait3A_84 = arith.constant 0 : i32
      %dma_wait3A_85 = tpu.memref_slice %arg6[%add3A, %dma_wait3A_83, %dma_wait3A_84] : memref<32x125x48xi32, #tpu.memory_space<hbm>> -> memref<1x125x48xi32, #tpu.memory_space<hbm>>
      %dma_wait3A_86 = tpu.memref_squeeze %dma_wait3A_85 : memref<1x125x48xi32, #tpu.memory_space<hbm>> -> memref<125x48xi32, #tpu.memory_space<hbm>>
      tpu.wait_dma2 semaphore(%run_scoped3A : memref<!tpu.dma_semaphore, #tpu.memory_space<semaphore_mem>>) src(%dma_wait3A_86 : memref<125x48xi32, #tpu.memory_space<hbm>>) dst(%arg10 : memref<125x48xi32, #tpu.memory_space<vmem>>)
      tpu.yield
    }) : () -> ()
    %mul3A_7 = arith.constant 320 : i32
    %mul3A_8 = arith.muli %arg1, %mul3A_7 : i32
    %add3A_9 = arith.constant 0 : i32
    %add3A_10 = arith.addi %mul3A_8, %add3A_9 : i32
    "tpu.region"() ({
      %run_scoped3A = tpu.sem_alloc : memref<!tpu.dma_semaphore, #tpu.memory_space<semaphore_mem>>
      %dma_start3A = arith.constant 0 : i32
      %dma_start3A_73 = tpu.memref_slice %arg14[%add3A_10, %dma_start3A] : memref<5120x128xf32, #tpu.memory_space<vmem_shared>> -> memref<160x128xf32, #tpu.memory_space<vmem_shared>>
      %dma_start3A_74 = arith.constant 0 : i32
      %dma_start3A_75 = tpu.memref_slice %arg14[%add3A_10, %dma_start3A_74] : memref<5120x128xf32, #tpu.memory_space<vmem_shared>> -> memref<160x128xf32, #tpu.memory_space<vmem_shared>>
      tpu.enqueue_dma source(%arg13 : memref<160x128xf32, #tpu.memory_space<vmem>>) target(%dma_start3A_75 : memref<160x128xf32, #tpu.memory_space<vmem_shared>>) target_semaphore(%run_scoped3A : memref<!tpu.dma_semaphore, #tpu.memory_space<semaphore_mem>>)
      %dma_wait3A = arith.constant 0 : i32
      %dma_wait3A_76 = tpu.memref_slice %arg14[%add3A_10, %dma_wait3A] : memref<5120x128xf32, #tpu.memory_space<vmem_shared>> -> memref<160x128xf32, #tpu.memory_space<vmem_shared>>
      %dma_wait3A_77 = arith.constant 0 : i32
      %dma_wait3A_78 = tpu.memref_slice %arg14[%add3A_10, %dma_wait3A_77] : memref<5120x128xf32, #tpu.memory_space<vmem_shared>> -> memref<160x128xf32, #tpu.memory_space<vmem_shared>>
      tpu.wait_dma2 semaphore(%run_scoped3A : memref<!tpu.dma_semaphore, #tpu.memory_space<semaphore_mem>>) src(%arg13 : memref<160x128xf32, #tpu.memory_space<vmem>>) dst(%dma_wait3A_78 : memref<160x128xf32, #tpu.memory_space<vmem_shared>>)
      tpu.yield
    }) : () -> ()
    %mul3A_11 = arith.constant 320 : i32
    %mul3A_12 = arith.muli %arg1, %mul3A_11 : i32
    %add3A_13 = arith.constant 160 : i32
    %add3A_14 = arith.addi %mul3A_12, %add3A_13 : i32
    "tpu.region"() ({
      %run_scoped3A = tpu.sem_alloc : memref<!tpu.dma_semaphore, #tpu.memory_space<semaphore_mem>>
      %dma_start3A = arith.constant 0 : i32
      %dma_start3A_73 = tpu.memref_slice %arg14[%add3A_14, %dma_start3A] : memref<5120x128xf32, #tpu.memory_space<vmem_shared>> -> memref<160x128xf32, #tpu.memory_space<vmem_shared>>
      %dma_start3A_74 = arith.constant 0 : i32
      %dma_start3A_75 = tpu.memref_slice %arg14[%add3A_14, %dma_start3A_74] : memref<5120x128xf32, #tpu.memory_space<vmem_shared>> -> memref<160x128xf32, #tpu.memory_space<vmem_shared>>
      tpu.enqueue_dma source(%arg13 : memref<160x128xf32, #tpu.memory_space<vmem>>) target(%dma_start3A_75 : memref<160x128xf32, #tpu.memory_space<vmem_shared>>) target_semaphore(%run_scoped3A : memref<!tpu.dma_semaphore, #tpu.memory_space<semaphore_mem>>)
      %dma_wait3A = arith.constant 0 : i32
      %dma_wait3A_76 = tpu.memref_slice %arg14[%add3A_14, %dma_wait3A] : memref<5120x128xf32, #tpu.memory_space<vmem_shared>> -> memref<160x128xf32, #tpu.memory_space<vmem_shared>>
      %dma_wait3A_77 = arith.constant 0 : i32
      %dma_wait3A_78 = tpu.memref_slice %arg14[%add3A_14, %dma_wait3A_77] : memref<5120x128xf32, #tpu.memory_space<vmem_shared>> -> memref<160x128xf32, #tpu.memory_space<vmem_shared>>
      tpu.wait_dma2 semaphore(%run_scoped3A : memref<!tpu.dma_semaphore, #tpu.memory_space<semaphore_mem>>) src(%arg13 : memref<160x128xf32, #tpu.memory_space<vmem>>) dst(%dma_wait3A_78 : memref<160x128xf32, #tpu.memory_space<vmem_shared>>)
      tpu.yield
    }) : () -> ()
    %barrier3A = arith.constant 0 : index
    tpu.barrier barrier_id(%barrier3A)
    %add3A_15 = arith.constant 0 : i32
    %add3A_16 = arith.addi %add3A_15, %add3A : i32
    "tpu.region"() ({
      %run_scoped3A = tpu.sem_alloc : memref<!tpu.dma_semaphore, #tpu.memory_space<semaphore_mem>>
      %dma_start3A = arith.constant 0 : i32
      %dma_start3A_73 = arith.constant 0 : i32
      %dma_start3A_74 = tpu.memref_slice %arg5[%add3A_16, %dma_start3A, %dma_start3A_73] : memref<64x125x48xi32, #tpu.memory_space<hbm>> -> memref<1x125x48xi32, #tpu.memory_space<hbm>>
      %dma_start3A_75 = tpu.memref_squeeze %dma_start3A_74 : memref<1x125x48xi32, #tpu.memory_space<hbm>> -> memref<125x48xi32, #tpu.memory_space<hbm>>
      %dma_start3A_76 = arith.constant 0 : i32
      %dma_start3A_77 = arith.constant 0 : i32
      %dma_start3A_78 = tpu.memref_slice %arg5[%add3A_16, %dma_start3A_76, %dma_start3A_77] : memref<64x125x48xi32, #tpu.memory_space<hbm>> -> memref<1x125x48xi32, #tpu.memory_space<hbm>>
      %dma_start3A_79 = tpu.memref_squeeze %dma_start3A_78 : memref<1x125x48xi32, #tpu.memory_space<hbm>> -> memref<125x48xi32, #tpu.memory_space<hbm>>
      tpu.enqueue_dma source(%dma_start3A_79 : memref<125x48xi32, #tpu.memory_space<hbm>>) target(%arg9 : memref<125x48xi32, #tpu.memory_space<vmem>>) target_semaphore(%run_scoped3A : memref<!tpu.dma_semaphore, #tpu.memory_space<semaphore_mem>>)
      %dma_wait3A = arith.constant 0 : i32
      %dma_wait3A_80 = arith.constant 0 : i32
      %dma_wait3A_81 = tpu.memref_slice %arg5[%add3A_16, %dma_wait3A, %dma_wait3A_80] : memref<64x125x48xi32, #tpu.memory_space<hbm>> -> memref<1x125x48xi32, #tpu.memory_space<hbm>>
      %dma_wait3A_82 = tpu.memref_squeeze %dma_wait3A_81 : memref<1x125x48xi32, #tpu.memory_space<hbm>> -> memref<125x48xi32, #tpu.memory_space<hbm>>
      %dma_wait3A_83 = arith.constant 0 : i32
      %dma_wait3A_84 = arith.constant 0 : i32
      %dma_wait3A_85 = tpu.memref_slice %arg5[%add3A_16, %dma_wait3A_83, %dma_wait3A_84] : memref<64x125x48xi32, #tpu.memory_space<hbm>> -> memref<1x125x48xi32, #tpu.memory_space<hbm>>
      %dma_wait3A_86 = tpu.memref_squeeze %dma_wait3A_85 : memref<1x125x48xi32, #tpu.memory_space<hbm>> -> memref<125x48xi32, #tpu.memory_space<hbm>>
      tpu.wait_dma2 semaphore(%run_scoped3A : memref<!tpu.dma_semaphore, #tpu.memory_space<semaphore_mem>>) src(%dma_wait3A_86 : memref<125x48xi32, #tpu.memory_space<hbm>>) dst(%arg9 : memref<125x48xi32, #tpu.memory_space<vmem>>)
      tpu.yield
    }) : () -> ()
    %scan3A_17 = arith.constant 0 : i32
    %scan3A_18 = arith.constant 0 : i32
    %scan3A_19 = arith.constant 125 : i32
    %scan3A_20 = arith.addi %scan3A_18, %scan3A_19 : i32
    %scan3A_21 = arith.constant 1 : i32
    %scan3A_22 = scf.for %scan3A_73 = %scan3A_18 to %scan3A_20 step %scan3A_21 iter_args(%scan3A_74 = %scan3A_17) -> (i32)  : i32 {
      %mul3A_75 = arith.constant 125 : i32
      %mul3A_76 = arith.muli %add3A, %mul3A_75 : i32
      %add3A_77 = arith.addi %mul3A_76, %scan3A_73 : i32
      "tpu.region"() ({
        %run_scoped3A = tpu.sem_alloc : memref<!tpu.dma_semaphore, #tpu.memory_space<semaphore_mem>>
        %dma_start3A = arith.constant 0 : i32
        %dma_start3A_96 = arith.constant 0 : i32
        %dma_start3A_97 = tpu.memref_slice %arg2[%add3A_77, %dma_start3A, %dma_start3A_96] : memref<4000x48x16xf32, #tpu.memory_space<hbm>> -> memref<1x48x16xf32, #tpu.memory_space<hbm>>
        %dma_start3A_98 = tpu.memref_squeeze %dma_start3A_97 : memref<1x48x16xf32, #tpu.memory_space<hbm>> -> memref<48x16xf32, #tpu.memory_space<hbm>>
        %dma_start3A_99 = arith.constant 0 : i32
        %dma_start3A_100 = arith.constant 0 : i32
        %dma_start3A_101 = tpu.memref_slice %arg2[%add3A_77, %dma_start3A_99, %dma_start3A_100] : memref<4000x48x16xf32, #tpu.memory_space<hbm>> -> memref<1x48x16xf32, #tpu.memory_space<hbm>>
        %dma_start3A_102 = tpu.memref_squeeze %dma_start3A_101 : memref<1x48x16xf32, #tpu.memory_space<hbm>> -> memref<48x16xf32, #tpu.memory_space<hbm>>
        tpu.enqueue_dma source(%dma_start3A_102 : memref<48x16xf32, #tpu.memory_space<hbm>>) target(%arg11 : memref<48x16xf32, #tpu.memory_space<vmem>>) target_semaphore(%run_scoped3A : memref<!tpu.dma_semaphore, #tpu.memory_space<semaphore_mem>>)
        %dma_wait3A = arith.constant 0 : i32
        %dma_wait3A_103 = arith.constant 0 : i32
        %dma_wait3A_104 = tpu.memref_slice %arg2[%add3A_77, %dma_wait3A, %dma_wait3A_103] : memref<4000x48x16xf32, #tpu.memory_space<hbm>> -> memref<1x48x16xf32, #tpu.memory_space<hbm>>
        %dma_wait3A_105 = tpu.memref_squeeze %dma_wait3A_104 : memref<1x48x16xf32, #tpu.memory_space<hbm>> -> memref<48x16xf32, #tpu.memory_space<hbm>>
        %dma_wait3A_106 = arith.constant 0 : i32
        %dma_wait3A_107 = arith.constant 0 : i32
        %dma_wait3A_108 = tpu.memref_slice %arg2[%add3A_77, %dma_wait3A_106, %dma_wait3A_107] : memref<4000x48x16xf32, #tpu.memory_space<hbm>> -> memref<1x48x16xf32, #tpu.memory_space<hbm>>
        %dma_wait3A_109 = tpu.memref_squeeze %dma_wait3A_108 : memref<1x48x16xf32, #tpu.memory_space<hbm>> -> memref<48x16xf32, #tpu.memory_space<hbm>>
        tpu.wait_dma2 semaphore(%run_scoped3A : memref<!tpu.dma_semaphore, #tpu.memory_space<semaphore_mem>>) src(%dma_wait3A_109 : memref<48x16xf32, #tpu.memory_space<hbm>>) dst(%arg11 : memref<48x16xf32, #tpu.memory_space<vmem>>)
        tpu.yield
      }) : () -> ()
      %eq3A_78 = arith.constant 0 : i32
      %eq3A_79 = arith.cmpi eq, %arg0, %eq3A_78 : i32
      %convert_element_type3A_80 = arith.extui %eq3A_79 : i1 to i32
      %cond3A_81 = arith.constant 0 : i32
      %cond3A_82 = arith.cmpi ne, %convert_element_type3A_80, %cond3A_81 : i32
      scf.if %cond3A_82 {
        "tpu.region"() ({
          %run_scoped3A = tpu.sem_alloc : memref<!tpu.dma_semaphore, #tpu.memory_space<semaphore_mem>>
          %dma_start3A = arith.constant 0 : i32
          %dma_start3A_96 = tpu.memref_slice %arg10[%scan3A_73, %dma_start3A] : memref<125x48xi32, #tpu.memory_space<vmem>> -> memref<1x48xi32, #tpu.memory_space<vmem>>
          %dma_start3A_97 = tpu.memref_squeeze %dma_start3A_96 : memref<1x48xi32, #tpu.memory_space<vmem>> -> memref<48xi32, #tpu.memory_space<vmem>>
          %dma_start3A_98 = arith.constant 0 : i32
          %dma_start3A_99 = arith.constant 0 : i32
          %dma_start3A_100 = tpu.memref_slice %arg3[%dma_start3A_98, %dma_start3A_99] : memref<10240x128xf32, #tpu.memory_space<hbm>> -> memref<10240x128xf32, #tpu.memory_space<hbm>>
          tpu.enqueue_indirect_dma source(%dma_start3A_100 : memref<10240x128xf32, #tpu.memory_space<hbm>>) target(%arg12 : memref<48x128xf32, #tpu.memory_space<vmem>>) offsets(%dma_start3A_97 : memref<48xi32, #tpu.memory_space<vmem>>) semaphore(%run_scoped3A : memref<!tpu.dma_semaphore, #tpu.memory_space<semaphore_mem>>)
          %dma_wait3A = arith.constant 0 : i32
          %dma_wait3A_101 = tpu.memref_slice %arg10[%scan3A_73, %dma_wait3A] : memref<125x48xi32, #tpu.memory_space<vmem>> -> memref<1x48xi32, #tpu.memory_space<vmem>>
          %dma_wait3A_102 = tpu.memref_squeeze %dma_wait3A_101 : memref<1x48xi32, #tpu.memory_space<vmem>> -> memref<48xi32, #tpu.memory_space<vmem>>
          %dma_wait3A_103 = arith.constant 0 : i32
          %dma_wait3A_104 = arith.constant 0 : i32
          %dma_wait3A_105 = tpu.memref_slice %arg3[%dma_wait3A_103, %dma_wait3A_104] : memref<10240x128xf32, #tpu.memory_space<hbm>> -> memref<10240x128xf32, #tpu.memory_space<hbm>>
          tpu.wait_indirect_dma semaphore(%run_scoped3A : memref<!tpu.dma_semaphore, #tpu.memory_space<semaphore_mem>>) src(%dma_wait3A_105 : memref<10240x128xf32, #tpu.memory_space<hbm>>) dst(%arg12 : memref<48x128xf32, #tpu.memory_space<vmem>>)
          tpu.yield
        }) : () -> ()
      } else {
      }
      %eq3A_83 = arith.constant 1 : i32
      %eq3A_84 = arith.cmpi eq, %arg0, %eq3A_83 : i32
      %convert_element_type3A_85 = arith.extui %eq3A_84 : i1 to i32
      %cond3A_86 = arith.constant 0 : i32
      %cond3A_87 = arith.cmpi ne, %convert_element_type3A_85, %cond3A_86 : i32
      scf.if %cond3A_87 {
        "tpu.region"() ({
          %run_scoped3A = tpu.sem_alloc : memref<!tpu.dma_semaphore, #tpu.memory_space<semaphore_mem>>
          %dma_start3A = arith.constant 0 : i32
          %dma_start3A_96 = tpu.memref_slice %arg10[%scan3A_73, %dma_start3A] : memref<125x48xi32, #tpu.memory_space<vmem>> -> memref<1x48xi32, #tpu.memory_space<vmem>>
          %dma_start3A_97 = tpu.memref_squeeze %dma_start3A_96 : memref<1x48xi32, #tpu.memory_space<vmem>> -> memref<48xi32, #tpu.memory_space<vmem>>
          %dma_start3A_98 = arith.constant 0 : i32
          %dma_start3A_99 = arith.constant 0 : i32
          %dma_start3A_100 = tpu.memref_slice %arg4[%dma_start3A_98, %dma_start3A_99] : memref<10240x128xf32, #tpu.memory_space<hbm>> -> memref<10240x128xf32, #tpu.memory_space<hbm>>
          tpu.enqueue_indirect_dma source(%dma_start3A_100 : memref<10240x128xf32, #tpu.memory_space<hbm>>) target(%arg12 : memref<48x128xf32, #tpu.memory_space<vmem>>) offsets(%dma_start3A_97 : memref<48xi32, #tpu.memory_space<vmem>>) semaphore(%run_scoped3A : memref<!tpu.dma_semaphore, #tpu.memory_space<semaphore_mem>>)
          %dma_wait3A = arith.constant 0 : i32
          %dma_wait3A_101 = tpu.memref_slice %arg10[%scan3A_73, %dma_wait3A] : memref<125x48xi32, #tpu.memory_space<vmem>> -> memref<1x48xi32, #tpu.memory_space<vmem>>
          %dma_wait3A_102 = tpu.memref_squeeze %dma_wait3A_101 : memref<1x48xi32, #tpu.memory_space<vmem>> -> memref<48xi32, #tpu.memory_space<vmem>>
          %dma_wait3A_103 = arith.constant 0 : i32
          %dma_wait3A_104 = arith.constant 0 : i32
          %dma_wait3A_105 = tpu.memref_slice %arg4[%dma_wait3A_103, %dma_wait3A_104] : memref<10240x128xf32, #tpu.memory_space<hbm>> -> memref<10240x128xf32, #tpu.memory_space<hbm>>
          tpu.wait_indirect_dma semaphore(%run_scoped3A : memref<!tpu.dma_semaphore, #tpu.memory_space<semaphore_mem>>) src(%dma_wait3A_105 : memref<10240x128xf32, #tpu.memory_space<hbm>>) dst(%arg12 : memref<48x128xf32, #tpu.memory_space<vmem>>)
          tpu.yield
        }) : () -> ()
      } else {
      }
      %scan3A_88 = arith.constant 0 : i32
      %scan3A_89 = arith.constant 0 : i32
      %scan3A_90 = arith.constant 48 : i32
      %scan3A_91 = arith.addi %scan3A_89, %scan3A_90 : i32
      %scan3A_92 = arith.constant 1 : i32
      %scan3A_93 = scf.for %scan3A_96 = %scan3A_89 to %scan3A_91 step %scan3A_92 iter_args(%scan3A_97 = %scan3A_88) -> (i32)  : i32 {
        %get3A = arith.index_cast %scan3A_96 : i32 to index
        %get3A_98 = arith.constant 0 : index
        %get3A_99 = tpu.vector_load %arg12[%get3A, %get3A_98] {strides = array<i32>} : memref<48x128xf32, #tpu.memory_space<vmem>>, vector<1x16xf32>,
        %get3A_100 = vector.shape_cast %get3A_99 : vector<1x16xf32> to vector<16xf32>
        %get3A_101 = arith.index_cast %scan3A_96 : i32 to index
        %get3A_102 = arith.constant 0 : index
        %get3A_103 = tpu.vector_load %arg11[%get3A_101, %get3A_102] {strides = array<i32>} : memref<48x16xf32, #tpu.memory_space<vmem>>, vector<1x16xf32>,
        %get3A_104 = vector.shape_cast %get3A_103 : vector<1x16xf32> to vector<16xf32>
        %mul3A_105 = arith.mulf %get3A_100, %get3A_104 : vector<16xf32>
        %swap3A = arith.index_cast %scan3A_96 : i32 to index
        %swap3A_106 = arith.constant 0 : index
        %swap3A_107 = tpu.vector_load %arg12[%swap3A, %swap3A_106] {strides = array<i32>} : memref<48x128xf32, #tpu.memory_space<vmem>>, vector<1x16xf32>,
        %swap3A_108 = vector.shape_cast %swap3A_107 : vector<1x16xf32> to vector<16xf32>
        %swap3A_109 = vector.shape_cast %mul3A_105 : vector<16xf32> to vector<1x16xf32>
        tpu.vector_store %arg12[%swap3A, %swap3A_106], %swap3A_109 {strides = array<i32>} : memref<48x128xf32, #tpu.memory_space<vmem>>, vector<1x16xf32>,
        %get3A_110 = arith.index_cast %scan3A_96 : i32 to index
        %get3A_111 = arith.constant 16 : index
        %get3A_112 = tpu.vector_load %arg12[%get3A_110, %get3A_111] {strides = array<i32>} : memref<48x128xf32, #tpu.memory_space<vmem>>, vector<1x16xf32>,
        %get3A_113 = vector.shape_cast %get3A_112 : vector<1x16xf32> to vector<16xf32>
        %get3A_114 = arith.index_cast %scan3A_96 : i32 to index
        %get3A_115 = arith.constant 0 : index
        %get3A_116 = tpu.vector_load %arg11[%get3A_114, %get3A_115] {strides = array<i32>} : memref<48x16xf32, #tpu.memory_space<vmem>>, vector<1x16xf32>,
        %get3A_117 = vector.shape_cast %get3A_116 : vector<1x16xf32> to vector<16xf32>
        %mul3A_118 = arith.mulf %get3A_113, %get3A_117 : vector<16xf32>
        %swap3A_119 = arith.index_cast %scan3A_96 : i32 to index
        %swap3A_120 = arith.constant 16 : index
        %swap3A_121 = tpu.vector_load %arg12[%swap3A_119, %swap3A_120] {strides = array<i32>} : memref<48x128xf32, #tpu.memory_space<vmem>>, vector<1x16xf32>,
        %swap3A_122 = vector.shape_cast %swap3A_121 : vector<1x16xf32> to vector<16xf32>
        %swap3A_123 = vector.shape_cast %mul3A_118 : vector<16xf32> to vector<1x16xf32>
        tpu.vector_store %arg12[%swap3A_119, %swap3A_120], %swap3A_123 {strides = array<i32>} : memref<48x128xf32, #tpu.memory_space<vmem>>, vector<1x16xf32>,
        %get3A_124 = arith.index_cast %scan3A_96 : i32 to index
        %get3A_125 = arith.constant 32 : index
        %get3A_126 = tpu.vector_load %arg12[%get3A_124, %get3A_125] {strides = array<i32>} : memref<48x128xf32, #tpu.memory_space<vmem>>, vector<1x16xf32>,
        %get3A_127 = vector.shape_cast %get3A_126 : vector<1x16xf32> to vector<16xf32>
        %get3A_128 = arith.index_cast %scan3A_96 : i32 to index
        %get3A_129 = arith.constant 0 : index
        %get3A_130 = tpu.vector_load %arg11[%get3A_128, %get3A_129] {strides = array<i32>} : memref<48x16xf32, #tpu.memory_space<vmem>>, vector<1x16xf32>,
        %get3A_131 = vector.shape_cast %get3A_130 : vector<1x16xf32> to vector<16xf32>
        %mul3A_132 = arith.mulf %get3A_127, %get3A_131 : vector<16xf32>
        %swap3A_133 = arith.index_cast %scan3A_96 : i32 to index
        %swap3A_134 = arith.constant 32 : index
        %swap3A_135 = tpu.vector_load %arg12[%swap3A_133, %swap3A_134] {strides = array<i32>} : memref<48x128xf32, #tpu.memory_space<vmem>>, vector<1x16xf32>,
        %swap3A_136 = vector.shape_cast %swap3A_135 : vector<1x16xf32> to vector<16xf32>
        %swap3A_137 = vector.shape_cast %mul3A_132 : vector<16xf32> to vector<1x16xf32>
        tpu.vector_store %arg12[%swap3A_133, %swap3A_134], %swap3A_137 {strides = array<i32>} : memref<48x128xf32, #tpu.memory_space<vmem>>, vector<1x16xf32>,
        %get3A_138 = arith.index_cast %scan3A_96 : i32 to index
        %get3A_139 = arith.constant 48 : index
        %get3A_140 = tpu.vector_load %arg12[%get3A_138, %get3A_139] {strides = array<i32>} : memref<48x128xf32, #tpu.memory_space<vmem>>, vector<1x16xf32>,
        %get3A_141 = vector.shape_cast %get3A_140 : vector<1x16xf32> to vector<16xf32>
        %get3A_142 = arith.index_cast %scan3A_96 : i32 to index
        %get3A_143 = arith.constant 0 : index
        %get3A_144 = tpu.vector_load %arg11[%get3A_142, %get3A_143] {strides = array<i32>} : memref<48x16xf32, #tpu.memory_space<vmem>>, vector<1x16xf32>,
        %get3A_145 = vector.shape_cast %get3A_144 : vector<1x16xf32> to vector<16xf32>
        %mul3A_146 = arith.mulf %get3A_141, %get3A_145 : vector<16xf32>
        %swap3A_147 = arith.index_cast %scan3A_96 : i32 to index
        %swap3A_148 = arith.constant 48 : index
        %swap3A_149 = tpu.vector_load %arg12[%swap3A_147, %swap3A_148] {strides = array<i32>} : memref<48x128xf32, #tpu.memory_space<vmem>>, vector<1x16xf32>,
        %swap3A_150 = vector.shape_cast %swap3A_149 : vector<1x16xf32> to vector<16xf32>
        %swap3A_151 = vector.shape_cast %mul3A_146 : vector<16xf32> to vector<1x16xf32>
        tpu.vector_store %arg12[%swap3A_147, %swap3A_148], %swap3A_151 {strides = array<i32>} : memref<48x128xf32, #tpu.memory_space<vmem>>, vector<1x16xf32>,
        %get3A_152 = arith.index_cast %scan3A_96 : i32 to index
        %get3A_153 = arith.constant 64 : index
        %get3A_154 = tpu.vector_load %arg12[%get3A_152, %get3A_153] {strides = array<i32>} : memref<48x128xf32, #tpu.memory_space<vmem>>, vector<1x16xf32>,
        %get3A_155 = vector.shape_cast %get3A_154 : vector<1x16xf32> to vector<16xf32>
        %get3A_156 = arith.index_cast %scan3A_96 : i32 to index
        %get3A_157 = arith.constant 0 : index
        %get3A_158 = tpu.vector_load %arg11[%get3A_156, %get3A_157] {strides = array<i32>} : memref<48x16xf32, #tpu.memory_space<vmem>>, vector<1x16xf32>,
        %get3A_159 = vector.shape_cast %get3A_158 : vector<1x16xf32> to vector<16xf32>
        %mul3A_160 = arith.mulf %get3A_155, %get3A_159 : vector<16xf32>
        %swap3A_161 = arith.index_cast %scan3A_96 : i32 to index
        %swap3A_162 = arith.constant 64 : index
        %swap3A_163 = tpu.vector_load %arg12[%swap3A_161, %swap3A_162] {strides = array<i32>} : memref<48x128xf32, #tpu.memory_space<vmem>>, vector<1x16xf32>,
        %swap3A_164 = vector.shape_cast %swap3A_163 : vector<1x16xf32> to vector<16xf32>
        %swap3A_165 = vector.shape_cast %mul3A_160 : vector<16xf32> to vector<1x16xf32>
        tpu.vector_store %arg12[%swap3A_161, %swap3A_162], %swap3A_165 {strides = array<i32>} : memref<48x128xf32, #tpu.memory_space<vmem>>, vector<1x16xf32>,
        %get3A_166 = arith.index_cast %scan3A_96 : i32 to index
        %get3A_167 = arith.constant 80 : index
        %get3A_168 = tpu.vector_load %arg12[%get3A_166, %get3A_167] {strides = array<i32>} : memref<48x128xf32, #tpu.memory_space<vmem>>, vector<1x16xf32>,
        %get3A_169 = vector.shape_cast %get3A_168 : vector<1x16xf32> to vector<16xf32>
        %get3A_170 = arith.index_cast %scan3A_96 : i32 to index
        %get3A_171 = arith.constant 0 : index
        %get3A_172 = tpu.vector_load %arg11[%get3A_170, %get3A_171] {strides = array<i32>} : memref<48x16xf32, #tpu.memory_space<vmem>>, vector<1x16xf32>,
        %get3A_173 = vector.shape_cast %get3A_172 : vector<1x16xf32> to vector<16xf32>
        %mul3A_174 = arith.mulf %get3A_169, %get3A_173 : vector<16xf32>
        %swap3A_175 = arith.index_cast %scan3A_96 : i32 to index
        %swap3A_176 = arith.constant 80 : index
        %swap3A_177 = tpu.vector_load %arg12[%swap3A_175, %swap3A_176] {strides = array<i32>} : memref<48x128xf32, #tpu.memory_space<vmem>>, vector<1x16xf32>,
        %swap3A_178 = vector.shape_cast %swap3A_177 : vector<1x16xf32> to vector<16xf32>
        %swap3A_179 = vector.shape_cast %mul3A_174 : vector<16xf32> to vector<1x16xf32>
        tpu.vector_store %arg12[%swap3A_175, %swap3A_176], %swap3A_179 {strides = array<i32>} : memref<48x128xf32, #tpu.memory_space<vmem>>, vector<1x16xf32>,
        %get3A_180 = arith.index_cast %scan3A_96 : i32 to index
        %get3A_181 = arith.constant 96 : index
        %get3A_182 = tpu.vector_load %arg12[%get3A_180, %get3A_181] {strides = array<i32>} : memref<48x128xf32, #tpu.memory_space<vmem>>, vector<1x16xf32>,
        %get3A_183 = vector.shape_cast %get3A_182 : vector<1x16xf32> to vector<16xf32>
        %get3A_184 = arith.index_cast %scan3A_96 : i32 to index
        %get3A_185 = arith.constant 0 : index
        %get3A_186 = tpu.vector_load %arg11[%get3A_184, %get3A_185] {strides = array<i32>} : memref<48x16xf32, #tpu.memory_space<vmem>>, vector<1x16xf32>,
        %get3A_187 = vector.shape_cast %get3A_186 : vector<1x16xf32> to vector<16xf32>
        %mul3A_188 = arith.mulf %get3A_183, %get3A_187 : vector<16xf32>
        %swap3A_189 = arith.index_cast %scan3A_96 : i32 to index
        %swap3A_190 = arith.constant 96 : index
        %swap3A_191 = tpu.vector_load %arg12[%swap3A_189, %swap3A_190] {strides = array<i32>} : memref<48x128xf32, #tpu.memory_space<vmem>>, vector<1x16xf32>,
        %swap3A_192 = vector.shape_cast %swap3A_191 : vector<1x16xf32> to vector<16xf32>
        %swap3A_193 = vector.shape_cast %mul3A_188 : vector<16xf32> to vector<1x16xf32>
        tpu.vector_store %arg12[%swap3A_189, %swap3A_190], %swap3A_193 {strides = array<i32>} : memref<48x128xf32, #tpu.memory_space<vmem>>, vector<1x16xf32>,
        %get3A_194 = arith.index_cast %scan3A_96 : i32 to index
        %get3A_195 = arith.constant 112 : index
        %get3A_196 = tpu.vector_load %arg12[%get3A_194, %get3A_195] {strides = array<i32>} : memref<48x128xf32, #tpu.memory_space<vmem>>, vector<1x16xf32>,
        %get3A_197 = vector.shape_cast %get3A_196 : vector<1x16xf32> to vector<16xf32>
        %get3A_198 = arith.index_cast %scan3A_96 : i32 to index
        %get3A_199 = arith.constant 0 : index
        %get3A_200 = tpu.vector_load %arg11[%get3A_198, %get3A_199] {strides = array<i32>} : memref<48x16xf32, #tpu.memory_space<vmem>>, vector<1x16xf32>,
        %get3A_201 = vector.shape_cast %get3A_200 : vector<1x16xf32> to vector<16xf32>
        %mul3A_202 = arith.mulf %get3A_197, %get3A_201 : vector<16xf32>
        %swap3A_203 = arith.index_cast %scan3A_96 : i32 to index
        %swap3A_204 = arith.constant 112 : index
        %swap3A_205 = tpu.vector_load %arg12[%swap3A_203, %swap3A_204] {strides = array<i32>} : memref<48x128xf32, #tpu.memory_space<vmem>>, vector<1x16xf32>,
        %swap3A_206 = vector.shape_cast %swap3A_205 : vector<1x16xf32> to vector<16xf32>
        %swap3A_207 = vector.shape_cast %mul3A_202 : vector<16xf32> to vector<1x16xf32>
        tpu.vector_store %arg12[%swap3A_203, %swap3A_204], %swap3A_207 {strides = array<i32>} : memref<48x128xf32, #tpu.memory_space<vmem>>, vector<1x16xf32>,
        %scan3A_208 = arith.constant 0 : i32
        scf.yield %scan3A_208 : i32
      }
      %scan3A_94 = arith.constant 48 : i32
      "tpu.region"() ({
        %run_scoped3A = tpu.sem_alloc : memref<!tpu.dma_semaphore, #tpu.memory_space<semaphore_mem>>
        %dma_start3A = arith.constant 0 : i32
        %dma_start3A_96 = tpu.memref_slice %arg9[%scan3A_73, %dma_start3A] : memref<125x48xi32, #tpu.memory_space<vmem>> -> memref<1x48xi32, #tpu.memory_space<vmem>>
        %dma_start3A_97 = tpu.memref_squeeze %dma_start3A_96 : memref<1x48xi32, #tpu.memory_space<vmem>> -> memref<48xi32, #tpu.memory_space<vmem>>
        %dma_start3A_98 = arith.constant 0 : i32
        %dma_start3A_99 = arith.constant 0 : i32
        %dma_start3A_100 = tpu.memref_slice %arg14[%dma_start3A_98, %dma_start3A_99] : memref<5120x128xf32, #tpu.memory_space<vmem_shared>> -> memref<5120x128xf32, #tpu.memory_space<vmem_shared>>
        tpu.enqueue_indirect_dma source(%arg12 : memref<48x128xf32, #tpu.memory_space<vmem>>) target(%dma_start3A_100 : memref<5120x128xf32, #tpu.memory_space<vmem_shared>>) offsets(%dma_start3A_97 : memref<48xi32, #tpu.memory_space<vmem>>) semaphore(%run_scoped3A : memref<!tpu.dma_semaphore, #tpu.memory_space<semaphore_mem>>) {add = true}
        %dma_wait3A = arith.constant 0 : i32
        %dma_wait3A_101 = tpu.memref_slice %arg9[%scan3A_73, %dma_wait3A] : memref<125x48xi32, #tpu.memory_space<vmem>> -> memref<1x48xi32, #tpu.memory_space<vmem>>
        %dma_wait3A_102 = tpu.memref_squeeze %dma_wait3A_101 : memref<1x48xi32, #tpu.memory_space<vmem>> -> memref<48xi32, #tpu.memory_space<vmem>>
        %dma_wait3A_103 = arith.constant 0 : i32
        %dma_wait3A_104 = arith.constant 0 : i32
        %dma_wait3A_105 = tpu.memref_slice %arg14[%dma_wait3A_103, %dma_wait3A_104] : memref<5120x128xf32, #tpu.memory_space<vmem_shared>> -> memref<5120x128xf32, #tpu.memory_space<vmem_shared>>
        tpu.wait_indirect_dma semaphore(%run_scoped3A : memref<!tpu.dma_semaphore, #tpu.memory_space<semaphore_mem>>) src(%arg12 : memref<48x128xf32, #tpu.memory_space<vmem>>) dst(%dma_wait3A_105 : memref<5120x128xf32, #tpu.memory_space<vmem_shared>>)
        tpu.yield
      }) : () -> ()
      %scan3A_95 = arith.constant 0 : i32
      scf.yield %scan3A_95 : i32
    }
    %scan3A_23 = arith.constant 125 : i32
    %barrier3A_24 = arith.constant 0 : index
    tpu.barrier barrier_id(%barrier3A_24)
    %mul3A_25 = arith.constant 320 : i32
    %mul3A_26 = arith.muli %arg1, %mul3A_25 : i32
    %mul3A_27 = arith.constant 320 : i32
    %mul3A_28 = arith.muli %arg1, %mul3A_27 : i32
    %add3A_29 = arith.constant 0 : i32
    %add3A_30 = arith.addi %add3A_29, %mul3A_28 : i32
    %eq3A = arith.constant 0 : i32
    %eq3A_31 = arith.cmpi eq, %arg0, %eq3A : i32
    %convert_element_type3A = arith.extui %eq3A_31 : i1 to i32
    %cond3A = arith.constant 0 : i32
    %cond3A_32 = arith.cmpi ne, %convert_element_type3A, %cond3A : i32
    scf.if %cond3A_32 {
      "tpu.region"() ({
        %run_scoped3A = tpu.sem_alloc : memref<!tpu.dma_semaphore, #tpu.memory_space<semaphore_mem>>
        %dma_start3A = arith.constant 0 : i32
        %dma_start3A_73 = tpu.memref_slice %arg7[%add3A_30, %dma_start3A] : memref<10240x128xf32, #tpu.memory_space<hbm>> -> memref<320x128xf32, #tpu.memory_space<hbm>>
        %dma_start3A_74 = arith.constant 0 : i32
        %dma_start3A_75 = tpu.memref_slice %arg14[%mul3A_26, %dma_start3A_74] : memref<5120x128xf32, #tpu.memory_space<vmem_shared>> -> memref<320x128xf32, #tpu.memory_space<vmem_shared>>
        tpu.enqueue_dma source(%dma_start3A_75 : memref<320x128xf32, #tpu.memory_space<vmem_shared>>) target(%dma_start3A_73 : memref<320x128xf32, #tpu.memory_space<hbm>>) target_semaphore(%run_scoped3A : memref<!tpu.dma_semaphore, #tpu.memory_space<semaphore_mem>>)
        %dma_wait3A = arith.constant 0 : i32
        %dma_wait3A_76 = tpu.memref_slice %arg7[%add3A_30, %dma_wait3A] : memref<10240x128xf32, #tpu.memory_space<hbm>> -> memref<320x128xf32, #tpu.memory_space<hbm>>
        %dma_wait3A_77 = arith.constant 0 : i32
        %dma_wait3A_78 = tpu.memref_slice %arg14[%mul3A_26, %dma_wait3A_77] : memref<5120x128xf32, #tpu.memory_space<vmem_shared>> -> memref<320x128xf32, #tpu.memory_space<vmem_shared>>
        tpu.wait_dma2 semaphore(%run_scoped3A : memref<!tpu.dma_semaphore, #tpu.memory_space<semaphore_mem>>) src(%dma_wait3A_78 : memref<320x128xf32, #tpu.memory_space<vmem_shared>>) dst(%dma_wait3A_76 : memref<320x128xf32, #tpu.memory_space<hbm>>)
        tpu.yield
      }) : () -> ()
    } else {
    }
    %eq3A_33 = arith.constant 1 : i32
    %eq3A_34 = arith.cmpi eq, %arg0, %eq3A_33 : i32
    %convert_element_type3A_35 = arith.extui %eq3A_34 : i1 to i32
    %cond3A_36 = arith.constant 0 : i32
    %cond3A_37 = arith.cmpi ne, %convert_element_type3A_35, %cond3A_36 : i32
    scf.if %cond3A_37 {
      "tpu.region"() ({
        %run_scoped3A = tpu.sem_alloc : memref<!tpu.dma_semaphore, #tpu.memory_space<semaphore_mem>>
        %dma_start3A = arith.constant 0 : i32
        %dma_start3A_73 = tpu.memref_slice %arg8[%add3A_30, %dma_start3A] : memref<10240x128xf32, #tpu.memory_space<hbm>> -> memref<320x128xf32, #tpu.memory_space<hbm>>
        %dma_start3A_74 = arith.constant 0 : i32
        %dma_start3A_75 = tpu.memref_slice %arg14[%mul3A_26, %dma_start3A_74] : memref<5120x128xf32, #tpu.memory_space<vmem_shared>> -> memref<320x128xf32, #tpu.memory_space<vmem_shared>>
        tpu.enqueue_dma source(%dma_start3A_75 : memref<320x128xf32, #tpu.memory_space<vmem_shared>>) target(%dma_start3A_73 : memref<320x128xf32, #tpu.memory_space<hbm>>) target_semaphore(%run_scoped3A : memref<!tpu.dma_semaphore, #tpu.memory_space<semaphore_mem>>)
        %dma_wait3A = arith.constant 0 : i32
        %dma_wait3A_76 = tpu.memref_slice %arg8[%add3A_30, %dma_wait3A] : memref<10240x128xf32, #tpu.memory_space<hbm>> -> memref<320x128xf32, #tpu.memory_space<hbm>>
        %dma_wait3A_77 = arith.constant 0 : i32
        %dma_wait3A_78 = tpu.memref_slice %arg14[%mul3A_26, %dma_wait3A_77] : memref<5120x128xf32, #tpu.memory_space<vmem_shared>> -> memref<320x128xf32, #tpu.memory_space<vmem_shared>>
        tpu.wait_dma2 semaphore(%run_scoped3A : memref<!tpu.dma_semaphore, #tpu.memory_space<semaphore_mem>>) src(%dma_wait3A_78 : memref<320x128xf32, #tpu.memory_space<vmem_shared>>) dst(%dma_wait3A_76 : memref<320x128xf32, #tpu.memory_space<hbm>>)
        tpu.yield
      }) : () -> ()
    } else {
    }
    %mul3A_38 = arith.constant 320 : i32
    %mul3A_39 = arith.muli %arg1, %mul3A_38 : i32
    %add3A_40 = arith.constant 0 : i32
    %add3A_41 = arith.addi %mul3A_39, %add3A_40 : i32
    "tpu.region"() ({
      %run_scoped3A = tpu.sem_alloc : memref<!tpu.dma_semaphore, #tpu.memory_space<semaphore_mem>>
      %dma_start3A = arith.constant 0 : i32
      %dma_start3A_73 = tpu.memref_slice %arg14[%add3A_41, %dma_start3A] : memref<5120x128xf32, #tpu.memory_space<vmem_shared>> -> memref<160x128xf32, #tpu.memory_space<vmem_shared>>
      %dma_start3A_74 = arith.constant 0 : i32
      %dma_start3A_75 = tpu.memref_slice %arg14[%add3A_41, %dma_start3A_74] : memref<5120x128xf32, #tpu.memory_space<vmem_shared>> -> memref<160x128xf32, #tpu.memory_space<vmem_shared>>
      tpu.enqueue_dma source(%arg13 : memref<160x128xf32, #tpu.memory_space<vmem>>) target(%dma_start3A_75 : memref<160x128xf32, #tpu.memory_space<vmem_shared>>) target_semaphore(%run_scoped3A : memref<!tpu.dma_semaphore, #tpu.memory_space<semaphore_mem>>)
      %dma_wait3A = arith.constant 0 : i32
      %dma_wait3A_76 = tpu.memref_slice %arg14[%add3A_41, %dma_wait3A] : memref<5120x128xf32, #tpu.memory_space<vmem_shared>> -> memref<160x128xf32, #tpu.memory_space<vmem_shared>>
      %dma_wait3A_77 = arith.constant 0 : i32
      %dma_wait3A_78 = tpu.memref_slice %arg14[%add3A_41, %dma_wait3A_77] : memref<5120x128xf32, #tpu.memory_space<vmem_shared>> -> memref<160x128xf32, #tpu.memory_space<vmem_shared>>
      tpu.wait_dma2 semaphore(%run_scoped3A : memref<!tpu.dma_semaphore, #tpu.memory_space<semaphore_mem>>) src(%arg13 : memref<160x128xf32, #tpu.memory_space<vmem>>) dst(%dma_wait3A_78 : memref<160x128xf32, #tpu.memory_space<vmem_shared>>)
      tpu.yield
    }) : () -> ()
    %mul3A_42 = arith.constant 320 : i32
    %mul3A_43 = arith.muli %arg1, %mul3A_42 : i32
    %add3A_44 = arith.constant 160 : i32
    %add3A_45 = arith.addi %mul3A_43, %add3A_44 : i32
    "tpu.region"() ({
      %run_scoped3A = tpu.sem_alloc : memref<!tpu.dma_semaphore, #tpu.memory_space<semaphore_mem>>
      %dma_start3A = arith.constant 0 : i32
      %dma_start3A_73 = tpu.memref_slice %arg14[%add3A_45, %dma_start3A] : memref<5120x128xf32, #tpu.memory_space<vmem_shared>> -> memref<160x128xf32, #tpu.memory_space<vmem_shared>>
      %dma_start3A_74 = arith.constant 0 : i32
      %dma_start3A_75 = tpu.memref_slice %arg14[%add3A_45, %dma_start3A_74] : memref<5120x128xf32, #tpu.memory_space<vmem_shared>> -> memref<160x128xf32, #tpu.memory_space<vmem_shared>>
      tpu.enqueue_dma source(%arg13 : memref<160x128xf32, #tpu.memory_space<vmem>>) target(%dma_start3A_75 : memref<160x128xf32, #tpu.memory_space<vmem_shared>>) target_semaphore(%run_scoped3A : memref<!tpu.dma_semaphore, #tpu.memory_space<semaphore_mem>>)
      %dma_wait3A = arith.constant 0 : i32
      %dma_wait3A_76 = tpu.memref_slice %arg14[%add3A_45, %dma_wait3A] : memref<5120x128xf32, #tpu.memory_space<vmem_shared>> -> memref<160x128xf32, #tpu.memory_space<vmem_shared>>
      %dma_wait3A_77 = arith.constant 0 : i32
      %dma_wait3A_78 = tpu.memref_slice %arg14[%add3A_45, %dma_wait3A_77] : memref<5120x128xf32, #tpu.memory_space<vmem_shared>> -> memref<160x128xf32, #tpu.memory_space<vmem_shared>>
      tpu.wait_dma2 semaphore(%run_scoped3A : memref<!tpu.dma_semaphore, #tpu.memory_space<semaphore_mem>>) src(%arg13 : memref<160x128xf32, #tpu.memory_space<vmem>>) dst(%dma_wait3A_78 : memref<160x128xf32, #tpu.memory_space<vmem_shared>>)
      tpu.yield
    }) : () -> ()
    %barrier3A_46 = arith.constant 0 : index
    tpu.barrier barrier_id(%barrier3A_46)
    %add3A_47 = arith.constant 32 : i32
    %add3A_48 = arith.addi %add3A_47, %add3A : i32
    "tpu.region"() ({
      %run_scoped3A = tpu.sem_alloc : memref<!tpu.dma_semaphore, #tpu.memory_space<semaphore_mem>>
      %dma_start3A = arith.constant 0 : i32
      %dma_start3A_73 = arith.constant 0 : i32
      %dma_start3A_74 = tpu.memref_slice %arg5[%add3A_48, %dma_start3A, %dma_start3A_73] : memref<64x125x48xi32, #tpu.memory_space<hbm>> -> memref<1x125x48xi32, #tpu.memory_space<hbm>>
      %dma_start3A_75 = tpu.memref_squeeze %dma_start3A_74 : memref<1x125x48xi32, #tpu.memory_space<hbm>> -> memref<125x48xi32, #tpu.memory_space<hbm>>
      %dma_start3A_76 = arith.constant 0 : i32
      %dma_start3A_77 = arith.constant 0 : i32
      %dma_start3A_78 = tpu.memref_slice %arg5[%add3A_48, %dma_start3A_76, %dma_start3A_77] : memref<64x125x48xi32, #tpu.memory_space<hbm>> -> memref<1x125x48xi32, #tpu.memory_space<hbm>>
      %dma_start3A_79 = tpu.memref_squeeze %dma_start3A_78 : memref<1x125x48xi32, #tpu.memory_space<hbm>> -> memref<125x48xi32, #tpu.memory_space<hbm>>
      tpu.enqueue_dma source(%dma_start3A_79 : memref<125x48xi32, #tpu.memory_space<hbm>>) target(%arg9 : memref<125x48xi32, #tpu.memory_space<vmem>>) target_semaphore(%run_scoped3A : memref<!tpu.dma_semaphore, #tpu.memory_space<semaphore_mem>>)
      %dma_wait3A = arith.constant 0 : i32
      %dma_wait3A_80 = arith.constant 0 : i32
      %dma_wait3A_81 = tpu.memref_slice %arg5[%add3A_48, %dma_wait3A, %dma_wait3A_80] : memref<64x125x48xi32, #tpu.memory_space<hbm>> -> memref<1x125x48xi32, #tpu.memory_space<hbm>>
      %dma_wait3A_82 = tpu.memref_squeeze %dma_wait3A_81 : memref<1x125x48xi32, #tpu.memory_space<hbm>> -> memref<125x48xi32, #tpu.memory_space<hbm>>
      %dma_wait3A_83 = arith.constant 0 : i32
      %dma_wait3A_84 = arith.constant 0 : i32
      %dma_wait3A_85 = tpu.memref_slice %arg5[%add3A_48, %dma_wait3A_83, %dma_wait3A_84] : memref<64x125x48xi32, #tpu.memory_space<hbm>> -> memref<1x125x48xi32, #tpu.memory_space<hbm>>
      %dma_wait3A_86 = tpu.memref_squeeze %dma_wait3A_85 : memref<1x125x48xi32, #tpu.memory_space<hbm>> -> memref<125x48xi32, #tpu.memory_space<hbm>>
      tpu.wait_dma2 semaphore(%run_scoped3A : memref<!tpu.dma_semaphore, #tpu.memory_space<semaphore_mem>>) src(%dma_wait3A_86 : memref<125x48xi32, #tpu.memory_space<hbm>>) dst(%arg9 : memref<125x48xi32, #tpu.memory_space<vmem>>)
      tpu.yield
    }) : () -> ()
    %scan3A_49 = arith.constant 0 : i32
    %scan3A_50 = arith.constant 0 : i32
    %scan3A_51 = arith.constant 125 : i32
    %scan3A_52 = arith.addi %scan3A_50, %scan3A_51 : i32
    %scan3A_53 = arith.constant 1 : i32
    %scan3A_54 = scf.for %scan3A_73 = %scan3A_50 to %scan3A_52 step %scan3A_53 iter_args(%scan3A_74 = %scan3A_49) -> (i32)  : i32 {
      %mul3A_75 = arith.constant 125 : i32
      %mul3A_76 = arith.muli %add3A, %mul3A_75 : i32
      %add3A_77 = arith.addi %mul3A_76, %scan3A_73 : i32
      "tpu.region"() ({
        %run_scoped3A = tpu.sem_alloc : memref<!tpu.dma_semaphore, #tpu.memory_space<semaphore_mem>>
        %dma_start3A = arith.constant 0 : i32
        %dma_start3A_96 = arith.constant 0 : i32
        %dma_start3A_97 = tpu.memref_slice %arg2[%add3A_77, %dma_start3A, %dma_start3A_96] : memref<4000x48x16xf32, #tpu.memory_space<hbm>> -> memref<1x48x16xf32, #tpu.memory_space<hbm>>
        %dma_start3A_98 = tpu.memref_squeeze %dma_start3A_97 : memref<1x48x16xf32, #tpu.memory_space<hbm>> -> memref<48x16xf32, #tpu.memory_space<hbm>>
        %dma_start3A_99 = arith.constant 0 : i32
        %dma_start3A_100 = arith.constant 0 : i32
        %dma_start3A_101 = tpu.memref_slice %arg2[%add3A_77, %dma_start3A_99, %dma_start3A_100] : memref<4000x48x16xf32, #tpu.memory_space<hbm>> -> memref<1x48x16xf32, #tpu.memory_space<hbm>>
        %dma_start3A_102 = tpu.memref_squeeze %dma_start3A_101 : memref<1x48x16xf32, #tpu.memory_space<hbm>> -> memref<48x16xf32, #tpu.memory_space<hbm>>
        tpu.enqueue_dma source(%dma_start3A_102 : memref<48x16xf32, #tpu.memory_space<hbm>>) target(%arg11 : memref<48x16xf32, #tpu.memory_space<vmem>>) target_semaphore(%run_scoped3A : memref<!tpu.dma_semaphore, #tpu.memory_space<semaphore_mem>>)
        %dma_wait3A = arith.constant 0 : i32
        %dma_wait3A_103 = arith.constant 0 : i32
        %dma_wait3A_104 = tpu.memref_slice %arg2[%add3A_77, %dma_wait3A, %dma_wait3A_103] : memref<4000x48x16xf32, #tpu.memory_space<hbm>> -> memref<1x48x16xf32, #tpu.memory_space<hbm>>
        %dma_wait3A_105 = tpu.memref_squeeze %dma_wait3A_104 : memref<1x48x16xf32, #tpu.memory_space<hbm>> -> memref<48x16xf32, #tpu.memory_space<hbm>>
        %dma_wait3A_106 = arith.constant 0 : i32
        %dma_wait3A_107 = arith.constant 0 : i32
        %dma_wait3A_108 = tpu.memref_slice %arg2[%add3A_77, %dma_wait3A_106, %dma_wait3A_107] : memref<4000x48x16xf32, #tpu.memory_space<hbm>> -> memref<1x48x16xf32, #tpu.memory_space<hbm>>
        %dma_wait3A_109 = tpu.memref_squeeze %dma_wait3A_108 : memref<1x48x16xf32, #tpu.memory_space<hbm>> -> memref<48x16xf32, #tpu.memory_space<hbm>>
        tpu.wait_dma2 semaphore(%run_scoped3A : memref<!tpu.dma_semaphore, #tpu.memory_space<semaphore_mem>>) src(%dma_wait3A_109 : memref<48x16xf32, #tpu.memory_space<hbm>>) dst(%arg11 : memref<48x16xf32, #tpu.memory_space<vmem>>)
        tpu.yield
      }) : () -> ()
      %eq3A_78 = arith.constant 0 : i32
      %eq3A_79 = arith.cmpi eq, %arg0, %eq3A_78 : i32
      %convert_element_type3A_80 = arith.extui %eq3A_79 : i1 to i32
      %cond3A_81 = arith.constant 0 : i32
      %cond3A_82 = arith.cmpi ne, %convert_element_type3A_80, %cond3A_81 : i32
      scf.if %cond3A_82 {
        "tpu.region"() ({
          %run_scoped3A = tpu.sem_alloc : memref<!tpu.dma_semaphore, #tpu.memory_space<semaphore_mem>>
          %dma_start3A = arith.constant 0 : i32
          %dma_start3A_96 = tpu.memref_slice %arg10[%scan3A_73, %dma_start3A] : memref<125x48xi32, #tpu.memory_space<vmem>> -> memref<1x48xi32, #tpu.memory_space<vmem>>
          %dma_start3A_97 = tpu.memref_squeeze %dma_start3A_96 : memref<1x48xi32, #tpu.memory_space<vmem>> -> memref<48xi32, #tpu.memory_space<vmem>>
          %dma_start3A_98 = arith.constant 0 : i32
          %dma_start3A_99 = arith.constant 0 : i32
          %dma_start3A_100 = tpu.memref_slice %arg3[%dma_start3A_98, %dma_start3A_99] : memref<10240x128xf32, #tpu.memory_space<hbm>> -> memref<10240x128xf32, #tpu.memory_space<hbm>>
          tpu.enqueue_indirect_dma source(%dma_start3A_100 : memref<10240x128xf32, #tpu.memory_space<hbm>>) target(%arg12 : memref<48x128xf32, #tpu.memory_space<vmem>>) offsets(%dma_start3A_97 : memref<48xi32, #tpu.memory_space<vmem>>) semaphore(%run_scoped3A : memref<!tpu.dma_semaphore, #tpu.memory_space<semaphore_mem>>)
          %dma_wait3A = arith.constant 0 : i32
          %dma_wait3A_101 = tpu.memref_slice %arg10[%scan3A_73, %dma_wait3A] : memref<125x48xi32, #tpu.memory_space<vmem>> -> memref<1x48xi32, #tpu.memory_space<vmem>>
          %dma_wait3A_102 = tpu.memref_squeeze %dma_wait3A_101 : memref<1x48xi32, #tpu.memory_space<vmem>> -> memref<48xi32, #tpu.memory_space<vmem>>
          %dma_wait3A_103 = arith.constant 0 : i32
          %dma_wait3A_104 = arith.constant 0 : i32
          %dma_wait3A_105 = tpu.memref_slice %arg3[%dma_wait3A_103, %dma_wait3A_104] : memref<10240x128xf32, #tpu.memory_space<hbm>> -> memref<10240x128xf32, #tpu.memory_space<hbm>>
          tpu.wait_indirect_dma semaphore(%run_scoped3A : memref<!tpu.dma_semaphore, #tpu.memory_space<semaphore_mem>>) src(%dma_wait3A_105 : memref<10240x128xf32, #tpu.memory_space<hbm>>) dst(%arg12 : memref<48x128xf32, #tpu.memory_space<vmem>>)
          tpu.yield
        }) : () -> ()
      } else {
      }
      %eq3A_83 = arith.constant 1 : i32
      %eq3A_84 = arith.cmpi eq, %arg0, %eq3A_83 : i32
      %convert_element_type3A_85 = arith.extui %eq3A_84 : i1 to i32
      %cond3A_86 = arith.constant 0 : i32
      %cond3A_87 = arith.cmpi ne, %convert_element_type3A_85, %cond3A_86 : i32
      scf.if %cond3A_87 {
        "tpu.region"() ({
          %run_scoped3A = tpu.sem_alloc : memref<!tpu.dma_semaphore, #tpu.memory_space<semaphore_mem>>
          %dma_start3A = arith.constant 0 : i32
          %dma_start3A_96 = tpu.memref_slice %arg10[%scan3A_73, %dma_start3A] : memref<125x48xi32, #tpu.memory_space<vmem>> -> memref<1x48xi32, #tpu.memory_space<vmem>>
          %dma_start3A_97 = tpu.memref_squeeze %dma_start3A_96 : memref<1x48xi32, #tpu.memory_space<vmem>> -> memref<48xi32, #tpu.memory_space<vmem>>
          %dma_start3A_98 = arith.constant 0 : i32
          %dma_start3A_99 = arith.constant 0 : i32
          %dma_start3A_100 = tpu.memref_slice %arg4[%dma_start3A_98, %dma_start3A_99] : memref<10240x128xf32, #tpu.memory_space<hbm>> -> memref<10240x128xf32, #tpu.memory_space<hbm>>
          tpu.enqueue_indirect_dma source(%dma_start3A_100 : memref<10240x128xf32, #tpu.memory_space<hbm>>) target(%arg12 : memref<48x128xf32, #tpu.memory_space<vmem>>) offsets(%dma_start3A_97 : memref<48xi32, #tpu.memory_space<vmem>>) semaphore(%run_scoped3A : memref<!tpu.dma_semaphore, #tpu.memory_space<semaphore_mem>>)
          %dma_wait3A = arith.constant 0 : i32
          %dma_wait3A_101 = tpu.memref_slice %arg10[%scan3A_73, %dma_wait3A] : memref<125x48xi32, #tpu.memory_space<vmem>> -> memref<1x48xi32, #tpu.memory_space<vmem>>
          %dma_wait3A_102 = tpu.memref_squeeze %dma_wait3A_101 : memref<1x48xi32, #tpu.memory_space<vmem>> -> memref<48xi32, #tpu.memory_space<vmem>>
          %dma_wait3A_103 = arith.constant 0 : i32
          %dma_wait3A_104 = arith.constant 0 : i32
          %dma_wait3A_105 = tpu.memref_slice %arg4[%dma_wait3A_103, %dma_wait3A_104] : memref<10240x128xf32, #tpu.memory_space<hbm>> -> memref<10240x128xf32, #tpu.memory_space<hbm>>
          tpu.wait_indirect_dma semaphore(%run_scoped3A : memref<!tpu.dma_semaphore, #tpu.memory_space<semaphore_mem>>) src(%dma_wait3A_105 : memref<10240x128xf32, #tpu.memory_space<hbm>>) dst(%arg12 : memref<48x128xf32, #tpu.memory_space<vmem>>)
          tpu.yield
        }) : () -> ()
      } else {
      }
      %scan3A_88 = arith.constant 0 : i32
      %scan3A_89 = arith.constant 0 : i32
      %scan3A_90 = arith.constant 48 : i32
      %scan3A_91 = arith.addi %scan3A_89, %scan3A_90 : i32
      %scan3A_92 = arith.constant 1 : i32
      %scan3A_93 = scf.for %scan3A_96 = %scan3A_89 to %scan3A_91 step %scan3A_92 iter_args(%scan3A_97 = %scan3A_88) -> (i32)  : i32 {
        %get3A = arith.index_cast %scan3A_96 : i32 to index
        %get3A_98 = arith.constant 0 : index
        %get3A_99 = tpu.vector_load %arg12[%get3A, %get3A_98] {strides = array<i32>} : memref<48x128xf32, #tpu.memory_space<vmem>>, vector<1x16xf32>,
        %get3A_100 = vector.shape_cast %get3A_99 : vector<1x16xf32> to vector<16xf32>
        %get3A_101 = arith.index_cast %scan3A_96 : i32 to index
        %get3A_102 = arith.constant 0 : index
        %get3A_103 = tpu.vector_load %arg11[%get3A_101, %get3A_102] {strides = array<i32>} : memref<48x16xf32, #tpu.memory_space<vmem>>, vector<1x16xf32>,
        %get3A_104 = vector.shape_cast %get3A_103 : vector<1x16xf32> to vector<16xf32>
        %mul3A_105 = arith.mulf %get3A_100, %get3A_104 : vector<16xf32>
        %swap3A = arith.index_cast %scan3A_96 : i32 to index
        %swap3A_106 = arith.constant 0 : index
        %swap3A_107 = tpu.vector_load %arg12[%swap3A, %swap3A_106] {strides = array<i32>} : memref<48x128xf32, #tpu.memory_space<vmem>>, vector<1x16xf32>,
        %swap3A_108 = vector.shape_cast %swap3A_107 : vector<1x16xf32> to vector<16xf32>
        %swap3A_109 = vector.shape_cast %mul3A_105 : vector<16xf32> to vector<1x16xf32>
        tpu.vector_store %arg12[%swap3A, %swap3A_106], %swap3A_109 {strides = array<i32>} : memref<48x128xf32, #tpu.memory_space<vmem>>, vector<1x16xf32>,
        %get3A_110 = arith.index_cast %scan3A_96 : i32 to index
        %get3A_111 = arith.constant 16 : index
        %get3A_112 = tpu.vector_load %arg12[%get3A_110, %get3A_111] {strides = array<i32>} : memref<48x128xf32, #tpu.memory_space<vmem>>, vector<1x16xf32>,
        %get3A_113 = vector.shape_cast %get3A_112 : vector<1x16xf32> to vector<16xf32>
        %get3A_114 = arith.index_cast %scan3A_96 : i32 to index
        %get3A_115 = arith.constant 0 : index
        %get3A_116 = tpu.vector_load %arg11[%get3A_114, %get3A_115] {strides = array<i32>} : memref<48x16xf32, #tpu.memory_space<vmem>>, vector<1x16xf32>,
        %get3A_117 = vector.shape_cast %get3A_116 : vector<1x16xf32> to vector<16xf32>
        %mul3A_118 = arith.mulf %get3A_113, %get3A_117 : vector<16xf32>
        %swap3A_119 = arith.index_cast %scan3A_96 : i32 to index
        %swap3A_120 = arith.constant 16 : index
        %swap3A_121 = tpu.vector_load %arg12[%swap3A_119, %swap3A_120] {strides = array<i32>} : memref<48x128xf32, #tpu.memory_space<vmem>>, vector<1x16xf32>,
        %swap3A_122 = vector.shape_cast %swap3A_121 : vector<1x16xf32> to vector<16xf32>
        %swap3A_123 = vector.shape_cast %mul3A_118 : vector<16xf32> to vector<1x16xf32>
        tpu.vector_store %arg12[%swap3A_119, %swap3A_120], %swap3A_123 {strides = array<i32>} : memref<48x128xf32, #tpu.memory_space<vmem>>, vector<1x16xf32>,
        %get3A_124 = arith.index_cast %scan3A_96 : i32 to index
        %get3A_125 = arith.constant 32 : index
        %get3A_126 = tpu.vector_load %arg12[%get3A_124, %get3A_125] {strides = array<i32>} : memref<48x128xf32, #tpu.memory_space<vmem>>, vector<1x16xf32>,
        %get3A_127 = vector.shape_cast %get3A_126 : vector<1x16xf32> to vector<16xf32>
        %get3A_128 = arith.index_cast %scan3A_96 : i32 to index
        %get3A_129 = arith.constant 0 : index
        %get3A_130 = tpu.vector_load %arg11[%get3A_128, %get3A_129] {strides = array<i32>} : memref<48x16xf32, #tpu.memory_space<vmem>>, vector<1x16xf32>,
        %get3A_131 = vector.shape_cast %get3A_130 : vector<1x16xf32> to vector<16xf32>
        %mul3A_132 = arith.mulf %get3A_127, %get3A_131 : vector<16xf32>
        %swap3A_133 = arith.index_cast %scan3A_96 : i32 to index
        %swap3A_134 = arith.constant 32 : index
        %swap3A_135 = tpu.vector_load %arg12[%swap3A_133, %swap3A_134] {strides = array<i32>} : memref<48x128xf32, #tpu.memory_space<vmem>>, vector<1x16xf32>,
        %swap3A_136 = vector.shape_cast %swap3A_135 : vector<1x16xf32> to vector<16xf32>
        %swap3A_137 = vector.shape_cast %mul3A_132 : vector<16xf32> to vector<1x16xf32>
        tpu.vector_store %arg12[%swap3A_133, %swap3A_134], %swap3A_137 {strides = array<i32>} : memref<48x128xf32, #tpu.memory_space<vmem>>, vector<1x16xf32>,
        %get3A_138 = arith.index_cast %scan3A_96 : i32 to index
        %get3A_139 = arith.constant 48 : index
        %get3A_140 = tpu.vector_load %arg12[%get3A_138, %get3A_139] {strides = array<i32>} : memref<48x128xf32, #tpu.memory_space<vmem>>, vector<1x16xf32>,
        %get3A_141 = vector.shape_cast %get3A_140 : vector<1x16xf32> to vector<16xf32>
        %get3A_142 = arith.index_cast %scan3A_96 : i32 to index
        %get3A_143 = arith.constant 0 : index
        %get3A_144 = tpu.vector_load %arg11[%get3A_142, %get3A_143] {strides = array<i32>} : memref<48x16xf32, #tpu.memory_space<vmem>>, vector<1x16xf32>,
        %get3A_145 = vector.shape_cast %get3A_144 : vector<1x16xf32> to vector<16xf32>
        %mul3A_146 = arith.mulf %get3A_141, %get3A_145 : vector<16xf32>
        %swap3A_147 = arith.index_cast %scan3A_96 : i32 to index
        %swap3A_148 = arith.constant 48 : index
        %swap3A_149 = tpu.vector_load %arg12[%swap3A_147, %swap3A_148] {strides = array<i32>} : memref<48x128xf32, #tpu.memory_space<vmem>>, vector<1x16xf32>,
        %swap3A_150 = vector.shape_cast %swap3A_149 : vector<1x16xf32> to vector<16xf32>
        %swap3A_151 = vector.shape_cast %mul3A_146 : vector<16xf32> to vector<1x16xf32>
        tpu.vector_store %arg12[%swap3A_147, %swap3A_148], %swap3A_151 {strides = array<i32>} : memref<48x128xf32, #tpu.memory_space<vmem>>, vector<1x16xf32>,
        %get3A_152 = arith.index_cast %scan3A_96 : i32 to index
        %get3A_153 = arith.constant 64 : index
        %get3A_154 = tpu.vector_load %arg12[%get3A_152, %get3A_153] {strides = array<i32>} : memref<48x128xf32, #tpu.memory_space<vmem>>, vector<1x16xf32>,
        %get3A_155 = vector.shape_cast %get3A_154 : vector<1x16xf32> to vector<16xf32>
        %get3A_156 = arith.index_cast %scan3A_96 : i32 to index
        %get3A_157 = arith.constant 0 : index
        %get3A_158 = tpu.vector_load %arg11[%get3A_156, %get3A_157] {strides = array<i32>} : memref<48x16xf32, #tpu.memory_space<vmem>>, vector<1x16xf32>,
        %get3A_159 = vector.shape_cast %get3A_158 : vector<1x16xf32> to vector<16xf32>
        %mul3A_160 = arith.mulf %get3A_155, %get3A_159 : vector<16xf32>
        %swap3A_161 = arith.index_cast %scan3A_96 : i32 to index
        %swap3A_162 = arith.constant 64 : index
        %swap3A_163 = tpu.vector_load %arg12[%swap3A_161, %swap3A_162] {strides = array<i32>} : memref<48x128xf32, #tpu.memory_space<vmem>>, vector<1x16xf32>,
        %swap3A_164 = vector.shape_cast %swap3A_163 : vector<1x16xf32> to vector<16xf32>
        %swap3A_165 = vector.shape_cast %mul3A_160 : vector<16xf32> to vector<1x16xf32>
        tpu.vector_store %arg12[%swap3A_161, %swap3A_162], %swap3A_165 {strides = array<i32>} : memref<48x128xf32, #tpu.memory_space<vmem>>, vector<1x16xf32>,
        %get3A_166 = arith.index_cast %scan3A_96 : i32 to index
        %get3A_167 = arith.constant 80 : index
        %get3A_168 = tpu.vector_load %arg12[%get3A_166, %get3A_167] {strides = array<i32>} : memref<48x128xf32, #tpu.memory_space<vmem>>, vector<1x16xf32>,
        %get3A_169 = vector.shape_cast %get3A_168 : vector<1x16xf32> to vector<16xf32>
        %get3A_170 = arith.index_cast %scan3A_96 : i32 to index
        %get3A_171 = arith.constant 0 : index
        %get3A_172 = tpu.vector_load %arg11[%get3A_170, %get3A_171] {strides = array<i32>} : memref<48x16xf32, #tpu.memory_space<vmem>>, vector<1x16xf32>,
        %get3A_173 = vector.shape_cast %get3A_172 : vector<1x16xf32> to vector<16xf32>
        %mul3A_174 = arith.mulf %get3A_169, %get3A_173 : vector<16xf32>
        %swap3A_175 = arith.index_cast %scan3A_96 : i32 to index
        %swap3A_176 = arith.constant 80 : index
        %swap3A_177 = tpu.vector_load %arg12[%swap3A_175, %swap3A_176] {strides = array<i32>} : memref<48x128xf32, #tpu.memory_space<vmem>>, vector<1x16xf32>,
        %swap3A_178 = vector.shape_cast %swap3A_177 : vector<1x16xf32> to vector<16xf32>
        %swap3A_179 = vector.shape_cast %mul3A_174 : vector<16xf32> to vector<1x16xf32>
        tpu.vector_store %arg12[%swap3A_175, %swap3A_176], %swap3A_179 {strides = array<i32>} : memref<48x128xf32, #tpu.memory_space<vmem>>, vector<1x16xf32>,
        %get3A_180 = arith.index_cast %scan3A_96 : i32 to index
        %get3A_181 = arith.constant 96 : index
        %get3A_182 = tpu.vector_load %arg12[%get3A_180, %get3A_181] {strides = array<i32>} : memref<48x128xf32, #tpu.memory_space<vmem>>, vector<1x16xf32>,
        %get3A_183 = vector.shape_cast %get3A_182 : vector<1x16xf32> to vector<16xf32>
        %get3A_184 = arith.index_cast %scan3A_96 : i32 to index
        %get3A_185 = arith.constant 0 : index
        %get3A_186 = tpu.vector_load %arg11[%get3A_184, %get3A_185] {strides = array<i32>} : memref<48x16xf32, #tpu.memory_space<vmem>>, vector<1x16xf32>,
        %get3A_187 = vector.shape_cast %get3A_186 : vector<1x16xf32> to vector<16xf32>
        %mul3A_188 = arith.mulf %get3A_183, %get3A_187 : vector<16xf32>
        %swap3A_189 = arith.index_cast %scan3A_96 : i32 to index
        %swap3A_190 = arith.constant 96 : index
        %swap3A_191 = tpu.vector_load %arg12[%swap3A_189, %swap3A_190] {strides = array<i32>} : memref<48x128xf32, #tpu.memory_space<vmem>>, vector<1x16xf32>,
        %swap3A_192 = vector.shape_cast %swap3A_191 : vector<1x16xf32> to vector<16xf32>
        %swap3A_193 = vector.shape_cast %mul3A_188 : vector<16xf32> to vector<1x16xf32>
        tpu.vector_store %arg12[%swap3A_189, %swap3A_190], %swap3A_193 {strides = array<i32>} : memref<48x128xf32, #tpu.memory_space<vmem>>, vector<1x16xf32>,
        %get3A_194 = arith.index_cast %scan3A_96 : i32 to index
        %get3A_195 = arith.constant 112 : index
        %get3A_196 = tpu.vector_load %arg12[%get3A_194, %get3A_195] {strides = array<i32>} : memref<48x128xf32, #tpu.memory_space<vmem>>, vector<1x16xf32>,
        %get3A_197 = vector.shape_cast %get3A_196 : vector<1x16xf32> to vector<16xf32>
        %get3A_198 = arith.index_cast %scan3A_96 : i32 to index
        %get3A_199 = arith.constant 0 : index
        %get3A_200 = tpu.vector_load %arg11[%get3A_198, %get3A_199] {strides = array<i32>} : memref<48x16xf32, #tpu.memory_space<vmem>>, vector<1x16xf32>,
        %get3A_201 = vector.shape_cast %get3A_200 : vector<1x16xf32> to vector<16xf32>
        %mul3A_202 = arith.mulf %get3A_197, %get3A_201 : vector<16xf32>
        %swap3A_203 = arith.index_cast %scan3A_96 : i32 to index
        %swap3A_204 = arith.constant 112 : index
        %swap3A_205 = tpu.vector_load %arg12[%swap3A_203, %swap3A_204] {strides = array<i32>} : memref<48x128xf32, #tpu.memory_space<vmem>>, vector<1x16xf32>,
        %swap3A_206 = vector.shape_cast %swap3A_205 : vector<1x16xf32> to vector<16xf32>
        %swap3A_207 = vector.shape_cast %mul3A_202 : vector<16xf32> to vector<1x16xf32>
        tpu.vector_store %arg12[%swap3A_203, %swap3A_204], %swap3A_207 {strides = array<i32>} : memref<48x128xf32, #tpu.memory_space<vmem>>, vector<1x16xf32>,
        %scan3A_208 = arith.constant 0 : i32
        scf.yield %scan3A_208 : i32
      }
      %scan3A_94 = arith.constant 48 : i32
      "tpu.region"() ({
        %run_scoped3A = tpu.sem_alloc : memref<!tpu.dma_semaphore, #tpu.memory_space<semaphore_mem>>
        %dma_start3A = arith.constant 0 : i32
        %dma_start3A_96 = tpu.memref_slice %arg9[%scan3A_73, %dma_start3A] : memref<125x48xi32, #tpu.memory_space<vmem>> -> memref<1x48xi32, #tpu.memory_space<vmem>>
        %dma_start3A_97 = tpu.memref_squeeze %dma_start3A_96 : memref<1x48xi32, #tpu.memory_space<vmem>> -> memref<48xi32, #tpu.memory_space<vmem>>
        %dma_start3A_98 = arith.constant 0 : i32
        %dma_start3A_99 = arith.constant 0 : i32
        %dma_start3A_100 = tpu.memref_slice %arg14[%dma_start3A_98, %dma_start3A_99] : memref<5120x128xf32, #tpu.memory_space<vmem_shared>> -> memref<5120x128xf32, #tpu.memory_space<vmem_shared>>
        tpu.enqueue_indirect_dma source(%arg12 : memref<48x128xf32, #tpu.memory_space<vmem>>) target(%dma_start3A_100 : memref<5120x128xf32, #tpu.memory_space<vmem_shared>>) offsets(%dma_start3A_97 : memref<48xi32, #tpu.memory_space<vmem>>) semaphore(%run_scoped3A : memref<!tpu.dma_semaphore, #tpu.memory_space<semaphore_mem>>) {add = true}
        %dma_wait3A = arith.constant 0 : i32
        %dma_wait3A_101 = tpu.memref_slice %arg9[%scan3A_73, %dma_wait3A] : memref<125x48xi32, #tpu.memory_space<vmem>> -> memref<1x48xi32, #tpu.memory_space<vmem>>
        %dma_wait3A_102 = tpu.memref_squeeze %dma_wait3A_101 : memref<1x48xi32, #tpu.memory_space<vmem>> -> memref<48xi32, #tpu.memory_space<vmem>>
        %dma_wait3A_103 = arith.constant 0 : i32
        %dma_wait3A_104 = arith.constant 0 : i32
        %dma_wait3A_105 = tpu.memref_slice %arg14[%dma_wait3A_103, %dma_wait3A_104] : memref<5120x128xf32, #tpu.memory_space<vmem_shared>> -> memref<5120x128xf32, #tpu.memory_space<vmem_shared>>
        tpu.wait_indirect_dma semaphore(%run_scoped3A : memref<!tpu.dma_semaphore, #tpu.memory_space<semaphore_mem>>) src(%arg12 : memref<48x128xf32, #tpu.memory_space<vmem>>) dst(%dma_wait3A_105 : memref<5120x128xf32, #tpu.memory_space<vmem_shared>>)
        tpu.yield
      }) : () -> ()
      %scan3A_95 = arith.constant 0 : i32
      scf.yield %scan3A_95 : i32
    }
    %scan3A_55 = arith.constant 125 : i32
    %barrier3A_56 = arith.constant 0 : index
    tpu.barrier barrier_id(%barrier3A_56)
    %mul3A_57 = arith.constant 320 : i32
    %mul3A_58 = arith.muli %arg1, %mul3A_57 : i32
    %mul3A_59 = arith.constant 320 : i32
    %mul3A_60 = arith.muli %arg1, %mul3A_59 : i32
    %add3A_61 = arith.constant 5120 : i32
    %add3A_62 = arith.addi %add3A_61, %mul3A_60 : i32
    %eq3A_63 = arith.constant 0 : i32
    %eq3A_64 = arith.cmpi eq, %arg0, %eq3A_63 : i32
    %convert_element_type3A_65 = arith.extui %eq3A_64 : i1 to i32
    %cond3A_66 = arith.constant 0 : i32
    %cond3A_67 = arith.cmpi ne, %convert_element_type3A_65, %cond3A_66 : i32
    scf.if %cond3A_67 {
      "tpu.region"() ({
        %run_scoped3A = tpu.sem_alloc : memref<!tpu.dma_semaphore, #tpu.memory_space<semaphore_mem>>
        %dma_start3A = arith.constant 0 : i32
        %dma_start3A_73 = tpu.memref_slice %arg7[%add3A_62, %dma_start3A] : memref<10240x128xf32, #tpu.memory_space<hbm>> -> memref<320x128xf32, #tpu.memory_space<hbm>>
        %dma_start3A_74 = arith.constant 0 : i32
        %dma_start3A_75 = tpu.memref_slice %arg14[%mul3A_58, %dma_start3A_74] : memref<5120x128xf32, #tpu.memory_space<vmem_shared>> -> memref<320x128xf32, #tpu.memory_space<vmem_shared>>
        tpu.enqueue_dma source(%dma_start3A_75 : memref<320x128xf32, #tpu.memory_space<vmem_shared>>) target(%dma_start3A_73 : memref<320x128xf32, #tpu.memory_space<hbm>>) target_semaphore(%run_scoped3A : memref<!tpu.dma_semaphore, #tpu.memory_space<semaphore_mem>>)
        %dma_wait3A = arith.constant 0 : i32
        %dma_wait3A_76 = tpu.memref_slice %arg7[%add3A_62, %dma_wait3A] : memref<10240x128xf32, #tpu.memory_space<hbm>> -> memref<320x128xf32, #tpu.memory_space<hbm>>
        %dma_wait3A_77 = arith.constant 0 : i32
        %dma_wait3A_78 = tpu.memref_slice %arg14[%mul3A_58, %dma_wait3A_77] : memref<5120x128xf32, #tpu.memory_space<vmem_shared>> -> memref<320x128xf32, #tpu.memory_space<vmem_shared>>
        tpu.wait_dma2 semaphore(%run_scoped3A : memref<!tpu.dma_semaphore, #tpu.memory_space<semaphore_mem>>) src(%dma_wait3A_78 : memref<320x128xf32, #tpu.memory_space<vmem_shared>>) dst(%dma_wait3A_76 : memref<320x128xf32, #tpu.memory_space<hbm>>)
        tpu.yield
      }) : () -> ()
    } else {
    }
    %eq3A_68 = arith.constant 1 : i32
    %eq3A_69 = arith.cmpi eq, %arg0, %eq3A_68 : i32
    %convert_element_type3A_70 = arith.extui %eq3A_69 : i1 to i32
    %cond3A_71 = arith.constant 0 : i32
    %cond3A_72 = arith.cmpi ne, %convert_element_type3A_70, %cond3A_71 : i32
    scf.if %cond3A_72 {
      "tpu.region"() ({
        %run_scoped3A = tpu.sem_alloc : memref<!tpu.dma_semaphore, #tpu.memory_space<semaphore_mem>>
        %dma_start3A = arith.constant 0 : i32
        %dma_start3A_73 = tpu.memref_slice %arg8[%add3A_62, %dma_start3A] : memref<10240x128xf32, #tpu.memory_space<hbm>> -> memref<320x128xf32, #tpu.memory_space<hbm>>
        %dma_start3A_74 = arith.constant 0 : i32
        %dma_start3A_75 = tpu.memref_slice %arg14[%mul3A_58, %dma_start3A_74] : memref<5120x128xf32, #tpu.memory_space<vmem_shared>> -> memref<320x128xf32, #tpu.memory_space<vmem_shared>>
        tpu.enqueue_dma source(%dma_start3A_75 : memref<320x128xf32, #tpu.memory_space<vmem_shared>>) target(%dma_start3A_73 : memref<320x128xf32, #tpu.memory_space<hbm>>) target_semaphore(%run_scoped3A : memref<!tpu.dma_semaphore, #tpu.memory_space<semaphore_mem>>)
        %dma_wait3A = arith.constant 0 : i32
        %dma_wait3A_76 = tpu.memref_slice %arg8[%add3A_62, %dma_wait3A] : memref<10240x128xf32, #tpu.memory_space<hbm>> -> memref<320x128xf32, #tpu.memory_space<hbm>>
        %dma_wait3A_77 = arith.constant 0 : i32
        %dma_wait3A_78 = tpu.memref_slice %arg14[%mul3A_58, %dma_wait3A_77] : memref<5120x128xf32, #tpu.memory_space<vmem_shared>> -> memref<320x128xf32, #tpu.memory_space<vmem_shared>>
        tpu.wait_dma2 semaphore(%run_scoped3A : memref<!tpu.dma_semaphore, #tpu.memory_space<semaphore_mem>>) src(%dma_wait3A_78 : memref<320x128xf32, #tpu.memory_space<vmem_shared>>) dst(%dma_wait3A_76 : memref<320x128xf32, #tpu.memory_space<hbm>>)
        tpu.yield
      }) : () -> ()
    } else {
    }
    return
  }
}

#map = affine_map<(d0, d1) -> (0, 0, 0)>
#map1 = affine_map<(d0, d1) -> (0, 0)>
module attributes {stable_mosaic.version = 14 : i64} {
  func.func @_sc_tcomp(%arg0: i32, %arg1: i32, %arg2: memref<4000x48x16xf32, #tpu.memory_space<hbm>>, %arg3: memref<10240x128xf32, #tpu.memory_space<hbm>>, %arg4: memref<10240x128xf32, #tpu.memory_space<hbm>>, %arg5: memref<32x125x48xi32, #tpu.memory_space<hbm>>, %arg6: memref<4000x48x16xf32, #tpu.memory_space<hbm>>, %arg7: memref<125x48xi32, #tpu.memory_space<vmem>>, %arg8: memref<48x16xf32, #tpu.memory_space<vmem>>, %arg9: memref<48x128xf32, #tpu.memory_space<vmem>>, %arg10: memref<48x128xf32, #tpu.memory_space<vmem>>, %arg11: memref<48x16xf32, #tpu.memory_space<vmem>>) attributes {dimension_semantics = [#tpu.dimension_semantics<core_parallel>, #tpu.dimension_semantics<subcore_parallel>], iteration_bounds = array<i64: 2, 16>, scalar_prefetch = 0 : i64, scratch_operands = 5 : i64, tpu.core_type = #tpu.core_type<sc_vector_subcore>, window_params = [{transform_indices = #map}, {transform_indices = #map1}, {transform_indices = #map1}, {transform_indices = #map}, {transform_indices = #map}]} {
    %mul3A = arith.constant 16 : i32
    %mul3A_0 = arith.muli %arg0, %mul3A : i32
    %add3A = arith.addi %mul3A_0, %arg1 : i32
    "tpu.region"() ({
      %run_scoped3A = tpu.sem_alloc : memref<!tpu.dma_semaphore, #tpu.memory_space<semaphore_mem>>
      %dma_start3A = arith.constant 0 : i32
      %dma_start3A_7 = arith.constant 0 : i32
      %dma_start3A_8 = tpu.memref_slice %arg5[%add3A, %dma_start3A, %dma_start3A_7] : memref<32x125x48xi32, #tpu.memory_space<hbm>> -> memref<1x125x48xi32, #tpu.memory_space<hbm>>
      %dma_start3A_9 = tpu.memref_squeeze %dma_start3A_8 : memref<1x125x48xi32, #tpu.memory_space<hbm>> -> memref<125x48xi32, #tpu.memory_space<hbm>>
      %dma_start3A_10 = arith.constant 0 : i32
      %dma_start3A_11 = arith.constant 0 : i32
      %dma_start3A_12 = tpu.memref_slice %arg5[%add3A, %dma_start3A_10, %dma_start3A_11] : memref<32x125x48xi32, #tpu.memory_space<hbm>> -> memref<1x125x48xi32, #tpu.memory_space<hbm>>
      %dma_start3A_13 = tpu.memref_squeeze %dma_start3A_12 : memref<1x125x48xi32, #tpu.memory_space<hbm>> -> memref<125x48xi32, #tpu.memory_space<hbm>>
      tpu.enqueue_dma source(%dma_start3A_13 : memref<125x48xi32, #tpu.memory_space<hbm>>) target(%arg7 : memref<125x48xi32, #tpu.memory_space<vmem>>) target_semaphore(%run_scoped3A : memref<!tpu.dma_semaphore, #tpu.memory_space<semaphore_mem>>)
      %dma_wait3A = arith.constant 0 : i32
      %dma_wait3A_14 = arith.constant 0 : i32
      %dma_wait3A_15 = tpu.memref_slice %arg5[%add3A, %dma_wait3A, %dma_wait3A_14] : memref<32x125x48xi32, #tpu.memory_space<hbm>> -> memref<1x125x48xi32, #tpu.memory_space<hbm>>
      %dma_wait3A_16 = tpu.memref_squeeze %dma_wait3A_15 : memref<1x125x48xi32, #tpu.memory_space<hbm>> -> memref<125x48xi32, #tpu.memory_space<hbm>>
      %dma_wait3A_17 = arith.constant 0 : i32
      %dma_wait3A_18 = arith.constant 0 : i32
      %dma_wait3A_19 = tpu.memref_slice %arg5[%add3A, %dma_wait3A_17, %dma_wait3A_18] : memref<32x125x48xi32, #tpu.memory_space<hbm>> -> memref<1x125x48xi32, #tpu.memory_space<hbm>>
      %dma_wait3A_20 = tpu.memref_squeeze %dma_wait3A_19 : memref<1x125x48xi32, #tpu.memory_space<hbm>> -> memref<125x48xi32, #tpu.memory_space<hbm>>
      tpu.wait_dma2 semaphore(%run_scoped3A : memref<!tpu.dma_semaphore, #tpu.memory_space<semaphore_mem>>) src(%dma_wait3A_20 : memref<125x48xi32, #tpu.memory_space<hbm>>) dst(%arg7 : memref<125x48xi32, #tpu.memory_space<vmem>>)
      tpu.yield
    }) : () -> ()
    %scan3A = arith.constant 0 : i32
    %scan3A_1 = arith.constant 0 : i32
    %scan3A_2 = arith.constant 125 : i32
    %scan3A_3 = arith.addi %scan3A_1, %scan3A_2 : i32
    %scan3A_4 = arith.constant 1 : i32
    %scan3A_5 = scf.for %scan3A_7 = %scan3A_1 to %scan3A_3 step %scan3A_4 iter_args(%scan3A_8 = %scan3A) -> (i32)  : i32 {
      %mul3A_9 = arith.constant 125 : i32
      %mul3A_10 = arith.muli %add3A, %mul3A_9 : i32
      %add3A_11 = arith.addi %mul3A_10, %scan3A_7 : i32
      "tpu.region"() ({
        %run_scoped3A = tpu.sem_alloc : memref<!tpu.dma_semaphore, #tpu.memory_space<semaphore_mem>>
        %dma_start3A = arith.constant 0 : i32
        %dma_start3A_23 = arith.constant 0 : i32
        %dma_start3A_24 = tpu.memref_slice %arg2[%add3A_11, %dma_start3A, %dma_start3A_23] : memref<4000x48x16xf32, #tpu.memory_space<hbm>> -> memref<1x48x16xf32, #tpu.memory_space<hbm>>
        %dma_start3A_25 = tpu.memref_squeeze %dma_start3A_24 : memref<1x48x16xf32, #tpu.memory_space<hbm>> -> memref<48x16xf32, #tpu.memory_space<hbm>>
        %dma_start3A_26 = arith.constant 0 : i32
        %dma_start3A_27 = arith.constant 0 : i32
        %dma_start3A_28 = tpu.memref_slice %arg2[%add3A_11, %dma_start3A_26, %dma_start3A_27] : memref<4000x48x16xf32, #tpu.memory_space<hbm>> -> memref<1x48x16xf32, #tpu.memory_space<hbm>>
        %dma_start3A_29 = tpu.memref_squeeze %dma_start3A_28 : memref<1x48x16xf32, #tpu.memory_space<hbm>> -> memref<48x16xf32, #tpu.memory_space<hbm>>
        tpu.enqueue_dma source(%dma_start3A_29 : memref<48x16xf32, #tpu.memory_space<hbm>>) target(%arg8 : memref<48x16xf32, #tpu.memory_space<vmem>>) target_semaphore(%run_scoped3A : memref<!tpu.dma_semaphore, #tpu.memory_space<semaphore_mem>>)
        %dma_wait3A = arith.constant 0 : i32
        %dma_wait3A_30 = arith.constant 0 : i32
        %dma_wait3A_31 = tpu.memref_slice %arg2[%add3A_11, %dma_wait3A, %dma_wait3A_30] : memref<4000x48x16xf32, #tpu.memory_space<hbm>> -> memref<1x48x16xf32, #tpu.memory_space<hbm>>
        %dma_wait3A_32 = tpu.memref_squeeze %dma_wait3A_31 : memref<1x48x16xf32, #tpu.memory_space<hbm>> -> memref<48x16xf32, #tpu.memory_space<hbm>>
        %dma_wait3A_33 = arith.constant 0 : i32
        %dma_wait3A_34 = arith.constant 0 : i32
        %dma_wait3A_35 = tpu.memref_slice %arg2[%add3A_11, %dma_wait3A_33, %dma_wait3A_34] : memref<4000x48x16xf32, #tpu.memory_space<hbm>> -> memref<1x48x16xf32, #tpu.memory_space<hbm>>
        %dma_wait3A_36 = tpu.memref_squeeze %dma_wait3A_35 : memref<1x48x16xf32, #tpu.memory_space<hbm>> -> memref<48x16xf32, #tpu.memory_space<hbm>>
        tpu.wait_dma2 semaphore(%run_scoped3A : memref<!tpu.dma_semaphore, #tpu.memory_space<semaphore_mem>>) src(%dma_wait3A_36 : memref<48x16xf32, #tpu.memory_space<hbm>>) dst(%arg8 : memref<48x16xf32, #tpu.memory_space<vmem>>)
        tpu.yield
      }) : () -> ()
      "tpu.region"() ({
        %run_scoped3A = tpu.sem_alloc : memref<!tpu.dma_semaphore, #tpu.memory_space<semaphore_mem>>
        %dma_start3A = arith.constant 0 : i32
        %dma_start3A_23 = tpu.memref_slice %arg7[%scan3A_7, %dma_start3A] : memref<125x48xi32, #tpu.memory_space<vmem>> -> memref<1x48xi32, #tpu.memory_space<vmem>>
        %dma_start3A_24 = tpu.memref_squeeze %dma_start3A_23 : memref<1x48xi32, #tpu.memory_space<vmem>> -> memref<48xi32, #tpu.memory_space<vmem>>
        %dma_start3A_25 = arith.constant 0 : i32
        %dma_start3A_26 = arith.constant 0 : i32
        %dma_start3A_27 = tpu.memref_slice %arg3[%dma_start3A_25, %dma_start3A_26] : memref<10240x128xf32, #tpu.memory_space<hbm>> -> memref<10240x128xf32, #tpu.memory_space<hbm>>
        tpu.enqueue_indirect_dma source(%dma_start3A_27 : memref<10240x128xf32, #tpu.memory_space<hbm>>) target(%arg9 : memref<48x128xf32, #tpu.memory_space<vmem>>) offsets(%dma_start3A_24 : memref<48xi32, #tpu.memory_space<vmem>>) semaphore(%run_scoped3A : memref<!tpu.dma_semaphore, #tpu.memory_space<semaphore_mem>>)
        %dma_wait3A = arith.constant 0 : i32
        %dma_wait3A_28 = tpu.memref_slice %arg7[%scan3A_7, %dma_wait3A] : memref<125x48xi32, #tpu.memory_space<vmem>> -> memref<1x48xi32, #tpu.memory_space<vmem>>
        %dma_wait3A_29 = tpu.memref_squeeze %dma_wait3A_28 : memref<1x48xi32, #tpu.memory_space<vmem>> -> memref<48xi32, #tpu.memory_space<vmem>>
        %dma_wait3A_30 = arith.constant 0 : i32
        %dma_wait3A_31 = arith.constant 0 : i32
        %dma_wait3A_32 = tpu.memref_slice %arg3[%dma_wait3A_30, %dma_wait3A_31] : memref<10240x128xf32, #tpu.memory_space<hbm>> -> memref<10240x128xf32, #tpu.memory_space<hbm>>
        tpu.wait_indirect_dma semaphore(%run_scoped3A : memref<!tpu.dma_semaphore, #tpu.memory_space<semaphore_mem>>) src(%dma_wait3A_32 : memref<10240x128xf32, #tpu.memory_space<hbm>>) dst(%arg9 : memref<48x128xf32, #tpu.memory_space<vmem>>)
        tpu.yield
      }) : () -> ()
      "tpu.region"() ({
        %run_scoped3A = tpu.sem_alloc : memref<!tpu.dma_semaphore, #tpu.memory_space<semaphore_mem>>
        %dma_start3A = arith.constant 0 : i32
        %dma_start3A_23 = tpu.memref_slice %arg7[%scan3A_7, %dma_start3A] : memref<125x48xi32, #tpu.memory_space<vmem>> -> memref<1x48xi32, #tpu.memory_space<vmem>>
        %dma_start3A_24 = tpu.memref_squeeze %dma_start3A_23 : memref<1x48xi32, #tpu.memory_space<vmem>> -> memref<48xi32, #tpu.memory_space<vmem>>
        %dma_start3A_25 = arith.constant 0 : i32
        %dma_start3A_26 = arith.constant 0 : i32
        %dma_start3A_27 = tpu.memref_slice %arg4[%dma_start3A_25, %dma_start3A_26] : memref<10240x128xf32, #tpu.memory_space<hbm>> -> memref<10240x128xf32, #tpu.memory_space<hbm>>
        tpu.enqueue_indirect_dma source(%dma_start3A_27 : memref<10240x128xf32, #tpu.memory_space<hbm>>) target(%arg10 : memref<48x128xf32, #tpu.memory_space<vmem>>) offsets(%dma_start3A_24 : memref<48xi32, #tpu.memory_space<vmem>>) semaphore(%run_scoped3A : memref<!tpu.dma_semaphore, #tpu.memory_space<semaphore_mem>>)
        %dma_wait3A = arith.constant 0 : i32
        %dma_wait3A_28 = tpu.memref_slice %arg7[%scan3A_7, %dma_wait3A] : memref<125x48xi32, #tpu.memory_space<vmem>> -> memref<1x48xi32, #tpu.memory_space<vmem>>
        %dma_wait3A_29 = tpu.memref_squeeze %dma_wait3A_28 : memref<1x48xi32, #tpu.memory_space<vmem>> -> memref<48xi32, #tpu.memory_space<vmem>>
        %dma_wait3A_30 = arith.constant 0 : i32
        %dma_wait3A_31 = arith.constant 0 : i32
        %dma_wait3A_32 = tpu.memref_slice %arg4[%dma_wait3A_30, %dma_wait3A_31] : memref<10240x128xf32, #tpu.memory_space<hbm>> -> memref<10240x128xf32, #tpu.memory_space<hbm>>
        tpu.wait_indirect_dma semaphore(%run_scoped3A : memref<!tpu.dma_semaphore, #tpu.memory_space<semaphore_mem>>) src(%dma_wait3A_32 : memref<10240x128xf32, #tpu.memory_space<hbm>>) dst(%arg10 : memref<48x128xf32, #tpu.memory_space<vmem>>)
        tpu.yield
      }) : () -> ()
      %scan3A_12 = arith.constant 0 : i32
      %scan3A_13 = arith.constant 0 : i32
      %scan3A_14 = arith.constant 48 : i32
      %scan3A_15 = arith.addi %scan3A_13, %scan3A_14 : i32
      %scan3A_16 = arith.constant 1 : i32
      %scan3A_17 = scf.for %scan3A_23 = %scan3A_13 to %scan3A_15 step %scan3A_16 iter_args(%scan3A_24 = %scan3A_12) -> (i32)  : i32 {
        %get3A = arith.index_cast %scan3A_23 : i32 to index
        %get3A_25 = arith.constant 0 : index
        %get3A_26 = tpu.vector_load %arg8[%get3A, %get3A_25] {strides = array<i32>} : memref<48x16xf32, #tpu.memory_space<vmem>>, vector<1x16xf32>,
        %get3A_27 = vector.shape_cast %get3A_26 : vector<1x16xf32> to vector<16xf32>
        %get3A_28 = arith.index_cast %scan3A_23 : i32 to index
        %get3A_29 = arith.constant 0 : index
        %get3A_30 = tpu.vector_load %arg9[%get3A_28, %get3A_29] {strides = array<i32>} : memref<48x128xf32, #tpu.memory_space<vmem>>, vector<1x16xf32>,
        %get3A_31 = vector.shape_cast %get3A_30 : vector<1x16xf32> to vector<16xf32>
        %get3A_32 = arith.index_cast %scan3A_23 : i32 to index
        %get3A_33 = arith.constant 0 : index
        %get3A_34 = tpu.vector_load %arg10[%get3A_32, %get3A_33] {strides = array<i32>} : memref<48x128xf32, #tpu.memory_space<vmem>>, vector<1x16xf32>,
        %get3A_35 = vector.shape_cast %get3A_34 : vector<1x16xf32> to vector<16xf32>
        %add3A_36 = arith.addf %get3A_31, %get3A_35 : vector<16xf32>
        %add3A_37 = arith.constant 9.99999993E-9 : f32
        %add3A_38 = vector.broadcast %add3A_37 : f32 to vector<16xf32>
        %add3A_39 = arith.addf %add3A_36, %add3A_38 : vector<16xf32>
        %div3A = arith.divf %get3A_27, %add3A_39 : vector<16xf32>
        %swap3A = arith.index_cast %scan3A_23 : i32 to index
        %swap3A_40 = arith.constant 0 : index
        %swap3A_41 = tpu.vector_load %arg11[%swap3A, %swap3A_40] {strides = array<i32>} : memref<48x16xf32, #tpu.memory_space<vmem>>, vector<1x16xf32>,
        %swap3A_42 = vector.shape_cast %swap3A_41 : vector<1x16xf32> to vector<16xf32>
        %swap3A_43 = vector.shape_cast %div3A : vector<16xf32> to vector<1x16xf32>
        tpu.vector_store %arg11[%swap3A, %swap3A_40], %swap3A_43 {strides = array<i32>} : memref<48x16xf32, #tpu.memory_space<vmem>>, vector<1x16xf32>,
        %scan3A_44 = arith.constant 0 : i32
        scf.yield %scan3A_44 : i32
      }
      %scan3A_18 = arith.constant 48 : i32
      %mul3A_19 = arith.constant 125 : i32
      %mul3A_20 = arith.muli %add3A, %mul3A_19 : i32
      %add3A_21 = arith.addi %mul3A_20, %scan3A_7 : i32
      "tpu.region"() ({
        %run_scoped3A = tpu.sem_alloc : memref<!tpu.dma_semaphore, #tpu.memory_space<semaphore_mem>>
        %dma_start3A = arith.constant 0 : i32
        %dma_start3A_23 = arith.constant 0 : i32
        %dma_start3A_24 = tpu.memref_slice %arg6[%add3A_21, %dma_start3A, %dma_start3A_23] : memref<4000x48x16xf32, #tpu.memory_space<hbm>> -> memref<1x48x16xf32, #tpu.memory_space<hbm>>
        %dma_start3A_25 = tpu.memref_squeeze %dma_start3A_24 : memref<1x48x16xf32, #tpu.memory_space<hbm>> -> memref<48x16xf32, #tpu.memory_space<hbm>>
        %dma_start3A_26 = arith.constant 0 : i32
        %dma_start3A_27 = arith.constant 0 : i32
        %dma_start3A_28 = tpu.memref_slice %arg6[%add3A_21, %dma_start3A_26, %dma_start3A_27] : memref<4000x48x16xf32, #tpu.memory_space<hbm>> -> memref<1x48x16xf32, #tpu.memory_space<hbm>>
        %dma_start3A_29 = tpu.memref_squeeze %dma_start3A_28 : memref<1x48x16xf32, #tpu.memory_space<hbm>> -> memref<48x16xf32, #tpu.memory_space<hbm>>
        tpu.enqueue_dma source(%arg11 : memref<48x16xf32, #tpu.memory_space<vmem>>) target(%dma_start3A_29 : memref<48x16xf32, #tpu.memory_space<hbm>>) target_semaphore(%run_scoped3A : memref<!tpu.dma_semaphore, #tpu.memory_space<semaphore_mem>>)
        %dma_wait3A = arith.constant 0 : i32
        %dma_wait3A_30 = arith.constant 0 : i32
        %dma_wait3A_31 = tpu.memref_slice %arg6[%add3A_21, %dma_wait3A, %dma_wait3A_30] : memref<4000x48x16xf32, #tpu.memory_space<hbm>> -> memref<1x48x16xf32, #tpu.memory_space<hbm>>
        %dma_wait3A_32 = tpu.memref_squeeze %dma_wait3A_31 : memref<1x48x16xf32, #tpu.memory_space<hbm>> -> memref<48x16xf32, #tpu.memory_space<hbm>>
        %dma_wait3A_33 = arith.constant 0 : i32
        %dma_wait3A_34 = arith.constant 0 : i32
        %dma_wait3A_35 = tpu.memref_slice %arg6[%add3A_21, %dma_wait3A_33, %dma_wait3A_34] : memref<4000x48x16xf32, #tpu.memory_space<hbm>> -> memref<1x48x16xf32, #tpu.memory_space<hbm>>
        %dma_wait3A_36 = tpu.memref_squeeze %dma_wait3A_35 : memref<1x48x16xf32, #tpu.memory_space<hbm>> -> memref<48x16xf32, #tpu.memory_space<hbm>>
        tpu.wait_dma2 semaphore(%run_scoped3A : memref<!tpu.dma_semaphore, #tpu.memory_space<semaphore_mem>>) src(%arg11 : memref<48x16xf32, #tpu.memory_space<vmem>>) dst(%dma_wait3A_36 : memref<48x16xf32, #tpu.memory_space<hbm>>)
        tpu.yield
      }) : () -> ()
      %scan3A_22 = arith.constant 0 : i32
      scf.yield %scan3A_22 : i32
    }
    %scan3A_6 = arith.constant 125 : i32
    return
  }
}

module attributes {stable_mosaic.version = 14 : i64} {
  func.func @_dense_body(%arg0: i32, %arg1: memref<1280x256xf32, #tpu.memory_space<vmem>>, %arg2: memref<256x128xf32, #tpu.memory_space<vmem>>, %arg3: memref<256x128xf32, #tpu.memory_space<vmem>>, %arg4: memref<256x256xf32, #tpu.memory_space<vmem>>, %arg5: memref<1x256xf32, #tpu.memory_space<vmem>>, %arg6: memref<1280x128xf32, #tpu.memory_space<vmem>>, %arg7: memref<1280x128xf32, #tpu.memory_space<vmem>>, %arg8: memref<1280x128xf32, #tpu.memory_space<vmem>>, %arg9: memref<1280x128xf32, #tpu.memory_space<vmem>>) attributes {dimension_semantics = [#tpu.dimension_semantics<arbitrary>], iteration_bounds = array<i64: 8>, scalar_prefetch = 0 : i64, scratch_operands = 0 : i64, tpu.core_type = #tpu.core_type<tc>, window_params = [{transform_indices = @transform_0, window_bounds = array<i64: 1280, 256>}, {pipeline_mode = #tpu.pipeline_mode<synchronous>, transform_indices = @transform_1, window_bounds = array<i64: 256, 128>}, {pipeline_mode = #tpu.pipeline_mode<synchronous>, transform_indices = @transform_2, window_bounds = array<i64: 256, 128>}, {pipeline_mode = #tpu.pipeline_mode<synchronous>, transform_indices = @transform_3, window_bounds = array<i64: 256, 256>}, {pipeline_mode = #tpu.pipeline_mode<synchronous>, transform_indices = @transform_4, window_bounds = array<i64: 1, 256>}, {transform_indices = @transform_5, window_bounds = array<i64: 1280, 128>}, {transform_indices = @transform_6, window_bounds = array<i64: 1280, 128>}, {transform_indices = @transform_7, window_bounds = array<i64: 1280, 128>}, {transform_indices = @transform_8, window_bounds = array<i64: 1280, 128>}]} {
    %get3A = arith.constant 0 : index
    %get3A_0 = arith.constant 0 : index
    %get3A_1 = vector.load %arg1[%get3A, %get3A_0] : memref<1280x256xf32, #tpu.memory_space<vmem>>, vector<1280x256xf32>
    %get3A_2 = arith.constant 0 : index
    %get3A_3 = arith.constant 0 : index
    %get3A_4 = vector.load %arg2[%get3A_2, %get3A_3] : memref<256x128xf32, #tpu.memory_space<vmem>>, vector<256x128xf32>
    %dot_general3A = arith.constant dense<0.000000e+00> : vector<1280x128xf32>
    %dot_general3A_5 = tpu.matmul %get3A_1, %get3A_4, %dot_general3A {dimension_numbers = #tpu.dot_dimension_numbers<[1], [0], [0], [1], [0, 0, 1, 1], [], []>, transpose_lhs_hint = false} : vector<1280x256xf32>, vector<256x128xf32>, vector<1280x128xf32> -> vector<1280x128xf32>
    %swap3A = arith.constant 0 : index
    %swap3A_6 = arith.constant 0 : index
    %swap3A_7 = vector.load %arg6[%swap3A, %swap3A_6] : memref<1280x128xf32, #tpu.memory_space<vmem>>, vector<1280x128xf32>
    tpu.vector_store %arg6[%swap3A, %swap3A_6], %dot_general3A_5 {strides = array<i32>} : memref<1280x128xf32, #tpu.memory_space<vmem>>, vector<1280x128xf32>,
    %get3A_8 = arith.constant 0 : index
    %get3A_9 = arith.constant 0 : index
    %get3A_10 = vector.load %arg3[%get3A_8, %get3A_9] : memref<256x128xf32, #tpu.memory_space<vmem>>, vector<256x128xf32>
    %dot_general3A_11 = arith.constant dense<0.000000e+00> : vector<1280x128xf32>
    %dot_general3A_12 = tpu.matmul %get3A_1, %get3A_10, %dot_general3A_11 {dimension_numbers = #tpu.dot_dimension_numbers<[1], [0], [0], [1], [0, 0, 1, 1], [], []>, transpose_lhs_hint = false} : vector<1280x256xf32>, vector<256x128xf32>, vector<1280x128xf32> -> vector<1280x128xf32>
    %gt3A = arith.constant 0.000000e+00 : f32
    %gt3A_13 = vector.broadcast %gt3A : f32 to vector<1280x128xf32>
    %gt3A_14 = arith.cmpf ogt, %dot_general3A_12, %gt3A_13 : vector<1280x128xf32>
    %mul3A = arith.constant 2.000000e-01 : f32
    %mul3A_15 = vector.broadcast %mul3A : f32 to vector<1280x128xf32>
    %mul3A_16 = arith.mulf %mul3A_15, %dot_general3A_12 : vector<1280x128xf32>
    %select_n3A = arith.select %gt3A_14, %dot_general3A_12, %mul3A_16 : vector<1280x128xi1>, vector<1280x128xf32>
    %swap3A_17 = arith.constant 0 : index
    %swap3A_18 = arith.constant 0 : index
    %swap3A_19 = vector.load %arg7[%swap3A_17, %swap3A_18] : memref<1280x128xf32, #tpu.memory_space<vmem>>, vector<1280x128xf32>
    tpu.vector_store %arg7[%swap3A_17, %swap3A_18], %select_n3A {strides = array<i32>} : memref<1280x128xf32, #tpu.memory_space<vmem>>, vector<1280x128xf32>,
    %get3A_20 = arith.constant 0 : index
    %get3A_21 = arith.constant 0 : index
    %get3A_22 = vector.load %arg4[%get3A_20, %get3A_21] : memref<256x256xf32, #tpu.memory_space<vmem>>, vector<256x256xf32>
    %dot_general3A_23 = arith.constant dense<0.000000e+00> : vector<1280x256xf32>
    %dot_general3A_24 = tpu.matmul %get3A_1, %get3A_22, %dot_general3A_23 {dimension_numbers = #tpu.dot_dimension_numbers<[1], [0], [0], [1], [0, 0, 1, 1], [], []>, transpose_lhs_hint = false} : vector<1280x256xf32>, vector<256x256xf32>, vector<1280x256xf32> -> vector<1280x256xf32>
    %get3A_25 = arith.constant 0 : index
    %get3A_26 = arith.constant 0 : index
    %get3A_27 = vector.load %arg5[%get3A_25, %get3A_26] : memref<1x256xf32, #tpu.memory_space<vmem>>, vector<1x256xf32>
    %add3A = vector.broadcast %get3A_27 : vector<1x256xf32> to vector<1280x256xf32>
    %add3A_28 = arith.addf %dot_general3A_24, %add3A : vector<1280x256xf32>
    %slice3A = vector.extract_strided_slice %add3A_28 {offsets = [0, 0], sizes = [1280, 128], strides = [1, 1]} : vector<1280x256xf32> to vector<1280x128xf32>
    %swap3A_29 = arith.constant 0 : index
    %swap3A_30 = arith.constant 0 : index
    %swap3A_31 = vector.load %arg8[%swap3A_29, %swap3A_30] : memref<1280x128xf32, #tpu.memory_space<vmem>>, vector<1280x128xf32>
    tpu.vector_store %arg8[%swap3A_29, %swap3A_30], %slice3A {strides = array<i32>} : memref<1280x128xf32, #tpu.memory_space<vmem>>, vector<1280x128xf32>,
    %slice3A_32 = vector.extract_strided_slice %add3A_28 {offsets = [0, 128], sizes = [1280, 128], strides = [1, 1]} : vector<1280x256xf32> to vector<1280x128xf32>
    %swap3A_33 = arith.constant 0 : index
    %swap3A_34 = arith.constant 0 : index
    %swap3A_35 = vector.load %arg9[%swap3A_33, %swap3A_34] : memref<1280x128xf32, #tpu.memory_space<vmem>>, vector<1280x128xf32>
    tpu.vector_store %arg9[%swap3A_33, %swap3A_34], %slice3A_32 {strides = array<i32>} : memref<1280x128xf32, #tpu.memory_space<vmem>>, vector<1280x128xf32>,
    return
  }
  func.func @transform_0(%arg0: i32) -> (i32, i32) {
    %c0_i32 = arith.constant 0 : i32
    %c0_i32_0 = arith.constant 0 : i32
    return %arg0, %c0_i32 : i32, i32
  }
  func.func @transform_1(%arg0: i32) -> (i32, i32) {
    %c0_i32 = arith.constant 0 : i32
    %c0_i32_0 = arith.constant 0 : i32
    %c0_i32_1 = arith.constant 0 : i32
    return %c0_i32, %c0_i32_0 : i32, i32
  }
  func.func @transform_2(%arg0: i32) -> (i32, i32) {
    %c0_i32 = arith.constant 0 : i32
    %c0_i32_0 = arith.constant 0 : i32
    %c0_i32_1 = arith.constant 0 : i32
    return %c0_i32, %c0_i32_0 : i32, i32
  }
  func.func @transform_3(%arg0: i32) -> (i32, i32) {
    %c0_i32 = arith.constant 0 : i32
    %c0_i32_0 = arith.constant 0 : i32
    %c0_i32_1 = arith.constant 0 : i32
    return %c0_i32, %c0_i32_0 : i32, i32
  }
  func.func @transform_4(%arg0: i32) -> (i32, i32) {
    %c0_i32 = arith.constant 0 : i32
    %c0_i32_0 = arith.constant 0 : i32
    %c0_i32_1 = arith.constant 0 : i32
    return %c0_i32, %c0_i32_0 : i32, i32
  }
  func.func @transform_5(%arg0: i32) -> (i32, i32) {
    %c0_i32 = arith.constant 0 : i32
    %c0_i32_0 = arith.constant 0 : i32
    return %arg0, %c0_i32 : i32, i32
  }
  func.func @transform_6(%arg0: i32) -> (i32, i32) {
    %c0_i32 = arith.constant 0 : i32
    %c0_i32_0 = arith.constant 0 : i32
    return %arg0, %c0_i32 : i32, i32
  }
  func.func @transform_7(%arg0: i32) -> (i32, i32) {
    %c0_i32 = arith.constant 0 : i32
    %c0_i32_0 = arith.constant 0 : i32
    return %arg0, %c0_i32 : i32, i32
  }
  func.func @transform_8(%arg0: i32) -> (i32, i32) {
    %c0_i32 = arith.constant 0 : i32
    %c0_i32_0 = arith.constant 0 : i32
    return %arg0, %c0_i32 : i32, i32
  }
}

module attributes {stable_mosaic.version = 14 : i64} {
  func.func @_alpha_body(%arg0: i32, %arg1: memref<6000x16xf32, #tpu.memory_space<vmem>>, %arg2: memref<16x16xf32, #tpu.memory_space<vmem>>, %arg3: memref<6000x16xf32, #tpu.memory_space<vmem>>) attributes {dimension_semantics = [#tpu.dimension_semantics<arbitrary>], iteration_bounds = array<i64: 32>, scalar_prefetch = 0 : i64, scratch_operands = 0 : i64, tpu.core_type = #tpu.core_type<tc>, window_params = [{transform_indices = @transform_0, window_bounds = array<i64: 6000, 16>}, {pipeline_mode = #tpu.pipeline_mode<synchronous>, transform_indices = @transform_1, window_bounds = array<i64: 16, 16>}, {transform_indices = @transform_2, window_bounds = array<i64: 6000, 16>}]} {
    %get3A = arith.constant 0 : index
    %get3A_0 = arith.constant 0 : index
    %get3A_1 = vector.load %arg1[%get3A, %get3A_0] : memref<6000x16xf32, #tpu.memory_space<vmem>>, vector<6000x16xf32>
    %get3A_2 = arith.constant 0 : index
    %get3A_3 = arith.constant 0 : index
    %get3A_4 = vector.load %arg2[%get3A_2, %get3A_3] : memref<16x16xf32, #tpu.memory_space<vmem>>, vector<16x16xf32>
    %dot_general3A = arith.constant dense<0.000000e+00> : vector<6000x16xf32>
    %dot_general3A_5 = tpu.matmul %get3A_1, %get3A_4, %dot_general3A {dimension_numbers = #tpu.dot_dimension_numbers<[1], [0], [0], [1], [0, 0, 1, 1], [], []>, transpose_lhs_hint = false} : vector<6000x16xf32>, vector<16x16xf32>, vector<6000x16xf32> -> vector<6000x16xf32>
    %swap3A = arith.constant 0 : index
    %swap3A_6 = arith.constant 0 : index
    %swap3A_7 = vector.load %arg3[%swap3A, %swap3A_6] : memref<6000x16xf32, #tpu.memory_space<vmem>>, vector<6000x16xf32>
    tpu.vector_store %arg3[%swap3A, %swap3A_6], %dot_general3A_5 {strides = array<i32>} : memref<6000x16xf32, #tpu.memory_space<vmem>>, vector<6000x16xf32>,
    return
  }
  func.func @transform_0(%arg0: i32) -> (i32, i32) {
    %c0_i32 = arith.constant 0 : i32
    %c0_i32_0 = arith.constant 0 : i32
    return %arg0, %c0_i32 : i32, i32
  }
  func.func @transform_1(%arg0: i32) -> (i32, i32) {
    %c0_i32 = arith.constant 0 : i32
    %c0_i32_0 = arith.constant 0 : i32
    %c0_i32_1 = arith.constant 0 : i32
    return %c0_i32, %c0_i32_0 : i32, i32
  }
  func.func @transform_2(%arg0: i32) -> (i32, i32) {
    %c0_i32 = arith.constant 0 : i32
    %c0_i32_0 = arith.constant 0 : i32
    return %arg0, %c0_i32 : i32, i32
  }
}

module attributes {stable_mosaic.version = 14 : i64} {
  func.func @_epi_body(%arg0: i32, %arg1: memref<2000x128xf32, #tpu.memory_space<vmem>>, %arg2: memref<2000x128xf32, #tpu.memory_space<vmem>>, %arg3: memref<2000x256xf32, #tpu.memory_space<vmem>>) attributes {dimension_semantics = [#tpu.dimension_semantics<arbitrary>], iteration_bounds = array<i64: 5>, scalar_prefetch = 0 : i64, scratch_operands = 0 : i64, tpu.core_type = #tpu.core_type<tc>, window_params = [{transform_indices = @transform_0, window_bounds = array<i64: 2000, 128>}, {transform_indices = @transform_1, window_bounds = array<i64: 2000, 128>}, {transform_indices = @transform_2, window_bounds = array<i64: 2000, 256>}]} {
    %get3A = arith.constant 0 : index
    %get3A_0 = arith.constant 0 : index
    %get3A_1 = vector.load %arg1[%get3A, %get3A_0] : memref<2000x128xf32, #tpu.memory_space<vmem>>, vector<2000x128xf32>
    %get3A_2 = arith.constant 0 : index
    %get3A_3 = arith.constant 0 : index
    %get3A_4 = vector.load %arg2[%get3A_2, %get3A_3] : memref<2000x128xf32, #tpu.memory_space<vmem>>, vector<2000x128xf32>
    %concatenate3A = tpu.concatenate %get3A_1, %get3A_4 in 1 : vector<2000x128xf32>, vector<2000x128xf32> -> vector<2000x256xf32>
    %gt3A = arith.constant 0.000000e+00 : f32
    %gt3A_5 = vector.broadcast %gt3A : f32 to vector<2000x256xf32>
    %gt3A_6 = arith.cmpf ogt, %concatenate3A, %gt3A_5 : vector<2000x256xf32>
    %mul3A = arith.constant 2.000000e-01 : f32
    %mul3A_7 = vector.broadcast %mul3A : f32 to vector<2000x256xf32>
    %mul3A_8 = arith.mulf %mul3A_7, %concatenate3A : vector<2000x256xf32>
    %select_n3A = arith.select %gt3A_6, %concatenate3A, %mul3A_8 : vector<2000x256xi1>, vector<2000x256xf32>
    %swap3A = arith.constant 0 : index
    %swap3A_9 = arith.constant 0 : index
    %swap3A_10 = vector.load %arg3[%swap3A, %swap3A_9] : memref<2000x256xf32, #tpu.memory_space<vmem>>, vector<2000x256xf32>
    tpu.vector_store %arg3[%swap3A, %swap3A_9], %select_n3A {strides = array<i32>} : memref<2000x256xf32, #tpu.memory_space<vmem>>, vector<2000x256xf32>,
    return
  }
  func.func @transform_0(%arg0: i32) -> (i32, i32) {
    %c0_i32 = arith.constant 0 : i32
    %c0_i32_0 = arith.constant 0 : i32
    return %arg0, %c0_i32 : i32, i32
  }
  func.func @transform_1(%arg0: i32) -> (i32, i32) {
    %c0_i32 = arith.constant 0 : i32
    %c0_i32_0 = arith.constant 0 : i32
    return %arg0, %c0_i32 : i32, i32
  }
  func.func @transform_2(%arg0: i32) -> (i32, i32) {
    %c0_i32 = arith.constant 0 : i32
    %c0_i32_0 = arith.constant 0 : i32
    return %arg0, %c0_i32 : i32, i32
  }
}

</mosaic_0001>

<sc_bundles>
// kernel: kernel.12.cloned.1.call-start
scs
__scs_entry_jumppad:
0x0: {  	(pc) =	sbr.rel $0x88, $3  }
0x1: {  	(tag) =	ssettag $0x0;
	lr =	simm.s32 $0x1  }
0x2: {  	[smem:$0x3F9B] =	sst lr;
	_ =	strace $0xD0000000  }
0x3: {  	_ = 	snop  }
0x4: {  	_ = 	snop  }
0x5: {  	_ = 	snop  }
0x6: {  	_ = 	snop  }
0x7: {  	_ = 	snop  }
__scs_overlays_trampoline_lowered:
0x8: {  	[smem:$0x3FAA] =	sst s0  }
0x9: {  	[smem:$0x3FAB] =	sst s1  }
0xa: {  	[smem:$0x3FAC] =	sst s2  }
0xb: {  	[smem:$0x3FAD] =	sst s3  }
0xc: {  	[smem:$0x3FAE] =	sst s4  }
0xd: {  	[smem:$0x3FAF] =	sst s5  }
0xe: {  	[smem:$0x3FB0] =	sst s6  }
0xf: {  	[smem:$0x3FB1] =	sst s7  }
0x10: {  	[smem:$0x3FB2] =	sst s8  }
0x11: {  	[smem:$0x3FB3] =	sst s9;
	s0 =	simm.s32 @!p0 $0x0  }
0x12: {  	s1 =	sld [smem:$0x3F99];
	s0 =	simm.s32 @p0 $0x1  }
0x13: {  	[smem:$0x3FB4] =	sst s0;
	s0 =	simm.s32 @!p1 $0x0  }
0x14: {  	s2 =	sld [smem:$0x3F98];
	s0 =	simm.s32 @p1 $0x1  }
0x15: {  	[smem:$0x3FB5] =	sst s0;
	s0 =	simm.s32 @!p2 $0x0  }
0x16: {  	s3 =	sld [smem:$0x3FDB];
	s0 =	simm.s32 @p2 $0x1  }
0x17: {  	s4 =	simm.s32 $0x1BF5;
	[smem:$0x3FB7] =	sst s0  }
0x18: {  	s0 =	sld [smem:$0x3F9A];
	_ =	swait.ge [sflag:s4], $0x0  }
0x19: {  	s7 =	sld [smem:$0x3F9B]  }
0x1a: {  	s8 =	sadd.s32 $0xFFFFE003, lr  }
0x1b: {  	s9 =	sadd.s32 $0xFFFFFEF7, lr;
	s5 =	simm.s32 $0xFFFFFFFF;
	p2 =	slt.u32 s8, $0xFFFFF086  }
0x1c: {  	p1 =	slt.u32 s9, $0xF7A;
	s5 =	simm.s32 @!p2 $0x0  }
0x1d: {  	s5 =	simm.s32 @p1 $0x1;
	p0 =	seq.s32 s7, s2  }
0x1e: {  	s7 =	smul.u32 @!p0 $0xF7A, s2;
	p2 =	seq.s32 @!p0 s5, $0x0  }
0x1f: {  	s9 =	smul.u32 $0xF7A, s1;
	s8 =	simm.s32 @!p0 $0x1BF5;
	p2 =	por !p2, p0  }
0x20: {  	[sflag:s8] =	ssyncset.s32 @!p0 $0xFFFFF086;
	s6 =	sadd.s32 @!p0 s3, s7;
	s7 =	simm.s32 @!p0 $0x108  }
0x21: {  	s3 =	sadd.s32 s3, s9;
	s6 =	sadd.s32 @!p0 $0x88, s6;
	s7 =	simm.s32 @p2 $0x1082  }
0x22: {  	[simem:s7], [sflag:s8] =	dma.local @!p0 [hbm:s6], $0xF7A  }
0x23: {  	s9 =	sor.u32 $0xD0000000, s2;
	s6 =	simm.s32 $0x108;
	_ =	swait.ge @!p0 [sflag:s8], $0x0  }
0x24: {  	s3 =	sadd.s32 $0x88, s3;
	s6 =	simm.s32 @!p1 $0x1082;
	[sflag:s4] =	ssyncset.s32 $0xFFFFF086  }
0x25: {  	[simem:s6], [sflag:s4] =	dma.local [hbm:s3], $0xF7A  }
0x26: {  	[smem:$0x3F9B] =	sst s1;
	(tag) =	ssettag s2;
	_ =	strace s9  }
0x27: {  	s1 =	sld [smem:$0x3FAB]  }
0x28: {  	s2 =	sld [smem:$0x3FAC]  }
0x29: {  	s4 =	sld [smem:$0x3FAE]  }
0x2a: {  	p0 =	seq.s32 s5, $0x0;
	s5 =	sld [smem:$0x3FAF]  }
0x2b: {  	s6 =	sld [smem:$0x3FB0]  }
0x2c: {  	s7 =	sld [smem:$0x3FB1]  }
0x2d: {  	s3 =	simm.s32 $0x108;
	s8 =	sld [smem:$0x3FB2]  }
0x2e: {  	s3 =	simm.s32 @!p0 $0x1082;
	s9 =	sld [smem:$0x3FB3]  }
0x2f: {  	lr =	sadd.s32 s0, s3;
	s0 =	sld [smem:$0x3FAA]  }
0x30: {  	s3 =	sld [smem:$0x3FAD]  }
0x31: {  	[smem:$0x3FB6] =	sst s10  }
0x32: {  	s10 =	sld [smem:$0x3FB4];
	_ =	sdelay $0x3  }
0x33: {  	p0 =	seq.s32 s10, $0x1;
	s10 =	sld [smem:$0x3FB6];
	_ =	sdelay $0x3  }
0x34: {  	[smem:$0x3FB6] =	sst s10  }
0x35: {  	s10 =	sld [smem:$0x3FB5];
	_ =	sdelay $0x3  }
0x36: {  	p1 =	seq.s32 s10, $0x1;
	s10 =	sld [smem:$0x3FB6];
	_ =	sdelay $0x3  }
0x37: {  	[smem:$0x3FB6] =	sst s10  }
0x38: {  	s10 =	sld [smem:$0x3FB7]  }
0x39: {  	_ = 	snop;
	(pc) =	sbr.ind lr, $3  }
0x3a: {  	_ = 	snop  }
0x3b: {  	_ = 	snop  }
0x3c: {  	p2 =	seq.s32 s10, $0x1;
	s10 =	sld [smem:$0x3FB6]  }
0x3d: {  	_ =	shalt  }
0x3e: {  	_ =	shalt  }
0x3f: {  	_ =	shalt  }
0x40: {  	_ =	shalt  }
0x41: {  	_ =	shalt  }
0x42: {  	_ =	shalt  }
0x43: {  	_ =	shalt  }
0x44: {  	_ =	shalt  }
0x45: {  	_ =	shalt  }
0x46: {  	_ =	shalt  }
0x47: {  	_ =	shalt  }
0x48: {  	_ =	shalt  }
0x49: {  	_ =	shalt  }
0x4a: {  	_ =	shalt  }
0x4b: {  	_ =	shalt  }
0x4c: {  	_ =	shalt  }
0x4d: {  	_ =	shalt  }
0x4e: {  	_ =	shalt  }
0x4f: {  	_ =	shalt  }
0x50: {  	_ =	shalt  }
0x51: {  	_ =	shalt  }
0x52: {  	_ =	shalt  }
0x53: {  	_ =	shalt  }
0x54: {  	_ =	shalt  }
0x55: {  	_ =	shalt  }
0x56: {  	_ =	shalt  }
0x57: {  	_ =	shalt  }
0x58: {  	_ =	shalt  }
0x59: {  	_ =	shalt  }
0x5a: {  	_ =	shalt  }
0x5b: {  	_ =	shalt  }
0x5c: {  	_ =	shalt  }
0x5d: {  	_ =	shalt  }
0x5e: {  	_ =	shalt  }
0x5f: {  	_ =	shalt  }
0x60: {  	_ =	shalt  }
0x61: {  	_ =	shalt  }
0x62: {  	_ =	shalt  }
0x63: {  	_ =	shalt  }
0x64: {  	_ =	shalt  }
0x65: {  	_ =	shalt  }
0x66: {  	_ =	shalt  }
0x67: {  	_ =	shalt  }
0x68: {  	_ =	shalt  }
0x69: {  	_ =	shalt  }
0x6a: {  	_ =	shalt  }
0x6b: {  	_ =	shalt  }
0x6c: {  	_ =	shalt  }
0x6d: {  	_ =	shalt  }
0x6e: {  	_ =	shalt  }
0x6f: {  	_ =	shalt  }
0x70: {  	_ =	shalt  }
0x71: {  	_ =	shalt  }
0x72: {  	_ =	shalt  }
0x73: {  	_ =	shalt  }
0x74: {  	_ =	shalt  }
0x75: {  	_ =	shalt  }
0x76: {  	_ =	shalt  }
0x77: {  	_ =	shalt  }
0x78: {  	_ =	shalt  }
0x79: {  	_ =	shalt  }
0x7a: {  	_ =	shalt  }
0x7b: {  	_ =	shalt  }
0x7c: {  	_ =	shalt  }
0x7d: {  	_ =	shalt  }
0x7e: {  	_ =	shalt  }
0x7f: {  	_ =	shalt  }
0x80: {  	_ =	shalt  }
0x81: {  	_ =	shalt  }
0x82: {  	_ =	shalt  }
0x83: {  	_ =	shalt  }
0x84: {  	_ =	shalt  }
0x85: {  	_ =	shalt  }
0x86: {  	_ =	shalt  }
0x87: {  	_ =	shalt  }
.Lfunc_end0:
.L_simem_size_0:
called_computation.1_lowered:
.L_overlay_start_0:
0x88: {  	s2 =	sld [smem:$0x3FD9]  }
0x89: {  	s3 =	sld [smem:$0x3FFE];
	_ =	sdelay $0x1  }
0x8a: {  	s1 =	srdreg.scid  }
0x8b: {  	s0 =	sand.u32 $0x1, s1  }
0x8c: {  	s17 =	sshll.u32 s0, $0xA;
	s2 =	sadd.s32 s3, s2  }
0x8d: {  	s2 =	sadd.s32 s2, s17  }
0x8e: {  	[smem:$0x3FC2] =	sst s2  }
0x8f: {  	_ = 	snop  }
0x90: {  	s2 =	sld [smem:$0x3FD0];
	(tm) =	ssettm $0x1  }
0x91: {  	s18 =	sld [smem:$0x3FFB];
	_ =	sdelay $0x3  }
0x92: {  	_ =	strace s18  }
0x93: {  	s3 =	sld [smem:$0x3FFC];
	_ =	sdelay $0x3  }
0x94: {  	_ =	strace s3  }
0x95: {  	s3 =	sld [smem:$0x3FFD];
	_ =	sdelay $0x3  }
0x96: {  	_ =	strace s3  }
0x97: {  	_ =	strace $0x8FFFFFFF  }
0x98: {  	s19 =	sld [smem:$0x3FDB];
	_ =	sdelay $0x1  }
0x99: {  	s4 =	simm.s32 $_scs_section_size  }
0x9a: {  	s5 =	simm.s32 $_size__tile_overlayer_lowered;
	s6 =	simm.s32 $_tile_overlayer_lowered  }
0x9b: {  	s22 =	simm.s32 $0x1BFF;
	s21 =	sshll.u32 s6, $0x1;
	s3 =	sadd.s32 s4, s19  }
0x9c: {  	s7 =	simm.s32 $0x0;
	s20 =	sshll.u32 s5, $0x1;
	s5 =	sadd.s32 s21, s3  }
0x9d: {  	[timem:s7], [sflag:s22] =	dma.local [hbm:s5], s20  }
0x9e: {  	_ =	swait.ge [sflag:s22], s20  }
0x9f: {  	s4 =	ssub.s32 $0x0, s20;
	[sflag:s22] =	ssyncset.done $0x0  }
0xa0: {  	[sflag:s22] =	ssyncadd.s32 s4;
	_ =	sdelay $0x1  }
0xa1: {  	s23 =	simm.s32 $0x1B8B  }
0xa2: {  	_ =	swait.ge [sflag:s23], $0x1  }
0xa3: {  	[sflag:s23] =	ssyncset.done $0x0  }
0xa4: {  	s25 =	simm.s32 $0x1B8E;
	s24 =	sld [smem:$0x3FFE];
	[sflag:s23] =	ssyncadd.s32 $0xFFFFFFFF  }
0xa5: {  	s26 =	simm.s32 $execute0_lowered;
	[smem:$0x3FD2] =	sst s25  }
0xa6: {  	s5 =	sshll.u32 s26, $0x1;
	_ =	strace $0x80000049;
	[dreg:$0x1] =	wrdreg $0xFFFFFFFF  }
0xa7: {  	s28 =	simm.s32 $_size_execute0_lowered;
	s3 =	sadd.s32 s3, s5;
	[dreg:$0x0] =	wrdreg $0x0  }
0xa8: {  	s5 =	sshll.u32 s28, $0x1;
	[dreg:$0x2] =	wrdreg s3  }
0xa9: {  	[dreg:$0x3] =	wrdreg s5  }
0xaa: {  	[dreg:$0x4] =	wrdreg $0xC0  }
0xab: {  	_ =	task [dreg:s7], $0x5FFFF  }
0xac: {  	[dreg:$0x1] =	wrdreg $0xFFFFFFFF  }
0xad: {  	[dreg:$0x0] =	wrdreg $0x60  }
0xae: {  	[dreg:$0x2] =	wrdreg s24  }
0xaf: {  	[dreg:$0x3] =	wrdreg s2  }
0xb0: {  	[dreg:$0x4] =	wrdreg $0x188000  }
0xb1: {  	[dreg:$0x5] =	wrdreg $0x9  }
0xb2: {  	_ =	task.clear_ibuf [dreg:s7], $0x6FFFF;
	_ =	strace $0x90000049  }
0xb3: {  	s29 =	simm.s32 $0x9;
	_ =	strace $0x8000004B  }
0xb4: {  	_ =	swait.ge [sflag:s29], $0x1  }
0xb5: {  	[sflag:s29] =	ssyncadd.s32 $0xFFFFFFFF  }
0xb6: {  	_ =	strace $0x9000004B  }
0xb7: {  	_ =	sfence  }
0xb8: {  	s30 =	sld [smem:$0x0];
	_ =	sdelay $0x2  }
0xb9: {  	s31 =	sshll.u32 s1, $0xD;
	s1 =	sshrl.u32 s1, $0x2  }
0xba: {  	s3 =	sand.u32 $0x4000, s31;
	s1 =	sadd.s32 s1, s30  }
0xbb: {  	s0 =	sor.u32 s3, s0;
	s1 =	sshll.u32 s1, $0x11  }
0xbc: {  	s0 =	sor.u32 s1, s0  }
0xbd: {  	s0 =	sadd.s32 $0x8F2B, s0  }
0xbe: {  	[sflag:s0] =	ssyncadd.remote.s32 $0x1  }
0xbf: {  	_ =	sfence.sel $0xFFFF  }
0xc0: {  	[dreg:$0x0] =	wrdreg $0xFFFFFFFF;
	(pc) =	sbr.abs _section_cstart, $3  }
0xc1: {  	[dreg:$0x1] =	wrdreg $0xFFFFFFFF  }
0xc2: {  	_ =	task.clear_ibuf [dreg:s7], $0x2FFFF;
	_ =	strace $0x9FFFFFFF  }
0xc3: {  	(tm) =	ssettm $0x7FFFFFFF  }
tec
execute0_lowered:
.L_overlay_start_1:
0x0: {  	(tag) =	ssettag $0x1  }
0x1: {  	s0 =	rddreg [dreg:$0x0]  }
0x2: {  	s3 =	rddreg [dreg:$0x1]  }
0x3: {  	s1 =	rddreg [dreg:$0x2];
	s2 =	simm.s32 $0x0  }
0x4: {  	s6 =	srdreg.scid;
	s16 =	stileid.u32;
	s28 =	simm.s32 $0xD800  }
0x5: {  	s29 =	simm.s32 $0xF000;
	s30 =	simm.s32 $0x12000;
	s31 =	simm.s32 $0x10800  }
0x6: {  	[smem:$0x7FF] =	sst s2;
	s4 =	sadd.s32 $0x33400, s0;
	s5 =	sadd.s32 $0xD3400, s0  }
0x7: {  	s8 =	sand.u32 $0x1, s6;
	s9 =	sadd.s32 $0x123400, s0;
	s14 =	smul.u32 $0x14000, s16  }
0x8: {  	s6 =	sadd.s32 $0xFB400, s0;
	s24 =	smul.u32 $0xA00, s16;
	_ =	strace $0x8000004A  }
0x9: {  	s7 =	sshll.u32 s8, $0x4;
	s10 =	ssub.s32 $0x2, s8;
	p0 =	seq.s32 s8, $0x0  }
0xa: {  	s8 =	simm.s32 $0x5B400;
	s12 =	sor.u32 s16, s7;
	s11 =	sshrl.u32 s10, $0x1  }
0xb: {  	s7 =	sadd.s32 $0x143400, s0;
	s23 =	sshrl.u32 s14, $0x2;
	s8 =	simm.s32 @!p0 $0x431400  }
0xc: {  	s13 =	sshll.u32 s12, $0xB;
	s17 =	ssub.s32 s10, s11;
	s10 =	sadd.s32 s23, s1  }
0xd: {  	s12 =	smul.u32 $0x7D, s12;
	s0 =	sadd.s32 s8, s0;
	s15 =	sor.u32 $0x10000, s13  }
0xe: {  	s22 =	sadd.s32 s9, s13;
	s11 =	sadd.s32 s3, s13;
	s16 =	sadd.s32 s0, s24  }
0xf: {  	s17 =	smax.u32 s17, $0x1;
	s24 =	simm.s32 $0x13800;
	s0 =	simm.s32 $0x0  }
0x10: {  	[dreg:$0x4] =	wrdreg s22;
	s9 =	sadd.s32 s9, s15;
	s3 =	sadd.s32 s3, s15  }
0x11: {  	s25 =	sadd.s32 $0x20000, s11;
	s26 =	sadd.s32 $0x30000, s11;
	[dreg:$0x5] =	wrdreg s9  }
0x12: {  	s18 =	sadd.s32 $0xA000, s16;
	s19 =	sadd.s32 $0x14000, s16;
	[dreg:$0x6] =	wrdreg s3  }
0x13: {  	s20 =	sadd.s32 $0x1E000, s16;
	s22 =	simm.s32 $0x1;
	[dreg:$0x7] =	wrdreg s25  }
0x14: {  	v0 =	vimm.f32 $0.0e+00;
	[dreg:$0x8] =	wrdreg s26;
	s25 =	simm.s32 $0x30;
	s26 =	simm.s32 $0xC000  }
.LBB2_1:
0x15: {  	s3 =	simm.s32 $0x0;
	s8 =	simm.s32 $0x200  }
.LBB2_2:
0x16: {  	p0 =	sne.s32 s8, $0x13E00;
	[tilespmem:s3+$0x13870] =	vst v0  }
0x17: {  	[tilespmem:s3+$0x13800] =	vst v0  }
0x18: {  	[tilespmem:s3+$0x13810] =	vst v0  }
.Ltmp0:
0x19: {  	[tilespmem:s3+$0x13820] =	vst v0;
	(pc) =	sbr.rel @p0 .LBB2_2-.Ltmp0, $4  }
0x1a: {  	[tilespmem:s3+$0x13830] =	vst v0  }
0x1b: {  	[tilespmem:s3+$0x13840] =	vst v0  }
0x1c: {  	[tilespmem:s3+$0x13850] =	vst v0  }
0x1d: {  	[tilespmem:s3+$0x13860] =	vst v0;
	s3 =	sshra.s32 s8, $0x2;
	s8 =	sadd.s32 $0x200, s8  }
0x1e: {  	[tilespmem:s3+$0x13870] =	vst v0  }
0x1f: {  	[tilespmem:s3+$0x13800] =	vst v0  }
0x20: {  	[tilespmem:s3+$0x13810] =	vst v0  }
0x21: {  	[tilespmem:s3+$0x13820] =	vst v0  }
0x22: {  	[tilespmem:s3+$0x13830] =	vst v0  }
0x23: {  	[tilespmem:s3+$0x13840] =	vst v0  }
0x24: {  	[tilespmem:s3+$0x13850] =	vst v0  }
0x25: {  	[tilespmem:s3+$0x13860] =	vst v0;
	s3 =	simm.s32 $0x0;
	s8 =	simm.s32 $0x200  }
.LBB2_4:
0x26: {  	p0 =	sne.s32 s8, $0x5E00;
	[tilespmem:s3+$0x10870] =	vst v0  }
0x27: {  	[tilespmem:s3+$0x10800] =	vst v0  }
0x28: {  	[tilespmem:s3+$0x10810] =	vst v0  }
.Ltmp1:
0x29: {  	[tilespmem:s3+$0x10820] =	vst v0;
	(pc) =	sbr.rel @p0 .LBB2_4-.Ltmp1, $4  }
0x2a: {  	[tilespmem:s3+$0x10830] =	vst v0  }
0x2b: {  	[tilespmem:s3+$0x10840] =	vst v0  }
0x2c: {  	[tilespmem:s3+$0x10850] =	vst v0  }
0x2d: {  	[tilespmem:s3+$0x10860] =	vst v0;
	s3 =	sshra.s32 s8, $0x2;
	s8 =	sadd.s32 $0x200, s8  }
0x2e: {  	[tilespmem:s3+$0x10870] =	vst v0  }
0x2f: {  	[tilespmem:s3+$0x10800] =	vst v0  }
0x30: {  	[tilespmem:s3+$0x10810] =	vst v0  }
0x31: {  	[tilespmem:s3+$0x10820] =	vst v0  }
0x32: {  	[tilespmem:s3+$0x10830] =	vst v0  }
0x33: {  	[tilespmem:s3+$0x10840] =	vst v0  }
0x34: {  	[tilespmem:s3+$0x10850] =	vst v0  }
0x35: {  	[tilespmem:s3+$0x10860] =	vst v0;
	s21 =	simm.s32 $0x0;
	s14 =	rddreg [dreg:$0x4];
	s8 =	simm.s32 $0x4000  }
0x36: {  	[tilespmem:s8], [sflag:$0x1] =	stream.linear.gather [hbm4b:s14+s21], $0x3E80, $0x38;
	[tilespmem:$0x1D800] =	vst v63  }
0x37: {  	_ =	swait.ge [sflag:s22], $0x3E80  }
0x38: {  	[sflag:s22] =	ssyncset.done $0x0  }
0x39: {  	s23 =	simm.s32 $0x8000;
	s15 =	rddreg [dreg:$0x5];
	[sflag:s22] =	ssyncadd.s32 $0xFFFFC180  }
0x3a: {  	[tilespmem:s23], [sflag:$0x1] =	stream.linear.gather [hbm4b:s15+s21], $0x3E80, $0x38;
	[tilespmem:$0x1D800] =	vst v63  }
0x3b: {  	_ =	swait.ge [sflag:s22], $0x3E80  }
0x3c: {  	[sflag:s22] =	ssyncset.done $0x0  }
0x3d: {  	[sflag:s22] =	ssyncadd.s32 $0xFFFFC180  }
0x3e: {  	[spmem:s10] =	stream.linear.scatter [tilespmem:s24], [sflag:$0x1], $0x5000, $0x38;
	[tilespmem:$0x1D800] =	vst v63  }
0x3f: {  	_ =	swait.ge [sflag:s22], $0x5000  }
0x40: {  	[sflag:s22] =	ssyncset.done $0x0  }
0x41: {  	[sflag:s22] =	ssyncadd.s32 $0xFFFFB000  }
0x42: {  	[bflag:$0x0] =	sbarrier.arrive $0xFFFF  }
0x43: {  	[tilespmem:s21], [sflag:$0x1] =	stream.linear.gather [hbm4b:s11+s21], $0x3E80, $0x38;
	[tilespmem:$0x1D800] =	vst v63  }
0x44: {  	_ =	swait.ge [sflag:s22], $0x3E80  }
0x45: {  	[sflag:s22] =	ssyncset.done $0x0  }
0x46: {  	[sflag:s22] =	ssyncadd.s32 $0xFFFFC180  }
.LBB2_6:
0x47: {  	s23 =	sshll.u32 s21, $0x7  }
0x48: {  	s3 =	sadd.s32 $0x8000, s23  }
0x49: {  	[tilespmem:s26], [sflag:$0x1] =	stream.indirect.gather [hbm4b:s5+s25], $0x80, s3, s25, $0xb8;
	[tilespmem:$0x1D800] =	vst v63  }
0x4a: {  	_ =	swait.ge [sflag:s22], $0x1800  }
0x4b: {  	[sflag:s22] =	ssyncset.done $0x0  }
0x4c: {  	[sflag:s22] =	ssyncadd.s32 $0xFFFFE800  }
0x4d: {  	[tilespmem:s28], [sflag:$0x1] =	stream.indirect.gather [hbm4b:s6+s25], $0x80, s3, s25, $0xb8;
	[tilespmem:$0x1D800] =	vst v63  }
0x4e: {  	_ =	swait.ge [sflag:s22], $0x1800  }
0x4f: {  	[sflag:s22] =	ssyncset.done $0x0  }
0x50: {  	s15 =	sadd.s32 $0x4000, s23;
	[sflag:s22] =	ssyncadd.s32 $0xFFFFE800  }
0x51: {  	[tilespmem:s29], [sflag:$0x1] =	stream.indirect.gather [hbm4b:s4+s25], $0x80, s15, s25, $0xb8;
	[tilespmem:$0x1D800] =	vst v63  }
0x52: {  	_ =	swait.ge [sflag:s22], $0x1800  }
0x53: {  	[sflag:s22] =	ssyncset.done $0x0  }
0x54: {  	s3 =	simm.s32 $0x0;
	[sflag:s22] =	ssyncadd.s32 $0xFFFFE800  }
0x55: {  	v1 =	vld [tilespmem:s3+$0xC000]  }
0x56: {  	v2 =	vld [tilespmem:s3+$0xD800];
	_ =	sdelay $0x1  }
0x57: {  	v3 =	vld [tilespmem:s3+$0xF000];
	_ =	sdelay $0x2  }
0x58: {  	v1 =	vadd.f32 v2, v1  }
0x59: {  	s8 =	simm.s32 $0x80  }
0x5a: {  	v4 =	vld [tilespmem:s8+$0xF000];
	v1 =	vmul.f32 v3, v1  }
0x5b: {  	v2 =	vld [tilespmem:s8+$0xC000]  }
0x5c: {  	s13 =	simm.s32 $0x100;
	v3 =	vld [tilespmem:s8+$0xD800];
	v1 =	vmul.f32 $1.442695020e+00, v1  }
0x5d: {  	v5 =	vld [tilespmem:s13+$0xC000]  }
0x5e: {  	(erf) = vpow2.f32 v1;
	v1 =	vld [tilespmem:s13+$0xD800];
	_ =	sdelay $0x2  }
0x5f: {  	v2 =	vadd.f32 v3, v2  }
0x60: {  	v6 =	vld [tilespmem:s13+$0xF000]  }
0x61: {  	v2 =	vmul.f32 v4, v2;
	v4 =	vadd.f32 v1, v5;
	_ =	sdelay $0x1  }
0x62: {  	v5 =	vmul.f32 $1.442695020e+00, v2  }
0x63: {  	s9 =	simm.s32 $0x180  }
0x64: {  	v3 =	vld [tilespmem:s9+$0xD800];
	v6 =	vmul.f32 v6, v4;
	v4 =	vpop (erf);
	(erf) = vpow2.f32 v5  }
0x65: {  	v1 =	vld [tilespmem:s9+$0xC000];
	_ =	sdelay $0x1  }
0x66: {  	s14 =	simm.s32 $0x800;
	v2 =	vld [tilespmem:s9+$0xF000];
	v5 =	vmul.f32 $1.442695020e+00, v6;
	[tilespmem:s3+$0x12000] =	vst v4  }
.LBB2_7:
0x67: {  	s15 =	sshra.s32 s14, $0x2  }
0x68: {  	[tilespmem:s3+$0x10800] =	vst v4;
	s3 =	smov.u32 s8;
	s8 =	smov.u32 s13;
	p0 =	sne.s32 s14, $0x5E00  }
.Ltmp2:
0x69: {  	s14 =	sadd.s32 $0x200, s14;
	v6 =	vadd.f32 v3, v1;
	v1 =	vld [tilespmem:s15+$0xC000];
	(erf) = vpow2.f32 v5;
	(pc) =	sbr.rel @p0 .LBB2_7-.Ltmp2, $4  }
0x6a: {  	s13 =	smov.u32 s9;
	s9 =	smov.u32 s15;
	v3 =	vld [tilespmem:s15+$0xD800]  }
0x6b: {  	v5 =	vmul.f32 v2, v6  }
0x6c: {  	v2 =	vld [tilespmem:s9+$0xF000];
	v4 =	vpop (erf)  }
0x6d: {  	v5 =	vmul.f32 $1.442695020e+00, v5;
	[tilespmem:s3+$0x12000] =	vst v4  }
0x6e: {  	_ = 	snop  }
0x6f: {  	v1 =	vadd.f32 v3, v1;
	_ =	sdelay $0x1  }
0x70: {  	v1 =	vmul.f32 v2, v1;
	_ =	sdelay $0x1  }
0x71: {  	(erf) = vpow2.f32 v5;
	v1 =	vmul.f32 $1.442695020e+00, v1;
	_ =	sdelay $0x1  }
0x72: {  	(erf) = vpow2.f32 v1;
	_ =	sdelay $0x4  }
0x73: {  	[tilespmem:s3+$0x10800] =	vst v4;
	v1 =	vpop (erf)  }
0x74: {  	[tilespmem:s8+$0x12000] =	vst v1  }
0x75: {  	[tilespmem:s8+$0x10800] =	vst v1;
	v1 =	vpop (erf)  }
0x76: {  	s15 =	sadd.s32 s12, s21;
	[tilespmem:s13+$0x12000] =	vst v1  }
0x77: {  	s3 =	smul.u32 $0x300, s15;
	[tilespmem:s13+$0x10800] =	vst v1;
	v1 =	vpop (erf)  }
0x78: {  	[tilespmem:s9+$0x12000] =	vst v1  }
0x79: {  	s3 =	sadd.s32 s7, s3;
	[tilespmem:s9+$0x10800] =	vst v1  }
0x7a: {  	[hbm4b:s3+s2] =	stream.linear.scatter [tilespmem:s30], [sflag:$0x1], $0x1800, $0x38;
	[tilespmem:$0x1D800] =	vst v63  }
0x7b: {  	s21 =	sadd.s32 $0x1, s21;
	_ =	swait.ge [sflag:s22], $0x1800  }
0x7c: {  	p0 =	sne.s32 s21, $0x7D;
	[sflag:s22] =	ssyncset.done $0x0  }
.Ltmp3:
0x7d: {  	[sflag:s22] =	ssyncadd.s32 $0xFFFFE800;
	(pc) =	sbr.rel @p0 .LBB2_6-.Ltmp3, $4  }
0x7e: {  	[spmem:s1] =	stream.indirect.scatter.add.f32 [tilespmem:s31], [sflag:$0x1], $0x80, s23, s25, $0xb8;
	[tilespmem:$0x1D800] =	vst v63  }
0x7f: {  	_ =	swait.ge [sflag:s22], $0x1800  }
0x80: {  	[sflag:s22] =	ssyncset.done $0x0  }
0x81: {  	[sflag:s22] =	ssyncadd.s32 $0xFFFFE800  }
0x82: {  	s3 =	stileid.u32  }
0x83: {  	s3 =	sshll.u32 s3, $0x6  }
0x84: {  	[bflag:$0x0] =	sbarrier.arrive $0xFFFF;
	s23 =	sshrl.u32 s10, $0x3;
	s21 =	sor.u32 $0x1C01, s3  }
0x85: {  	[hbm:s16], [sflag:s21] =	dma.local [spmem:s23], $0xA00  }
0x86: {  	_ =	swait.ge [sflag:s22], $0xA00  }
0x87: {  	[sflag:s22] =	ssyncset.done $0x0  }
0x88: {  	[sflag:s22] =	ssyncadd.s32 $0xFFFFF600  }
0x89: {  	[spmem:s10] =	stream.linear.scatter [tilespmem:s24], [sflag:$0x1], $0x5000, $0x38;
	[tilespmem:$0x1D800] =	vst v63  }
0x8a: {  	_ =	swait.ge [sflag:s22], $0x5000  }
0x8b: {  	[sflag:s22] =	ssyncset.done $0x0  }
0x8c: {  	[sflag:s22] =	ssyncadd.s32 $0xFFFFB000  }
0x8d: {  	[bflag:$0x0] =	sbarrier.arrive $0xFFFF  }
0x8e: {  	s3 =	simm.s32 $0x0;
	s8 =	rddreg [dreg:$0x6]  }
0x8f: {  	[tilespmem:s3], [sflag:$0x1] =	stream.linear.gather [hbm4b:s8+s3], $0x3E80, $0x38;
	[tilespmem:$0x1D800] =	vst v63  }
0x90: {  	_ =	swait.ge [sflag:s22], $0x3E80  }
0x91: {  	[sflag:s22] =	ssyncset.done $0x0  }
0x92: {  	s8 =	simm.s32 $0x0;
	[sflag:s22] =	ssyncadd.s32 $0xFFFFC180  }
.LBB2_10:
0x93: {  	s9 =	sadd.s32 s12, s8  }
0x94: {  	s9 =	smul.u32 $0x300, s9;
	_ =	sdelay $0x1  }
0x95: {  	s9 =	sadd.s32 s7, s9  }
0x96: {  	[tilespmem:s30], [sflag:$0x1] =	stream.linear.gather [hbm4b:s9+s3], $0x1800, $0x38;
	[tilespmem:$0x1D800] =	vst v63  }
0x97: {  	_ =	swait.ge [sflag:s22], $0x1800  }
0x98: {  	[sflag:s22] =	ssyncset.done $0x0  }
0x99: {  	s9 =	simm.s32 $0x0;
	[sflag:s22] =	ssyncadd.s32 $0xFFFFE800  }
0x9a: {  	s13 =	simm.s32 $0x200;
	v1 =	vld [tilespmem:s9+$0x12000]  }
.LBB2_11:
0x9b: {  	p0 =	sne.s32 s13, $0x5E00  }
.Ltmp4:
0x9c: {  	_ = 	snop;
	(pc) =	sbr.rel @p0 .LBB2_11-.Ltmp4, $3  }
0x9d: {  	_ =	sdelay $0x1  }
0x9e: {  	[tilespmem:s9+$0x10800] =	vst v1;
	s9 =	sshra.s32 s13, $0x2;
	s13 =	sadd.s32 $0x200, s13  }
0x9f: {  	v1 =	vld [tilespmem:s9+$0x12000]  }
0xa0: {  	_ =	sdelay $0x1  }
0xa1: {  	s13 =	sshll.u32 s8, $0x7;
	s8 =	sadd.s32 $0x1, s8  }
0xa2: {  	p0 =	sne.s32 s8, $0x7D  }
.Ltmp5:
0xa3: {  	s15 =	sand.u32 $0x3FFFFF80, s13;
	[tilespmem:s9+$0x10800] =	vst v1;
	(pc) =	sbr.rel @p0 .LBB2_10-.Ltmp5, $4  }
0xa4: {  	[spmem:s1] =	stream.indirect.scatter.add.f32 [tilespmem:s31], [sflag:$0x1], $0x80, s15, s25, $0xb8;
	[tilespmem:$0x1D800] =	vst v63  }
0xa5: {  	_ =	swait.ge [sflag:s22], $0x1800  }
0xa6: {  	[sflag:s22] =	ssyncset.done $0x0  }
0xa7: {  	[sflag:s22] =	ssyncadd.s32 $0xFFFFE800  }
0xa8: {  	[bflag:$0x0] =	sbarrier.arrive $0xFFFF  }
0xa9: {  	[hbm:s18], [sflag:s21] =	dma.local [spmem:s23], $0xA00  }
0xaa: {  	_ =	swait.ge [sflag:s22], $0xA00  }
0xab: {  	[sflag:s22] =	ssyncset.done $0x0  }
0xac: {  	[sflag:s22] =	ssyncadd.s32 $0xFFFFF600  }
0xad: {  	[spmem:s10] =	stream.linear.scatter [tilespmem:s24], [sflag:$0x1], $0x5000, $0x38;
	[tilespmem:$0x1D800] =	vst v63  }
0xae: {  	_ =	swait.ge [sflag:s22], $0x5000  }
0xaf: {  	[sflag:s22] =	ssyncset.done $0x0  }
0xb0: {  	[sflag:s22] =	ssyncadd.s32 $0xFFFFB000  }
0xb1: {  	[bflag:$0x0] =	sbarrier.arrive $0xFFFF  }
0xb2: {  	s3 =	simm.s32 $0x0;
	s8 =	rddreg [dreg:$0x7]  }
0xb3: {  	[tilespmem:s3], [sflag:$0x1] =	stream.linear.gather [hbm4b:s8+s3], $0x3E80, $0x38;
	[tilespmem:$0x1D800] =	vst v63  }
0xb4: {  	_ =	swait.ge [sflag:s22], $0x3E80  }
0xb5: {  	[sflag:s22] =	ssyncset.done $0x0  }
0xb6: {  	s8 =	simm.s32 $0x0;
	[sflag:s22] =	ssyncadd.s32 $0xFFFFC180  }
.LBB2_14:
0xb7: {  	s9 =	sadd.s32 s12, s8  }
0xb8: {  	s9 =	smul.u32 $0x300, s9;
	_ =	sdelay $0x1  }
0xb9: {  	s9 =	sadd.s32 s7, s9  }
0xba: {  	[tilespmem:s30], [sflag:$0x1] =	stream.linear.gather [hbm4b:s9+s3], $0x1800, $0x38;
	[tilespmem:$0x1D800] =	vst v63  }
0xbb: {  	_ =	swait.ge [sflag:s22], $0x1800  }
0xbc: {  	[sflag:s22] =	ssyncset.done $0x0  }
0xbd: {  	s9 =	simm.s32 $0x0;
	[sflag:s22] =	ssyncadd.s32 $0xFFFFE800  }
0xbe: {  	s13 =	simm.s32 $0x200;
	v1 =	vld [tilespmem:s9+$0x12000]  }
.LBB2_15:
0xbf: {  	p0 =	sne.s32 s13, $0x5E00  }
.Ltmp6:
0xc0: {  	_ = 	snop;
	(pc) =	sbr.rel @p0 .LBB2_15-.Ltmp6, $3  }
0xc1: {  	_ =	sdelay $0x1  }
0xc2: {  	[tilespmem:s9+$0x10800] =	vst v1;
	s9 =	sshra.s32 s13, $0x2;
	s13 =	sadd.s32 $0x200, s13  }
0xc3: {  	v1 =	vld [tilespmem:s9+$0x12000]  }
0xc4: {  	_ =	sdelay $0x1  }
0xc5: {  	s13 =	sshll.u32 s8, $0x7;
	s8 =	sadd.s32 $0x1, s8  }
0xc6: {  	p0 =	sne.s32 s8, $0x7D  }
.Ltmp7:
0xc7: {  	s15 =	sand.u32 $0x3FFFFF80, s13;
	[tilespmem:s9+$0x10800] =	vst v1;
	(pc) =	sbr.rel @p0 .LBB2_14-.Ltmp7, $4  }
0xc8: {  	[spmem:s1] =	stream.indirect.scatter.add.f32 [tilespmem:s31], [sflag:$0x1], $0x80, s15, s25, $0xb8;
	[tilespmem:$0x1D800] =	vst v63  }
0xc9: {  	_ =	swait.ge [sflag:s22], $0x1800  }
0xca: {  	[sflag:s22] =	ssyncset.done $0x0  }
0xcb: {  	[sflag:s22] =	ssyncadd.s32 $0xFFFFE800  }
0xcc: {  	[bflag:$0x0] =	sbarrier.arrive $0xFFFF  }
0xcd: {  	[hbm:s19], [sflag:s21] =	dma.local [spmem:s23], $0xA00  }
0xce: {  	_ =	swait.ge [sflag:s22], $0xA00  }
0xcf: {  	[sflag:s22] =	ssyncset.done $0x0  }
0xd0: {  	[sflag:s22] =	ssyncadd.s32 $0xFFFFF600  }
0xd1: {  	[spmem:s10] =	stream.linear.scatter [tilespmem:s24], [sflag:$0x1], $0x5000, $0x38;
	[tilespmem:$0x1D800] =	vst v63  }
0xd2: {  	_ =	swait.ge [sflag:s22], $0x5000  }
0xd3: {  	[sflag:s22] =	ssyncset.done $0x0  }
0xd4: {  	[sflag:s22] =	ssyncadd.s32 $0xFFFFB000  }
0xd5: {  	[bflag:$0x0] =	sbarrier.arrive $0xFFFF  }
0xd6: {  	s3 =	simm.s32 $0x0;
	s8 =	rddreg [dreg:$0x8]  }
0xd7: {  	[tilespmem:s3], [sflag:$0x1] =	stream.linear.gather [hbm4b:s8+s3], $0x3E80, $0x38;
	[tilespmem:$0x1D800] =	vst v63  }
0xd8: {  	_ =	swait.ge [sflag:s22], $0x3E80  }
0xd9: {  	[sflag:s22] =	ssyncset.done $0x0  }
0xda: {  	s8 =	simm.s32 $0x0;
	[sflag:s22] =	ssyncadd.s32 $0xFFFFC180  }
.LBB2_18:
0xdb: {  	s9 =	sadd.s32 s12, s8  }
0xdc: {  	s9 =	smul.u32 $0x300, s9;
	_ =	sdelay $0x1  }
0xdd: {  	s9 =	sadd.s32 s7, s9  }
0xde: {  	[tilespmem:s30], [sflag:$0x1] =	stream.linear.gather [hbm4b:s9+s3], $0x1800, $0x38;
	[tilespmem:$0x1D800] =	vst v63  }
0xdf: {  	_ =	swait.ge [sflag:s22], $0x1800  }
0xe0: {  	[sflag:s22] =	ssyncset.done $0x0  }
0xe1: {  	s9 =	simm.s32 $0x0;
	[sflag:s22] =	ssyncadd.s32 $0xFFFFE800  }
0xe2: {  	s13 =	simm.s32 $0x200;
	v1 =	vld [tilespmem:s9+$0x12000]  }
.LBB2_19:
0xe3: {  	p0 =	sne.s32 s13, $0x5E00  }
.Ltmp8:
0xe4: {  	_ = 	snop;
	(pc) =	sbr.rel @p0 .LBB2_19-.Ltmp8, $3  }
0xe5: {  	_ =	sdelay $0x1  }
0xe6: {  	[tilespmem:s9+$0x10800] =	vst v1;
	s9 =	sshra.s32 s13, $0x2;
	s13 =	sadd.s32 $0x200, s13  }
0xe7: {  	v1 =	vld [tilespmem:s9+$0x12000]  }
0xe8: {  	_ =	sdelay $0x1  }
0xe9: {  	s13 =	sshll.u32 s8, $0x7;
	s8 =	sadd.s32 $0x1, s8  }
0xea: {  	p0 =	sne.s32 s8, $0x7D  }
.Ltmp9:
0xeb: {  	s15 =	sand.u32 $0x3FFFFF80, s13;
	[tilespmem:s9+$0x10800] =	vst v1;
	(pc) =	sbr.rel @p0 .LBB2_18-.Ltmp9, $4  }
0xec: {  	[spmem:s1] =	stream.indirect.scatter.add.f32 [tilespmem:s31], [sflag:$0x1], $0x80, s15, s25, $0xb8;
	[tilespmem:$0x1D800] =	vst v63  }
0xed: {  	_ =	swait.ge [sflag:s22], $0x1800  }
0xee: {  	[sflag:s22] =	ssyncset.done $0x0  }
0xef: {  	[sflag:s22] =	ssyncadd.s32 $0xFFFFE800  }
0xf0: {  	s0 =	sadd.s32 $0x1, s0  }
0xf1: {  	p0 =	sne.s32 s0, s17  }
.Ltmp10:
0xf2: {  	[bflag:$0x0] =	sbarrier.arrive $0xFFFF;
	(pc) =	sbr.rel @p0 .LBB2_1-.Ltmp10, $4  }
0xf3: {  	[hbm:s20], [sflag:s21] =	dma.local [spmem:s23], $0xA00  }
0xf4: {  	_ =	swait.ge [sflag:s22], $0xA00  }
0xf5: {  	[sflag:s22] =	ssyncset.done $0x0  }
0xf6: {  	[sflag:s22] =	ssyncadd.s32 $0xFFFFF600  }
0xf7: {  	_ =	sfence.sel $0x180000  }
0xf8: {  	[bflag:$0x0] =	sbarrier.arrive $0xFFFF  }
0xf9: {  	_ =	strace $0x9000004A  }
0xfa: {  	s0 =	stileid.u32;
	[bflag:$0x2] =	sbarrier.arrive $0xFFFF  }
0xfb: {  	p0 =	sne.s32 s0, $0x0;
	s0 =	rddreg [dreg:$0x3]  }
0xfc: {  	s0 =	sadd.s32 @!p0 $0x100000, s0  }
0xfd: {  	[sflag:s0] =	ssyncadd.tile.s32 @!p0 $0x1;
	_ =	shalt  }
.Lfunc_end2:
_tile_overlayer_lowered:
.L_overlay_start_2:
0xfe: {  	(tag) =	ssettag $0x2  }
0xff: {  	s0 =	rddreg [dreg:$0x0];
	s2 =	stileid.u32  }
0x100: {  	s1 =	rddreg [dreg:$0x1];
	p0 =	sne.s32 s2, $0x0  }
0x101: {  	s3 =	rddreg [dreg:$0x2];
	[bflag:$0x3] =	sbarrier.arrive $0xFFFF;
	s2 =	simm.s32 @!p0 $0x1C01  }
0x102: {  	[timem:s3], [sflag:s2] =	dma.local @!p0 [hbm:s0], s1  }
0x103: {  	s0 =	simm.s32 @!p0 $0x1  }
0x104: {  	_ =	swait.ge @!p0 [sflag:s0], s1  }
0x105: {  	s1 =	ssub.s32 @!p0 $0x0, s1;
	[sflag:s0] =	ssyncset.done @!p0 $0x0  }
0x106: {  	[sflag:s0] =	ssyncadd.s32 @!p0 s1  }
0x107: {  	[bflag:$0x3] =	sbarrier.arrive $0xFFFF  }
0x108: {  	_ =	shalt  }

// kernel: kernel.15.cloned.1.call-start
scs
__scs_entry_jumppad:
0x0: {  	(pc) =	sbr.rel $0x88, $3  }
0x1: {  	(tag) =	ssettag $0x0;
	lr =	simm.s32 $0x1  }
0x2: {  	[smem:$0x3F9B] =	sst lr;
	_ =	strace $0xD0000000  }
0x3: {  	_ = 	snop  }
0x4: {  	_ = 	snop  }
0x5: {  	_ = 	snop  }
0x6: {  	_ = 	snop  }
0x7: {  	_ = 	snop  }
__scs_overlays_trampoline_lowered:
0x8: {  	[smem:$0x3FAA] =	sst s0  }
0x9: {  	[smem:$0x3FAB] =	sst s1  }
0xa: {  	[smem:$0x3FAC] =	sst s2  }
0xb: {  	[smem:$0x3FAD] =	sst s3  }
0xc: {  	[smem:$0x3FAE] =	sst s4  }
0xd: {  	[smem:$0x3FAF] =	sst s5  }
0xe: {  	[smem:$0x3FB0] =	sst s6  }
0xf: {  	[smem:$0x3FB1] =	sst s7  }
0x10: {  	[smem:$0x3FB2] =	sst s8  }
0x11: {  	[smem:$0x3FB3] =	sst s9;
	s0 =	simm.s32 @!p0 $0x0  }
0x12: {  	s1 =	sld [smem:$0x3F99];
	s0 =	simm.s32 @p0 $0x1  }
0x13: {  	[smem:$0x3FB4] =	sst s0;
	s0 =	simm.s32 @!p1 $0x0  }
0x14: {  	s2 =	sld [smem:$0x3F98];
	s0 =	simm.s32 @p1 $0x1  }
0x15: {  	[smem:$0x3FB5] =	sst s0;
	s0 =	simm.s32 @!p2 $0x0  }
0x16: {  	s3 =	sld [smem:$0x3FDB];
	s0 =	simm.s32 @p2 $0x1  }
0x17: {  	s4 =	simm.s32 $0x1BF5;
	[smem:$0x3FB7] =	sst s0  }
0x18: {  	s0 =	sld [smem:$0x3F9A];
	_ =	swait.ge [sflag:s4], $0x0  }
0x19: {  	s7 =	sld [smem:$0x3F9B]  }
0x1a: {  	s8 =	sadd.s32 $0xFFFFE003, lr  }
0x1b: {  	s9 =	sadd.s32 $0xFFFFFEF7, lr;
	s5 =	simm.s32 $0xFFFFFFFF;
	p2 =	slt.u32 s8, $0xFFFFF086  }
0x1c: {  	p1 =	slt.u32 s9, $0xF7A;
	s5 =	simm.s32 @!p2 $0x0  }
0x1d: {  	s5 =	simm.s32 @p1 $0x1;
	p0 =	seq.s32 s7, s2  }
0x1e: {  	s7 =	smul.u32 @!p0 $0xF7A, s2;
	p2 =	seq.s32 @!p0 s5, $0x0  }
0x1f: {  	s9 =	smul.u32 $0xF7A, s1;
	s8 =	simm.s32 @!p0 $0x1BF5;
	p2 =	por !p2, p0  }
0x20: {  	[sflag:s8] =	ssyncset.s32 @!p0 $0xFFFFF086;
	s6 =	sadd.s32 @!p0 s3, s7;
	s7 =	simm.s32 @!p0 $0x108  }
0x21: {  	s3 =	sadd.s32 s3, s9;
	s6 =	sadd.s32 @!p0 $0x88, s6;
	s7 =	simm.s32 @p2 $0x1082  }
0x22: {  	[simem:s7], [sflag:s8] =	dma.local @!p0 [hbm:s6], $0xF7A  }
0x23: {  	s9 =	sor.u32 $0xD0000000, s2;
	s6 =	simm.s32 $0x108;
	_ =	swait.ge @!p0 [sflag:s8], $0x0  }
0x24: {  	s3 =	sadd.s32 $0x88, s3;
	s6 =	simm.s32 @!p1 $0x1082;
	[sflag:s4] =	ssyncset.s32 $0xFFFFF086  }
0x25: {  	[simem:s6], [sflag:s4] =	dma.local [hbm:s3], $0xF7A  }
0x26: {  	[smem:$0x3F9B] =	sst s1;
	(tag) =	ssettag s2;
	_ =	strace s9  }
0x27: {  	s1 =	sld [smem:$0x3FAB]  }
0x28: {  	s2 =	sld [smem:$0x3FAC]  }
0x29: {  	s4 =	sld [smem:$0x3FAE]  }
0x2a: {  	p0 =	seq.s32 s5, $0x0;
	s5 =	sld [smem:$0x3FAF]  }
0x2b: {  	s6 =	sld [smem:$0x3FB0]  }
0x2c: {  	s7 =	sld [smem:$0x3FB1]  }
0x2d: {  	s3 =	simm.s32 $0x108;
	s8 =	sld [smem:$0x3FB2]  }
0x2e: {  	s3 =	simm.s32 @!p0 $0x1082;
	s9 =	sld [smem:$0x3FB3]  }
0x2f: {  	lr =	sadd.s32 s0, s3;
	s0 =	sld [smem:$0x3FAA]  }
0x30: {  	s3 =	sld [smem:$0x3FAD]  }
0x31: {  	[smem:$0x3FB6] =	sst s10  }
0x32: {  	s10 =	sld [smem:$0x3FB4];
	_ =	sdelay $0x3  }
0x33: {  	p0 =	seq.s32 s10, $0x1;
	s10 =	sld [smem:$0x3FB6];
	_ =	sdelay $0x3  }
0x34: {  	[smem:$0x3FB6] =	sst s10  }
0x35: {  	s10 =	sld [smem:$0x3FB5];
	_ =	sdelay $0x3  }
0x36: {  	p1 =	seq.s32 s10, $0x1;
	s10 =	sld [smem:$0x3FB6];
	_ =	sdelay $0x3  }
0x37: {  	[smem:$0x3FB6] =	sst s10  }
0x38: {  	s10 =	sld [smem:$0x3FB7]  }
0x39: {  	_ = 	snop;
	(pc) =	sbr.ind lr, $3  }
0x3a: {  	_ = 	snop  }
0x3b: {  	_ = 	snop  }
0x3c: {  	p2 =	seq.s32 s10, $0x1;
	s10 =	sld [smem:$0x3FB6]  }
0x3d: {  	_ =	shalt  }
0x3e: {  	_ =	shalt  }
0x3f: {  	_ =	shalt  }
0x40: {  	_ =	shalt  }
0x41: {  	_ =	shalt  }
0x42: {  	_ =	shalt  }
0x43: {  	_ =	shalt  }
0x44: {  	_ =	shalt  }
0x45: {  	_ =	shalt  }
0x46: {  	_ =	shalt  }
0x47: {  	_ =	shalt  }
0x48: {  	_ =	shalt  }
0x49: {  	_ =	shalt  }
0x4a: {  	_ =	shalt  }
0x4b: {  	_ =	shalt  }
0x4c: {  	_ =	shalt  }
0x4d: {  	_ =	shalt  }
0x4e: {  	_ =	shalt  }
0x4f: {  	_ =	shalt  }
0x50: {  	_ =	shalt  }
0x51: {  	_ =	shalt  }
0x52: {  	_ =	shalt  }
0x53: {  	_ =	shalt  }
0x54: {  	_ =	shalt  }
0x55: {  	_ =	shalt  }
0x56: {  	_ =	shalt  }
0x57: {  	_ =	shalt  }
0x58: {  	_ =	shalt  }
0x59: {  	_ =	shalt  }
0x5a: {  	_ =	shalt  }
0x5b: {  	_ =	shalt  }
0x5c: {  	_ =	shalt  }
0x5d: {  	_ =	shalt  }
0x5e: {  	_ =	shalt  }
0x5f: {  	_ =	shalt  }
0x60: {  	_ =	shalt  }
0x61: {  	_ =	shalt  }
0x62: {  	_ =	shalt  }
0x63: {  	_ =	shalt  }
0x64: {  	_ =	shalt  }
0x65: {  	_ =	shalt  }
0x66: {  	_ =	shalt  }
0x67: {  	_ =	shalt  }
0x68: {  	_ =	shalt  }
0x69: {  	_ =	shalt  }
0x6a: {  	_ =	shalt  }
0x6b: {  	_ =	shalt  }
0x6c: {  	_ =	shalt  }
0x6d: {  	_ =	shalt  }
0x6e: {  	_ =	shalt  }
0x6f: {  	_ =	shalt  }
0x70: {  	_ =	shalt  }
0x71: {  	_ =	shalt  }
0x72: {  	_ =	shalt  }
0x73: {  	_ =	shalt  }
0x74: {  	_ =	shalt  }
0x75: {  	_ =	shalt  }
0x76: {  	_ =	shalt  }
0x77: {  	_ =	shalt  }
0x78: {  	_ =	shalt  }
0x79: {  	_ =	shalt  }
0x7a: {  	_ =	shalt  }
0x7b: {  	_ =	shalt  }
0x7c: {  	_ =	shalt  }
0x7d: {  	_ =	shalt  }
0x7e: {  	_ =	shalt  }
0x7f: {  	_ =	shalt  }
0x80: {  	_ =	shalt  }
0x81: {  	_ =	shalt  }
0x82: {  	_ =	shalt  }
0x83: {  	_ =	shalt  }
0x84: {  	_ =	shalt  }
0x85: {  	_ =	shalt  }
0x86: {  	_ =	shalt  }
0x87: {  	_ =	shalt  }
.Lfunc_end0:
.L_simem_size_0:
called_computation.2_lowered:
.L_overlay_start_0:
0x88: {  	s2 =	sld [smem:$0x3FD9]  }
0x89: {  	s3 =	sld [smem:$0x3FFE];
	_ =	sdelay $0x1  }
0x8a: {  	s1 =	srdreg.scid  }
0x8b: {  	s0 =	sand.u32 $0x1, s1  }
0x8c: {  	s16 =	sshll.u32 s0, $0xA;
	s2 =	sadd.s32 s3, s2  }
0x8d: {  	s2 =	sadd.s32 s2, s16  }
0x8e: {  	[smem:$0x3FC2] =	sst s2  }
0x8f: {  	_ = 	snop  }
0x90: {  	(tm) =	ssettm $0x1  }
0x91: {  	s17 =	sld [smem:$0x3FFB];
	_ =	sdelay $0x3  }
0x92: {  	_ =	strace s17  }
0x93: {  	s2 =	sld [smem:$0x3FFC];
	_ =	sdelay $0x3  }
0x94: {  	_ =	strace s2  }
0x95: {  	s2 =	sld [smem:$0x3FFD];
	_ =	sdelay $0x3  }
0x96: {  	_ =	strace s2  }
0x97: {  	_ =	strace $0x8FFFFFFF  }
0x98: {  	s18 =	sld [smem:$0x3FDB];
	_ =	sdelay $0x1  }
0x99: {  	s19 =	simm.s32 $_scs_section_size  }
0x9a: {  	s4 =	simm.s32 $_size__tile_overlayer_lowered;
	s5 =	simm.s32 $_tile_overlayer_lowered  }
0x9b: {  	s22 =	simm.s32 $0x1BFF;
	s21 =	sshll.u32 s5, $0x1;
	s2 =	sadd.s32 s19, s18  }
0x9c: {  	s6 =	simm.s32 $0x0;
	s20 =	sshll.u32 s4, $0x1;
	s4 =	sadd.s32 s21, s2  }
0x9d: {  	[timem:s6], [sflag:s22] =	dma.local [hbm:s4], s20  }
0x9e: {  	_ =	swait.ge [sflag:s22], s20  }
0x9f: {  	s3 =	ssub.s32 $0x0, s20;
	[sflag:s22] =	ssyncset.done $0x0  }
0xa0: {  	[sflag:s22] =	ssyncadd.s32 s3;
	_ =	sdelay $0x1  }
0xa1: {  	s23 =	simm.s32 $0x1B8B  }
0xa2: {  	_ =	swait.ge [sflag:s23], $0x1  }
0xa3: {  	[sflag:s23] =	ssyncset.done $0x0  }
0xa4: {  	s25 =	simm.s32 $0x1B8E;
	s24 =	sld [smem:$0x3FFE];
	[sflag:s23] =	ssyncadd.s32 $0xFFFFFFFF  }
0xa5: {  	s26 =	simm.s32 $execute0_lowered;
	[smem:$0x3FD2] =	sst s25  }
0xa6: {  	s4 =	sshll.u32 s26, $0x1;
	_ =	strace $0x8000004C;
	[dreg:$0x1] =	wrdreg $0xFFFFFFFF  }
0xa7: {  	s28 =	simm.s32 $_size_execute0_lowered;
	s2 =	sadd.s32 s2, s4;
	[dreg:$0x0] =	wrdreg $0x0  }
0xa8: {  	s4 =	sshll.u32 s28, $0x1;
	[dreg:$0x2] =	wrdreg s2  }
0xa9: {  	[dreg:$0x3] =	wrdreg s4  }
0xaa: {  	[dreg:$0x4] =	wrdreg $0xC0  }
0xab: {  	_ =	task [dreg:s6], $0x5FFFF  }
0xac: {  	[dreg:$0x1] =	wrdreg $0xFFFFFFFF  }
0xad: {  	[dreg:$0x0] =	wrdreg $0x60  }
0xae: {  	[dreg:$0x2] =	wrdreg s24  }
0xaf: {  	[dreg:$0x3] =	wrdreg $0x9  }
0xb0: {  	_ =	task.clear_ibuf [dreg:s6], $0x4FFFF;
	_ =	strace $0x9000004C  }
0xb1: {  	s29 =	simm.s32 $0x9;
	_ =	strace $0x8000004E  }
0xb2: {  	_ =	swait.ge [sflag:s29], $0x1  }
0xb3: {  	[sflag:s29] =	ssyncadd.s32 $0xFFFFFFFF  }
0xb4: {  	_ =	strace $0x9000004E  }
0xb5: {  	_ =	sfence  }
0xb6: {  	s30 =	sld [smem:$0x0];
	_ =	sdelay $0x2  }
0xb7: {  	s31 =	sshll.u32 s1, $0xD;
	s1 =	sshrl.u32 s1, $0x2  }
0xb8: {  	s3 =	sand.u32 $0x4000, s31;
	s1 =	sadd.s32 s1, s30  }
0xb9: {  	s0 =	sor.u32 s3, s0;
	s1 =	sshll.u32 s1, $0x11  }
0xba: {  	s0 =	sor.u32 s1, s0  }
0xbb: {  	s0 =	sadd.s32 $0x8F2B, s0  }
0xbc: {  	[sflag:s0] =	ssyncadd.remote.s32 $0x1  }
0xbd: {  	_ =	sfence.sel $0xFFFF  }
0xbe: {  	[dreg:$0x0] =	wrdreg $0xFFFFFFFF;
	(pc) =	sbr.abs _section_cstart, $3  }
0xbf: {  	[dreg:$0x1] =	wrdreg $0xFFFFFFFF  }
0xc0: {  	_ =	task.clear_ibuf [dreg:s6], $0x2FFFF;
	_ =	strace $0x9FFFFFFF  }
0xc1: {  	(tm) =	ssettm $0x7FFFFFFF  }
tec
execute0_lowered:
.L_overlay_start_1:
0x0: {  	(tag) =	ssettag $0x1  }
0x1: {  	s6 =	rddreg [dreg:$0x0];
	s1 =	srdreg.scid  }
0x2: {  	s0 =	rddreg [dreg:$0x1];
	s2 =	simm.s32 $0x0;
	s11 =	simm.s32 $0x4000  }
0x3: {  	s12 =	simm.s32 $0x30;
	s13 =	simm.s32 $0x5800;
	s14 =	simm.s32 $0x7000  }
0x4: {  	s15 =	simm.s32 $0x8800;
	s16 =	simm.s32 $0x0;
	s5 =	sand.u32 $0x1, s1  }
0x5: {  	[smem:$0x7FF] =	sst s2;
	s1 =	stileid.u32;
	s3 =	sadd.s32 $0x143400, s6  }
0x6: {  	s4 =	sshll.u32 s5, $0x4;
	_ =	strace $0x8000004D;
	s9 =	ssub.s32 $0x2, s5  }
0x7: {  	s5 =	sadd.s32 $0x431400, s6;
	s8 =	sor.u32 s1, s4;
	s10 =	sshrl.u32 s9, $0x1  }
0x8: {  	s4 =	sadd.s32 $0x5B400, s6;
	s7 =	sshll.u32 s8, $0xB;
	s9 =	ssub.s32 s9, s10  }
0x9: {  	s8 =	smul.u32 $0x7D, s8;
	s10 =	simm.s32 $0x1;
	s7 =	sadd.s32 s7, s6  }
0xa: {  	s6 =	sadd.s32 $0x469400, s6;
	s9 =	smax.u32 s9, $0x1;
	s7 =	sadd.s32 $0x459400, s7  }
.LBB2_1:
0xb: {  	[tilespmem:s2], [sflag:$0x1] =	stream.linear.gather [hbm4b:s7+s2], $0x3E80, $0x38;
	[tilespmem:$0xA000] =	vst v63  }
0xc: {  	_ =	swait.ge [sflag:s10], $0x3E80  }
0xd: {  	[sflag:s10] =	ssyncset.done $0x0  }
0xe: {  	s17 =	simm.s32 $0x0;
	[sflag:s10] =	ssyncadd.s32 $0xFFFFC180  }
.LBB2_2:
0xf: {  	s18 =	sadd.s32 s8, s17  }
0x10: {  	s18 =	smul.u32 $0x300, s18;
	_ =	sdelay $0x1  }
0x11: {  	s20 =	simm.s32 $0x0;
	s19 =	sadd.s32 s3, s18  }
0x12: {  	[tilespmem:s11], [sflag:$0x1] =	stream.linear.gather [hbm4b:s19+s20], $0x1800, $0x38;
	[tilespmem:$0xA000] =	vst v63  }
0x13: {  	_ =	swait.ge [sflag:s10], $0x1800  }
0x14: {  	s31 =	sshll.u32 s17, $0x7;
	[sflag:s10] =	ssyncset.done $0x0  }
0x15: {  	s19 =	sand.u32 $0x3FFFFF80, s31;
	[sflag:s10] =	ssyncadd.s32 $0xFFFFE800  }
0x16: {  	[tilespmem:s13], [sflag:$0x1] =	stream.indirect.gather [hbm4b:s4+s12], $0x80, s19, s12, $0xb8;
	[tilespmem:$0xA000] =	vst v63  }
0x17: {  	_ =	swait.ge [sflag:s10], $0x1800  }
0x18: {  	[sflag:s10] =	ssyncset.done $0x0  }
0x19: {  	[sflag:s10] =	ssyncadd.s32 $0xFFFFE800  }
0x1a: {  	[tilespmem:s14], [sflag:$0x1] =	stream.indirect.gather [hbm4b:s5+s12], $0x80, s19, s12, $0xb8;
	[tilespmem:$0xA000] =	vst v63  }
0x1b: {  	_ =	swait.ge [sflag:s10], $0x1800  }
0x1c: {  	[sflag:s10] =	ssyncset.done $0x0  }
0x1d: {  	s20 =	simm.s32 $0x0;
	[sflag:s10] =	ssyncadd.s32 $0xFFFFE800  }
0x1e: {  	v0 =	vld [tilespmem:s20+$0x5800]  }
0x1f: {  	s19 =	simm.s32 $0x80;
	v1 =	vld [tilespmem:s20+$0x7000]  }
0x20: {  	v2 =	vld [tilespmem:s19+$0x5800]  }
0x21: {  	v3 =	vld [tilespmem:s19+$0x7000];
	_ =	sdelay $0x2  }
0x22: {  	v0 =	vadd.f32 v1, v0;
	_ =	sdelay $0x1  }
0x23: {  	v1 =	vadd.f32 v3, v2;
	v2 =	vadd.f32 $9.999999930e-09, v0;
	_ =	sdelay $0x1  }
0x24: {  	(erf) = vrcp.f32 v2  }
0x25: {  	s21 =	simm.s32 $0x100;
	v3 =	vadd.f32 $9.999999930e-09, v1  }
0x26: {  	v0 =	vld [tilespmem:s21+$0x5800]  }
0x27: {  	v2 =	vld [tilespmem:s21+$0x7000];
	(erf) = vrcp.f32 v3;
	_ =	sdelay $0x1  }
0x28: {  	v1 =	vld [tilespmem:s20+$0x4000]  }
0x29: {  	s22 =	simm.s32 $0x600  }
.LBB2_3:
0x2a: {  	s23 =	sshra.s32 s22, $0x2;
	p0 =	sne.s32 s22, $0x5E00  }
.Ltmp0:
0x2b: {  	s22 =	sadd.s32 $0x200, s22;
	v3 =	vadd.f32 v2, v0;
	v0 =	vld [tilespmem:s23+$0x5800];
	(pc) =	sbr.rel @p0 .LBB2_3-.Ltmp0, $4  }
0x2c: {  	v2 =	vld [tilespmem:s23+$0x7000];
	v4 =	vpop (erf)  }
0x2d: {  	v3 =	vadd.f32 $9.999999930e-09, v3;
	v4 =	vmul.f32 v4, v1  }
0x2e: {  	v1 =	vld [tilespmem:s19+$0x4000]  }
0x2f: {  	(erf) = vrcp.f32 v3;
	[tilespmem:s20+$0x8800] =	vst v4;
	s20 =	smov.u32 s19;
	s19 =	smov.u32 s21;
	s21 =	smov.u32 s23  }
0x30: {  	_ = 	snop  }
0x31: {  	v0 =	vadd.f32 v2, v0;
	_ =	sdelay $0x1  }
0x32: {  	v0 =	vadd.f32 $9.999999930e-09, v0;
	_ =	sdelay $0x1  }
0x33: {  	(erf) = vrcp.f32 v0  }
0x34: {  	v60 =	vpop (erf)  }
0x35: {  	v0 =	vmul.f32 v60, v1;
	_ =	sdelay $0x1  }
0x36: {  	v61 =	vld [tilespmem:s19+$0x4000];
	[tilespmem:s20+$0x8800] =	vst v0  }
0x37: {  	v0 =	vld [tilespmem:s21+$0x4000];
	_ =	sdelay $0x2  }
0x38: {  	v62 =	vpop (erf)  }
0x39: {  	v1 =	vmul.f32 v62, v61;
	v63 =	vpop (erf)  }
0x3a: {  	s17 =	sadd.s32 $0x1, s17;
	v0 =	vmul.f32 v63, v0  }
0x3b: {  	p0 =	sne.s32 s17, $0x7D;
	[tilespmem:s19+$0x8800] =	vst v1  }
.Ltmp1:
0x3c: {  	s18 =	sadd.s32 s6, s18;
	[tilespmem:s21+$0x8800] =	vst v0;
	(pc) =	sbr.rel @p0 .LBB2_2-.Ltmp1, $4  }
0x3d: {  	[hbm4b:s18+s2] =	stream.linear.scatter [tilespmem:s15], [sflag:$0x1], $0x1800, $0x38;
	[tilespmem:$0xA000] =	vst v63  }
0x3e: {  	_ =	swait.ge [sflag:s10], $0x1800  }
0x3f: {  	[sflag:s10] =	ssyncset.done $0x0  }
0x40: {  	[sflag:s10] =	ssyncadd.s32 $0xFFFFE800  }
0x41: {  	s16 =	sadd.s32 $0x1, s16  }
0x42: {  	p0 =	sne.s32 s16, s9  }
.Ltmp2:
0x43: {  	_ = 	snop;
	(pc) =	sbr.rel @p0 .LBB2_1-.Ltmp2, $1  }
0x44: {  	_ =	sdelay $0x3  }
0x45: {  	_ =	sfence.sel $0x180000  }
0x46: {  	[bflag:$0x0] =	sbarrier.arrive $0xFFFF  }
0x47: {  	p0 =	sne.s32 s1, $0x0;
	_ =	strace $0x9000004D  }
0x48: {  	s0 =	sadd.s32 @!p0 $0x100000, s0;
	[bflag:$0x2] =	sbarrier.arrive $0xFFFF  }
0x49: {  	[sflag:s0] =	ssyncadd.tile.s32 @!p0 $0x1;
	_ =	shalt  }
.Lfunc_end2:
_tile_overlayer_lowered:
.L_overlay_start_2:
0x4a: {  	(tag) =	ssettag $0x2  }
0x4b: {  	s0 =	rddreg [dreg:$0x0];
	s2 =	stileid.u32  }
0x4c: {  	s1 =	rddreg [dreg:$0x1];
	p0 =	sne.s32 s2, $0x0  }
0x4d: {  	s3 =	rddreg [dreg:$0x2];
	[bflag:$0x3] =	sbarrier.arrive $0xFFFF;
	s2 =	simm.s32 @!p0 $0x1C01  }
0x4e: {  	[timem:s3], [sflag:s2] =	dma.local @!p0 [hbm:s0], s1  }
0x4f: {  	s0 =	simm.s32 @!p0 $0x1  }
0x50: {  	_ =	swait.ge @!p0 [sflag:s0], s1  }
0x51: {  	s1 =	ssub.s32 @!p0 $0x0, s1;
	[sflag:s0] =	ssyncset.done @!p0 $0x0  }
0x52: {  	[sflag:s0] =	ssyncadd.s32 @!p0 s1  }
0x53: {  	[bflag:$0x3] =	sbarrier.arrive $0xFFFF  }
0x54: {  	_ =	shalt  }

// kernel: kernel.18.cloned.1.call-start
scs
__scs_entry_jumppad:
0x0: {  	(pc) =	sbr.rel $0x88, $3  }
0x1: {  	(tag) =	ssettag $0x0;
	lr =	simm.s32 $0x1  }
0x2: {  	[smem:$0x3F9B] =	sst lr;
	_ =	strace $0xD0000000  }
0x3: {  	_ = 	snop  }
0x4: {  	_ = 	snop  }
0x5: {  	_ = 	snop  }
0x6: {  	_ = 	snop  }
0x7: {  	_ = 	snop  }
__scs_overlays_trampoline_lowered:
0x8: {  	[smem:$0x3FAA] =	sst s0  }
0x9: {  	[smem:$0x3FAB] =	sst s1  }
0xa: {  	[smem:$0x3FAC] =	sst s2  }
0xb: {  	[smem:$0x3FAD] =	sst s3  }
0xc: {  	[smem:$0x3FAE] =	sst s4  }
0xd: {  	[smem:$0x3FAF] =	sst s5  }
0xe: {  	[smem:$0x3FB0] =	sst s6  }
0xf: {  	[smem:$0x3FB1] =	sst s7  }
0x10: {  	[smem:$0x3FB2] =	sst s8  }
0x11: {  	[smem:$0x3FB3] =	sst s9;
	s0 =	simm.s32 @!p0 $0x0  }
0x12: {  	s1 =	sld [smem:$0x3F99];
	s0 =	simm.s32 @p0 $0x1  }
0x13: {  	[smem:$0x3FB4] =	sst s0;
	s0 =	simm.s32 @!p1 $0x0  }
0x14: {  	s2 =	sld [smem:$0x3F98];
	s0 =	simm.s32 @p1 $0x1  }
0x15: {  	[smem:$0x3FB5] =	sst s0;
	s0 =	simm.s32 @!p2 $0x0  }
0x16: {  	s3 =	sld [smem:$0x3FDB];
	s0 =	simm.s32 @p2 $0x1  }
0x17: {  	s4 =	simm.s32 $0x1BF5;
	[smem:$0x3FB7] =	sst s0  }
0x18: {  	s0 =	sld [smem:$0x3F9A];
	_ =	swait.ge [sflag:s4], $0x0  }
0x19: {  	s7 =	sld [smem:$0x3F9B]  }
0x1a: {  	s8 =	sadd.s32 $0xFFFFE003, lr  }
0x1b: {  	s9 =	sadd.s32 $0xFFFFFEF7, lr;
	s5 =	simm.s32 $0xFFFFFFFF;
	p2 =	slt.u32 s8, $0xFFFFF086  }
0x1c: {  	p1 =	slt.u32 s9, $0xF7A;
	s5 =	simm.s32 @!p2 $0x0  }
0x1d: {  	s5 =	simm.s32 @p1 $0x1;
	p0 =	seq.s32 s7, s2  }
0x1e: {  	s7 =	smul.u32 @!p0 $0xF7A, s2;
	p2 =	seq.s32 @!p0 s5, $0x0  }
0x1f: {  	s9 =	smul.u32 $0xF7A, s1;
	s8 =	simm.s32 @!p0 $0x1BF5;
	p2 =	por !p2, p0  }
0x20: {  	[sflag:s8] =	ssyncset.s32 @!p0 $0xFFFFF086;
	s6 =	sadd.s32 @!p0 s3, s7;
	s7 =	simm.s32 @!p0 $0x108  }
0x21: {  	s3 =	sadd.s32 s3, s9;
	s6 =	sadd.s32 @!p0 $0x88, s6;
	s7 =	simm.s32 @p2 $0x1082  }
0x22: {  	[simem:s7], [sflag:s8] =	dma.local @!p0 [hbm:s6], $0xF7A  }
0x23: {  	s9 =	sor.u32 $0xD0000000, s2;
	s6 =	simm.s32 $0x108;
	_ =	swait.ge @!p0 [sflag:s8], $0x0  }
0x24: {  	s3 =	sadd.s32 $0x88, s3;
	s6 =	simm.s32 @!p1 $0x1082;
	[sflag:s4] =	ssyncset.s32 $0xFFFFF086  }
0x25: {  	[simem:s6], [sflag:s4] =	dma.local [hbm:s3], $0xF7A  }
0x26: {  	[smem:$0x3F9B] =	sst s1;
	(tag) =	ssettag s2;
	_ =	strace s9  }
0x27: {  	s1 =	sld [smem:$0x3FAB]  }
0x28: {  	s2 =	sld [smem:$0x3FAC]  }
0x29: {  	s4 =	sld [smem:$0x3FAE]  }
0x2a: {  	p0 =	seq.s32 s5, $0x0;
	s5 =	sld [smem:$0x3FAF]  }
0x2b: {  	s6 =	sld [smem:$0x3FB0]  }
0x2c: {  	s7 =	sld [smem:$0x3FB1]  }
0x2d: {  	s3 =	simm.s32 $0x108;
	s8 =	sld [smem:$0x3FB2]  }
0x2e: {  	s3 =	simm.s32 @!p0 $0x1082;
	s9 =	sld [smem:$0x3FB3]  }
0x2f: {  	lr =	sadd.s32 s0, s3;
	s0 =	sld [smem:$0x3FAA]  }
0x30: {  	s3 =	sld [smem:$0x3FAD]  }
0x31: {  	[smem:$0x3FB6] =	sst s10  }
0x32: {  	s10 =	sld [smem:$0x3FB4];
	_ =	sdelay $0x3  }
0x33: {  	p0 =	seq.s32 s10, $0x1;
	s10 =	sld [smem:$0x3FB6];
	_ =	sdelay $0x3  }
0x34: {  	[smem:$0x3FB6] =	sst s10  }
0x35: {  	s10 =	sld [smem:$0x3FB5];
	_ =	sdelay $0x3  }
0x36: {  	p1 =	seq.s32 s10, $0x1;
	s10 =	sld [smem:$0x3FB6];
	_ =	sdelay $0x3  }
0x37: {  	[smem:$0x3FB6] =	sst s10  }
0x38: {  	s10 =	sld [smem:$0x3FB7]  }
0x39: {  	_ = 	snop;
	(pc) =	sbr.ind lr, $3  }
0x3a: {  	_ = 	snop  }
0x3b: {  	_ = 	snop  }
0x3c: {  	p2 =	seq.s32 s10, $0x1;
	s10 =	sld [smem:$0x3FB6]  }
0x3d: {  	_ =	shalt  }
0x3e: {  	_ =	shalt  }
0x3f: {  	_ =	shalt  }
0x40: {  	_ =	shalt  }
0x41: {  	_ =	shalt  }
0x42: {  	_ =	shalt  }
0x43: {  	_ =	shalt  }
0x44: {  	_ =	shalt  }
0x45: {  	_ =	shalt  }
0x46: {  	_ =	shalt  }
0x47: {  	_ =	shalt  }
0x48: {  	_ =	shalt  }
0x49: {  	_ =	shalt  }
0x4a: {  	_ =	shalt  }
0x4b: {  	_ =	shalt  }
0x4c: {  	_ =	shalt  }
0x4d: {  	_ =	shalt  }
0x4e: {  	_ =	shalt  }
0x4f: {  	_ =	shalt  }
0x50: {  	_ =	shalt  }
0x51: {  	_ =	shalt  }
0x52: {  	_ =	shalt  }
0x53: {  	_ =	shalt  }
0x54: {  	_ =	shalt  }
0x55: {  	_ =	shalt  }
0x56: {  	_ =	shalt  }
0x57: {  	_ =	shalt  }
0x58: {  	_ =	shalt  }
0x59: {  	_ =	shalt  }
0x5a: {  	_ =	shalt  }
0x5b: {  	_ =	shalt  }
0x5c: {  	_ =	shalt  }
0x5d: {  	_ =	shalt  }
0x5e: {  	_ =	shalt  }
0x5f: {  	_ =	shalt  }
0x60: {  	_ =	shalt  }
0x61: {  	_ =	shalt  }
0x62: {  	_ =	shalt  }
0x63: {  	_ =	shalt  }
0x64: {  	_ =	shalt  }
0x65: {  	_ =	shalt  }
0x66: {  	_ =	shalt  }
0x67: {  	_ =	shalt  }
0x68: {  	_ =	shalt  }
0x69: {  	_ =	shalt  }
0x6a: {  	_ =	shalt  }
0x6b: {  	_ =	shalt  }
0x6c: {  	_ =	shalt  }
0x6d: {  	_ =	shalt  }
0x6e: {  	_ =	shalt  }
0x6f: {  	_ =	shalt  }
0x70: {  	_ =	shalt  }
0x71: {  	_ =	shalt  }
0x72: {  	_ =	shalt  }
0x73: {  	_ =	shalt  }
0x74: {  	_ =	shalt  }
0x75: {  	_ =	shalt  }
0x76: {  	_ =	shalt  }
0x77: {  	_ =	shalt  }
0x78: {  	_ =	shalt  }
0x79: {  	_ =	shalt  }
0x7a: {  	_ =	shalt  }
0x7b: {  	_ =	shalt  }
0x7c: {  	_ =	shalt  }
0x7d: {  	_ =	shalt  }
0x7e: {  	_ =	shalt  }
0x7f: {  	_ =	shalt  }
0x80: {  	_ =	shalt  }
0x81: {  	_ =	shalt  }
0x82: {  	_ =	shalt  }
0x83: {  	_ =	shalt  }
0x84: {  	_ =	shalt  }
0x85: {  	_ =	shalt  }
0x86: {  	_ =	shalt  }
0x87: {  	_ =	shalt  }
.Lfunc_end0:
.L_simem_size_0:
called_computation.3_lowered:
.L_overlay_start_0:
0x88: {  	s2 =	sld [smem:$0x3FD9]  }
0x89: {  	s3 =	sld [smem:$0x3FFE];
	_ =	sdelay $0x1  }
0x8a: {  	s1 =	srdreg.scid  }
0x8b: {  	s0 =	sand.u32 $0x1, s1  }
0x8c: {  	s17 =	sshll.u32 s0, $0xA;
	s2 =	sadd.s32 s3, s2  }
0x8d: {  	s2 =	sadd.s32 s2, s17  }
0x8e: {  	[smem:$0x3FC2] =	sst s2  }
0x8f: {  	_ = 	snop  }
0x90: {  	s2 =	sld [smem:$0x3FD0];
	(tm) =	ssettm $0x1  }
0x91: {  	s18 =	sld [smem:$0x3FFB];
	_ =	sdelay $0x3  }
0x92: {  	_ =	strace s18  }
0x93: {  	s3 =	sld [smem:$0x3FFC];
	_ =	sdelay $0x3  }
0x94: {  	_ =	strace s3  }
0x95: {  	s3 =	sld [smem:$0x3FFD];
	_ =	sdelay $0x3  }
0x96: {  	_ =	strace s3  }
0x97: {  	_ =	strace $0x8FFFFFFF  }
0x98: {  	s19 =	sld [smem:$0x3FDB];
	_ =	sdelay $0x1  }
0x99: {  	s4 =	simm.s32 $_scs_section_size  }
0x9a: {  	s5 =	simm.s32 $_size__tile_overlayer_lowered;
	s6 =	simm.s32 $_tile_overlayer_lowered  }
0x9b: {  	s22 =	simm.s32 $0x1BFF;
	s21 =	sshll.u32 s6, $0x1;
	s3 =	sadd.s32 s4, s19  }
0x9c: {  	s7 =	simm.s32 $0x0;
	s20 =	sshll.u32 s5, $0x1;
	s5 =	sadd.s32 s21, s3  }
0x9d: {  	[timem:s7], [sflag:s22] =	dma.local [hbm:s5], s20  }
0x9e: {  	_ =	swait.ge [sflag:s22], s20  }
0x9f: {  	s4 =	ssub.s32 $0x0, s20;
	[sflag:s22] =	ssyncset.done $0x0  }
0xa0: {  	[sflag:s22] =	ssyncadd.s32 s4;
	_ =	sdelay $0x1  }
0xa1: {  	s23 =	simm.s32 $0x1B8B  }
0xa2: {  	_ =	swait.ge [sflag:s23], $0x1  }
0xa3: {  	[sflag:s23] =	ssyncset.done $0x0  }
0xa4: {  	s25 =	simm.s32 $0x1B8E;
	s24 =	sld [smem:$0x3FFE];
	[sflag:s23] =	ssyncadd.s32 $0xFFFFFFFF  }
0xa5: {  	s26 =	simm.s32 $execute0_lowered;
	[smem:$0x3FD2] =	sst s25  }
0xa6: {  	s5 =	sshll.u32 s26, $0x1;
	_ =	strace $0x8000004F;
	[dreg:$0x1] =	wrdreg $0xFFFFFFFF  }
0xa7: {  	s28 =	simm.s32 $_size_execute0_lowered;
	s3 =	sadd.s32 s3, s5;
	[dreg:$0x0] =	wrdreg $0x0  }
0xa8: {  	s5 =	sshll.u32 s28, $0x1;
	[dreg:$0x2] =	wrdreg s3  }
0xa9: {  	[dreg:$0x3] =	wrdreg s5  }
0xaa: {  	[dreg:$0x4] =	wrdreg $0xC0  }
0xab: {  	_ =	task [dreg:s7], $0x5FFFF  }
0xac: {  	[dreg:$0x1] =	wrdreg $0xFFFFFFFF  }
0xad: {  	[dreg:$0x0] =	wrdreg $0x60  }
0xae: {  	[dreg:$0x2] =	wrdreg s24  }
0xaf: {  	[dreg:$0x3] =	wrdreg s2  }
0xb0: {  	[dreg:$0x4] =	wrdreg $0x100000  }
0xb1: {  	[dreg:$0x5] =	wrdreg $0x9  }
0xb2: {  	_ =	task.clear_ibuf [dreg:s7], $0x6FFFF;
	_ =	strace $0x9000004F  }
0xb3: {  	s29 =	simm.s32 $0x9;
	_ =	strace $0x80000051  }
0xb4: {  	_ =	swait.ge [sflag:s29], $0x1  }
0xb5: {  	[sflag:s29] =	ssyncadd.s32 $0xFFFFFFFF  }
0xb6: {  	_ =	strace $0x90000051  }
0xb7: {  	_ =	sfence  }
0xb8: {  	s30 =	sld [smem:$0x0];
	_ =	sdelay $0x2  }
0xb9: {  	s31 =	sshll.u32 s1, $0xD;
	s1 =	sshrl.u32 s1, $0x2  }
0xba: {  	s3 =	sand.u32 $0x4000, s31;
	s1 =	sadd.s32 s1, s30  }
0xbb: {  	s0 =	sor.u32 s3, s0;
	s1 =	sshll.u32 s1, $0x11  }
0xbc: {  	s0 =	sor.u32 s1, s0  }
0xbd: {  	s0 =	sadd.s32 $0x8F2B, s0  }
0xbe: {  	[sflag:s0] =	ssyncadd.remote.s32 $0x1  }
0xbf: {  	_ =	sfence.sel $0xFFFF  }
0xc0: {  	[dreg:$0x0] =	wrdreg $0xFFFFFFFF;
	(pc) =	sbr.abs _section_cstart, $3  }
0xc1: {  	[dreg:$0x1] =	wrdreg $0xFFFFFFFF  }
0xc2: {  	_ =	task.clear_ibuf [dreg:s7], $0x2FFFF;
	_ =	strace $0x9FFFFFFF  }
0xc3: {  	(tm) =	ssettm $0x7FFFFFFF  }
tec
execute0_lowered:
.L_overlay_start_1:
0x0: {  	(tag) =	ssettag $0x1  }
0x1: {  	s6 =	rddreg [dreg:$0x0]  }
0x2: {  	s12 =	rddreg [dreg:$0x1]  }
0x3: {  	s1 =	rddreg [dreg:$0x2]  }
0x4: {  	s0 =	rddreg [dreg:$0x3];
	s2 =	simm.s32 $0x0;
	s3 =	srdreg.scid  }
0x5: {  	s18 =	simm.s32 $0xB000;
	s19 =	simm.s32 $0x8000;
	s20 =	simm.s32 $0x30  }
0x6: {  	s21 =	simm.s32 $0x9800;
	[smem:$0x7FF] =	sst s2;
	s11 =	sand.u32 $0x1, s3  }
0x7: {  	s3 =	stileid.u32;
	s4 =	sadd.s32 $0xD3400, s6;
	s15 =	sadd.s32 $0x83400, s6  }
0x8: {  	s14 =	sadd.s32 $0x33400, s6;
	_ =	strace $0x80000050;
	s5 =	sshll.u32 s11, $0x4  }
0x9: {  	s7 =	smul.u32 $0x28000, s3;
	s31 =	ssub.s32 $0x2, s11;
	p0 =	seq.s32 s11, $0x0  }
0xa: {  	s17 =	smul.u32 $0x1400, s3;
	p1 =	seq.s32 s11, $0x1;
	s11 =	smov.u32 s15  }
0xb: {  	s10 =	sor.u32 s3, s5;
	s5 =	sadd.s32 $0xAB400, s6;
	s9 =	sshrl.u32 s31, $0x1  }
0xc: {  	s14 =	smov.u32 @p0 s12;
	s8 =	sshll.u32 s10, $0xB;
	s7 =	sshrl.u32 s7, $0x2  }
0xd: {  	s16 =	ssub.s32 s31, s9;
	s10 =	smul.u32 $0x7D, s10;
	s11 =	smov.u32 @p1 s5  }
0xe: {  	s5 =	smov.u32 @p0 s15;
	s13 =	sadd.s32 s8, s6;
	s6 =	sadd.s32 s7, s1  }
0xf: {  	s7 =	sadd.s32 $0x3400, s13;
	s8 =	sadd.s32 $0x5000, s6;
	s9 =	sadd.s32 $0x13400, s13  }
0x10: {  	s12 =	sadd.s32 $0x23400, s13;
	s13 =	sadd.s32 s14, s17;
	s14 =	smax.u32 s16, $0x1  }
0x11: {  	v0 =	vimm.f32 $0.0e+00;
	s16 =	simm.s32 $0x4000;
	s17 =	simm.s32 $0x1;
	s15 =	sadd.s32 $0x14000, s13  }
.LBB2_1:
0x12: {  	s22 =	simm.s32 $0x0;
	s23 =	simm.s32 $0x200  }
.LBB2_2:
0x13: {  	p0 =	sne.s32 s23, $0x13E00;
	[tilespmem:s22+$0xB070] =	vst v0  }
0x14: {  	[tilespmem:s22+$0xB000] =	vst v0  }
0x15: {  	[tilespmem:s22+$0xB010] =	vst v0  }
.Ltmp0:
0x16: {  	[tilespmem:s22+$0xB020] =	vst v0;
	(pc) =	sbr.rel @p0 .LBB2_2-.Ltmp0, $4  }
0x17: {  	[tilespmem:s22+$0xB030] =	vst v0  }
0x18: {  	[tilespmem:s22+$0xB040] =	vst v0  }
0x19: {  	[tilespmem:s22+$0xB050] =	vst v0  }
0x1a: {  	[tilespmem:s22+$0xB060] =	vst v0;
	s22 =	sshra.s32 s23, $0x2;
	s23 =	sadd.s32 $0x200, s23  }
0x1b: {  	[tilespmem:s22+$0xB070] =	vst v0  }
0x1c: {  	[tilespmem:s22+$0xB000] =	vst v0  }
0x1d: {  	[tilespmem:s22+$0xB010] =	vst v0  }
0x1e: {  	[tilespmem:s22+$0xB020] =	vst v0  }
0x1f: {  	[tilespmem:s22+$0xB030] =	vst v0  }
0x20: {  	[tilespmem:s22+$0xB040] =	vst v0  }
0x21: {  	[tilespmem:s22+$0xB050] =	vst v0  }
0x22: {  	[tilespmem:s22+$0xB060] =	vst v0;
	s22 =	simm.s32 $0x0  }
0x23: {  	[tilespmem:s16], [sflag:$0x1] =	stream.linear.gather [hbm4b:s7+s22], $0x3E80, $0x38;
	[tilespmem:$0x1A000] =	vst v63  }
0x24: {  	_ =	swait.ge [sflag:s17], $0x3E80  }
0x25: {  	[sflag:s17] =	ssyncset.done $0x0  }
0x26: {  	[sflag:s17] =	ssyncadd.s32 $0xFFFFC180  }
0x27: {  	[spmem:s6] =	stream.linear.scatter [tilespmem:s18], [sflag:$0x1], $0x5000, $0x38;
	[tilespmem:$0x1A000] =	vst v63  }
0x28: {  	_ =	swait.ge [sflag:s17], $0x5000  }
0x29: {  	[sflag:s17] =	ssyncset.done $0x0  }
0x2a: {  	[sflag:s17] =	ssyncadd.s32 $0xFFFFB000  }
0x2b: {  	[spmem:s8] =	stream.linear.scatter [tilespmem:s18], [sflag:$0x1], $0x5000, $0x38;
	[tilespmem:$0x1A000] =	vst v63  }
0x2c: {  	_ =	swait.ge [sflag:s17], $0x5000  }
0x2d: {  	[sflag:s17] =	ssyncset.done $0x0  }
0x2e: {  	[sflag:s17] =	ssyncadd.s32 $0xFFFFB000  }
0x2f: {  	[bflag:$0x0] =	sbarrier.arrive $0xFFFF  }
0x30: {  	[tilespmem:s22], [sflag:$0x1] =	stream.linear.gather [hbm4b:s9+s22], $0x3E80, $0x38;
	[tilespmem:$0x1A000] =	vst v63  }
0x31: {  	_ =	swait.ge [sflag:s17], $0x3E80  }
0x32: {  	[sflag:s17] =	ssyncset.done $0x0  }
0x33: {  	s23 =	simm.s32 $0x0;
	[sflag:s17] =	ssyncadd.s32 $0xFFFFC180  }
.LBB2_4:
0x34: {  	s24 =	sadd.s32 s10, s23  }
0x35: {  	s24 =	smul.u32 $0x300, s24;
	_ =	sdelay $0x1  }
0x36: {  	s24 =	sadd.s32 s4, s24  }
0x37: {  	[tilespmem:s19], [sflag:$0x1] =	stream.linear.gather [hbm4b:s24+s22], $0x1800, $0x38;
	[tilespmem:$0x1A000] =	vst v63  }
0x38: {  	s31 =	sshll.u32 s23, $0x9;
	_ =	swait.ge [sflag:s17], $0x1800  }
0x39: {  	s24 =	sshrl.u32 s31, $0x2;
	[sflag:s17] =	ssyncset.done $0x0  }
0x3a: {  	s25 =	sadd.s32 $0x4000, s24;
	[sflag:s17] =	ssyncadd.s32 $0xFFFFE800  }
0x3b: {  	[tilespmem:s21], [sflag:$0x1] =	stream.indirect.gather [hbm4b:s11+s20], $0x80, s25, s20, $0xb8;
	[tilespmem:$0x1A000] =	vst v63  }
0x3c: {  	_ =	swait.ge [sflag:s17], $0x1800  }
0x3d: {  	[sflag:s17] =	ssyncset.done $0x0  }
0x3e: {  	s25 =	simm.s32 $0x0;
	[sflag:s17] =	ssyncadd.s32 $0xFFFFE800  }
0x3f: {  	v1 =	vld [tilespmem:s25+$0x8000]  }
0x40: {  	v5 =	vld [tilespmem:s25+$0x9800]  }
0x41: {  	v7 =	vld [tilespmem:s25+$0x9810]  }
0x42: {  	v6 =	vld [tilespmem:s25+$0x9820]  }
0x43: {  	v4 =	vld [tilespmem:s25+$0x9830]  }
0x44: {  	v2 =	vld [tilespmem:s25+$0x9840]  }
0x45: {  	v3 =	vld [tilespmem:s25+$0x9850];
	v8 =	vmul.f32 v1, v5  }
0x46: {  	s26 =	simm.s32 $0x200;
	v7 =	vmul.f32 v1, v7;
	v5 =	vld [tilespmem:s25+$0x9860]  }
.LBB2_5:
0x47: {  	s28 =	sshra.s32 s26, $0x2;
	p0 =	sne.s32 s26, $0x5E00;
	[tilespmem:s25+$0x9800] =	vst v8;
	v6 =	vmul.f32 v1, v6;
	v8 =	vld [tilespmem:s25+$0x9870]  }
0x48: {  	v9 =	vld [tilespmem:s28+$0x8000];
	[tilespmem:s25+$0x9810] =	vst v7;
	v4 =	vmul.f32 v1, v4  }
0x49: {  	v7 =	vld [tilespmem:s28+$0x9800];
	[tilespmem:s25+$0x9820] =	vst v6;
	v2 =	vmul.f32 v1, v2  }
0x4a: {  	v10 =	vld [tilespmem:s28+$0x9810];
	[tilespmem:s25+$0x9830] =	vst v4;
	v3 =	vmul.f32 v1, v3  }
.Ltmp1:
0x4b: {  	v6 =	vld [tilespmem:s28+$0x9820];
	[tilespmem:s25+$0x9840] =	vst v2;
	v5 =	vmul.f32 v1, v5;
	(pc) =	sbr.rel @p0 .LBB2_5-.Ltmp1, $4  }
0x4c: {  	v4 =	vld [tilespmem:s28+$0x9830];
	[tilespmem:s25+$0x9850] =	vst v3;
	v11 =	vmul.f32 v1, v8  }
0x4d: {  	v2 =	vld [tilespmem:s28+$0x9840];
	[tilespmem:s25+$0x9860] =	vst v5;
	v1 =	vmov v9  }
0x4e: {  	v8 =	vmul.f32 v1, v7;
	v3 =	vld [tilespmem:s28+$0x9850];
	[tilespmem:s25+$0x9870] =	vst v11;
	s25 =	smov.u32 s28  }
0x4f: {  	s26 =	sadd.s32 $0x200, s26;
	v7 =	vmul.f32 v1, v10;
	v5 =	vld [tilespmem:s25+$0x9860]  }
0x50: {  	[tilespmem:s25+$0x9800] =	vst v8;
	v6 =	vmul.f32 v1, v6;
	v63 =	vld [tilespmem:s25+$0x9870]  }
0x51: {  	[tilespmem:s25+$0x9810] =	vst v7;
	v4 =	vmul.f32 v1, v4  }
0x52: {  	[tilespmem:s25+$0x9820] =	vst v6;
	v2 =	vmul.f32 v1, v2  }
0x53: {  	[tilespmem:s25+$0x9830] =	vst v4;
	v3 =	vmul.f32 v1, v3  }
0x54: {  	[tilespmem:s25+$0x9840] =	vst v2;
	v2 =	vmul.f32 v1, v5  }
0x55: {  	s23 =	sadd.s32 $0x1, s23;
	[tilespmem:s25+$0x9850] =	vst v3;
	v1 =	vmul.f32 v1, v63  }
0x56: {  	p0 =	sne.s32 s23, $0x7D;
	[tilespmem:s25+$0x9860] =	vst v2  }
.Ltmp2:
0x57: {  	[tilespmem:s25+$0x9870] =	vst v1;
	(pc) =	sbr.rel @p0 .LBB2_4-.Ltmp2, $4  }
0x58: {  	[spmem:s1] =	stream.indirect.scatter.add.f32 [tilespmem:s21], [sflag:$0x1], $0x80, s24, s20, $0xb8;
	[tilespmem:$0x1A000] =	vst v63  }
0x59: {  	_ =	swait.ge [sflag:s17], $0x1800  }
0x5a: {  	[sflag:s17] =	ssyncset.done $0x0  }
0x5b: {  	[sflag:s17] =	ssyncadd.s32 $0xFFFFE800  }
0x5c: {  	s22 =	sshll.u32 s3, $0x6  }
0x5d: {  	[bflag:$0x0] =	sbarrier.arrive $0xFFFF;
	s23 =	sshrl.u32 s6, $0x3;
	s22 =	sor.u32 $0x1C01, s22  }
0x5e: {  	[hbm:s13], [sflag:s22] =	dma.local [spmem:s23], $0x1400  }
0x5f: {  	_ =	swait.ge [sflag:s17], $0x1400  }
0x60: {  	[sflag:s17] =	ssyncset.done $0x0  }
0x61: {  	[sflag:s17] =	ssyncadd.s32 $0xFFFFEC00  }
0x62: {  	[spmem:s6] =	stream.linear.scatter [tilespmem:s18], [sflag:$0x1], $0x5000, $0x38;
	[tilespmem:$0x1A000] =	vst v63  }
0x63: {  	_ =	swait.ge [sflag:s17], $0x5000  }
0x64: {  	[sflag:s17] =	ssyncset.done $0x0  }
0x65: {  	[sflag:s17] =	ssyncadd.s32 $0xFFFFB000  }
0x66: {  	[spmem:s8] =	stream.linear.scatter [tilespmem:s18], [sflag:$0x1], $0x5000, $0x38;
	[tilespmem:$0x1A000] =	vst v63  }
0x67: {  	_ =	swait.ge [sflag:s17], $0x5000  }
0x68: {  	[sflag:s17] =	ssyncset.done $0x0  }
0x69: {  	[sflag:s17] =	ssyncadd.s32 $0xFFFFB000  }
0x6a: {  	s24 =	simm.s32 $0x0;
	[bflag:$0x0] =	sbarrier.arrive $0xFFFF  }
0x6b: {  	[tilespmem:s24], [sflag:$0x1] =	stream.linear.gather [hbm4b:s12+s24], $0x3E80, $0x38;
	[tilespmem:$0x1A000] =	vst v63  }
0x6c: {  	_ =	swait.ge [sflag:s17], $0x3E80  }
0x6d: {  	[sflag:s17] =	ssyncset.done $0x0  }
0x6e: {  	s25 =	simm.s32 $0x0;
	[sflag:s17] =	ssyncadd.s32 $0xFFFFC180  }
.LBB2_8:
0x6f: {  	s26 =	sadd.s32 s10, s25  }
0x70: {  	s26 =	smul.u32 $0x300, s26;
	_ =	sdelay $0x1  }
0x71: {  	s26 =	sadd.s32 s4, s26  }
0x72: {  	[tilespmem:s19], [sflag:$0x1] =	stream.linear.gather [hbm4b:s26+s24], $0x1800, $0x38;
	[tilespmem:$0x1A000] =	vst v63  }
0x73: {  	s31 =	sshll.u32 s25, $0x9;
	_ =	swait.ge [sflag:s17], $0x1800  }
0x74: {  	s26 =	sshrl.u32 s31, $0x2;
	[sflag:s17] =	ssyncset.done $0x0  }
0x75: {  	s28 =	sadd.s32 $0x4000, s26;
	[sflag:s17] =	ssyncadd.s32 $0xFFFFE800  }
0x76: {  	[tilespmem:s21], [sflag:$0x1] =	stream.indirect.gather [hbm4b:s5+s20], $0x80, s28, s20, $0xb8;
	[tilespmem:$0x1A000] =	vst v63  }
0x77: {  	_ =	swait.ge [sflag:s17], $0x1800  }
0x78: {  	[sflag:s17] =	ssyncset.done $0x0  }
0x79: {  	s28 =	simm.s32 $0x0;
	[sflag:s17] =	ssyncadd.s32 $0xFFFFE800  }
0x7a: {  	v1 =	vld [tilespmem:s28+$0x8000]  }
0x7b: {  	v5 =	vld [tilespmem:s28+$0x9800]  }
0x7c: {  	v7 =	vld [tilespmem:s28+$0x9810]  }
0x7d: {  	v6 =	vld [tilespmem:s28+$0x9820]  }
0x7e: {  	v4 =	vld [tilespmem:s28+$0x9830]  }
0x7f: {  	v2 =	vld [tilespmem:s28+$0x9840]  }
0x80: {  	v3 =	vld [tilespmem:s28+$0x9850];
	v8 =	vmul.f32 v1, v5  }
0x81: {  	s29 =	simm.s32 $0x200;
	v7 =	vmul.f32 v1, v7;
	v5 =	vld [tilespmem:s28+$0x9860]  }
.LBB2_9:
0x82: {  	s30 =	sshra.s32 s29, $0x2;
	p0 =	sne.s32 s29, $0x5E00;
	[tilespmem:s28+$0x9800] =	vst v8;
	v6 =	vmul.f32 v1, v6;
	v8 =	vld [tilespmem:s28+$0x9870]  }
0x83: {  	v9 =	vld [tilespmem:s30+$0x8000];
	[tilespmem:s28+$0x9810] =	vst v7;
	v4 =	vmul.f32 v1, v4  }
0x84: {  	v7 =	vld [tilespmem:s30+$0x9800];
	[tilespmem:s28+$0x9820] =	vst v6;
	v2 =	vmul.f32 v1, v2  }
0x85: {  	v10 =	vld [tilespmem:s30+$0x9810];
	[tilespmem:s28+$0x9830] =	vst v4;
	v3 =	vmul.f32 v1, v3  }
.Ltmp3:
0x86: {  	v6 =	vld [tilespmem:s30+$0x9820];
	[tilespmem:s28+$0x9840] =	vst v2;
	v5 =	vmul.f32 v1, v5;
	(pc) =	sbr.rel @p0 .LBB2_9-.Ltmp3, $4  }
0x87: {  	v4 =	vld [tilespmem:s30+$0x9830];
	[tilespmem:s28+$0x9850] =	vst v3;
	v11 =	vmul.f32 v1, v8  }
0x88: {  	v2 =	vld [tilespmem:s30+$0x9840];
	[tilespmem:s28+$0x9860] =	vst v5;
	v1 =	vmov v9  }
0x89: {  	v8 =	vmul.f32 v1, v7;
	v3 =	vld [tilespmem:s30+$0x9850];
	[tilespmem:s28+$0x9870] =	vst v11;
	s28 =	smov.u32 s30  }
0x8a: {  	s29 =	sadd.s32 $0x200, s29;
	v7 =	vmul.f32 v1, v10;
	v5 =	vld [tilespmem:s28+$0x9860]  }
0x8b: {  	[tilespmem:s28+$0x9800] =	vst v8;
	v6 =	vmul.f32 v1, v6;
	v63 =	vld [tilespmem:s28+$0x9870]  }
0x8c: {  	[tilespmem:s28+$0x9810] =	vst v7;
	v4 =	vmul.f32 v1, v4  }
0x8d: {  	[tilespmem:s28+$0x9820] =	vst v6;
	v2 =	vmul.f32 v1, v2  }
0x8e: {  	[tilespmem:s28+$0x9830] =	vst v4;
	v3 =	vmul.f32 v1, v3  }
0x8f: {  	[tilespmem:s28+$0x9840] =	vst v2;
	v2 =	vmul.f32 v1, v5  }
0x90: {  	s25 =	sadd.s32 $0x1, s25;
	[tilespmem:s28+$0x9850] =	vst v3;
	v1 =	vmul.f32 v1, v63  }
0x91: {  	p0 =	sne.s32 s25, $0x7D;
	[tilespmem:s28+$0x9860] =	vst v2  }
.Ltmp4:
0x92: {  	[tilespmem:s28+$0x9870] =	vst v1;
	(pc) =	sbr.rel @p0 .LBB2_8-.Ltmp4, $4  }
0x93: {  	[spmem:s1] =	stream.indirect.scatter.add.f32 [tilespmem:s21], [sflag:$0x1], $0x80, s26, s20, $0xb8;
	[tilespmem:$0x1A000] =	vst v63  }
0x94: {  	_ =	swait.ge [sflag:s17], $0x1800  }
0x95: {  	[sflag:s17] =	ssyncset.done $0x0  }
0x96: {  	[sflag:s17] =	ssyncadd.s32 $0xFFFFE800  }
0x97: {  	s2 =	sadd.s32 $0x1, s2  }
0x98: {  	p0 =	sne.s32 s2, s14  }
.Ltmp5:
0x99: {  	[bflag:$0x0] =	sbarrier.arrive $0xFFFF;
	(pc) =	sbr.rel @p0 .LBB2_1-.Ltmp5, $4  }
0x9a: {  	[hbm:s15], [sflag:s22] =	dma.local [spmem:s23], $0x1400  }
0x9b: {  	_ =	swait.ge [sflag:s17], $0x1400  }
0x9c: {  	[sflag:s17] =	ssyncset.done $0x0  }
0x9d: {  	[sflag:s17] =	ssyncadd.s32 $0xFFFFEC00  }
0x9e: {  	_ =	sfence.sel $0x180000  }
0x9f: {  	[bflag:$0x0] =	sbarrier.arrive $0xFFFF  }
0xa0: {  	p0 =	sne.s32 s3, $0x0;
	_ =	strace $0x90000050  }
0xa1: {  	s0 =	sadd.s32 @!p0 $0x100000, s0;
	[bflag:$0x2] =	sbarrier.arrive $0xFFFF  }
0xa2: {  	[sflag:s0] =	ssyncadd.tile.s32 @!p0 $0x1;
	_ =	shalt  }
.Lfunc_end2:
_tile_overlayer_lowered:
.L_overlay_start_2:
0xa3: {  	(tag) =	ssettag $0x2  }
0xa4: {  	s0 =	rddreg [dreg:$0x0];
	s2 =	stileid.u32  }
0xa5: {  	s1 =	rddreg [dreg:$0x1];
	p0 =	sne.s32 s2, $0x0  }
0xa6: {  	s3 =	rddreg [dreg:$0x2];
	[bflag:$0x3] =	sbarrier.arrive $0xFFFF;
	s2 =	simm.s32 @!p0 $0x1C01  }
0xa7: {  	[timem:s3], [sflag:s2] =	dma.local @!p0 [hbm:s0], s1  }
0xa8: {  	s0 =	simm.s32 @!p0 $0x1  }
0xa9: {  	_ =	swait.ge @!p0 [sflag:s0], s1  }
0xaa: {  	s1 =	ssub.s32 @!p0 $0x0, s1;
	[sflag:s0] =	ssyncset.done @!p0 $0x0  }
0xab: {  	[sflag:s0] =	ssyncadd.s32 @!p0 s1  }
0xac: {  	[bflag:$0x3] =	sbarrier.arrive $0xFFFF  }
0xad: {  	_ =	shalt  }

// kernel: kernel.9.cloned.1.call-start
scs
__scs_entry_jumppad:
0x0: {  	(pc) =	sbr.rel $0x88, $3  }
0x1: {  	(tag) =	ssettag $0x0;
	lr =	simm.s32 $0x1  }
0x2: {  	[smem:$0x3F9B] =	sst lr;
	_ =	strace $0xD0000000  }
0x3: {  	_ = 	snop  }
0x4: {  	_ = 	snop  }
0x5: {  	_ = 	snop  }
0x6: {  	_ = 	snop  }
0x7: {  	_ = 	snop  }
__scs_overlays_trampoline_lowered:
0x8: {  	[smem:$0x3FAA] =	sst s0  }
0x9: {  	[smem:$0x3FAB] =	sst s1  }
0xa: {  	[smem:$0x3FAC] =	sst s2  }
0xb: {  	[smem:$0x3FAD] =	sst s3  }
0xc: {  	[smem:$0x3FAE] =	sst s4  }
0xd: {  	[smem:$0x3FAF] =	sst s5  }
0xe: {  	[smem:$0x3FB0] =	sst s6  }
0xf: {  	[smem:$0x3FB1] =	sst s7  }
0x10: {  	[smem:$0x3FB2] =	sst s8  }
0x11: {  	[smem:$0x3FB3] =	sst s9;
	s0 =	simm.s32 @!p0 $0x0  }
0x12: {  	s1 =	sld [smem:$0x3F99];
	s0 =	simm.s32 @p0 $0x1  }
0x13: {  	[smem:$0x3FB4] =	sst s0;
	s0 =	simm.s32 @!p1 $0x0  }
0x14: {  	s2 =	sld [smem:$0x3F98];
	s0 =	simm.s32 @p1 $0x1  }
0x15: {  	[smem:$0x3FB5] =	sst s0;
	s0 =	simm.s32 @!p2 $0x0  }
0x16: {  	s3 =	sld [smem:$0x3FDB];
	s0 =	simm.s32 @p2 $0x1  }
0x17: {  	s4 =	simm.s32 $0x1BF5;
	[smem:$0x3FB7] =	sst s0  }
0x18: {  	s0 =	sld [smem:$0x3F9A];
	_ =	swait.ge [sflag:s4], $0x0  }
0x19: {  	s7 =	sld [smem:$0x3F9B]  }
0x1a: {  	s8 =	sadd.s32 $0xFFFFE003, lr  }
0x1b: {  	s9 =	sadd.s32 $0xFFFFFEF7, lr;
	s5 =	simm.s32 $0xFFFFFFFF;
	p2 =	slt.u32 s8, $0xFFFFF086  }
0x1c: {  	p1 =	slt.u32 s9, $0xF7A;
	s5 =	simm.s32 @!p2 $0x0  }
0x1d: {  	s5 =	simm.s32 @p1 $0x1;
	p0 =	seq.s32 s7, s2  }
0x1e: {  	s7 =	smul.u32 @!p0 $0xF7A, s2;
	p2 =	seq.s32 @!p0 s5, $0x0  }
0x1f: {  	s9 =	smul.u32 $0xF7A, s1;
	s8 =	simm.s32 @!p0 $0x1BF5;
	p2 =	por !p2, p0  }
0x20: {  	[sflag:s8] =	ssyncset.s32 @!p0 $0xFFFFF086;
	s6 =	sadd.s32 @!p0 s3, s7;
	s7 =	simm.s32 @!p0 $0x108  }
0x21: {  	s3 =	sadd.s32 s3, s9;
	s6 =	sadd.s32 @!p0 $0x88, s6;
	s7 =	simm.s32 @p2 $0x1082  }
0x22: {  	[simem:s7], [sflag:s8] =	dma.local @!p0 [hbm:s6], $0xF7A  }
0x23: {  	s9 =	sor.u32 $0xD0000000, s2;
	s6 =	simm.s32 $0x108;
	_ =	swait.ge @!p0 [sflag:s8], $0x0  }
0x24: {  	s3 =	sadd.s32 $0x88, s3;
	s6 =	simm.s32 @!p1 $0x1082;
	[sflag:s4] =	ssyncset.s32 $0xFFFFF086  }
0x25: {  	[simem:s6], [sflag:s4] =	dma.local [hbm:s3], $0xF7A  }
0x26: {  	[smem:$0x3F9B] =	sst s1;
	(tag) =	ssettag s2;
	_ =	strace s9  }
0x27: {  	s1 =	sld [smem:$0x3FAB]  }
0x28: {  	s2 =	sld [smem:$0x3FAC]  }
0x29: {  	s4 =	sld [smem:$0x3FAE]  }
0x2a: {  	p0 =	seq.s32 s5, $0x0;
	s5 =	sld [smem:$0x3FAF]  }
0x2b: {  	s6 =	sld [smem:$0x3FB0]  }
0x2c: {  	s7 =	sld [smem:$0x3FB1]  }
0x2d: {  	s3 =	simm.s32 $0x108;
	s8 =	sld [smem:$0x3FB2]  }
0x2e: {  	s3 =	simm.s32 @!p0 $0x1082;
	s9 =	sld [smem:$0x3FB3]  }
0x2f: {  	lr =	sadd.s32 s0, s3;
	s0 =	sld [smem:$0x3FAA]  }
0x30: {  	s3 =	sld [smem:$0x3FAD]  }
0x31: {  	[smem:$0x3FB6] =	sst s10  }
0x32: {  	s10 =	sld [smem:$0x3FB4];
	_ =	sdelay $0x3  }
0x33: {  	p0 =	seq.s32 s10, $0x1;
	s10 =	sld [smem:$0x3FB6];
	_ =	sdelay $0x3  }
0x34: {  	[smem:$0x3FB6] =	sst s10  }
0x35: {  	s10 =	sld [smem:$0x3FB5];
	_ =	sdelay $0x3  }
0x36: {  	p1 =	seq.s32 s10, $0x1;
	s10 =	sld [smem:$0x3FB6];
	_ =	sdelay $0x3  }
0x37: {  	[smem:$0x3FB6] =	sst s10  }
0x38: {  	s10 =	sld [smem:$0x3FB7]  }
0x39: {  	_ = 	snop;
	(pc) =	sbr.ind lr, $3  }
0x3a: {  	_ = 	snop  }
0x3b: {  	_ = 	snop  }
0x3c: {  	p2 =	seq.s32 s10, $0x1;
	s10 =	sld [smem:$0x3FB6]  }
0x3d: {  	_ =	shalt  }
0x3e: {  	_ =	shalt  }
0x3f: {  	_ =	shalt  }
0x40: {  	_ =	shalt  }
0x41: {  	_ =	shalt  }
0x42: {  	_ =	shalt  }
0x43: {  	_ =	shalt  }
0x44: {  	_ =	shalt  }
0x45: {  	_ =	shalt  }
0x46: {  	_ =	shalt  }
0x47: {  	_ =	shalt  }
0x48: {  	_ =	shalt  }
0x49: {  	_ =	shalt  }
0x4a: {  	_ =	shalt  }
0x4b: {  	_ =	shalt  }
0x4c: {  	_ =	shalt  }
0x4d: {  	_ =	shalt  }
0x4e: {  	_ =	shalt  }
0x4f: {  	_ =	shalt  }
0x50: {  	_ =	shalt  }
0x51: {  	_ =	shalt  }
0x52: {  	_ =	shalt  }
0x53: {  	_ =	shalt  }
0x54: {  	_ =	shalt  }
0x55: {  	_ =	shalt  }
0x56: {  	_ =	shalt  }
0x57: {  	_ =	shalt  }
0x58: {  	_ =	shalt  }
0x59: {  	_ =	shalt  }
0x5a: {  	_ =	shalt  }
0x5b: {  	_ =	shalt  }
0x5c: {  	_ =	shalt  }
0x5d: {  	_ =	shalt  }
0x5e: {  	_ =	shalt  }
0x5f: {  	_ =	shalt  }
0x60: {  	_ =	shalt  }
0x61: {  	_ =	shalt  }
0x62: {  	_ =	shalt  }
0x63: {  	_ =	shalt  }
0x64: {  	_ =	shalt  }
0x65: {  	_ =	shalt  }
0x66: {  	_ =	shalt  }
0x67: {  	_ =	shalt  }
0x68: {  	_ =	shalt  }
0x69: {  	_ =	shalt  }
0x6a: {  	_ =	shalt  }
0x6b: {  	_ =	shalt  }
0x6c: {  	_ =	shalt  }
0x6d: {  	_ =	shalt  }
0x6e: {  	_ =	shalt  }
0x6f: {  	_ =	shalt  }
0x70: {  	_ =	shalt  }
0x71: {  	_ =	shalt  }
0x72: {  	_ =	shalt  }
0x73: {  	_ =	shalt  }
0x74: {  	_ =	shalt  }
0x75: {  	_ =	shalt  }
0x76: {  	_ =	shalt  }
0x77: {  	_ =	shalt  }
0x78: {  	_ =	shalt  }
0x79: {  	_ =	shalt  }
0x7a: {  	_ =	shalt  }
0x7b: {  	_ =	shalt  }
0x7c: {  	_ =	shalt  }
0x7d: {  	_ =	shalt  }
0x7e: {  	_ =	shalt  }
0x7f: {  	_ =	shalt  }
0x80: {  	_ =	shalt  }
0x81: {  	_ =	shalt  }
0x82: {  	_ =	shalt  }
0x83: {  	_ =	shalt  }
0x84: {  	_ =	shalt  }
0x85: {  	_ =	shalt  }
0x86: {  	_ =	shalt  }
0x87: {  	_ =	shalt  }
.Lfunc_end0:
.L_simem_size_0:
called_computation_lowered:
.L_overlay_start_0:
0x88: {  	s2 =	sld [smem:$0x3FD9]  }
0x89: {  	s3 =	sld [smem:$0x3FFE];
	_ =	sdelay $0x1  }
0x8a: {  	s1 =	srdreg.scid  }
0x8b: {  	s0 =	sand.u32 $0x1, s1  }
0x8c: {  	s16 =	sshll.u32 s0, $0xA;
	s2 =	sadd.s32 s3, s2  }
0x8d: {  	s2 =	sadd.s32 s2, s16  }
0x8e: {  	[smem:$0x3FC2] =	sst s2  }
0x8f: {  	_ = 	snop  }
0x90: {  	(tm) =	ssettm $0x1  }
0x91: {  	s17 =	sld [smem:$0x3FFB];
	_ =	sdelay $0x3  }
0x92: {  	_ =	strace s17  }
0x93: {  	s2 =	sld [smem:$0x3FFC];
	_ =	sdelay $0x3  }
0x94: {  	_ =	strace s2  }
0x95: {  	s2 =	sld [smem:$0x3FFD];
	_ =	sdelay $0x3  }
0x96: {  	_ =	strace s2  }
0x97: {  	_ =	strace $0x8FFFFFFF  }
0x98: {  	s18 =	sld [smem:$0x3FDB];
	_ =	sdelay $0x1  }
0x99: {  	s19 =	simm.s32 $_scs_section_size  }
0x9a: {  	s4 =	simm.s32 $_size__tile_overlayer_lowered;
	s5 =	simm.s32 $_tile_overlayer_lowered  }
0x9b: {  	s22 =	simm.s32 $0x1BFF;
	s21 =	sshll.u32 s5, $0x1;
	s2 =	sadd.s32 s19, s18  }
0x9c: {  	s6 =	simm.s32 $0x0;
	s20 =	sshll.u32 s4, $0x1;
	s4 =	sadd.s32 s21, s2  }
0x9d: {  	[timem:s6], [sflag:s22] =	dma.local [hbm:s4], s20  }
0x9e: {  	_ =	swait.ge [sflag:s22], s20  }
0x9f: {  	s3 =	ssub.s32 $0x0, s20;
	[sflag:s22] =	ssyncset.done $0x0  }
0xa0: {  	[sflag:s22] =	ssyncadd.s32 s3;
	_ =	sdelay $0x1  }
0xa1: {  	s23 =	simm.s32 $0x1B8B  }
0xa2: {  	_ =	swait.ge [sflag:s23], $0x1  }
0xa3: {  	[sflag:s23] =	ssyncset.done $0x0  }
0xa4: {  	s25 =	simm.s32 $0x1B8E;
	s24 =	sld [smem:$0x3FFE];
	[sflag:s23] =	ssyncadd.s32 $0xFFFFFFFF  }
0xa5: {  	s26 =	simm.s32 $execute0_lowered;
	[smem:$0x3FD2] =	sst s25  }
0xa6: {  	s4 =	sshll.u32 s26, $0x1;
	_ =	strace $0x80000046;
	[dreg:$0x1] =	wrdreg $0xFFFFFFFF  }
0xa7: {  	s28 =	simm.s32 $_size_execute0_lowered;
	s2 =	sadd.s32 s2, s4;
	[dreg:$0x0] =	wrdreg $0x0  }
0xa8: {  	s4 =	sshll.u32 s28, $0x1;
	[dreg:$0x2] =	wrdreg s2  }
0xa9: {  	[dreg:$0x3] =	wrdreg s4  }
0xaa: {  	[dreg:$0x4] =	wrdreg $0xC0  }
0xab: {  	_ =	task [dreg:s6], $0x5FFFF  }
0xac: {  	[dreg:$0x1] =	wrdreg $0xFFFFFFFF  }
0xad: {  	[dreg:$0x0] =	wrdreg $0x60  }
0xae: {  	[dreg:$0x2] =	wrdreg s24  }
0xaf: {  	[dreg:$0x3] =	wrdreg $0xE8000  }
0xb0: {  	[dreg:$0x4] =	wrdreg $0x9  }
0xb1: {  	_ =	task.clear_ibuf [dreg:s6], $0x5FFFF;
	_ =	strace $0x90000046  }
0xb2: {  	s29 =	simm.s32 $0x9;
	_ =	strace $0x80000048  }
0xb3: {  	_ =	swait.ge [sflag:s29], $0x1  }
0xb4: {  	[sflag:s29] =	ssyncadd.s32 $0xFFFFFFFF  }
0xb5: {  	_ =	strace $0x90000048  }
0xb6: {  	_ =	sfence  }
0xb7: {  	s30 =	sld [smem:$0x0];
	_ =	sdelay $0x2  }
0xb8: {  	s31 =	sshll.u32 s1, $0xD;
	s1 =	sshrl.u32 s1, $0x2  }
0xb9: {  	s3 =	sand.u32 $0x4000, s31;
	s1 =	sadd.s32 s1, s30  }
0xba: {  	s0 =	sor.u32 s3, s0;
	s1 =	sshll.u32 s1, $0x11  }
0xbb: {  	s0 =	sor.u32 s1, s0  }
0xbc: {  	s0 =	sadd.s32 $0x8F2B, s0  }
0xbd: {  	[sflag:s0] =	ssyncadd.remote.s32 $0x1  }
0xbe: {  	_ =	sfence.sel $0xFFFF  }
0xbf: {  	[dreg:$0x0] =	wrdreg $0xFFFFFFFF;
	(pc) =	sbr.abs _section_cstart, $3  }
0xc0: {  	[dreg:$0x1] =	wrdreg $0xFFFFFFFF  }
0xc1: {  	_ =	task.clear_ibuf [dreg:s6], $0x2FFFF;
	_ =	strace $0x9FFFFFFF  }
0xc2: {  	(tm) =	ssettm $0x7FFFFFFF  }
0xc3: {  	_ =	shalt  }
tec
execute0_lowered:
.L_overlay_start_1:
0x0: {  	(tag) =	ssettag $0x1  }
0x1: {  	s9 =	rddreg [dreg:$0x0]  }
0x2: {  	s2 =	rddreg [dreg:$0x1]  }
0x3: {  	s0 =	rddreg [dreg:$0x2];
	s4 =	srdreg.scid  }
0x4: {  	s3 =	simm.s32 $0x0;
	s1 =	stileid.u32;
	s12 =	simm.s32 $0xD3400  }
0x5: {  	s14 =	simm.s32 $0x1;
	s15 =	simm.s32 $0x9800;
	s16 =	simm.s32 $0x30  }
0x6: {  	s17 =	simm.s32 $0x8000;
	s6 =	sand.u32 $0x1, s4;
	s8 =	smul.u32 $0x28000, s1  }
0x7: {  	[smem:$0x7FF] =	sst s3;
	s5 =	sshll.u32 s1, $0xB;
	s13 =	smul.u32 $0x1400, s1  }
0x8: {  	s18 =	sshll.u32 s1, $0x6;
	s4 =	sshll.u32 s6, $0xF;
	_ =	strace $0x80000047  }
0x9: {  	s30 =	ssub.s32 $0x2, s6;
	p0 =	seq.s32 s6, $0x0;
	s18 =	sor.u32 $0x1C01, s18  }
0xa: {  	s4 =	sor.u32 s5, s4;
	s7 =	sshrl.u32 s30, $0x1;
	s31 =	sshrl.u32 s8, $0x2  }
0xb: {  	s12 =	simm.s32 @!p0 $0xFB400;
	s10 =	sadd.s32 s4, s9;
	s4 =	sadd.s32 $0x5B400, s9  }
0xc: {  	s11 =	ssub.s32 s30, s7;
	s6 =	sadd.s32 s31, s2;
	s12 =	sadd.s32 s12, s9  }
0xd: {  	s5 =	sadd.s32 $0x3400, s10;
	s7 =	sadd.s32 $0x5000, s6;
	s8 =	sadd.s32 $0x13400, s10  }
0xe: {  	s9 =	sadd.s32 $0x23400, s10;
	s10 =	smax.u32 s11, $0x1;
	s11 =	sadd.s32 s12, s13  }
0xf: {  	v0 =	vimm.f32 $0.0e+00;
	s13 =	simm.s32 $0x4000;
	s19 =	sshrl.u32 s6, $0x3;
	s12 =	sadd.s32 $0x14000, s11  }
.LBB2_1:
0x10: {  	s20 =	simm.s32 $0x0;
	s21 =	simm.s32 $0x200  }
.LBB2_2:
0x11: {  	p0 =	sne.s32 s21, $0x13E00;
	[tilespmem:s20+$0x9870] =	vst v0  }
0x12: {  	[tilespmem:s20+$0x9800] =	vst v0  }
0x13: {  	[tilespmem:s20+$0x9810] =	vst v0  }
.Ltmp0:
0x14: {  	[tilespmem:s20+$0x9820] =	vst v0;
	(pc) =	sbr.rel @p0 .LBB2_2-.Ltmp0, $4  }
0x15: {  	[tilespmem:s20+$0x9830] =	vst v0  }
0x16: {  	[tilespmem:s20+$0x9840] =	vst v0  }
0x17: {  	[tilespmem:s20+$0x9850] =	vst v0  }
0x18: {  	[tilespmem:s20+$0x9860] =	vst v0;
	s20 =	sshra.s32 s21, $0x2;
	s21 =	sadd.s32 $0x200, s21  }
0x19: {  	[tilespmem:s20+$0x9870] =	vst v0  }
0x1a: {  	[tilespmem:s20+$0x9800] =	vst v0  }
0x1b: {  	[tilespmem:s20+$0x9810] =	vst v0  }
0x1c: {  	[tilespmem:s20+$0x9820] =	vst v0  }
0x1d: {  	[tilespmem:s20+$0x9830] =	vst v0  }
0x1e: {  	[tilespmem:s20+$0x9840] =	vst v0  }
0x1f: {  	[tilespmem:s20+$0x9850] =	vst v0  }
0x20: {  	[tilespmem:s20+$0x9860] =	vst v0;
	s29 =	simm.s32 $0x0  }
0x21: {  	[tilespmem:s13], [sflag:$0x1] =	stream.linear.gather [hbm4b:s5+s29], $0x3E80, $0x38;
	[tilespmem:$0x18800] =	vst v63  }
0x22: {  	_ =	swait.ge [sflag:s14], $0x3E80  }
0x23: {  	[sflag:s14] =	ssyncset.done $0x0  }
0x24: {  	[sflag:s14] =	ssyncadd.s32 $0xFFFFC180  }
0x25: {  	[spmem:s6] =	stream.linear.scatter [tilespmem:s15], [sflag:$0x1], $0x5000, $0x38;
	[tilespmem:$0x18800] =	vst v63  }
0x26: {  	_ =	swait.ge [sflag:s14], $0x5000  }
0x27: {  	[sflag:s14] =	ssyncset.done $0x0  }
0x28: {  	[sflag:s14] =	ssyncadd.s32 $0xFFFFB000  }
0x29: {  	[spmem:s7] =	stream.linear.scatter [tilespmem:s15], [sflag:$0x1], $0x5000, $0x38;
	[tilespmem:$0x18800] =	vst v63  }
0x2a: {  	_ =	swait.ge [sflag:s14], $0x5000  }
0x2b: {  	[sflag:s14] =	ssyncset.done $0x0  }
0x2c: {  	[sflag:s14] =	ssyncadd.s32 $0xFFFFB000  }
0x2d: {  	[bflag:$0x0] =	sbarrier.arrive $0xFFFF  }
0x2e: {  	[tilespmem:s29], [sflag:$0x1] =	stream.linear.gather [hbm4b:s8+s29], $0x3E80, $0x38;
	[tilespmem:$0x18800] =	vst v63  }
0x2f: {  	_ =	swait.ge [sflag:s14], $0x3E80  }
0x30: {  	[sflag:s14] =	ssyncset.done $0x0  }
0x31: {  	s30 =	simm.s32 $0x4000;
	[sflag:s14] =	ssyncadd.s32 $0xFFFFC180  }
0x32: {  	[tilespmem:s17], [sflag:$0x1] =	stream.indirect.gather [hbm4b:s4+s16], $0x80, s30, s16, $0xb8;
	[tilespmem:$0x18800] =	vst v63  }
0x33: {  	_ =	swait.ge [sflag:s14], $0x1800  }
0x34: {  	[sflag:s14] =	ssyncset.done $0x0  }
0x35: {  	s31 =	simm.s32 $0x0;
	[sflag:s14] =	ssyncadd.s32 $0xFFFFE800  }
0x36: {  	[spmem:s2] =	stream.indirect.scatter.add.f32 [tilespmem:s17], [sflag:$0x1], $0x80, s31, s16, $0xb8;
	[tilespmem:$0x18800] =	vst v63  }
0x37: {  	_ =	swait.ge [sflag:s14], $0x1800  }
0x38: {  	s21 =	simm.s32 $0x400;
	s20 =	simm.s32 $0x80;
	[sflag:s14] =	ssyncset.done $0x0  }
.LBB2_4:
0x39: {  	s22 =	sadd.s32 $0x4000, s20  }
0x3a: {  	[sflag:s14] =	ssyncadd.s32 $0xFFFFE800;
	s23 =	smov.u32 s21;
	s24 =	sadd.s32 $0x200, s21  }
0x3b: {  	[tilespmem:s17], [sflag:$0x1] =	stream.indirect.gather [hbm4b:s4+s16], $0x80, s22, s16, $0xb8;
	[tilespmem:$0x18800] =	vst v63  }
0x3c: {  	p0 =	sne.s32 s21, $0xF800;
	_ =	swait.ge [sflag:s14], $0x1800  }
.Ltmp1:
0x3d: {  	[sflag:s14] =	ssyncset.done $0x0;
	(pc) =	sbr.rel @p0 .LBB2_4-.Ltmp1, $4  }
0x3e: {  	[sflag:s14] =	ssyncadd.s32 $0xFFFFE800  }
0x3f: {  	[spmem:s2] =	stream.indirect.scatter.add.f32 [tilespmem:s17], [sflag:$0x1], $0x80, s20, s16, $0xb8;
	[tilespmem:$0x18800] =	vst v63  }
0x40: {  	_ =	swait.ge [sflag:s14], $0x1800  }
0x41: {  	s21 =	smov.u32 s24;
	s20 =	sshra.s32 s23, $0x2;
	[sflag:s14] =	ssyncset.done $0x0  }
0x42: {  	s21 =	sadd.s32 $0x4000, s20;
	[sflag:s14] =	ssyncadd.s32 $0xFFFFE800  }
0x43: {  	[tilespmem:s17], [sflag:$0x1] =	stream.indirect.gather [hbm4b:s4+s16], $0x80, s21, s16, $0xb8;
	[tilespmem:$0x18800] =	vst v63  }
0x44: {  	_ =	swait.ge [sflag:s14], $0x1800  }
0x45: {  	[sflag:s14] =	ssyncset.done $0x0  }
0x46: {  	[sflag:s14] =	ssyncadd.s32 $0xFFFFE800  }
0x47: {  	[spmem:s2] =	stream.indirect.scatter.add.f32 [tilespmem:s17], [sflag:$0x1], $0x80, s20, s16, $0xb8;
	[tilespmem:$0x18800] =	vst v63  }
0x48: {  	_ =	swait.ge [sflag:s14], $0x1800  }
0x49: {  	[sflag:s14] =	ssyncset.done $0x0  }
0x4a: {  	[sflag:s14] =	ssyncadd.s32 $0xFFFFE800  }
0x4b: {  	[bflag:$0x0] =	sbarrier.arrive $0xFFFF  }
0x4c: {  	[hbm:s11], [sflag:s18] =	dma.local [spmem:s19], $0x1400  }
0x4d: {  	_ =	swait.ge [sflag:s14], $0x1400  }
0x4e: {  	[sflag:s14] =	ssyncset.done $0x0  }
0x4f: {  	[sflag:s14] =	ssyncadd.s32 $0xFFFFEC00  }
0x50: {  	[spmem:s6] =	stream.linear.scatter [tilespmem:s15], [sflag:$0x1], $0x5000, $0x38;
	[tilespmem:$0x18800] =	vst v63  }
0x51: {  	_ =	swait.ge [sflag:s14], $0x5000  }
0x52: {  	[sflag:s14] =	ssyncset.done $0x0  }
0x53: {  	[sflag:s14] =	ssyncadd.s32 $0xFFFFB000  }
0x54: {  	[spmem:s7] =	stream.linear.scatter [tilespmem:s15], [sflag:$0x1], $0x5000, $0x38;
	[tilespmem:$0x18800] =	vst v63  }
0x55: {  	_ =	swait.ge [sflag:s14], $0x5000  }
0x56: {  	[sflag:s14] =	ssyncset.done $0x0  }
0x57: {  	[sflag:s14] =	ssyncadd.s32 $0xFFFFB000  }
0x58: {  	s29 =	simm.s32 $0x0;
	[bflag:$0x0] =	sbarrier.arrive $0xFFFF  }
0x59: {  	[tilespmem:s29], [sflag:$0x1] =	stream.linear.gather [hbm4b:s9+s29], $0x3E80, $0x38;
	[tilespmem:$0x18800] =	vst v63  }
0x5a: {  	_ =	swait.ge [sflag:s14], $0x3E80  }
0x5b: {  	[sflag:s14] =	ssyncset.done $0x0  }
0x5c: {  	s30 =	simm.s32 $0x4000;
	[sflag:s14] =	ssyncadd.s32 $0xFFFFC180  }
0x5d: {  	[tilespmem:s17], [sflag:$0x1] =	stream.indirect.gather [hbm4b:s4+s16], $0x80, s30, s16, $0xb8;
	[tilespmem:$0x18800] =	vst v63  }
0x5e: {  	_ =	swait.ge [sflag:s14], $0x1800  }
0x5f: {  	[sflag:s14] =	ssyncset.done $0x0  }
0x60: {  	s31 =	simm.s32 $0x0;
	[sflag:s14] =	ssyncadd.s32 $0xFFFFE800  }
0x61: {  	[spmem:s2] =	stream.indirect.scatter.add.f32 [tilespmem:s17], [sflag:$0x1], $0x80, s31, s16, $0xb8;
	[tilespmem:$0x18800] =	vst v63  }
0x62: {  	_ =	swait.ge [sflag:s14], $0x1800  }
0x63: {  	s21 =	simm.s32 $0x400;
	s20 =	simm.s32 $0x80;
	[sflag:s14] =	ssyncset.done $0x0  }
.LBB2_6:
0x64: {  	s22 =	sadd.s32 $0x4000, s20  }
0x65: {  	[sflag:s14] =	ssyncadd.s32 $0xFFFFE800;
	s23 =	smov.u32 s21;
	s24 =	sadd.s32 $0x200, s21  }
0x66: {  	[tilespmem:s17], [sflag:$0x1] =	stream.indirect.gather [hbm4b:s4+s16], $0x80, s22, s16, $0xb8;
	[tilespmem:$0x18800] =	vst v63  }
0x67: {  	p0 =	sne.s32 s21, $0xF800;
	_ =	swait.ge [sflag:s14], $0x1800  }
.Ltmp2:
0x68: {  	[sflag:s14] =	ssyncset.done $0x0;
	(pc) =	sbr.rel @p0 .LBB2_6-.Ltmp2, $4  }
0x69: {  	[sflag:s14] =	ssyncadd.s32 $0xFFFFE800  }
0x6a: {  	[spmem:s2] =	stream.indirect.scatter.add.f32 [tilespmem:s17], [sflag:$0x1], $0x80, s20, s16, $0xb8;
	[tilespmem:$0x18800] =	vst v63  }
0x6b: {  	_ =	swait.ge [sflag:s14], $0x1800  }
0x6c: {  	s21 =	smov.u32 s24;
	s20 =	sshra.s32 s23, $0x2;
	[sflag:s14] =	ssyncset.done $0x0  }
0x6d: {  	s21 =	sadd.s32 $0x4000, s20;
	[sflag:s14] =	ssyncadd.s32 $0xFFFFE800  }
0x6e: {  	[tilespmem:s17], [sflag:$0x1] =	stream.indirect.gather [hbm4b:s4+s16], $0x80, s21, s16, $0xb8;
	[tilespmem:$0x18800] =	vst v63  }
0x6f: {  	_ =	swait.ge [sflag:s14], $0x1800  }
0x70: {  	[sflag:s14] =	ssyncset.done $0x0  }
0x71: {  	[sflag:s14] =	ssyncadd.s32 $0xFFFFE800  }
0x72: {  	[spmem:s2] =	stream.indirect.scatter.add.f32 [tilespmem:s17], [sflag:$0x1], $0x80, s20, s16, $0xb8;
	[tilespmem:$0x18800] =	vst v63  }
0x73: {  	_ =	swait.ge [sflag:s14], $0x1800  }
0x74: {  	s3 =	sadd.s32 $0x1, s3;
	[sflag:s14] =	ssyncset.done $0x0  }
0x75: {  	p0 =	sne.s32 s3, s10;
	[sflag:s14] =	ssyncadd.s32 $0xFFFFE800  }
.Ltmp3:
0x76: {  	[bflag:$0x0] =	sbarrier.arrive $0xFFFF;
	(pc) =	sbr.rel @p0 .LBB2_1-.Ltmp3, $4  }
0x77: {  	[hbm:s12], [sflag:s18] =	dma.local [spmem:s19], $0x1400  }
0x78: {  	_ =	swait.ge [sflag:s14], $0x1400  }
0x79: {  	[sflag:s14] =	ssyncset.done $0x0  }
0x7a: {  	[sflag:s14] =	ssyncadd.s32 $0xFFFFEC00  }
0x7b: {  	_ =	sfence.sel $0x180000  }
0x7c: {  	[bflag:$0x0] =	sbarrier.arrive $0xFFFF  }
0x7d: {  	p0 =	sne.s32 s1, $0x0;
	_ =	strace $0x90000047  }
0x7e: {  	s0 =	sadd.s32 @!p0 $0x100000, s0;
	[bflag:$0x2] =	sbarrier.arrive $0xFFFF  }
0x7f: {  	[sflag:s0] =	ssyncadd.tile.s32 @!p0 $0x1;
	_ =	shalt  }
.Lfunc_end2:
_tile_overlayer_lowered:
.L_overlay_start_2:
0x80: {  	(tag) =	ssettag $0x2  }
0x81: {  	s0 =	rddreg [dreg:$0x0];
	s2 =	stileid.u32  }
0x82: {  	s1 =	rddreg [dreg:$0x1];
	p0 =	sne.s32 s2, $0x0  }
0x83: {  	s3 =	rddreg [dreg:$0x2];
	[bflag:$0x3] =	sbarrier.arrive $0xFFFF;
	s2 =	simm.s32 @!p0 $0x1C01  }
0x84: {  	[timem:s3], [sflag:s2] =	dma.local @!p0 [hbm:s0], s1  }
0x85: {  	s0 =	simm.s32 @!p0 $0x1  }
0x86: {  	_ =	swait.ge @!p0 [sflag:s0], s1  }
0x87: {  	s1 =	ssub.s32 @!p0 $0x0, s1;
	[sflag:s0] =	ssyncset.done @!p0 $0x0  }
0x88: {  	[sflag:s0] =	ssyncadd.s32 @!p0 s1  }
0x89: {  	[bflag:$0x3] =	sbarrier.arrive $0xFFFF  }
0x8a: {  	_ =	shalt  }

</sc_bundles>
